<compile_context>
chip_gen: v7x
topology: tpu7x:2x2x1
jax: 0.10.2.dev20260603
libtpu: 0.0.44.dev20260713+nightly
codegen_flags: <defaults>
</compile_context>

<pallas_src>
import dataclasses
import math

import jax
import jax.numpy as jnp
from jax import lax
from jax.experimental import pallas as pl
from jax.experimental.pallas import tpu as pltpu
from jax.experimental.pallas import tpu_sc as plsc

_LANES = 16
_BW = 128
_SCH = 2


def _compiler_params():
    cp = pltpu.CompilerParams(use_tc_tiling_on_sc=False)
    if "needs_layout_passes" in pltpu.CompilerParams.__dataclass_fields__:
        cp = dataclasses.replace(cp, needs_layout_passes=False)
    return cp


def kernel(x, table):
    B, S = x.shape
    V, D = table.shape
    scale = float(math.sqrt(D))
    nsteps = S // _SCH

    xt = x.T

    mesh = plsc.VectorSubcoreMesh(core_axis_name="core",
                                  subcore_axis_name="subcore")

    @pl.kernel(out_type=jax.ShapeDtypeStruct((S, D, B), jnp.float32),
               mesh=mesh,
               compiler_params=_compiler_params(),
               scratch_types=[
                   pltpu.VMEM((S, _BW), jnp.int32),
                   pltpu.VMEM((2, _SCH * _BW, D), jnp.float32),
                   pltpu.VMEM((2, _SCH, D, _BW + 1), jnp.float32),
                   pltpu.SemaphoreType.DMA,
                   pltpu.SemaphoreType.DMA,
                   pltpu.SemaphoreType.DMA,
                   pltpu.SemaphoreType.DMA,
               ])
    def emb(tbl_hbm, xt_hbm, out_hbm, idxall, gbuf, tbuf,
            gsem0, gsem1, ssem0, ssem1):
        core = lax.axis_index("core")
        sub = lax.axis_index("subcore")
        wid = sub * 2 + core
        bw = wid * _BW
        gsems = (gsem0, gsem1)
        ssems = (ssem0, ssem1)

        pltpu.sync_copy(xt_hbm.at[:, pl.ds(bw, _BW)], idxall)

        ii = lax.iota(jnp.int32, _LANES)
        rows_list = [ii + c * _LANES for c in range(D // _LANES)]
        sp_list = [jnp.zeros((_LANES,), jnp.int32) + sp for sp in range(_SCH)]

        def start_gathers(b, g):
            for j in range(_SCH):
                s = g * _SCH + j
                pltpu.async_copy(tbl_hbm.at[idxall.at[s]],
                                 gbuf.at[b, pl.ds(j * _BW, _BW), :],
                                 gsems[b])

        def wait_gathers(b, g):
            for j in range(_SCH):
                s = g * _SCH + j
                pltpu.make_async_copy(tbl_hbm.at[idxall.at[s]],
                                      gbuf.at[b, pl.ds(j * _BW, _BW), :],
                                      gsems[b]).wait()

        def start_store(b, g):
            pltpu.async_copy(tbuf.at[b, :, :, pl.ds(0, _BW)],
                             out_hbm.at[pl.ds(g * _SCH, _SCH), :,
                                        pl.ds(bw, _BW)],
                             ssems[b])

        def wait_store(b, g):
            pltpu.make_async_copy(tbuf.at[b, :, :, pl.ds(0, _BW)],
                                  out_hbm.at[pl.ds(g * _SCH, _SCH), :,
                                             pl.ds(bw, _BW)],
                                  ssems[b]).wait()

        def transpose_scale(b):
            for sp in range(_SCH):
                @plsc.parallel_loop(0, _BW, unroll=4)
                def _(r):
                    idx_col = jnp.zeros((_LANES,), jnp.int32) + r
                    for c in range(D // _LANES):
                        v = gbuf.at[b, sp * _BW + r,
                                    pl.ds(c * _LANES, _LANES)][...]
                        plsc.store_scatter(tbuf.at[b],
                                           [sp_list[sp], rows_list[c],
                                            idx_col],
                                           v * scale)

        def body(b, g, do_wait_store, do_prepare):
            wait_gathers(b, g)
            if do_wait_store:
                wait_store(b, g - 2)
            transpose_scale(b)
            start_store(b, g)
            if do_prepare:
                start_gathers(b, g + 2)

        start_gathers(0, 0)
        start_gathers(1, 1)
        body(0, 0, False, True)
        body(1, 1, False, True)

        @pl.loop(0, (nsteps - 4) // 2)
        def _(i):
            g = 2 * i + 2
            body(0, g, True, True)
            body(1, g + 1, True, True)

        body(0, nsteps - 2, True, False)
        body(1, nsteps - 1, True, False)
        wait_store(0, nsteps - 2)
        wait_store(1, nsteps - 1)

    out_t = emb(table, xt)
    return out_t.transpose(2, 0, 1)

# --- scband reference (transcript-rebuilt; emitter-appended) ---
"""Pipeline reference for scband-input-embeddings-42279658062243 (READ-ONLY COPY).

The authoritative reference and input builder live on the scoring server;
editing this copy changes nothing except your own understanding.
"""

import jax, jax.numpy as jnp
import numpy as np
import math

VOCAB = 1000000
D_MODEL = 64

def setup_inputs(seed: int = 0) -> dict:
    key = jax.random.key(seed)
    k_idx, k_tab = jax.random.split(key)
    x = jax.random.randint(k_idx, (4096, 200), 0, VOCAB, dtype=jnp.int64 if jax.config.jax_enable_x64 else jnp.int32).astype(jnp.int32)
    table = jax.random.normal(k_tab, (VOCAB, D_MODEL), dtype=jnp.float32)
    return {"x": x, "table": table}

def reference(x, table):
    # embedding lookup scaled by sqrt(d_model)
    emb = jnp.take(table, x, axis=0)
    return emb * math.sqrt(D_MODEL)

if __name__ == "__main__":
    import jax
    _d = setup_inputs()
    print(jax.jit(kernel)(*tuple(_d.values())))

</pallas_src>

<mosaic_0001>
#map = affine_map<(d0, d1) -> (0, 0)>
#map1 = affine_map<(d0, d1) -> (0, 0, 0)>
module attributes {stable_mosaic.version = 14 : i64} {
  func.func @emb(%arg0: i32, %arg1: i32, %arg2: memref<1000000x64xf32, #tpu.memory_space<hbm>>, %arg3: memref<200x4096xi32, #tpu.memory_space<hbm>>, %arg4: memref<200x64x4096xf32, #tpu.memory_space<hbm>>, %arg5: memref<200x128xi32, #tpu.memory_space<vmem>>, %arg6: memref<2x256x64xf32, #tpu.memory_space<vmem>>, %arg7: memref<2x2x64x129xf32, #tpu.memory_space<vmem>>, %arg8: memref<!tpu.dma_semaphore, #tpu.memory_space<semaphore_mem>>, %arg9: memref<!tpu.dma_semaphore, #tpu.memory_space<semaphore_mem>>, %arg10: memref<!tpu.dma_semaphore, #tpu.memory_space<semaphore_mem>>, %arg11: memref<!tpu.dma_semaphore, #tpu.memory_space<semaphore_mem>>) attributes {dimension_semantics = [#tpu.dimension_semantics<core_parallel>, #tpu.dimension_semantics<subcore_parallel>], iteration_bounds = array<i64: 2, 16>, scalar_prefetch = 0 : i64, scratch_operands = 7 : i64, tpu.core_type = #tpu.core_type<sc_vector_subcore>, window_params = [{transform_indices = #map}, {transform_indices = #map}, {transform_indices = #map1}]} {
    %mul3A = arith.constant 2 : i32
    %mul3A_0 = arith.muli %arg1, %mul3A : i32
    %add3A = arith.addi %mul3A_0, %arg0 : i32
    %mul3A_1 = arith.constant 128 : i32
    %mul3A_2 = arith.muli %add3A, %mul3A_1 : i32
    "tpu.region"() ({
      %run_scoped3A = tpu.sem_alloc : memref<!tpu.dma_semaphore, #tpu.memory_space<semaphore_mem>>
      %dma_start3A_377 = arith.constant 0 : i32
      %dma_start3A_378 = tpu.memref_slice %arg3[%dma_start3A_377, %mul3A_2] : memref<200x4096xi32, #tpu.memory_space<hbm>> -> memref<200x128xi32, #tpu.memory_space<hbm>>
      %dma_start3A_379 = arith.constant 0 : i32
      %dma_start3A_380 = tpu.memref_slice %arg3[%dma_start3A_379, %mul3A_2] : memref<200x4096xi32, #tpu.memory_space<hbm>> -> memref<200x128xi32, #tpu.memory_space<hbm>>
      tpu.enqueue_dma source(%dma_start3A_380 : memref<200x128xi32, #tpu.memory_space<hbm>>) target(%arg5 : memref<200x128xi32, #tpu.memory_space<vmem>>) target_semaphore(%run_scoped3A : memref<!tpu.dma_semaphore, #tpu.memory_space<semaphore_mem>>)
      %dma_wait3A_381 = arith.constant 0 : i32
      %dma_wait3A_382 = tpu.memref_slice %arg3[%dma_wait3A_381, %mul3A_2] : memref<200x4096xi32, #tpu.memory_space<hbm>> -> memref<200x128xi32, #tpu.memory_space<hbm>>
      %dma_wait3A_383 = arith.constant 0 : i32
      %dma_wait3A_384 = tpu.memref_slice %arg3[%dma_wait3A_383, %mul3A_2] : memref<200x4096xi32, #tpu.memory_space<hbm>> -> memref<200x128xi32, #tpu.memory_space<hbm>>
      tpu.wait_dma2 semaphore(%run_scoped3A : memref<!tpu.dma_semaphore, #tpu.memory_space<semaphore_mem>>) src(%dma_wait3A_384 : memref<200x128xi32, #tpu.memory_space<hbm>>) dst(%arg5 : memref<200x128xi32, #tpu.memory_space<vmem>>)
      tpu.yield
    }) : () -> ()
    %iota3A = tpu.iota {dimensions = array<i32: 0>} : vector<16xi32>
    %add3A_3 = arith.constant 0 : i32
    %add3A_4 = vector.broadcast %add3A_3 : i32 to vector<16xi32>
    %add3A_5 = arith.addi %iota3A, %add3A_4 : vector<16xi32>
    %add3A_6 = arith.constant 16 : i32
    %add3A_7 = vector.broadcast %add3A_6 : i32 to vector<16xi32>
    %add3A_8 = arith.addi %iota3A, %add3A_7 : vector<16xi32>
    %add3A_9 = arith.constant 32 : i32
    %add3A_10 = vector.broadcast %add3A_9 : i32 to vector<16xi32>
    %add3A_11 = arith.addi %iota3A, %add3A_10 : vector<16xi32>
    %add3A_12 = arith.constant 48 : i32
    %add3A_13 = vector.broadcast %add3A_12 : i32 to vector<16xi32>
    %add3A_14 = arith.addi %iota3A, %add3A_13 : vector<16xi32>
    %broadcast_in_dim3A = arith.constant 0 : i32
    %broadcast_in_dim3A_15 = vector.broadcast %broadcast_in_dim3A : i32 to vector<16xi32>
    %add3A_16 = arith.constant 0 : i32
    %add3A_17 = vector.broadcast %add3A_16 : i32 to vector<16xi32>
    %add3A_18 = arith.addi %broadcast_in_dim3A_15, %add3A_17 : vector<16xi32>
    %broadcast_in_dim3A_19 = arith.constant 0 : i32
    %broadcast_in_dim3A_20 = vector.broadcast %broadcast_in_dim3A_19 : i32 to vector<16xi32>
    %add3A_21 = arith.constant 1 : i32
    %add3A_22 = vector.broadcast %add3A_21 : i32 to vector<16xi32>
    %add3A_23 = arith.addi %broadcast_in_dim3A_20, %add3A_22 : vector<16xi32>
    %dma_start3A = arith.constant 0 : i32
    %dma_start3A_24 = arith.constant 0 : i32
    %dma_start3A_25 = arith.constant 0 : i32
    %dma_start3A_26 = arith.constant 0 : i32
    %dma_start3A_27 = tpu.memref_slice %arg6[%dma_start3A_24, %dma_start3A_25, %dma_start3A_26] : memref<2x256x64xf32, #tpu.memory_space<vmem>> -> memref<1x128x64xf32, #tpu.memory_space<vmem>>
    %dma_start3A_28 = tpu.memref_squeeze %dma_start3A_27 : memref<1x128x64xf32, #tpu.memory_space<vmem>> -> memref<128x64xf32, #tpu.memory_space<vmem>>
    %dma_start3A_29 = arith.constant 0 : i32
    %dma_start3A_30 = tpu.memref_slice %arg5[%dma_start3A, %dma_start3A_29] : memref<200x128xi32, #tpu.memory_space<vmem>> -> memref<1x128xi32, #tpu.memory_space<vmem>>
    %dma_start3A_31 = tpu.memref_squeeze %dma_start3A_30 : memref<1x128xi32, #tpu.memory_space<vmem>> -> memref<128xi32, #tpu.memory_space<vmem>>
    %dma_start3A_32 = arith.constant 0 : i32
    %dma_start3A_33 = arith.constant 0 : i32
    %dma_start3A_34 = tpu.memref_slice %arg2[%dma_start3A_32, %dma_start3A_33] : memref<1000000x64xf32, #tpu.memory_space<hbm>> -> memref<1000000x64xf32, #tpu.memory_space<hbm>>
    tpu.enqueue_indirect_dma source(%dma_start3A_34 : memref<1000000x64xf32, #tpu.memory_space<hbm>>) target(%dma_start3A_28 : memref<128x64xf32, #tpu.memory_space<vmem>>) offsets(%dma_start3A_31 : memref<128xi32, #tpu.memory_space<vmem>>) semaphore(%arg8 : memref<!tpu.dma_semaphore, #tpu.memory_space<semaphore_mem>>)
    %dma_start3A_35 = arith.constant 1 : i32
    %dma_start3A_36 = arith.constant 0 : i32
    %dma_start3A_37 = arith.constant 128 : i32
    %dma_start3A_38 = arith.constant 0 : i32
    %dma_start3A_39 = tpu.memref_slice %arg6[%dma_start3A_36, %dma_start3A_37, %dma_start3A_38] : memref<2x256x64xf32, #tpu.memory_space<vmem>> -> memref<1x128x64xf32, #tpu.memory_space<vmem>>
    %dma_start3A_40 = tpu.memref_squeeze %dma_start3A_39 : memref<1x128x64xf32, #tpu.memory_space<vmem>> -> memref<128x64xf32, #tpu.memory_space<vmem>>
    %dma_start3A_41 = arith.constant 0 : i32
    %dma_start3A_42 = tpu.memref_slice %arg5[%dma_start3A_35, %dma_start3A_41] : memref<200x128xi32, #tpu.memory_space<vmem>> -> memref<1x128xi32, #tpu.memory_space<vmem>>
    %dma_start3A_43 = tpu.memref_squeeze %dma_start3A_42 : memref<1x128xi32, #tpu.memory_space<vmem>> -> memref<128xi32, #tpu.memory_space<vmem>>
    %dma_start3A_44 = arith.constant 0 : i32
    %dma_start3A_45 = arith.constant 0 : i32
    %dma_start3A_46 = tpu.memref_slice %arg2[%dma_start3A_44, %dma_start3A_45] : memref<1000000x64xf32, #tpu.memory_space<hbm>> -> memref<1000000x64xf32, #tpu.memory_space<hbm>>
    tpu.enqueue_indirect_dma source(%dma_start3A_46 : memref<1000000x64xf32, #tpu.memory_space<hbm>>) target(%dma_start3A_40 : memref<128x64xf32, #tpu.memory_space<vmem>>) offsets(%dma_start3A_43 : memref<128xi32, #tpu.memory_space<vmem>>) semaphore(%arg8 : memref<!tpu.dma_semaphore, #tpu.memory_space<semaphore_mem>>)
    %dma_start3A_47 = arith.constant 2 : i32
    %dma_start3A_48 = arith.constant 1 : i32
    %dma_start3A_49 = arith.constant 0 : i32
    %dma_start3A_50 = arith.constant 0 : i32
    %dma_start3A_51 = tpu.memref_slice %arg6[%dma_start3A_48, %dma_start3A_49, %dma_start3A_50] : memref<2x256x64xf32, #tpu.memory_space<vmem>> -> memref<1x128x64xf32, #tpu.memory_space<vmem>>
    %dma_start3A_52 = tpu.memref_squeeze %dma_start3A_51 : memref<1x128x64xf32, #tpu.memory_space<vmem>> -> memref<128x64xf32, #tpu.memory_space<vmem>>
    %dma_start3A_53 = arith.constant 0 : i32
    %dma_start3A_54 = tpu.memref_slice %arg5[%dma_start3A_47, %dma_start3A_53] : memref<200x128xi32, #tpu.memory_space<vmem>> -> memref<1x128xi32, #tpu.memory_space<vmem>>
    %dma_start3A_55 = tpu.memref_squeeze %dma_start3A_54 : memref<1x128xi32, #tpu.memory_space<vmem>> -> memref<128xi32, #tpu.memory_space<vmem>>
    %dma_start3A_56 = arith.constant 0 : i32
    %dma_start3A_57 = arith.constant 0 : i32
    %dma_start3A_58 = tpu.memref_slice %arg2[%dma_start3A_56, %dma_start3A_57] : memref<1000000x64xf32, #tpu.memory_space<hbm>> -> memref<1000000x64xf32, #tpu.memory_space<hbm>>
    tpu.enqueue_indirect_dma source(%dma_start3A_58 : memref<1000000x64xf32, #tpu.memory_space<hbm>>) target(%dma_start3A_52 : memref<128x64xf32, #tpu.memory_space<vmem>>) offsets(%dma_start3A_55 : memref<128xi32, #tpu.memory_space<vmem>>) semaphore(%arg9 : memref<!tpu.dma_semaphore, #tpu.memory_space<semaphore_mem>>)
    %dma_start3A_59 = arith.constant 3 : i32
    %dma_start3A_60 = arith.constant 1 : i32
    %dma_start3A_61 = arith.constant 128 : i32
    %dma_start3A_62 = arith.constant 0 : i32
    %dma_start3A_63 = tpu.memref_slice %arg6[%dma_start3A_60, %dma_start3A_61, %dma_start3A_62] : memref<2x256x64xf32, #tpu.memory_space<vmem>> -> memref<1x128x64xf32, #tpu.memory_space<vmem>>
    %dma_start3A_64 = tpu.memref_squeeze %dma_start3A_63 : memref<1x128x64xf32, #tpu.memory_space<vmem>> -> memref<128x64xf32, #tpu.memory_space<vmem>>
    %dma_start3A_65 = arith.constant 0 : i32
    %dma_start3A_66 = tpu.memref_slice %arg5[%dma_start3A_59, %dma_start3A_65] : memref<200x128xi32, #tpu.memory_space<vmem>> -> memref<1x128xi32, #tpu.memory_space<vmem>>
    %dma_start3A_67 = tpu.memref_squeeze %dma_start3A_66 : memref<1x128xi32, #tpu.memory_space<vmem>> -> memref<128xi32, #tpu.memory_space<vmem>>
    %dma_start3A_68 = arith.constant 0 : i32
    %dma_start3A_69 = arith.constant 0 : i32
    %dma_start3A_70 = tpu.memref_slice %arg2[%dma_start3A_68, %dma_start3A_69] : memref<1000000x64xf32, #tpu.memory_space<hbm>> -> memref<1000000x64xf32, #tpu.memory_space<hbm>>
    tpu.enqueue_indirect_dma source(%dma_start3A_70 : memref<1000000x64xf32, #tpu.memory_space<hbm>>) target(%dma_start3A_64 : memref<128x64xf32, #tpu.memory_space<vmem>>) offsets(%dma_start3A_67 : memref<128xi32, #tpu.memory_space<vmem>>) semaphore(%arg9 : memref<!tpu.dma_semaphore, #tpu.memory_space<semaphore_mem>>)
    %dma_wait3A = arith.constant 0 : i32
    %dma_wait3A_71 = arith.constant 0 : i32
    %dma_wait3A_72 = arith.constant 0 : i32
    %dma_wait3A_73 = arith.constant 0 : i32
    %dma_wait3A_74 = tpu.memref_slice %arg6[%dma_wait3A_71, %dma_wait3A_72, %dma_wait3A_73] : memref<2x256x64xf32, #tpu.memory_space<vmem>> -> memref<1x128x64xf32, #tpu.memory_space<vmem>>
    %dma_wait3A_75 = tpu.memref_squeeze %dma_wait3A_74 : memref<1x128x64xf32, #tpu.memory_space<vmem>> -> memref<128x64xf32, #tpu.memory_space<vmem>>
    %dma_wait3A_76 = arith.constant 0 : i32
    %dma_wait3A_77 = tpu.memref_slice %arg5[%dma_wait3A, %dma_wait3A_76] : memref<200x128xi32, #tpu.memory_space<vmem>> -> memref<1x128xi32, #tpu.memory_space<vmem>>
    %dma_wait3A_78 = tpu.memref_squeeze %dma_wait3A_77 : memref<1x128xi32, #tpu.memory_space<vmem>> -> memref<128xi32, #tpu.memory_space<vmem>>
    %dma_wait3A_79 = arith.constant 0 : i32
    %dma_wait3A_80 = arith.constant 0 : i32
    %dma_wait3A_81 = tpu.memref_slice %arg2[%dma_wait3A_79, %dma_wait3A_80] : memref<1000000x64xf32, #tpu.memory_space<hbm>> -> memref<1000000x64xf32, #tpu.memory_space<hbm>>
    tpu.wait_indirect_dma semaphore(%arg8 : memref<!tpu.dma_semaphore, #tpu.memory_space<semaphore_mem>>) src(%dma_wait3A_81 : memref<1000000x64xf32, #tpu.memory_space<hbm>>) dst(%dma_wait3A_75 : memref<128x64xf32, #tpu.memory_space<vmem>>)
    %dma_wait3A_82 = arith.constant 1 : i32
    %dma_wait3A_83 = arith.constant 0 : i32
    %dma_wait3A_84 = arith.constant 128 : i32
    %dma_wait3A_85 = arith.constant 0 : i32
    %dma_wait3A_86 = tpu.memref_slice %arg6[%dma_wait3A_83, %dma_wait3A_84, %dma_wait3A_85] : memref<2x256x64xf32, #tpu.memory_space<vmem>> -> memref<1x128x64xf32, #tpu.memory_space<vmem>>
    %dma_wait3A_87 = tpu.memref_squeeze %dma_wait3A_86 : memref<1x128x64xf32, #tpu.memory_space<vmem>> -> memref<128x64xf32, #tpu.memory_space<vmem>>
    %dma_wait3A_88 = arith.constant 0 : i32
    %dma_wait3A_89 = tpu.memref_slice %arg5[%dma_wait3A_82, %dma_wait3A_88] : memref<200x128xi32, #tpu.memory_space<vmem>> -> memref<1x128xi32, #tpu.memory_space<vmem>>
    %dma_wait3A_90 = tpu.memref_squeeze %dma_wait3A_89 : memref<1x128xi32, #tpu.memory_space<vmem>> -> memref<128xi32, #tpu.memory_space<vmem>>
    %dma_wait3A_91 = arith.constant 0 : i32
    %dma_wait3A_92 = arith.constant 0 : i32
    %dma_wait3A_93 = tpu.memref_slice %arg2[%dma_wait3A_91, %dma_wait3A_92] : memref<1000000x64xf32, #tpu.memory_space<hbm>> -> memref<1000000x64xf32, #tpu.memory_space<hbm>>
    tpu.wait_indirect_dma semaphore(%arg8 : memref<!tpu.dma_semaphore, #tpu.memory_space<semaphore_mem>>) src(%dma_wait3A_93 : memref<1000000x64xf32, #tpu.memory_space<hbm>>) dst(%dma_wait3A_87 : memref<128x64xf32, #tpu.memory_space<vmem>>)
    %parallel_loop3A = arith.constant 0 : i32
    %parallel_loop3A_94 = arith.constant 128 : i32
    %parallel_loop3A_95 = arith.constant 1 : i32
    scf.for %parallel_loop3A_377 = %parallel_loop3A to %parallel_loop3A_94 step %parallel_loop3A_95  : i32 {
      %parallel_loop3A_378 = arith.constant 0 : i32
      %parallel_loop3A_379 = vector.broadcast %parallel_loop3A_378 : i32 to vector<16xi32>
      %parallel_loop3A_380 = vector.broadcast %parallel_loop3A_377 : i32 to vector<16xi32>
      %parallel_loop3A_381 = arith.addi %parallel_loop3A_379, %parallel_loop3A_380 : vector<16xi32>
      %parallel_loop3A_382 = arith.constant 0 : i32
      %parallel_loop3A_383 = arith.addi %parallel_loop3A_382, %parallel_loop3A_377 : i32
      %parallel_loop3A_384 = arith.constant 0 : i32
      %parallel_loop3A_385 = arith.index_cast %parallel_loop3A_384 : i32 to index
      %parallel_loop3A_386 = arith.index_cast %parallel_loop3A_383 : i32 to index
      %parallel_loop3A_387 = arith.constant 0 : index
      %parallel_loop3A_388 = tpu.vector_load %arg6[%parallel_loop3A_385, %parallel_loop3A_386, %parallel_loop3A_387] {strides = array<i32>} : memref<2x256x64xf32, #tpu.memory_space<vmem>>, vector<16xf32>,
      %parallel_loop3A_389 = arith.constant 8.000000e+00 : f32
      %parallel_loop3A_390 = vector.broadcast %parallel_loop3A_389 : f32 to vector<16xf32>
      %parallel_loop3A_391 = arith.mulf %parallel_loop3A_388, %parallel_loop3A_390 : vector<16xf32>
      %parallel_loop3A_392 = arith.constant 0 : i32
      %parallel_loop3A_393 = arith.constant 0 : i32
      %parallel_loop3A_394 = arith.constant 0 : i32
      %parallel_loop3A_395 = arith.constant 0 : i32
      %parallel_loop3A_396 = tpu.memref_slice %arg7[%parallel_loop3A_392, %parallel_loop3A_393, %parallel_loop3A_394, %parallel_loop3A_395] : memref<2x2x64x129xf32, #tpu.memory_space<vmem>> -> memref<1x2x64x129xf32, #tpu.memory_space<vmem>>
      %parallel_loop3A_397 = tpu.memref_squeeze %parallel_loop3A_396 : memref<1x2x64x129xf32, #tpu.memory_space<vmem>> -> memref<2x64x129xf32, #tpu.memory_space<vmem>>
      tpu.vector_store_idx %parallel_loop3A_397[%add3A_18, %add3A_5, %parallel_loop3A_381], %parallel_loop3A_391 : memref<2x64x129xf32, #tpu.memory_space<vmem>>[vector<16xi32>, vector<16xi32>, vector<16xi32>], vector<16xf32>,
      %parallel_loop3A_398 = arith.constant 0 : i32
      %parallel_loop3A_399 = arith.addi %parallel_loop3A_398, %parallel_loop3A_377 : i32
      %parallel_loop3A_400 = arith.constant 0 : i32
      %parallel_loop3A_401 = arith.index_cast %parallel_loop3A_400 : i32 to index
      %parallel_loop3A_402 = arith.index_cast %parallel_loop3A_399 : i32 to index
      %parallel_loop3A_403 = arith.constant 16 : index
      %parallel_loop3A_404 = tpu.vector_load %arg6[%parallel_loop3A_401, %parallel_loop3A_402, %parallel_loop3A_403] {strides = array<i32>} : memref<2x256x64xf32, #tpu.memory_space<vmem>>, vector<16xf32>,
      %parallel_loop3A_405 = arith.constant 8.000000e+00 : f32
      %parallel_loop3A_406 = vector.broadcast %parallel_loop3A_405 : f32 to vector<16xf32>
      %parallel_loop3A_407 = arith.mulf %parallel_loop3A_404, %parallel_loop3A_406 : vector<16xf32>
      %parallel_loop3A_408 = arith.constant 0 : i32
      %parallel_loop3A_409 = arith.constant 0 : i32
      %parallel_loop3A_410 = arith.constant 0 : i32
      %parallel_loop3A_411 = arith.constant 0 : i32
      %parallel_loop3A_412 = tpu.memref_slice %arg7[%parallel_loop3A_408, %parallel_loop3A_409, %parallel_loop3A_410, %parallel_loop3A_411] : memref<2x2x64x129xf32, #tpu.memory_space<vmem>> -> memref<1x2x64x129xf32, #tpu.memory_space<vmem>>
      %parallel_loop3A_413 = tpu.memref_squeeze %parallel_loop3A_412 : memref<1x2x64x129xf32, #tpu.memory_space<vmem>> -> memref<2x64x129xf32, #tpu.memory_space<vmem>>
      tpu.vector_store_idx %parallel_loop3A_413[%add3A_18, %add3A_8, %parallel_loop3A_381], %parallel_loop3A_407 : memref<2x64x129xf32, #tpu.memory_space<vmem>>[vector<16xi32>, vector<16xi32>, vector<16xi32>], vector<16xf32>,
      %parallel_loop3A_414 = arith.constant 0 : i32
      %parallel_loop3A_415 = arith.addi %parallel_loop3A_414, %parallel_loop3A_377 : i32
      %parallel_loop3A_416 = arith.constant 0 : i32
      %parallel_loop3A_417 = arith.index_cast %parallel_loop3A_416 : i32 to index
      %parallel_loop3A_418 = arith.index_cast %parallel_loop3A_415 : i32 to index
      %parallel_loop3A_419 = arith.constant 32 : index
      %parallel_loop3A_420 = tpu.vector_load %arg6[%parallel_loop3A_417, %parallel_loop3A_418, %parallel_loop3A_419] {strides = array<i32>} : memref<2x256x64xf32, #tpu.memory_space<vmem>>, vector<16xf32>,
      %parallel_loop3A_421 = arith.constant 8.000000e+00 : f32
      %parallel_loop3A_422 = vector.broadcast %parallel_loop3A_421 : f32 to vector<16xf32>
      %parallel_loop3A_423 = arith.mulf %parallel_loop3A_420, %parallel_loop3A_422 : vector<16xf32>
      %parallel_loop3A_424 = arith.constant 0 : i32
      %parallel_loop3A_425 = arith.constant 0 : i32
      %parallel_loop3A_426 = arith.constant 0 : i32
      %parallel_loop3A_427 = arith.constant 0 : i32
      %parallel_loop3A_428 = tpu.memref_slice %arg7[%parallel_loop3A_424, %parallel_loop3A_425, %parallel_loop3A_426, %parallel_loop3A_427] : memref<2x2x64x129xf32, #tpu.memory_space<vmem>> -> memref<1x2x64x129xf32, #tpu.memory_space<vmem>>
      %parallel_loop3A_429 = tpu.memref_squeeze %parallel_loop3A_428 : memref<1x2x64x129xf32, #tpu.memory_space<vmem>> -> memref<2x64x129xf32, #tpu.memory_space<vmem>>
      tpu.vector_store_idx %parallel_loop3A_429[%add3A_18, %add3A_11, %parallel_loop3A_381], %parallel_loop3A_423 : memref<2x64x129xf32, #tpu.memory_space<vmem>>[vector<16xi32>, vector<16xi32>, vector<16xi32>], vector<16xf32>,
      %parallel_loop3A_430 = arith.constant 0 : i32
      %parallel_loop3A_431 = arith.addi %parallel_loop3A_430, %parallel_loop3A_377 : i32
      %parallel_loop3A_432 = arith.constant 0 : i32
      %parallel_loop3A_433 = arith.index_cast %parallel_loop3A_432 : i32 to index
      %parallel_loop3A_434 = arith.index_cast %parallel_loop3A_431 : i32 to index
      %parallel_loop3A_435 = arith.constant 48 : index
      %parallel_loop3A_436 = tpu.vector_load %arg6[%parallel_loop3A_433, %parallel_loop3A_434, %parallel_loop3A_435] {strides = array<i32>} : memref<2x256x64xf32, #tpu.memory_space<vmem>>, vector<16xf32>,
      %parallel_loop3A_437 = arith.constant 8.000000e+00 : f32
      %parallel_loop3A_438 = vector.broadcast %parallel_loop3A_437 : f32 to vector<16xf32>
      %parallel_loop3A_439 = arith.mulf %parallel_loop3A_436, %parallel_loop3A_438 : vector<16xf32>
      %parallel_loop3A_440 = arith.constant 0 : i32
      %parallel_loop3A_441 = arith.constant 0 : i32
      %parallel_loop3A_442 = arith.constant 0 : i32
      %parallel_loop3A_443 = arith.constant 0 : i32
      %parallel_loop3A_444 = tpu.memref_slice %arg7[%parallel_loop3A_440, %parallel_loop3A_441, %parallel_loop3A_442, %parallel_loop3A_443] : memref<2x2x64x129xf32, #tpu.memory_space<vmem>> -> memref<1x2x64x129xf32, #tpu.memory_space<vmem>>
      %parallel_loop3A_445 = tpu.memref_squeeze %parallel_loop3A_444 : memref<1x2x64x129xf32, #tpu.memory_space<vmem>> -> memref<2x64x129xf32, #tpu.memory_space<vmem>>
      tpu.vector_store_idx %parallel_loop3A_445[%add3A_18, %add3A_14, %parallel_loop3A_381], %parallel_loop3A_439 : memref<2x64x129xf32, #tpu.memory_space<vmem>>[vector<16xi32>, vector<16xi32>, vector<16xi32>], vector<16xf32>,
    } {sc.loop_unroll_factor = 4 : i64, sc.parallel_access}
    %parallel_loop3A_96 = arith.constant 0 : i32
    %parallel_loop3A_97 = arith.constant 128 : i32
    %parallel_loop3A_98 = arith.constant 1 : i32
    scf.for %parallel_loop3A_377 = %parallel_loop3A_96 to %parallel_loop3A_97 step %parallel_loop3A_98  : i32 {
      %parallel_loop3A_378 = arith.constant 0 : i32
      %parallel_loop3A_379 = vector.broadcast %parallel_loop3A_378 : i32 to vector<16xi32>
      %parallel_loop3A_380 = vector.broadcast %parallel_loop3A_377 : i32 to vector<16xi32>
      %parallel_loop3A_381 = arith.addi %parallel_loop3A_379, %parallel_loop3A_380 : vector<16xi32>
      %parallel_loop3A_382 = arith.constant 128 : i32
      %parallel_loop3A_383 = arith.addi %parallel_loop3A_382, %parallel_loop3A_377 : i32
      %parallel_loop3A_384 = arith.constant 0 : i32
      %parallel_loop3A_385 = arith.index_cast %parallel_loop3A_384 : i32 to index
      %parallel_loop3A_386 = arith.index_cast %parallel_loop3A_383 : i32 to index
      %parallel_loop3A_387 = arith.constant 0 : index
      %parallel_loop3A_388 = tpu.vector_load %arg6[%parallel_loop3A_385, %parallel_loop3A_386, %parallel_loop3A_387] {strides = array<i32>} : memref<2x256x64xf32, #tpu.memory_space<vmem>>, vector<16xf32>,
      %parallel_loop3A_389 = arith.constant 8.000000e+00 : f32
      %parallel_loop3A_390 = vector.broadcast %parallel_loop3A_389 : f32 to vector<16xf32>
      %parallel_loop3A_391 = arith.mulf %parallel_loop3A_388, %parallel_loop3A_390 : vector<16xf32>
      %parallel_loop3A_392 = arith.constant 0 : i32
      %parallel_loop3A_393 = arith.constant 0 : i32
      %parallel_loop3A_394 = arith.constant 0 : i32
      %parallel_loop3A_395 = arith.constant 0 : i32
      %parallel_loop3A_396 = tpu.memref_slice %arg7[%parallel_loop3A_392, %parallel_loop3A_393, %parallel_loop3A_394, %parallel_loop3A_395] : memref<2x2x64x129xf32, #tpu.memory_space<vmem>> -> memref<1x2x64x129xf32, #tpu.memory_space<vmem>>
      %parallel_loop3A_397 = tpu.memref_squeeze %parallel_loop3A_396 : memref<1x2x64x129xf32, #tpu.memory_space<vmem>> -> memref<2x64x129xf32, #tpu.memory_space<vmem>>
      tpu.vector_store_idx %parallel_loop3A_397[%add3A_23, %add3A_5, %parallel_loop3A_381], %parallel_loop3A_391 : memref<2x64x129xf32, #tpu.memory_space<vmem>>[vector<16xi32>, vector<16xi32>, vector<16xi32>], vector<16xf32>,
      %parallel_loop3A_398 = arith.constant 128 : i32
      %parallel_loop3A_399 = arith.addi %parallel_loop3A_398, %parallel_loop3A_377 : i32
      %parallel_loop3A_400 = arith.constant 0 : i32
      %parallel_loop3A_401 = arith.index_cast %parallel_loop3A_400 : i32 to index
      %parallel_loop3A_402 = arith.index_cast %parallel_loop3A_399 : i32 to index
      %parallel_loop3A_403 = arith.constant 16 : index
      %parallel_loop3A_404 = tpu.vector_load %arg6[%parallel_loop3A_401, %parallel_loop3A_402, %parallel_loop3A_403] {strides = array<i32>} : memref<2x256x64xf32, #tpu.memory_space<vmem>>, vector<16xf32>,
      %parallel_loop3A_405 = arith.constant 8.000000e+00 : f32
      %parallel_loop3A_406 = vector.broadcast %parallel_loop3A_405 : f32 to vector<16xf32>
      %parallel_loop3A_407 = arith.mulf %parallel_loop3A_404, %parallel_loop3A_406 : vector<16xf32>
      %parallel_loop3A_408 = arith.constant 0 : i32
      %parallel_loop3A_409 = arith.constant 0 : i32
      %parallel_loop3A_410 = arith.constant 0 : i32
      %parallel_loop3A_411 = arith.constant 0 : i32
      %parallel_loop3A_412 = tpu.memref_slice %arg7[%parallel_loop3A_408, %parallel_loop3A_409, %parallel_loop3A_410, %parallel_loop3A_411] : memref<2x2x64x129xf32, #tpu.memory_space<vmem>> -> memref<1x2x64x129xf32, #tpu.memory_space<vmem>>
      %parallel_loop3A_413 = tpu.memref_squeeze %parallel_loop3A_412 : memref<1x2x64x129xf32, #tpu.memory_space<vmem>> -> memref<2x64x129xf32, #tpu.memory_space<vmem>>
      tpu.vector_store_idx %parallel_loop3A_413[%add3A_23, %add3A_8, %parallel_loop3A_381], %parallel_loop3A_407 : memref<2x64x129xf32, #tpu.memory_space<vmem>>[vector<16xi32>, vector<16xi32>, vector<16xi32>], vector<16xf32>,
      %parallel_loop3A_414 = arith.constant 128 : i32
      %parallel_loop3A_415 = arith.addi %parallel_loop3A_414, %parallel_loop3A_377 : i32
      %parallel_loop3A_416 = arith.constant 0 : i32
      %parallel_loop3A_417 = arith.index_cast %parallel_loop3A_416 : i32 to index
      %parallel_loop3A_418 = arith.index_cast %parallel_loop3A_415 : i32 to index
      %parallel_loop3A_419 = arith.constant 32 : index
      %parallel_loop3A_420 = tpu.vector_load %arg6[%parallel_loop3A_417, %parallel_loop3A_418, %parallel_loop3A_419] {strides = array<i32>} : memref<2x256x64xf32, #tpu.memory_space<vmem>>, vector<16xf32>,
      %parallel_loop3A_421 = arith.constant 8.000000e+00 : f32
      %parallel_loop3A_422 = vector.broadcast %parallel_loop3A_421 : f32 to vector<16xf32>
      %parallel_loop3A_423 = arith.mulf %parallel_loop3A_420, %parallel_loop3A_422 : vector<16xf32>
      %parallel_loop3A_424 = arith.constant 0 : i32
      %parallel_loop3A_425 = arith.constant 0 : i32
      %parallel_loop3A_426 = arith.constant 0 : i32
      %parallel_loop3A_427 = arith.constant 0 : i32
      %parallel_loop3A_428 = tpu.memref_slice %arg7[%parallel_loop3A_424, %parallel_loop3A_425, %parallel_loop3A_426, %parallel_loop3A_427] : memref<2x2x64x129xf32, #tpu.memory_space<vmem>> -> memref<1x2x64x129xf32, #tpu.memory_space<vmem>>
      %parallel_loop3A_429 = tpu.memref_squeeze %parallel_loop3A_428 : memref<1x2x64x129xf32, #tpu.memory_space<vmem>> -> memref<2x64x129xf32, #tpu.memory_space<vmem>>
      tpu.vector_store_idx %parallel_loop3A_429[%add3A_23, %add3A_11, %parallel_loop3A_381], %parallel_loop3A_423 : memref<2x64x129xf32, #tpu.memory_space<vmem>>[vector<16xi32>, vector<16xi32>, vector<16xi32>], vector<16xf32>,
      %parallel_loop3A_430 = arith.constant 128 : i32
      %parallel_loop3A_431 = arith.addi %parallel_loop3A_430, %parallel_loop3A_377 : i32
      %parallel_loop3A_432 = arith.constant 0 : i32
      %parallel_loop3A_433 = arith.index_cast %parallel_loop3A_432 : i32 to index
      %parallel_loop3A_434 = arith.index_cast %parallel_loop3A_431 : i32 to index
      %parallel_loop3A_435 = arith.constant 48 : index
      %parallel_loop3A_436 = tpu.vector_load %arg6[%parallel_loop3A_433, %parallel_loop3A_434, %parallel_loop3A_435] {strides = array<i32>} : memref<2x256x64xf32, #tpu.memory_space<vmem>>, vector<16xf32>,
      %parallel_loop3A_437 = arith.constant 8.000000e+00 : f32
      %parallel_loop3A_438 = vector.broadcast %parallel_loop3A_437 : f32 to vector<16xf32>
      %parallel_loop3A_439 = arith.mulf %parallel_loop3A_436, %parallel_loop3A_438 : vector<16xf32>
      %parallel_loop3A_440 = arith.constant 0 : i32
      %parallel_loop3A_441 = arith.constant 0 : i32
      %parallel_loop3A_442 = arith.constant 0 : i32
      %parallel_loop3A_443 = arith.constant 0 : i32
      %parallel_loop3A_444 = tpu.memref_slice %arg7[%parallel_loop3A_440, %parallel_loop3A_441, %parallel_loop3A_442, %parallel_loop3A_443] : memref<2x2x64x129xf32, #tpu.memory_space<vmem>> -> memref<1x2x64x129xf32, #tpu.memory_space<vmem>>
      %parallel_loop3A_445 = tpu.memref_squeeze %parallel_loop3A_444 : memref<1x2x64x129xf32, #tpu.memory_space<vmem>> -> memref<2x64x129xf32, #tpu.memory_space<vmem>>
      tpu.vector_store_idx %parallel_loop3A_445[%add3A_23, %add3A_14, %parallel_loop3A_381], %parallel_loop3A_439 : memref<2x64x129xf32, #tpu.memory_space<vmem>>[vector<16xi32>, vector<16xi32>, vector<16xi32>], vector<16xf32>,
    } {sc.loop_unroll_factor = 4 : i64, sc.parallel_access}
    %dma_start3A_99 = arith.constant 0 : i32
    %dma_start3A_100 = arith.constant 0 : i32
    %dma_start3A_101 = arith.constant 0 : i32
    %dma_start3A_102 = arith.constant 0 : i32
    %dma_start3A_103 = tpu.memref_slice %arg7[%dma_start3A_99, %dma_start3A_100, %dma_start3A_101, %dma_start3A_102] : memref<2x2x64x129xf32, #tpu.memory_space<vmem>> -> memref<1x2x64x128xf32, #tpu.memory_space<vmem>>
    %dma_start3A_104 = tpu.memref_squeeze %dma_start3A_103 : memref<1x2x64x128xf32, #tpu.memory_space<vmem>> -> memref<2x64x128xf32, #tpu.memory_space<vmem>>
    %dma_start3A_105 = arith.constant 0 : i32
    %dma_start3A_106 = arith.constant 0 : i32
    %dma_start3A_107 = tpu.memref_slice %arg4[%dma_start3A_105, %dma_start3A_106, %mul3A_2] : memref<200x64x4096xf32, #tpu.memory_space<hbm>> -> memref<2x64x128xf32, #tpu.memory_space<hbm>>
    %dma_start3A_108 = arith.constant 0 : i32
    %dma_start3A_109 = arith.constant 0 : i32
    %dma_start3A_110 = tpu.memref_slice %arg4[%dma_start3A_108, %dma_start3A_109, %mul3A_2] : memref<200x64x4096xf32, #tpu.memory_space<hbm>> -> memref<2x64x128xf32, #tpu.memory_space<hbm>>
    %dma_start3A_111 = arith.constant 0 : i32
    %dma_start3A_112 = arith.constant 0 : i32
    %dma_start3A_113 = arith.constant 0 : i32
    %dma_start3A_114 = tpu.memref_slice %arg7[%dma_start3A_99, %dma_start3A_111, %dma_start3A_112, %dma_start3A_113] : memref<2x2x64x129xf32, #tpu.memory_space<vmem>> -> memref<1x2x64x128xf32, #tpu.memory_space<vmem>>
    %dma_start3A_115 = tpu.memref_squeeze %dma_start3A_114 : memref<1x2x64x128xf32, #tpu.memory_space<vmem>> -> memref<2x64x128xf32, #tpu.memory_space<vmem>>
    tpu.enqueue_dma source(%dma_start3A_115 : memref<2x64x128xf32, #tpu.memory_space<vmem>>) target(%dma_start3A_110 : memref<2x64x128xf32, #tpu.memory_space<hbm>>) target_semaphore(%arg10 : memref<!tpu.dma_semaphore, #tpu.memory_space<semaphore_mem>>)
    %dma_start3A_116 = arith.constant 4 : i32
    %dma_start3A_117 = arith.constant 0 : i32
    %dma_start3A_118 = arith.constant 0 : i32
    %dma_start3A_119 = arith.constant 0 : i32
    %dma_start3A_120 = tpu.memref_slice %arg6[%dma_start3A_117, %dma_start3A_118, %dma_start3A_119] : memref<2x256x64xf32, #tpu.memory_space<vmem>> -> memref<1x128x64xf32, #tpu.memory_space<vmem>>
    %dma_start3A_121 = tpu.memref_squeeze %dma_start3A_120 : memref<1x128x64xf32, #tpu.memory_space<vmem>> -> memref<128x64xf32, #tpu.memory_space<vmem>>
    %dma_start3A_122 = arith.constant 0 : i32
    %dma_start3A_123 = tpu.memref_slice %arg5[%dma_start3A_116, %dma_start3A_122] : memref<200x128xi32, #tpu.memory_space<vmem>> -> memref<1x128xi32, #tpu.memory_space<vmem>>
    %dma_start3A_124 = tpu.memref_squeeze %dma_start3A_123 : memref<1x128xi32, #tpu.memory_space<vmem>> -> memref<128xi32, #tpu.memory_space<vmem>>
    %dma_start3A_125 = arith.constant 0 : i32
    %dma_start3A_126 = arith.constant 0 : i32
    %dma_start3A_127 = tpu.memref_slice %arg2[%dma_start3A_125, %dma_start3A_126] : memref<1000000x64xf32, #tpu.memory_space<hbm>> -> memref<1000000x64xf32, #tpu.memory_space<hbm>>
    tpu.enqueue_indirect_dma source(%dma_start3A_127 : memref<1000000x64xf32, #tpu.memory_space<hbm>>) target(%dma_start3A_121 : memref<128x64xf32, #tpu.memory_space<vmem>>) offsets(%dma_start3A_124 : memref<128xi32, #tpu.memory_space<vmem>>) semaphore(%arg8 : memref<!tpu.dma_semaphore, #tpu.memory_space<semaphore_mem>>)
    %dma_start3A_128 = arith.constant 5 : i32
    %dma_start3A_129 = arith.constant 0 : i32
    %dma_start3A_130 = arith.constant 128 : i32
    %dma_start3A_131 = arith.constant 0 : i32
    %dma_start3A_132 = tpu.memref_slice %arg6[%dma_start3A_129, %dma_start3A_130, %dma_start3A_131] : memref<2x256x64xf32, #tpu.memory_space<vmem>> -> memref<1x128x64xf32, #tpu.memory_space<vmem>>
    %dma_start3A_133 = tpu.memref_squeeze %dma_start3A_132 : memref<1x128x64xf32, #tpu.memory_space<vmem>> -> memref<128x64xf32, #tpu.memory_space<vmem>>
    %dma_start3A_134 = arith.constant 0 : i32
    %dma_start3A_135 = tpu.memref_slice %arg5[%dma_start3A_128, %dma_start3A_134] : memref<200x128xi32, #tpu.memory_space<vmem>> -> memref<1x128xi32, #tpu.memory_space<vmem>>
    %dma_start3A_136 = tpu.memref_squeeze %dma_start3A_135 : memref<1x128xi32, #tpu.memory_space<vmem>> -> memref<128xi32, #tpu.memory_space<vmem>>
    %dma_start3A_137 = arith.constant 0 : i32
    %dma_start3A_138 = arith.constant 0 : i32
    %dma_start3A_139 = tpu.memref_slice %arg2[%dma_start3A_137, %dma_start3A_138] : memref<1000000x64xf32, #tpu.memory_space<hbm>> -> memref<1000000x64xf32, #tpu.memory_space<hbm>>
    tpu.enqueue_indirect_dma source(%dma_start3A_139 : memref<1000000x64xf32, #tpu.memory_space<hbm>>) target(%dma_start3A_133 : memref<128x64xf32, #tpu.memory_space<vmem>>) offsets(%dma_start3A_136 : memref<128xi32, #tpu.memory_space<vmem>>) semaphore(%arg8 : memref<!tpu.dma_semaphore, #tpu.memory_space<semaphore_mem>>)
    %dma_wait3A_140 = arith.constant 2 : i32
    %dma_wait3A_141 = arith.constant 1 : i32
    %dma_wait3A_142 = arith.constant 0 : i32
    %dma_wait3A_143 = arith.constant 0 : i32
    %dma_wait3A_144 = tpu.memref_slice %arg6[%dma_wait3A_141, %dma_wait3A_142, %dma_wait3A_143] : memref<2x256x64xf32, #tpu.memory_space<vmem>> -> memref<1x128x64xf32, #tpu.memory_space<vmem>>
    %dma_wait3A_145 = tpu.memref_squeeze %dma_wait3A_144 : memref<1x128x64xf32, #tpu.memory_space<vmem>> -> memref<128x64xf32, #tpu.memory_space<vmem>>
    %dma_wait3A_146 = arith.constant 0 : i32
    %dma_wait3A_147 = tpu.memref_slice %arg5[%dma_wait3A_140, %dma_wait3A_146] : memref<200x128xi32, #tpu.memory_space<vmem>> -> memref<1x128xi32, #tpu.memory_space<vmem>>
    %dma_wait3A_148 = tpu.memref_squeeze %dma_wait3A_147 : memref<1x128xi32, #tpu.memory_space<vmem>> -> memref<128xi32, #tpu.memory_space<vmem>>
    %dma_wait3A_149 = arith.constant 0 : i32
    %dma_wait3A_150 = arith.constant 0 : i32
    %dma_wait3A_151 = tpu.memref_slice %arg2[%dma_wait3A_149, %dma_wait3A_150] : memref<1000000x64xf32, #tpu.memory_space<hbm>> -> memref<1000000x64xf32, #tpu.memory_space<hbm>>
    tpu.wait_indirect_dma semaphore(%arg9 : memref<!tpu.dma_semaphore, #tpu.memory_space<semaphore_mem>>) src(%dma_wait3A_151 : memref<1000000x64xf32, #tpu.memory_space<hbm>>) dst(%dma_wait3A_145 : memref<128x64xf32, #tpu.memory_space<vmem>>)
    %dma_wait3A_152 = arith.constant 3 : i32
    %dma_wait3A_153 = arith.constant 1 : i32
    %dma_wait3A_154 = arith.constant 128 : i32
    %dma_wait3A_155 = arith.constant 0 : i32
    %dma_wait3A_156 = tpu.memref_slice %arg6[%dma_wait3A_153, %dma_wait3A_154, %dma_wait3A_155] : memref<2x256x64xf32, #tpu.memory_space<vmem>> -> memref<1x128x64xf32, #tpu.memory_space<vmem>>
    %dma_wait3A_157 = tpu.memref_squeeze %dma_wait3A_156 : memref<1x128x64xf32, #tpu.memory_space<vmem>> -> memref<128x64xf32, #tpu.memory_space<vmem>>
    %dma_wait3A_158 = arith.constant 0 : i32
    %dma_wait3A_159 = tpu.memref_slice %arg5[%dma_wait3A_152, %dma_wait3A_158] : memref<200x128xi32, #tpu.memory_space<vmem>> -> memref<1x128xi32, #tpu.memory_space<vmem>>
    %dma_wait3A_160 = tpu.memref_squeeze %dma_wait3A_159 : memref<1x128xi32, #tpu.memory_space<vmem>> -> memref<128xi32, #tpu.memory_space<vmem>>
    %dma_wait3A_161 = arith.constant 0 : i32
    %dma_wait3A_162 = arith.constant 0 : i32
    %dma_wait3A_163 = tpu.memref_slice %arg2[%dma_wait3A_161, %dma_wait3A_162] : memref<1000000x64xf32, #tpu.memory_space<hbm>> -> memref<1000000x64xf32, #tpu.memory_space<hbm>>
    tpu.wait_indirect_dma semaphore(%arg9 : memref<!tpu.dma_semaphore, #tpu.memory_space<semaphore_mem>>) src(%dma_wait3A_163 : memref<1000000x64xf32, #tpu.memory_space<hbm>>) dst(%dma_wait3A_157 : memref<128x64xf32, #tpu.memory_space<vmem>>)
    %parallel_loop3A_164 = arith.constant 0 : i32
    %parallel_loop3A_165 = arith.constant 128 : i32
    %parallel_loop3A_166 = arith.constant 1 : i32
    scf.for %parallel_loop3A_377 = %parallel_loop3A_164 to %parallel_loop3A_165 step %parallel_loop3A_166  : i32 {
      %parallel_loop3A_378 = arith.constant 0 : i32
      %parallel_loop3A_379 = vector.broadcast %parallel_loop3A_378 : i32 to vector<16xi32>
      %parallel_loop3A_380 = vector.broadcast %parallel_loop3A_377 : i32 to vector<16xi32>
      %parallel_loop3A_381 = arith.addi %parallel_loop3A_379, %parallel_loop3A_380 : vector<16xi32>
      %parallel_loop3A_382 = arith.constant 0 : i32
      %parallel_loop3A_383 = arith.addi %parallel_loop3A_382, %parallel_loop3A_377 : i32
      %parallel_loop3A_384 = arith.constant 1 : i32
      %parallel_loop3A_385 = arith.index_cast %parallel_loop3A_384 : i32 to index
      %parallel_loop3A_386 = arith.index_cast %parallel_loop3A_383 : i32 to index
      %parallel_loop3A_387 = arith.constant 0 : index
      %parallel_loop3A_388 = tpu.vector_load %arg6[%parallel_loop3A_385, %parallel_loop3A_386, %parallel_loop3A_387] {strides = array<i32>} : memref<2x256x64xf32, #tpu.memory_space<vmem>>, vector<16xf32>,
      %parallel_loop3A_389 = arith.constant 8.000000e+00 : f32
      %parallel_loop3A_390 = vector.broadcast %parallel_loop3A_389 : f32 to vector<16xf32>
      %parallel_loop3A_391 = arith.mulf %parallel_loop3A_388, %parallel_loop3A_390 : vector<16xf32>
      %parallel_loop3A_392 = arith.constant 1 : i32
      %parallel_loop3A_393 = arith.constant 0 : i32
      %parallel_loop3A_394 = arith.constant 0 : i32
      %parallel_loop3A_395 = arith.constant 0 : i32
      %parallel_loop3A_396 = tpu.memref_slice %arg7[%parallel_loop3A_392, %parallel_loop3A_393, %parallel_loop3A_394, %parallel_loop3A_395] : memref<2x2x64x129xf32, #tpu.memory_space<vmem>> -> memref<1x2x64x129xf32, #tpu.memory_space<vmem>>
      %parallel_loop3A_397 = tpu.memref_squeeze %parallel_loop3A_396 : memref<1x2x64x129xf32, #tpu.memory_space<vmem>> -> memref<2x64x129xf32, #tpu.memory_space<vmem>>
      tpu.vector_store_idx %parallel_loop3A_397[%add3A_18, %add3A_5, %parallel_loop3A_381], %parallel_loop3A_391 : memref<2x64x129xf32, #tpu.memory_space<vmem>>[vector<16xi32>, vector<16xi32>, vector<16xi32>], vector<16xf32>,
      %parallel_loop3A_398 = arith.constant 0 : i32
      %parallel_loop3A_399 = arith.addi %parallel_loop3A_398, %parallel_loop3A_377 : i32
      %parallel_loop3A_400 = arith.constant 1 : i32
      %parallel_loop3A_401 = arith.index_cast %parallel_loop3A_400 : i32 to index
      %parallel_loop3A_402 = arith.index_cast %parallel_loop3A_399 : i32 to index
      %parallel_loop3A_403 = arith.constant 16 : index
      %parallel_loop3A_404 = tpu.vector_load %arg6[%parallel_loop3A_401, %parallel_loop3A_402, %parallel_loop3A_403] {strides = array<i32>} : memref<2x256x64xf32, #tpu.memory_space<vmem>>, vector<16xf32>,
      %parallel_loop3A_405 = arith.constant 8.000000e+00 : f32
      %parallel_loop3A_406 = vector.broadcast %parallel_loop3A_405 : f32 to vector<16xf32>
      %parallel_loop3A_407 = arith.mulf %parallel_loop3A_404, %parallel_loop3A_406 : vector<16xf32>
      %parallel_loop3A_408 = arith.constant 1 : i32
      %parallel_loop3A_409 = arith.constant 0 : i32
      %parallel_loop3A_410 = arith.constant 0 : i32
      %parallel_loop3A_411 = arith.constant 0 : i32
      %parallel_loop3A_412 = tpu.memref_slice %arg7[%parallel_loop3A_408, %parallel_loop3A_409, %parallel_loop3A_410, %parallel_loop3A_411] : memref<2x2x64x129xf32, #tpu.memory_space<vmem>> -> memref<1x2x64x129xf32, #tpu.memory_space<vmem>>
      %parallel_loop3A_413 = tpu.memref_squeeze %parallel_loop3A_412 : memref<1x2x64x129xf32, #tpu.memory_space<vmem>> -> memref<2x64x129xf32, #tpu.memory_space<vmem>>
      tpu.vector_store_idx %parallel_loop3A_413[%add3A_18, %add3A_8, %parallel_loop3A_381], %parallel_loop3A_407 : memref<2x64x129xf32, #tpu.memory_space<vmem>>[vector<16xi32>, vector<16xi32>, vector<16xi32>], vector<16xf32>,
      %parallel_loop3A_414 = arith.constant 0 : i32
      %parallel_loop3A_415 = arith.addi %parallel_loop3A_414, %parallel_loop3A_377 : i32
      %parallel_loop3A_416 = arith.constant 1 : i32
      %parallel_loop3A_417 = arith.index_cast %parallel_loop3A_416 : i32 to index
      %parallel_loop3A_418 = arith.index_cast %parallel_loop3A_415 : i32 to index
      %parallel_loop3A_419 = arith.constant 32 : index
      %parallel_loop3A_420 = tpu.vector_load %arg6[%parallel_loop3A_417, %parallel_loop3A_418, %parallel_loop3A_419] {strides = array<i32>} : memref<2x256x64xf32, #tpu.memory_space<vmem>>, vector<16xf32>,
      %parallel_loop3A_421 = arith.constant 8.000000e+00 : f32
      %parallel_loop3A_422 = vector.broadcast %parallel_loop3A_421 : f32 to vector<16xf32>
      %parallel_loop3A_423 = arith.mulf %parallel_loop3A_420, %parallel_loop3A_422 : vector<16xf32>
      %parallel_loop3A_424 = arith.constant 1 : i32
      %parallel_loop3A_425 = arith.constant 0 : i32
      %parallel_loop3A_426 = arith.constant 0 : i32
      %parallel_loop3A_427 = arith.constant 0 : i32
      %parallel_loop3A_428 = tpu.memref_slice %arg7[%parallel_loop3A_424, %parallel_loop3A_425, %parallel_loop3A_426, %parallel_loop3A_427] : memref<2x2x64x129xf32, #tpu.memory_space<vmem>> -> memref<1x2x64x129xf32, #tpu.memory_space<vmem>>
      %parallel_loop3A_429 = tpu.memref_squeeze %parallel_loop3A_428 : memref<1x2x64x129xf32, #tpu.memory_space<vmem>> -> memref<2x64x129xf32, #tpu.memory_space<vmem>>
      tpu.vector_store_idx %parallel_loop3A_429[%add3A_18, %add3A_11, %parallel_loop3A_381], %parallel_loop3A_423 : memref<2x64x129xf32, #tpu.memory_space<vmem>>[vector<16xi32>, vector<16xi32>, vector<16xi32>], vector<16xf32>,
      %parallel_loop3A_430 = arith.constant 0 : i32
      %parallel_loop3A_431 = arith.addi %parallel_loop3A_430, %parallel_loop3A_377 : i32
      %parallel_loop3A_432 = arith.constant 1 : i32
      %parallel_loop3A_433 = arith.index_cast %parallel_loop3A_432 : i32 to index
      %parallel_loop3A_434 = arith.index_cast %parallel_loop3A_431 : i32 to index
      %parallel_loop3A_435 = arith.constant 48 : index
      %parallel_loop3A_436 = tpu.vector_load %arg6[%parallel_loop3A_433, %parallel_loop3A_434, %parallel_loop3A_435] {strides = array<i32>} : memref<2x256x64xf32, #tpu.memory_space<vmem>>, vector<16xf32>,
      %parallel_loop3A_437 = arith.constant 8.000000e+00 : f32
      %parallel_loop3A_438 = vector.broadcast %parallel_loop3A_437 : f32 to vector<16xf32>
      %parallel_loop3A_439 = arith.mulf %parallel_loop3A_436, %parallel_loop3A_438 : vector<16xf32>
      %parallel_loop3A_440 = arith.constant 1 : i32
      %parallel_loop3A_441 = arith.constant 0 : i32
      %parallel_loop3A_442 = arith.constant 0 : i32
      %parallel_loop3A_443 = arith.constant 0 : i32
      %parallel_loop3A_444 = tpu.memref_slice %arg7[%parallel_loop3A_440, %parallel_loop3A_441, %parallel_loop3A_442, %parallel_loop3A_443] : memref<2x2x64x129xf32, #tpu.memory_space<vmem>> -> memref<1x2x64x129xf32, #tpu.memory_space<vmem>>
      %parallel_loop3A_445 = tpu.memref_squeeze %parallel_loop3A_444 : memref<1x2x64x129xf32, #tpu.memory_space<vmem>> -> memref<2x64x129xf32, #tpu.memory_space<vmem>>
      tpu.vector_store_idx %parallel_loop3A_445[%add3A_18, %add3A_14, %parallel_loop3A_381], %parallel_loop3A_439 : memref<2x64x129xf32, #tpu.memory_space<vmem>>[vector<16xi32>, vector<16xi32>, vector<16xi32>], vector<16xf32>,
    } {sc.loop_unroll_factor = 4 : i64, sc.parallel_access}
    %parallel_loop3A_167 = arith.constant 0 : i32
    %parallel_loop3A_168 = arith.constant 128 : i32
    %parallel_loop3A_169 = arith.constant 1 : i32
    scf.for %parallel_loop3A_377 = %parallel_loop3A_167 to %parallel_loop3A_168 step %parallel_loop3A_169  : i32 {
      %parallel_loop3A_378 = arith.constant 0 : i32
      %parallel_loop3A_379 = vector.broadcast %parallel_loop3A_378 : i32 to vector<16xi32>
      %parallel_loop3A_380 = vector.broadcast %parallel_loop3A_377 : i32 to vector<16xi32>
      %parallel_loop3A_381 = arith.addi %parallel_loop3A_379, %parallel_loop3A_380 : vector<16xi32>
      %parallel_loop3A_382 = arith.constant 128 : i32
      %parallel_loop3A_383 = arith.addi %parallel_loop3A_382, %parallel_loop3A_377 : i32
      %parallel_loop3A_384 = arith.constant 1 : i32
      %parallel_loop3A_385 = arith.index_cast %parallel_loop3A_384 : i32 to index
      %parallel_loop3A_386 = arith.index_cast %parallel_loop3A_383 : i32 to index
      %parallel_loop3A_387 = arith.constant 0 : index
      %parallel_loop3A_388 = tpu.vector_load %arg6[%parallel_loop3A_385, %parallel_loop3A_386, %parallel_loop3A_387] {strides = array<i32>} : memref<2x256x64xf32, #tpu.memory_space<vmem>>, vector<16xf32>,
      %parallel_loop3A_389 = arith.constant 8.000000e+00 : f32
      %parallel_loop3A_390 = vector.broadcast %parallel_loop3A_389 : f32 to vector<16xf32>
      %parallel_loop3A_391 = arith.mulf %parallel_loop3A_388, %parallel_loop3A_390 : vector<16xf32>
      %parallel_loop3A_392 = arith.constant 1 : i32
      %parallel_loop3A_393 = arith.constant 0 : i32
      %parallel_loop3A_394 = arith.constant 0 : i32
      %parallel_loop3A_395 = arith.constant 0 : i32
      %parallel_loop3A_396 = tpu.memref_slice %arg7[%parallel_loop3A_392, %parallel_loop3A_393, %parallel_loop3A_394, %parallel_loop3A_395] : memref<2x2x64x129xf32, #tpu.memory_space<vmem>> -> memref<1x2x64x129xf32, #tpu.memory_space<vmem>>
      %parallel_loop3A_397 = tpu.memref_squeeze %parallel_loop3A_396 : memref<1x2x64x129xf32, #tpu.memory_space<vmem>> -> memref<2x64x129xf32, #tpu.memory_space<vmem>>
      tpu.vector_store_idx %parallel_loop3A_397[%add3A_23, %add3A_5, %parallel_loop3A_381], %parallel_loop3A_391 : memref<2x64x129xf32, #tpu.memory_space<vmem>>[vector<16xi32>, vector<16xi32>, vector<16xi32>], vector<16xf32>,
      %parallel_loop3A_398 = arith.constant 128 : i32
      %parallel_loop3A_399 = arith.addi %parallel_loop3A_398, %parallel_loop3A_377 : i32
      %parallel_loop3A_400 = arith.constant 1 : i32
      %parallel_loop3A_401 = arith.index_cast %parallel_loop3A_400 : i32 to index
      %parallel_loop3A_402 = arith.index_cast %parallel_loop3A_399 : i32 to index
      %parallel_loop3A_403 = arith.constant 16 : index
      %parallel_loop3A_404 = tpu.vector_load %arg6[%parallel_loop3A_401, %parallel_loop3A_402, %parallel_loop3A_403] {strides = array<i32>} : memref<2x256x64xf32, #tpu.memory_space<vmem>>, vector<16xf32>,
      %parallel_loop3A_405 = arith.constant 8.000000e+00 : f32
      %parallel_loop3A_406 = vector.broadcast %parallel_loop3A_405 : f32 to vector<16xf32>
      %parallel_loop3A_407 = arith.mulf %parallel_loop3A_404, %parallel_loop3A_406 : vector<16xf32>
      %parallel_loop3A_408 = arith.constant 1 : i32
      %parallel_loop3A_409 = arith.constant 0 : i32
      %parallel_loop3A_410 = arith.constant 0 : i32
      %parallel_loop3A_411 = arith.constant 0 : i32
      %parallel_loop3A_412 = tpu.memref_slice %arg7[%parallel_loop3A_408, %parallel_loop3A_409, %parallel_loop3A_410, %parallel_loop3A_411] : memref<2x2x64x129xf32, #tpu.memory_space<vmem>> -> memref<1x2x64x129xf32, #tpu.memory_space<vmem>>
      %parallel_loop3A_413 = tpu.memref_squeeze %parallel_loop3A_412 : memref<1x2x64x129xf32, #tpu.memory_space<vmem>> -> memref<2x64x129xf32, #tpu.memory_space<vmem>>
      tpu.vector_store_idx %parallel_loop3A_413[%add3A_23, %add3A_8, %parallel_loop3A_381], %parallel_loop3A_407 : memref<2x64x129xf32, #tpu.memory_space<vmem>>[vector<16xi32>, vector<16xi32>, vector<16xi32>], vector<16xf32>,
      %parallel_loop3A_414 = arith.constant 128 : i32
      %parallel_loop3A_415 = arith.addi %parallel_loop3A_414, %parallel_loop3A_377 : i32
      %parallel_loop3A_416 = arith.constant 1 : i32
      %parallel_loop3A_417 = arith.index_cast %parallel_loop3A_416 : i32 to index
      %parallel_loop3A_418 = arith.index_cast %parallel_loop3A_415 : i32 to index
      %parallel_loop3A_419 = arith.constant 32 : index
      %parallel_loop3A_420 = tpu.vector_load %arg6[%parallel_loop3A_417, %parallel_loop3A_418, %parallel_loop3A_419] {strides = array<i32>} : memref<2x256x64xf32, #tpu.memory_space<vmem>>, vector<16xf32>,
      %parallel_loop3A_421 = arith.constant 8.000000e+00 : f32
      %parallel_loop3A_422 = vector.broadcast %parallel_loop3A_421 : f32 to vector<16xf32>
      %parallel_loop3A_423 = arith.mulf %parallel_loop3A_420, %parallel_loop3A_422 : vector<16xf32>
      %parallel_loop3A_424 = arith.constant 1 : i32
      %parallel_loop3A_425 = arith.constant 0 : i32
      %parallel_loop3A_426 = arith.constant 0 : i32
      %parallel_loop3A_427 = arith.constant 0 : i32
      %parallel_loop3A_428 = tpu.memref_slice %arg7[%parallel_loop3A_424, %parallel_loop3A_425, %parallel_loop3A_426, %parallel_loop3A_427] : memref<2x2x64x129xf32, #tpu.memory_space<vmem>> -> memref<1x2x64x129xf32, #tpu.memory_space<vmem>>
      %parallel_loop3A_429 = tpu.memref_squeeze %parallel_loop3A_428 : memref<1x2x64x129xf32, #tpu.memory_space<vmem>> -> memref<2x64x129xf32, #tpu.memory_space<vmem>>
      tpu.vector_store_idx %parallel_loop3A_429[%add3A_23, %add3A_11, %parallel_loop3A_381], %parallel_loop3A_423 : memref<2x64x129xf32, #tpu.memory_space<vmem>>[vector<16xi32>, vector<16xi32>, vector<16xi32>], vector<16xf32>,
      %parallel_loop3A_430 = arith.constant 128 : i32
      %parallel_loop3A_431 = arith.addi %parallel_loop3A_430, %parallel_loop3A_377 : i32
      %parallel_loop3A_432 = arith.constant 1 : i32
      %parallel_loop3A_433 = arith.index_cast %parallel_loop3A_432 : i32 to index
      %parallel_loop3A_434 = arith.index_cast %parallel_loop3A_431 : i32 to index
      %parallel_loop3A_435 = arith.constant 48 : index
      %parallel_loop3A_436 = tpu.vector_load %arg6[%parallel_loop3A_433, %parallel_loop3A_434, %parallel_loop3A_435] {strides = array<i32>} : memref<2x256x64xf32, #tpu.memory_space<vmem>>, vector<16xf32>,
      %parallel_loop3A_437 = arith.constant 8.000000e+00 : f32
      %parallel_loop3A_438 = vector.broadcast %parallel_loop3A_437 : f32 to vector<16xf32>
      %parallel_loop3A_439 = arith.mulf %parallel_loop3A_436, %parallel_loop3A_438 : vector<16xf32>
      %parallel_loop3A_440 = arith.constant 1 : i32
      %parallel_loop3A_441 = arith.constant 0 : i32
      %parallel_loop3A_442 = arith.constant 0 : i32
      %parallel_loop3A_443 = arith.constant 0 : i32
      %parallel_loop3A_444 = tpu.memref_slice %arg7[%parallel_loop3A_440, %parallel_loop3A_441, %parallel_loop3A_442, %parallel_loop3A_443] : memref<2x2x64x129xf32, #tpu.memory_space<vmem>> -> memref<1x2x64x129xf32, #tpu.memory_space<vmem>>
      %parallel_loop3A_445 = tpu.memref_squeeze %parallel_loop3A_444 : memref<1x2x64x129xf32, #tpu.memory_space<vmem>> -> memref<2x64x129xf32, #tpu.memory_space<vmem>>
      tpu.vector_store_idx %parallel_loop3A_445[%add3A_23, %add3A_14, %parallel_loop3A_381], %parallel_loop3A_439 : memref<2x64x129xf32, #tpu.memory_space<vmem>>[vector<16xi32>, vector<16xi32>, vector<16xi32>], vector<16xf32>,
    } {sc.loop_unroll_factor = 4 : i64, sc.parallel_access}
    %dma_start3A_170 = arith.constant 1 : i32
    %dma_start3A_171 = arith.constant 0 : i32
    %dma_start3A_172 = arith.constant 0 : i32
    %dma_start3A_173 = arith.constant 0 : i32
    %dma_start3A_174 = tpu.memref_slice %arg7[%dma_start3A_170, %dma_start3A_171, %dma_start3A_172, %dma_start3A_173] : memref<2x2x64x129xf32, #tpu.memory_space<vmem>> -> memref<1x2x64x128xf32, #tpu.memory_space<vmem>>
    %dma_start3A_175 = tpu.memref_squeeze %dma_start3A_174 : memref<1x2x64x128xf32, #tpu.memory_space<vmem>> -> memref<2x64x128xf32, #tpu.memory_space<vmem>>
    %dma_start3A_176 = arith.constant 2 : i32
    %dma_start3A_177 = arith.constant 0 : i32
    %dma_start3A_178 = tpu.memref_slice %arg4[%dma_start3A_176, %dma_start3A_177, %mul3A_2] : memref<200x64x4096xf32, #tpu.memory_space<hbm>> -> memref<2x64x128xf32, #tpu.memory_space<hbm>>
    %dma_start3A_179 = arith.constant 2 : i32
    %dma_start3A_180 = arith.constant 0 : i32
    %dma_start3A_181 = tpu.memref_slice %arg4[%dma_start3A_179, %dma_start3A_180, %mul3A_2] : memref<200x64x4096xf32, #tpu.memory_space<hbm>> -> memref<2x64x128xf32, #tpu.memory_space<hbm>>
    %dma_start3A_182 = arith.constant 0 : i32
    %dma_start3A_183 = arith.constant 0 : i32
    %dma_start3A_184 = arith.constant 0 : i32
    %dma_start3A_185 = tpu.memref_slice %arg7[%dma_start3A_170, %dma_start3A_182, %dma_start3A_183, %dma_start3A_184] : memref<2x2x64x129xf32, #tpu.memory_space<vmem>> -> memref<1x2x64x128xf32, #tpu.memory_space<vmem>>
    %dma_start3A_186 = tpu.memref_squeeze %dma_start3A_185 : memref<1x2x64x128xf32, #tpu.memory_space<vmem>> -> memref<2x64x128xf32, #tpu.memory_space<vmem>>
    tpu.enqueue_dma source(%dma_start3A_186 : memref<2x64x128xf32, #tpu.memory_space<vmem>>) target(%dma_start3A_181 : memref<2x64x128xf32, #tpu.memory_space<hbm>>) target_semaphore(%arg11 : memref<!tpu.dma_semaphore, #tpu.memory_space<semaphore_mem>>)
    %dma_start3A_187 = arith.constant 6 : i32
    %dma_start3A_188 = arith.constant 1 : i32
    %dma_start3A_189 = arith.constant 0 : i32
    %dma_start3A_190 = arith.constant 0 : i32
    %dma_start3A_191 = tpu.memref_slice %arg6[%dma_start3A_188, %dma_start3A_189, %dma_start3A_190] : memref<2x256x64xf32, #tpu.memory_space<vmem>> -> memref<1x128x64xf32, #tpu.memory_space<vmem>>
    %dma_start3A_192 = tpu.memref_squeeze %dma_start3A_191 : memref<1x128x64xf32, #tpu.memory_space<vmem>> -> memref<128x64xf32, #tpu.memory_space<vmem>>
    %dma_start3A_193 = arith.constant 0 : i32
    %dma_start3A_194 = tpu.memref_slice %arg5[%dma_start3A_187, %dma_start3A_193] : memref<200x128xi32, #tpu.memory_space<vmem>> -> memref<1x128xi32, #tpu.memory_space<vmem>>
    %dma_start3A_195 = tpu.memref_squeeze %dma_start3A_194 : memref<1x128xi32, #tpu.memory_space<vmem>> -> memref<128xi32, #tpu.memory_space<vmem>>
    %dma_start3A_196 = arith.constant 0 : i32
    %dma_start3A_197 = arith.constant 0 : i32
    %dma_start3A_198 = tpu.memref_slice %arg2[%dma_start3A_196, %dma_start3A_197] : memref<1000000x64xf32, #tpu.memory_space<hbm>> -> memref<1000000x64xf32, #tpu.memory_space<hbm>>
    tpu.enqueue_indirect_dma source(%dma_start3A_198 : memref<1000000x64xf32, #tpu.memory_space<hbm>>) target(%dma_start3A_192 : memref<128x64xf32, #tpu.memory_space<vmem>>) offsets(%dma_start3A_195 : memref<128xi32, #tpu.memory_space<vmem>>) semaphore(%arg9 : memref<!tpu.dma_semaphore, #tpu.memory_space<semaphore_mem>>)
    %dma_start3A_199 = arith.constant 7 : i32
    %dma_start3A_200 = arith.constant 1 : i32
    %dma_start3A_201 = arith.constant 128 : i32
    %dma_start3A_202 = arith.constant 0 : i32
    %dma_start3A_203 = tpu.memref_slice %arg6[%dma_start3A_200, %dma_start3A_201, %dma_start3A_202] : memref<2x256x64xf32, #tpu.memory_space<vmem>> -> memref<1x128x64xf32, #tpu.memory_space<vmem>>
    %dma_start3A_204 = tpu.memref_squeeze %dma_start3A_203 : memref<1x128x64xf32, #tpu.memory_space<vmem>> -> memref<128x64xf32, #tpu.memory_space<vmem>>
    %dma_start3A_205 = arith.constant 0 : i32
    %dma_start3A_206 = tpu.memref_slice %arg5[%dma_start3A_199, %dma_start3A_205] : memref<200x128xi32, #tpu.memory_space<vmem>> -> memref<1x128xi32, #tpu.memory_space<vmem>>
    %dma_start3A_207 = tpu.memref_squeeze %dma_start3A_206 : memref<1x128xi32, #tpu.memory_space<vmem>> -> memref<128xi32, #tpu.memory_space<vmem>>
    %dma_start3A_208 = arith.constant 0 : i32
    %dma_start3A_209 = arith.constant 0 : i32
    %dma_start3A_210 = tpu.memref_slice %arg2[%dma_start3A_208, %dma_start3A_209] : memref<1000000x64xf32, #tpu.memory_space<hbm>> -> memref<1000000x64xf32, #tpu.memory_space<hbm>>
    tpu.enqueue_indirect_dma source(%dma_start3A_210 : memref<1000000x64xf32, #tpu.memory_space<hbm>>) target(%dma_start3A_204 : memref<128x64xf32, #tpu.memory_space<vmem>>) offsets(%dma_start3A_207 : memref<128xi32, #tpu.memory_space<vmem>>) semaphore(%arg9 : memref<!tpu.dma_semaphore, #tpu.memory_space<semaphore_mem>>)
    %scan3A = arith.constant 0 : i32
    %scan3A_211 = arith.constant 48 : i32
    %scan3A_212 = arith.addi %scan3A, %scan3A_211 : i32
    %scan3A_213 = arith.constant 1 : i32
    scf.for %scan3A_377 = %scan3A to %scan3A_212 step %scan3A_213  : i32 {
      %mul3A_378 = arith.constant 1 : i32
      %mul3A_379 = arith.muli %scan3A_377, %mul3A_378 : i32
      %add3A_380 = arith.constant 0 : i32
      %add3A_381 = arith.addi %add3A_380, %mul3A_379 : i32
      %mul3A_382 = arith.constant 2 : i32
      %mul3A_383 = arith.muli %mul3A_382, %add3A_381 : i32
      %add3A_384 = arith.constant 2 : i32
      %add3A_385 = arith.addi %mul3A_383, %add3A_384 : i32
      %mul3A_386 = arith.constant 2 : i32
      %mul3A_387 = arith.muli %add3A_385, %mul3A_386 : i32
      %add3A_388 = arith.constant 0 : i32
      %add3A_389 = arith.addi %mul3A_387, %add3A_388 : i32
      %dma_wait3A_390 = arith.constant 0 : i32
      %dma_wait3A_391 = arith.constant 0 : i32
      %dma_wait3A_392 = arith.constant 0 : i32
      %dma_wait3A_393 = tpu.memref_slice %arg6[%dma_wait3A_390, %dma_wait3A_391, %dma_wait3A_392] : memref<2x256x64xf32, #tpu.memory_space<vmem>> -> memref<1x128x64xf32, #tpu.memory_space<vmem>>
      %dma_wait3A_394 = tpu.memref_squeeze %dma_wait3A_393 : memref<1x128x64xf32, #tpu.memory_space<vmem>> -> memref<128x64xf32, #tpu.memory_space<vmem>>
      %dma_wait3A_395 = arith.constant 0 : i32
      %dma_wait3A_396 = tpu.memref_slice %arg5[%add3A_389, %dma_wait3A_395] : memref<200x128xi32, #tpu.memory_space<vmem>> -> memref<1x128xi32, #tpu.memory_space<vmem>>
      %dma_wait3A_397 = tpu.memref_squeeze %dma_wait3A_396 : memref<1x128xi32, #tpu.memory_space<vmem>> -> memref<128xi32, #tpu.memory_space<vmem>>
      %dma_wait3A_398 = arith.constant 0 : i32
      %dma_wait3A_399 = arith.constant 0 : i32
      %dma_wait3A_400 = tpu.memref_slice %arg2[%dma_wait3A_398, %dma_wait3A_399] : memref<1000000x64xf32, #tpu.memory_space<hbm>> -> memref<1000000x64xf32, #tpu.memory_space<hbm>>
      tpu.wait_indirect_dma semaphore(%arg8 : memref<!tpu.dma_semaphore, #tpu.memory_space<semaphore_mem>>) src(%dma_wait3A_400 : memref<1000000x64xf32, #tpu.memory_space<hbm>>) dst(%dma_wait3A_394 : memref<128x64xf32, #tpu.memory_space<vmem>>)
      %mul3A_401 = arith.constant 2 : i32
      %mul3A_402 = arith.muli %add3A_385, %mul3A_401 : i32
      %add3A_403 = arith.constant 1 : i32
      %add3A_404 = arith.addi %mul3A_402, %add3A_403 : i32
      %dma_wait3A_405 = arith.constant 0 : i32
      %dma_wait3A_406 = arith.constant 128 : i32
      %dma_wait3A_407 = arith.constant 0 : i32
      %dma_wait3A_408 = tpu.memref_slice %arg6[%dma_wait3A_405, %dma_wait3A_406, %dma_wait3A_407] : memref<2x256x64xf32, #tpu.memory_space<vmem>> -> memref<1x128x64xf32, #tpu.memory_space<vmem>>
      %dma_wait3A_409 = tpu.memref_squeeze %dma_wait3A_408 : memref<1x128x64xf32, #tpu.memory_space<vmem>> -> memref<128x64xf32, #tpu.memory_space<vmem>>
      %dma_wait3A_410 = arith.constant 0 : i32
      %dma_wait3A_411 = tpu.memref_slice %arg5[%add3A_404, %dma_wait3A_410] : memref<200x128xi32, #tpu.memory_space<vmem>> -> memref<1x128xi32, #tpu.memory_space<vmem>>
      %dma_wait3A_412 = tpu.memref_squeeze %dma_wait3A_411 : memref<1x128xi32, #tpu.memory_space<vmem>> -> memref<128xi32, #tpu.memory_space<vmem>>
      %dma_wait3A_413 = arith.constant 0 : i32
      %dma_wait3A_414 = arith.constant 0 : i32
      %dma_wait3A_415 = tpu.memref_slice %arg2[%dma_wait3A_413, %dma_wait3A_414] : memref<1000000x64xf32, #tpu.memory_space<hbm>> -> memref<1000000x64xf32, #tpu.memory_space<hbm>>
      tpu.wait_indirect_dma semaphore(%arg8 : memref<!tpu.dma_semaphore, #tpu.memory_space<semaphore_mem>>) src(%dma_wait3A_415 : memref<1000000x64xf32, #tpu.memory_space<hbm>>) dst(%dma_wait3A_409 : memref<128x64xf32, #tpu.memory_space<vmem>>)
      %sub3A = arith.constant 2 : i32
      %sub3A_416 = arith.subi %add3A_385, %sub3A : i32
      %mul3A_417 = arith.constant 2 : i32
      %mul3A_418 = arith.muli %sub3A_416, %mul3A_417 : i32
      %dma_wait3A_419 = arith.constant 0 : i32
      %dma_wait3A_420 = arith.constant 0 : i32
      %dma_wait3A_421 = arith.constant 0 : i32
      %dma_wait3A_422 = arith.constant 0 : i32
      %dma_wait3A_423 = tpu.memref_slice %arg7[%dma_wait3A_419, %dma_wait3A_420, %dma_wait3A_421, %dma_wait3A_422] : memref<2x2x64x129xf32, #tpu.memory_space<vmem>> -> memref<1x2x64x128xf32, #tpu.memory_space<vmem>>
      %dma_wait3A_424 = tpu.memref_squeeze %dma_wait3A_423 : memref<1x2x64x128xf32, #tpu.memory_space<vmem>> -> memref<2x64x128xf32, #tpu.memory_space<vmem>>
      %dma_wait3A_425 = arith.constant 0 : i32
      %dma_wait3A_426 = tpu.memref_slice %arg4[%mul3A_418, %dma_wait3A_425, %mul3A_2] : memref<200x64x4096xf32, #tpu.memory_space<hbm>> -> memref<2x64x128xf32, #tpu.memory_space<hbm>>
      %dma_wait3A_427 = arith.constant 0 : i32
      %dma_wait3A_428 = tpu.memref_slice %arg4[%mul3A_418, %dma_wait3A_427, %mul3A_2] : memref<200x64x4096xf32, #tpu.memory_space<hbm>> -> memref<2x64x128xf32, #tpu.memory_space<hbm>>
      %dma_wait3A_429 = arith.constant 0 : i32
      %dma_wait3A_430 = arith.constant 0 : i32
      %dma_wait3A_431 = arith.constant 0 : i32
      %dma_wait3A_432 = tpu.memref_slice %arg7[%dma_wait3A_419, %dma_wait3A_429, %dma_wait3A_430, %dma_wait3A_431] : memref<2x2x64x129xf32, #tpu.memory_space<vmem>> -> memref<1x2x64x128xf32, #tpu.memory_space<vmem>>
      %dma_wait3A_433 = tpu.memref_squeeze %dma_wait3A_432 : memref<1x2x64x128xf32, #tpu.memory_space<vmem>> -> memref<2x64x128xf32, #tpu.memory_space<vmem>>
      tpu.wait_dma2 semaphore(%arg10 : memref<!tpu.dma_semaphore, #tpu.memory_space<semaphore_mem>>) src(%dma_wait3A_433 : memref<2x64x128xf32, #tpu.memory_space<vmem>>) dst(%dma_wait3A_428 : memref<2x64x128xf32, #tpu.memory_space<hbm>>)
      %parallel_loop3A_434 = arith.constant 0 : i32
      %parallel_loop3A_435 = arith.constant 128 : i32
      %parallel_loop3A_436 = arith.constant 1 : i32
      scf.for %parallel_loop3A_595 = %parallel_loop3A_434 to %parallel_loop3A_435 step %parallel_loop3A_436  : i32 {
        %parallel_loop3A_596 = arith.constant 0 : i32
        %parallel_loop3A_597 = vector.broadcast %parallel_loop3A_596 : i32 to vector<16xi32>
        %parallel_loop3A_598 = vector.broadcast %parallel_loop3A_595 : i32 to vector<16xi32>
        %parallel_loop3A_599 = arith.addi %parallel_loop3A_597, %parallel_loop3A_598 : vector<16xi32>
        %parallel_loop3A_600 = arith.constant 0 : i32
        %parallel_loop3A_601 = arith.addi %parallel_loop3A_600, %parallel_loop3A_595 : i32
        %parallel_loop3A_602 = arith.constant 0 : i32
        %parallel_loop3A_603 = arith.index_cast %parallel_loop3A_602 : i32 to index
        %parallel_loop3A_604 = arith.index_cast %parallel_loop3A_601 : i32 to index
        %parallel_loop3A_605 = arith.constant 0 : index
        %parallel_loop3A_606 = tpu.vector_load %arg6[%parallel_loop3A_603, %parallel_loop3A_604, %parallel_loop3A_605] {strides = array<i32>} : memref<2x256x64xf32, #tpu.memory_space<vmem>>, vector<16xf32>,
        %parallel_loop3A_607 = arith.constant 8.000000e+00 : f32
        %parallel_loop3A_608 = vector.broadcast %parallel_loop3A_607 : f32 to vector<16xf32>
        %parallel_loop3A_609 = arith.mulf %parallel_loop3A_606, %parallel_loop3A_608 : vector<16xf32>
        %parallel_loop3A_610 = arith.constant 0 : i32
        %parallel_loop3A_611 = arith.constant 0 : i32
        %parallel_loop3A_612 = arith.constant 0 : i32
        %parallel_loop3A_613 = arith.constant 0 : i32
        %parallel_loop3A_614 = tpu.memref_slice %arg7[%parallel_loop3A_610, %parallel_loop3A_611, %parallel_loop3A_612, %parallel_loop3A_613] : memref<2x2x64x129xf32, #tpu.memory_space<vmem>> -> memref<1x2x64x129xf32, #tpu.memory_space<vmem>>
        %parallel_loop3A_615 = tpu.memref_squeeze %parallel_loop3A_614 : memref<1x2x64x129xf32, #tpu.memory_space<vmem>> -> memref<2x64x129xf32, #tpu.memory_space<vmem>>
        tpu.vector_store_idx %parallel_loop3A_615[%add3A_18, %add3A_5, %parallel_loop3A_599], %parallel_loop3A_609 : memref<2x64x129xf32, #tpu.memory_space<vmem>>[vector<16xi32>, vector<16xi32>, vector<16xi32>], vector<16xf32>,
        %parallel_loop3A_616 = arith.constant 0 : i32
        %parallel_loop3A_617 = arith.addi %parallel_loop3A_616, %parallel_loop3A_595 : i32
        %parallel_loop3A_618 = arith.constant 0 : i32
        %parallel_loop3A_619 = arith.index_cast %parallel_loop3A_618 : i32 to index
        %parallel_loop3A_620 = arith.index_cast %parallel_loop3A_617 : i32 to index
        %parallel_loop3A_621 = arith.constant 16 : index
        %parallel_loop3A_622 = tpu.vector_load %arg6[%parallel_loop3A_619, %parallel_loop3A_620, %parallel_loop3A_621] {strides = array<i32>} : memref<2x256x64xf32, #tpu.memory_space<vmem>>, vector<16xf32>,
        %parallel_loop3A_623 = arith.constant 8.000000e+00 : f32
        %parallel_loop3A_624 = vector.broadcast %parallel_loop3A_623 : f32 to vector<16xf32>
        %parallel_loop3A_625 = arith.mulf %parallel_loop3A_622, %parallel_loop3A_624 : vector<16xf32>
        %parallel_loop3A_626 = arith.constant 0 : i32
        %parallel_loop3A_627 = arith.constant 0 : i32
        %parallel_loop3A_628 = arith.constant 0 : i32
        %parallel_loop3A_629 = arith.constant 0 : i32
        %parallel_loop3A_630 = tpu.memref_slice %arg7[%parallel_loop3A_626, %parallel_loop3A_627, %parallel_loop3A_628, %parallel_loop3A_629] : memref<2x2x64x129xf32, #tpu.memory_space<vmem>> -> memref<1x2x64x129xf32, #tpu.memory_space<vmem>>
        %parallel_loop3A_631 = tpu.memref_squeeze %parallel_loop3A_630 : memref<1x2x64x129xf32, #tpu.memory_space<vmem>> -> memref<2x64x129xf32, #tpu.memory_space<vmem>>
        tpu.vector_store_idx %parallel_loop3A_631[%add3A_18, %add3A_8, %parallel_loop3A_599], %parallel_loop3A_625 : memref<2x64x129xf32, #tpu.memory_space<vmem>>[vector<16xi32>, vector<16xi32>, vector<16xi32>], vector<16xf32>,
        %parallel_loop3A_632 = arith.constant 0 : i32
        %parallel_loop3A_633 = arith.addi %parallel_loop3A_632, %parallel_loop3A_595 : i32
        %parallel_loop3A_634 = arith.constant 0 : i32
        %parallel_loop3A_635 = arith.index_cast %parallel_loop3A_634 : i32 to index
        %parallel_loop3A_636 = arith.index_cast %parallel_loop3A_633 : i32 to index
        %parallel_loop3A_637 = arith.constant 32 : index
        %parallel_loop3A_638 = tpu.vector_load %arg6[%parallel_loop3A_635, %parallel_loop3A_636, %parallel_loop3A_637] {strides = array<i32>} : memref<2x256x64xf32, #tpu.memory_space<vmem>>, vector<16xf32>,
        %parallel_loop3A_639 = arith.constant 8.000000e+00 : f32
        %parallel_loop3A_640 = vector.broadcast %parallel_loop3A_639 : f32 to vector<16xf32>
        %parallel_loop3A_641 = arith.mulf %parallel_loop3A_638, %parallel_loop3A_640 : vector<16xf32>
        %parallel_loop3A_642 = arith.constant 0 : i32
        %parallel_loop3A_643 = arith.constant 0 : i32
        %parallel_loop3A_644 = arith.constant 0 : i32
        %parallel_loop3A_645 = arith.constant 0 : i32
        %parallel_loop3A_646 = tpu.memref_slice %arg7[%parallel_loop3A_642, %parallel_loop3A_643, %parallel_loop3A_644, %parallel_loop3A_645] : memref<2x2x64x129xf32, #tpu.memory_space<vmem>> -> memref<1x2x64x129xf32, #tpu.memory_space<vmem>>
        %parallel_loop3A_647 = tpu.memref_squeeze %parallel_loop3A_646 : memref<1x2x64x129xf32, #tpu.memory_space<vmem>> -> memref<2x64x129xf32, #tpu.memory_space<vmem>>
        tpu.vector_store_idx %parallel_loop3A_647[%add3A_18, %add3A_11, %parallel_loop3A_599], %parallel_loop3A_641 : memref<2x64x129xf32, #tpu.memory_space<vmem>>[vector<16xi32>, vector<16xi32>, vector<16xi32>], vector<16xf32>,
        %parallel_loop3A_648 = arith.constant 0 : i32
        %parallel_loop3A_649 = arith.addi %parallel_loop3A_648, %parallel_loop3A_595 : i32
        %parallel_loop3A_650 = arith.constant 0 : i32
        %parallel_loop3A_651 = arith.index_cast %parallel_loop3A_650 : i32 to index
        %parallel_loop3A_652 = arith.index_cast %parallel_loop3A_649 : i32 to index
        %parallel_loop3A_653 = arith.constant 48 : index
        %parallel_loop3A_654 = tpu.vector_load %arg6[%parallel_loop3A_651, %parallel_loop3A_652, %parallel_loop3A_653] {strides = array<i32>} : memref<2x256x64xf32, #tpu.memory_space<vmem>>, vector<16xf32>,
        %parallel_loop3A_655 = arith.constant 8.000000e+00 : f32
        %parallel_loop3A_656 = vector.broadcast %parallel_loop3A_655 : f32 to vector<16xf32>
        %parallel_loop3A_657 = arith.mulf %parallel_loop3A_654, %parallel_loop3A_656 : vector<16xf32>
        %parallel_loop3A_658 = arith.constant 0 : i32
        %parallel_loop3A_659 = arith.constant 0 : i32
        %parallel_loop3A_660 = arith.constant 0 : i32
        %parallel_loop3A_661 = arith.constant 0 : i32
        %parallel_loop3A_662 = tpu.memref_slice %arg7[%parallel_loop3A_658, %parallel_loop3A_659, %parallel_loop3A_660, %parallel_loop3A_661] : memref<2x2x64x129xf32, #tpu.memory_space<vmem>> -> memref<1x2x64x129xf32, #tpu.memory_space<vmem>>
        %parallel_loop3A_663 = tpu.memref_squeeze %parallel_loop3A_662 : memref<1x2x64x129xf32, #tpu.memory_space<vmem>> -> memref<2x64x129xf32, #tpu.memory_space<vmem>>
        tpu.vector_store_idx %parallel_loop3A_663[%add3A_18, %add3A_14, %parallel_loop3A_599], %parallel_loop3A_657 : memref<2x64x129xf32, #tpu.memory_space<vmem>>[vector<16xi32>, vector<16xi32>, vector<16xi32>], vector<16xf32>,
      } {sc.loop_unroll_factor = 4 : i64, sc.parallel_access}
      %parallel_loop3A_437 = arith.constant 0 : i32
      %parallel_loop3A_438 = arith.constant 128 : i32
      %parallel_loop3A_439 = arith.constant 1 : i32
      scf.for %parallel_loop3A_595 = %parallel_loop3A_437 to %parallel_loop3A_438 step %parallel_loop3A_439  : i32 {
        %parallel_loop3A_596 = arith.constant 0 : i32
        %parallel_loop3A_597 = vector.broadcast %parallel_loop3A_596 : i32 to vector<16xi32>
        %parallel_loop3A_598 = vector.broadcast %parallel_loop3A_595 : i32 to vector<16xi32>
        %parallel_loop3A_599 = arith.addi %parallel_loop3A_597, %parallel_loop3A_598 : vector<16xi32>
        %parallel_loop3A_600 = arith.constant 128 : i32
        %parallel_loop3A_601 = arith.addi %parallel_loop3A_600, %parallel_loop3A_595 : i32
        %parallel_loop3A_602 = arith.constant 0 : i32
        %parallel_loop3A_603 = arith.index_cast %parallel_loop3A_602 : i32 to index
        %parallel_loop3A_604 = arith.index_cast %parallel_loop3A_601 : i32 to index
        %parallel_loop3A_605 = arith.constant 0 : index
        %parallel_loop3A_606 = tpu.vector_load %arg6[%parallel_loop3A_603, %parallel_loop3A_604, %parallel_loop3A_605] {strides = array<i32>} : memref<2x256x64xf32, #tpu.memory_space<vmem>>, vector<16xf32>,
        %parallel_loop3A_607 = arith.constant 8.000000e+00 : f32
        %parallel_loop3A_608 = vector.broadcast %parallel_loop3A_607 : f32 to vector<16xf32>
        %parallel_loop3A_609 = arith.mulf %parallel_loop3A_606, %parallel_loop3A_608 : vector<16xf32>
        %parallel_loop3A_610 = arith.constant 0 : i32
        %parallel_loop3A_611 = arith.constant 0 : i32
        %parallel_loop3A_612 = arith.constant 0 : i32
        %parallel_loop3A_613 = arith.constant 0 : i32
        %parallel_loop3A_614 = tpu.memref_slice %arg7[%parallel_loop3A_610, %parallel_loop3A_611, %parallel_loop3A_612, %parallel_loop3A_613] : memref<2x2x64x129xf32, #tpu.memory_space<vmem>> -> memref<1x2x64x129xf32, #tpu.memory_space<vmem>>
        %parallel_loop3A_615 = tpu.memref_squeeze %parallel_loop3A_614 : memref<1x2x64x129xf32, #tpu.memory_space<vmem>> -> memref<2x64x129xf32, #tpu.memory_space<vmem>>
        tpu.vector_store_idx %parallel_loop3A_615[%add3A_23, %add3A_5, %parallel_loop3A_599], %parallel_loop3A_609 : memref<2x64x129xf32, #tpu.memory_space<vmem>>[vector<16xi32>, vector<16xi32>, vector<16xi32>], vector<16xf32>,
        %parallel_loop3A_616 = arith.constant 128 : i32
        %parallel_loop3A_617 = arith.addi %parallel_loop3A_616, %parallel_loop3A_595 : i32
        %parallel_loop3A_618 = arith.constant 0 : i32
        %parallel_loop3A_619 = arith.index_cast %parallel_loop3A_618 : i32 to index
        %parallel_loop3A_620 = arith.index_cast %parallel_loop3A_617 : i32 to index
        %parallel_loop3A_621 = arith.constant 16 : index
        %parallel_loop3A_622 = tpu.vector_load %arg6[%parallel_loop3A_619, %parallel_loop3A_620, %parallel_loop3A_621] {strides = array<i32>} : memref<2x256x64xf32, #tpu.memory_space<vmem>>, vector<16xf32>,
        %parallel_loop3A_623 = arith.constant 8.000000e+00 : f32
        %parallel_loop3A_624 = vector.broadcast %parallel_loop3A_623 : f32 to vector<16xf32>
        %parallel_loop3A_625 = arith.mulf %parallel_loop3A_622, %parallel_loop3A_624 : vector<16xf32>
        %parallel_loop3A_626 = arith.constant 0 : i32
        %parallel_loop3A_627 = arith.constant 0 : i32
        %parallel_loop3A_628 = arith.constant 0 : i32
        %parallel_loop3A_629 = arith.constant 0 : i32
        %parallel_loop3A_630 = tpu.memref_slice %arg7[%parallel_loop3A_626, %parallel_loop3A_627, %parallel_loop3A_628, %parallel_loop3A_629] : memref<2x2x64x129xf32, #tpu.memory_space<vmem>> -> memref<1x2x64x129xf32, #tpu.memory_space<vmem>>
        %parallel_loop3A_631 = tpu.memref_squeeze %parallel_loop3A_630 : memref<1x2x64x129xf32, #tpu.memory_space<vmem>> -> memref<2x64x129xf32, #tpu.memory_space<vmem>>
        tpu.vector_store_idx %parallel_loop3A_631[%add3A_23, %add3A_8, %parallel_loop3A_599], %parallel_loop3A_625 : memref<2x64x129xf32, #tpu.memory_space<vmem>>[vector<16xi32>, vector<16xi32>, vector<16xi32>], vector<16xf32>,
        %parallel_loop3A_632 = arith.constant 128 : i32
        %parallel_loop3A_633 = arith.addi %parallel_loop3A_632, %parallel_loop3A_595 : i32
        %parallel_loop3A_634 = arith.constant 0 : i32
        %parallel_loop3A_635 = arith.index_cast %parallel_loop3A_634 : i32 to index
        %parallel_loop3A_636 = arith.index_cast %parallel_loop3A_633 : i32 to index
        %parallel_loop3A_637 = arith.constant 32 : index
        %parallel_loop3A_638 = tpu.vector_load %arg6[%parallel_loop3A_635, %parallel_loop3A_636, %parallel_loop3A_637] {strides = array<i32>} : memref<2x256x64xf32, #tpu.memory_space<vmem>>, vector<16xf32>,
        %parallel_loop3A_639 = arith.constant 8.000000e+00 : f32
        %parallel_loop3A_640 = vector.broadcast %parallel_loop3A_639 : f32 to vector<16xf32>
        %parallel_loop3A_641 = arith.mulf %parallel_loop3A_638, %parallel_loop3A_640 : vector<16xf32>
        %parallel_loop3A_642 = arith.constant 0 : i32
        %parallel_loop3A_643 = arith.constant 0 : i32
        %parallel_loop3A_644 = arith.constant 0 : i32
        %parallel_loop3A_645 = arith.constant 0 : i32
        %parallel_loop3A_646 = tpu.memref_slice %arg7[%parallel_loop3A_642, %parallel_loop3A_643, %parallel_loop3A_644, %parallel_loop3A_645] : memref<2x2x64x129xf32, #tpu.memory_space<vmem>> -> memref<1x2x64x129xf32, #tpu.memory_space<vmem>>
        %parallel_loop3A_647 = tpu.memref_squeeze %parallel_loop3A_646 : memref<1x2x64x129xf32, #tpu.memory_space<vmem>> -> memref<2x64x129xf32, #tpu.memory_space<vmem>>
        tpu.vector_store_idx %parallel_loop3A_647[%add3A_23, %add3A_11, %parallel_loop3A_599], %parallel_loop3A_641 : memref<2x64x129xf32, #tpu.memory_space<vmem>>[vector<16xi32>, vector<16xi32>, vector<16xi32>], vector<16xf32>,
        %parallel_loop3A_648 = arith.constant 128 : i32
        %parallel_loop3A_649 = arith.addi %parallel_loop3A_648, %parallel_loop3A_595 : i32
        %parallel_loop3A_650 = arith.constant 0 : i32
        %parallel_loop3A_651 = arith.index_cast %parallel_loop3A_650 : i32 to index
        %parallel_loop3A_652 = arith.index_cast %parallel_loop3A_649 : i32 to index
        %parallel_loop3A_653 = arith.constant 48 : index
        %parallel_loop3A_654 = tpu.vector_load %arg6[%parallel_loop3A_651, %parallel_loop3A_652, %parallel_loop3A_653] {strides = array<i32>} : memref<2x256x64xf32, #tpu.memory_space<vmem>>, vector<16xf32>,
        %parallel_loop3A_655 = arith.constant 8.000000e+00 : f32
        %parallel_loop3A_656 = vector.broadcast %parallel_loop3A_655 : f32 to vector<16xf32>
        %parallel_loop3A_657 = arith.mulf %parallel_loop3A_654, %parallel_loop3A_656 : vector<16xf32>
        %parallel_loop3A_658 = arith.constant 0 : i32
        %parallel_loop3A_659 = arith.constant 0 : i32
        %parallel_loop3A_660 = arith.constant 0 : i32
        %parallel_loop3A_661 = arith.constant 0 : i32
        %parallel_loop3A_662 = tpu.memref_slice %arg7[%parallel_loop3A_658, %parallel_loop3A_659, %parallel_loop3A_660, %parallel_loop3A_661] : memref<2x2x64x129xf32, #tpu.memory_space<vmem>> -> memref<1x2x64x129xf32, #tpu.memory_space<vmem>>
        %parallel_loop3A_663 = tpu.memref_squeeze %parallel_loop3A_662 : memref<1x2x64x129xf32, #tpu.memory_space<vmem>> -> memref<2x64x129xf32, #tpu.memory_space<vmem>>
        tpu.vector_store_idx %parallel_loop3A_663[%add3A_23, %add3A_14, %parallel_loop3A_599], %parallel_loop3A_657 : memref<2x64x129xf32, #tpu.memory_space<vmem>>[vector<16xi32>, vector<16xi32>, vector<16xi32>], vector<16xf32>,
      } {sc.loop_unroll_factor = 4 : i64, sc.parallel_access}
      %mul3A_440 = arith.constant 2 : i32
      %mul3A_441 = arith.muli %add3A_385, %mul3A_440 : i32
      %dma_start3A_442 = arith.constant 0 : i32
      %dma_start3A_443 = arith.constant 0 : i32
      %dma_start3A_444 = arith.constant 0 : i32
      %dma_start3A_445 = arith.constant 0 : i32
      %dma_start3A_446 = tpu.memref_slice %arg7[%dma_start3A_442, %dma_start3A_443, %dma_start3A_444, %dma_start3A_445] : memref<2x2x64x129xf32, #tpu.memory_space<vmem>> -> memref<1x2x64x128xf32, #tpu.memory_space<vmem>>
      %dma_start3A_447 = tpu.memref_squeeze %dma_start3A_446 : memref<1x2x64x128xf32, #tpu.memory_space<vmem>> -> memref<2x64x128xf32, #tpu.memory_space<vmem>>
      %dma_start3A_448 = arith.constant 0 : i32
      %dma_start3A_449 = tpu.memref_slice %arg4[%mul3A_441, %dma_start3A_448, %mul3A_2] : memref<200x64x4096xf32, #tpu.memory_space<hbm>> -> memref<2x64x128xf32, #tpu.memory_space<hbm>>
      %dma_start3A_450 = arith.constant 0 : i32
      %dma_start3A_451 = tpu.memref_slice %arg4[%mul3A_441, %dma_start3A_450, %mul3A_2] : memref<200x64x4096xf32, #tpu.memory_space<hbm>> -> memref<2x64x128xf32, #tpu.memory_space<hbm>>
      %dma_start3A_452 = arith.constant 0 : i32
      %dma_start3A_453 = arith.constant 0 : i32
      %dma_start3A_454 = arith.constant 0 : i32
      %dma_start3A_455 = tpu.memref_slice %arg7[%dma_start3A_442, %dma_start3A_452, %dma_start3A_453, %dma_start3A_454] : memref<2x2x64x129xf32, #tpu.memory_space<vmem>> -> memref<1x2x64x128xf32, #tpu.memory_space<vmem>>
      %dma_start3A_456 = tpu.memref_squeeze %dma_start3A_455 : memref<1x2x64x128xf32, #tpu.memory_space<vmem>> -> memref<2x64x128xf32, #tpu.memory_space<vmem>>
      tpu.enqueue_dma source(%dma_start3A_456 : memref<2x64x128xf32, #tpu.memory_space<vmem>>) target(%dma_start3A_451 : memref<2x64x128xf32, #tpu.memory_space<hbm>>) target_semaphore(%arg10 : memref<!tpu.dma_semaphore, #tpu.memory_space<semaphore_mem>>)
      %add3A_457 = arith.constant 2 : i32
      %add3A_458 = arith.addi %add3A_385, %add3A_457 : i32
      %mul3A_459 = arith.constant 2 : i32
      %mul3A_460 = arith.muli %add3A_458, %mul3A_459 : i32
      %add3A_461 = arith.constant 0 : i32
      %add3A_462 = arith.addi %mul3A_460, %add3A_461 : i32
      %dma_start3A_463 = arith.constant 0 : i32
      %dma_start3A_464 = arith.constant 0 : i32
      %dma_start3A_465 = arith.constant 0 : i32
      %dma_start3A_466 = tpu.memref_slice %arg6[%dma_start3A_463, %dma_start3A_464, %dma_start3A_465] : memref<2x256x64xf32, #tpu.memory_space<vmem>> -> memref<1x128x64xf32, #tpu.memory_space<vmem>>
      %dma_start3A_467 = tpu.memref_squeeze %dma_start3A_466 : memref<1x128x64xf32, #tpu.memory_space<vmem>> -> memref<128x64xf32, #tpu.memory_space<vmem>>
      %dma_start3A_468 = arith.constant 0 : i32
      %dma_start3A_469 = tpu.memref_slice %arg5[%add3A_462, %dma_start3A_468] : memref<200x128xi32, #tpu.memory_space<vmem>> -> memref<1x128xi32, #tpu.memory_space<vmem>>
      %dma_start3A_470 = tpu.memref_squeeze %dma_start3A_469 : memref<1x128xi32, #tpu.memory_space<vmem>> -> memref<128xi32, #tpu.memory_space<vmem>>
      %dma_start3A_471 = arith.constant 0 : i32
      %dma_start3A_472 = arith.constant 0 : i32
      %dma_start3A_473 = tpu.memref_slice %arg2[%dma_start3A_471, %dma_start3A_472] : memref<1000000x64xf32, #tpu.memory_space<hbm>> -> memref<1000000x64xf32, #tpu.memory_space<hbm>>
      tpu.enqueue_indirect_dma source(%dma_start3A_473 : memref<1000000x64xf32, #tpu.memory_space<hbm>>) target(%dma_start3A_467 : memref<128x64xf32, #tpu.memory_space<vmem>>) offsets(%dma_start3A_470 : memref<128xi32, #tpu.memory_space<vmem>>) semaphore(%arg8 : memref<!tpu.dma_semaphore, #tpu.memory_space<semaphore_mem>>)
      %mul3A_474 = arith.constant 2 : i32
      %mul3A_475 = arith.muli %add3A_458, %mul3A_474 : i32
      %add3A_476 = arith.constant 1 : i32
      %add3A_477 = arith.addi %mul3A_475, %add3A_476 : i32
      %dma_start3A_478 = arith.constant 0 : i32
      %dma_start3A_479 = arith.constant 128 : i32
      %dma_start3A_480 = arith.constant 0 : i32
      %dma_start3A_481 = tpu.memref_slice %arg6[%dma_start3A_478, %dma_start3A_479, %dma_start3A_480] : memref<2x256x64xf32, #tpu.memory_space<vmem>> -> memref<1x128x64xf32, #tpu.memory_space<vmem>>
      %dma_start3A_482 = tpu.memref_squeeze %dma_start3A_481 : memref<1x128x64xf32, #tpu.memory_space<vmem>> -> memref<128x64xf32, #tpu.memory_space<vmem>>
      %dma_start3A_483 = arith.constant 0 : i32
      %dma_start3A_484 = tpu.memref_slice %arg5[%add3A_477, %dma_start3A_483] : memref<200x128xi32, #tpu.memory_space<vmem>> -> memref<1x128xi32, #tpu.memory_space<vmem>>
      %dma_start3A_485 = tpu.memref_squeeze %dma_start3A_484 : memref<1x128xi32, #tpu.memory_space<vmem>> -> memref<128xi32, #tpu.memory_space<vmem>>
      %dma_start3A_486 = arith.constant 0 : i32
      %dma_start3A_487 = arith.constant 0 : i32
      %dma_start3A_488 = tpu.memref_slice %arg2[%dma_start3A_486, %dma_start3A_487] : memref<1000000x64xf32, #tpu.memory_space<hbm>> -> memref<1000000x64xf32, #tpu.memory_space<hbm>>
      tpu.enqueue_indirect_dma source(%dma_start3A_488 : memref<1000000x64xf32, #tpu.memory_space<hbm>>) target(%dma_start3A_482 : memref<128x64xf32, #tpu.memory_space<vmem>>) offsets(%dma_start3A_485 : memref<128xi32, #tpu.memory_space<vmem>>) semaphore(%arg8 : memref<!tpu.dma_semaphore, #tpu.memory_space<semaphore_mem>>)
      %add3A_489 = arith.constant 1 : i32
      %add3A_490 = arith.addi %add3A_385, %add3A_489 : i32
      %mul3A_491 = arith.constant 2 : i32
      %mul3A_492 = arith.muli %add3A_490, %mul3A_491 : i32
      %add3A_493 = arith.constant 0 : i32
      %add3A_494 = arith.addi %mul3A_492, %add3A_493 : i32
      %dma_wait3A_495 = arith.constant 1 : i32
      %dma_wait3A_496 = arith.constant 0 : i32
      %dma_wait3A_497 = arith.constant 0 : i32
      %dma_wait3A_498 = tpu.memref_slice %arg6[%dma_wait3A_495, %dma_wait3A_496, %dma_wait3A_497] : memref<2x256x64xf32, #tpu.memory_space<vmem>> -> memref<1x128x64xf32, #tpu.memory_space<vmem>>
      %dma_wait3A_499 = tpu.memref_squeeze %dma_wait3A_498 : memref<1x128x64xf32, #tpu.memory_space<vmem>> -> memref<128x64xf32, #tpu.memory_space<vmem>>
      %dma_wait3A_500 = arith.constant 0 : i32
      %dma_wait3A_501 = tpu.memref_slice %arg5[%add3A_494, %dma_wait3A_500] : memref<200x128xi32, #tpu.memory_space<vmem>> -> memref<1x128xi32, #tpu.memory_space<vmem>>
      %dma_wait3A_502 = tpu.memref_squeeze %dma_wait3A_501 : memref<1x128xi32, #tpu.memory_space<vmem>> -> memref<128xi32, #tpu.memory_space<vmem>>
      %dma_wait3A_503 = arith.constant 0 : i32
      %dma_wait3A_504 = arith.constant 0 : i32
      %dma_wait3A_505 = tpu.memref_slice %arg2[%dma_wait3A_503, %dma_wait3A_504] : memref<1000000x64xf32, #tpu.memory_space<hbm>> -> memref<1000000x64xf32, #tpu.memory_space<hbm>>
      tpu.wait_indirect_dma semaphore(%arg9 : memref<!tpu.dma_semaphore, #tpu.memory_space<semaphore_mem>>) src(%dma_wait3A_505 : memref<1000000x64xf32, #tpu.memory_space<hbm>>) dst(%dma_wait3A_499 : memref<128x64xf32, #tpu.memory_space<vmem>>)
      %mul3A_506 = arith.constant 2 : i32
      %mul3A_507 = arith.muli %add3A_490, %mul3A_506 : i32
      %add3A_508 = arith.constant 1 : i32
      %add3A_509 = arith.addi %mul3A_507, %add3A_508 : i32
      %dma_wait3A_510 = arith.constant 1 : i32
      %dma_wait3A_511 = arith.constant 128 : i32
      %dma_wait3A_512 = arith.constant 0 : i32
      %dma_wait3A_513 = tpu.memref_slice %arg6[%dma_wait3A_510, %dma_wait3A_511, %dma_wait3A_512] : memref<2x256x64xf32, #tpu.memory_space<vmem>> -> memref<1x128x64xf32, #tpu.memory_space<vmem>>
      %dma_wait3A_514 = tpu.memref_squeeze %dma_wait3A_513 : memref<1x128x64xf32, #tpu.memory_space<vmem>> -> memref<128x64xf32, #tpu.memory_space<vmem>>
      %dma_wait3A_515 = arith.constant 0 : i32
      %dma_wait3A_516 = tpu.memref_slice %arg5[%add3A_509, %dma_wait3A_515] : memref<200x128xi32, #tpu.memory_space<vmem>> -> memref<1x128xi32, #tpu.memory_space<vmem>>
      %dma_wait3A_517 = tpu.memref_squeeze %dma_wait3A_516 : memref<1x128xi32, #tpu.memory_space<vmem>> -> memref<128xi32, #tpu.memory_space<vmem>>
      %dma_wait3A_518 = arith.constant 0 : i32
      %dma_wait3A_519 = arith.constant 0 : i32
      %dma_wait3A_520 = tpu.memref_slice %arg2[%dma_wait3A_518, %dma_wait3A_519] : memref<1000000x64xf32, #tpu.memory_space<hbm>> -> memref<1000000x64xf32, #tpu.memory_space<hbm>>
      tpu.wait_indirect_dma semaphore(%arg9 : memref<!tpu.dma_semaphore, #tpu.memory_space<semaphore_mem>>) src(%dma_wait3A_520 : memref<1000000x64xf32, #tpu.memory_space<hbm>>) dst(%dma_wait3A_514 : memref<128x64xf32, #tpu.memory_space<vmem>>)
      %sub3A_521 = arith.constant 2 : i32
      %sub3A_522 = arith.subi %add3A_490, %sub3A_521 : i32
      %mul3A_523 = arith.constant 2 : i32
      %mul3A_524 = arith.muli %sub3A_522, %mul3A_523 : i32
      %dma_wait3A_525 = arith.constant 1 : i32
      %dma_wait3A_526 = arith.constant 0 : i32
      %dma_wait3A_527 = arith.constant 0 : i32
      %dma_wait3A_528 = arith.constant 0 : i32
      %dma_wait3A_529 = tpu.memref_slice %arg7[%dma_wait3A_525, %dma_wait3A_526, %dma_wait3A_527, %dma_wait3A_528] : memref<2x2x64x129xf32, #tpu.memory_space<vmem>> -> memref<1x2x64x128xf32, #tpu.memory_space<vmem>>
      %dma_wait3A_530 = tpu.memref_squeeze %dma_wait3A_529 : memref<1x2x64x128xf32, #tpu.memory_space<vmem>> -> memref<2x64x128xf32, #tpu.memory_space<vmem>>
      %dma_wait3A_531 = arith.constant 0 : i32
      %dma_wait3A_532 = tpu.memref_slice %arg4[%mul3A_524, %dma_wait3A_531, %mul3A_2] : memref<200x64x4096xf32, #tpu.memory_space<hbm>> -> memref<2x64x128xf32, #tpu.memory_space<hbm>>
      %dma_wait3A_533 = arith.constant 0 : i32
      %dma_wait3A_534 = tpu.memref_slice %arg4[%mul3A_524, %dma_wait3A_533, %mul3A_2] : memref<200x64x4096xf32, #tpu.memory_space<hbm>> -> memref<2x64x128xf32, #tpu.memory_space<hbm>>
      %dma_wait3A_535 = arith.constant 0 : i32
      %dma_wait3A_536 = arith.constant 0 : i32
      %dma_wait3A_537 = arith.constant 0 : i32
      %dma_wait3A_538 = tpu.memref_slice %arg7[%dma_wait3A_525, %dma_wait3A_535, %dma_wait3A_536, %dma_wait3A_537] : memref<2x2x64x129xf32, #tpu.memory_space<vmem>> -> memref<1x2x64x128xf32, #tpu.memory_space<vmem>>
      %dma_wait3A_539 = tpu.memref_squeeze %dma_wait3A_538 : memref<1x2x64x128xf32, #tpu.memory_space<vmem>> -> memref<2x64x128xf32, #tpu.memory_space<vmem>>
      tpu.wait_dma2 semaphore(%arg11 : memref<!tpu.dma_semaphore, #tpu.memory_space<semaphore_mem>>) src(%dma_wait3A_539 : memref<2x64x128xf32, #tpu.memory_space<vmem>>) dst(%dma_wait3A_534 : memref<2x64x128xf32, #tpu.memory_space<hbm>>)
      %parallel_loop3A_540 = arith.constant 0 : i32
      %parallel_loop3A_541 = arith.constant 128 : i32
      %parallel_loop3A_542 = arith.constant 1 : i32
      scf.for %parallel_loop3A_595 = %parallel_loop3A_540 to %parallel_loop3A_541 step %parallel_loop3A_542  : i32 {
        %parallel_loop3A_596 = arith.constant 0 : i32
        %parallel_loop3A_597 = vector.broadcast %parallel_loop3A_596 : i32 to vector<16xi32>
        %parallel_loop3A_598 = vector.broadcast %parallel_loop3A_595 : i32 to vector<16xi32>
        %parallel_loop3A_599 = arith.addi %parallel_loop3A_597, %parallel_loop3A_598 : vector<16xi32>
        %parallel_loop3A_600 = arith.constant 0 : i32
        %parallel_loop3A_601 = arith.addi %parallel_loop3A_600, %parallel_loop3A_595 : i32
        %parallel_loop3A_602 = arith.constant 1 : i32
        %parallel_loop3A_603 = arith.index_cast %parallel_loop3A_602 : i32 to index
        %parallel_loop3A_604 = arith.index_cast %parallel_loop3A_601 : i32 to index
        %parallel_loop3A_605 = arith.constant 0 : index
        %parallel_loop3A_606 = tpu.vector_load %arg6[%parallel_loop3A_603, %parallel_loop3A_604, %parallel_loop3A_605] {strides = array<i32>} : memref<2x256x64xf32, #tpu.memory_space<vmem>>, vector<16xf32>,
        %parallel_loop3A_607 = arith.constant 8.000000e+00 : f32
        %parallel_loop3A_608 = vector.broadcast %parallel_loop3A_607 : f32 to vector<16xf32>
        %parallel_loop3A_609 = arith.mulf %parallel_loop3A_606, %parallel_loop3A_608 : vector<16xf32>
        %parallel_loop3A_610 = arith.constant 1 : i32
        %parallel_loop3A_611 = arith.constant 0 : i32
        %parallel_loop3A_612 = arith.constant 0 : i32
        %parallel_loop3A_613 = arith.constant 0 : i32
        %parallel_loop3A_614 = tpu.memref_slice %arg7[%parallel_loop3A_610, %parallel_loop3A_611, %parallel_loop3A_612, %parallel_loop3A_613] : memref<2x2x64x129xf32, #tpu.memory_space<vmem>> -> memref<1x2x64x129xf32, #tpu.memory_space<vmem>>
        %parallel_loop3A_615 = tpu.memref_squeeze %parallel_loop3A_614 : memref<1x2x64x129xf32, #tpu.memory_space<vmem>> -> memref<2x64x129xf32, #tpu.memory_space<vmem>>
        tpu.vector_store_idx %parallel_loop3A_615[%add3A_18, %add3A_5, %parallel_loop3A_599], %parallel_loop3A_609 : memref<2x64x129xf32, #tpu.memory_space<vmem>>[vector<16xi32>, vector<16xi32>, vector<16xi32>], vector<16xf32>,
        %parallel_loop3A_616 = arith.constant 0 : i32
        %parallel_loop3A_617 = arith.addi %parallel_loop3A_616, %parallel_loop3A_595 : i32
        %parallel_loop3A_618 = arith.constant 1 : i32
        %parallel_loop3A_619 = arith.index_cast %parallel_loop3A_618 : i32 to index
        %parallel_loop3A_620 = arith.index_cast %parallel_loop3A_617 : i32 to index
        %parallel_loop3A_621 = arith.constant 16 : index
        %parallel_loop3A_622 = tpu.vector_load %arg6[%parallel_loop3A_619, %parallel_loop3A_620, %parallel_loop3A_621] {strides = array<i32>} : memref<2x256x64xf32, #tpu.memory_space<vmem>>, vector<16xf32>,
        %parallel_loop3A_623 = arith.constant 8.000000e+00 : f32
        %parallel_loop3A_624 = vector.broadcast %parallel_loop3A_623 : f32 to vector<16xf32>
        %parallel_loop3A_625 = arith.mulf %parallel_loop3A_622, %parallel_loop3A_624 : vector<16xf32>
        %parallel_loop3A_626 = arith.constant 1 : i32
        %parallel_loop3A_627 = arith.constant 0 : i32
        %parallel_loop3A_628 = arith.constant 0 : i32
        %parallel_loop3A_629 = arith.constant 0 : i32
        %parallel_loop3A_630 = tpu.memref_slice %arg7[%parallel_loop3A_626, %parallel_loop3A_627, %parallel_loop3A_628, %parallel_loop3A_629] : memref<2x2x64x129xf32, #tpu.memory_space<vmem>> -> memref<1x2x64x129xf32, #tpu.memory_space<vmem>>
        %parallel_loop3A_631 = tpu.memref_squeeze %parallel_loop3A_630 : memref<1x2x64x129xf32, #tpu.memory_space<vmem>> -> memref<2x64x129xf32, #tpu.memory_space<vmem>>
        tpu.vector_store_idx %parallel_loop3A_631[%add3A_18, %add3A_8, %parallel_loop3A_599], %parallel_loop3A_625 : memref<2x64x129xf32, #tpu.memory_space<vmem>>[vector<16xi32>, vector<16xi32>, vector<16xi32>], vector<16xf32>,
        %parallel_loop3A_632 = arith.constant 0 : i32
        %parallel_loop3A_633 = arith.addi %parallel_loop3A_632, %parallel_loop3A_595 : i32
        %parallel_loop3A_634 = arith.constant 1 : i32
        %parallel_loop3A_635 = arith.index_cast %parallel_loop3A_634 : i32 to index
        %parallel_loop3A_636 = arith.index_cast %parallel_loop3A_633 : i32 to index
        %parallel_loop3A_637 = arith.constant 32 : index
        %parallel_loop3A_638 = tpu.vector_load %arg6[%parallel_loop3A_635, %parallel_loop3A_636, %parallel_loop3A_637] {strides = array<i32>} : memref<2x256x64xf32, #tpu.memory_space<vmem>>, vector<16xf32>,
        %parallel_loop3A_639 = arith.constant 8.000000e+00 : f32
        %parallel_loop3A_640 = vector.broadcast %parallel_loop3A_639 : f32 to vector<16xf32>
        %parallel_loop3A_641 = arith.mulf %parallel_loop3A_638, %parallel_loop3A_640 : vector<16xf32>
        %parallel_loop3A_642 = arith.constant 1 : i32
        %parallel_loop3A_643 = arith.constant 0 : i32
        %parallel_loop3A_644 = arith.constant 0 : i32
        %parallel_loop3A_645 = arith.constant 0 : i32
        %parallel_loop3A_646 = tpu.memref_slice %arg7[%parallel_loop3A_642, %parallel_loop3A_643, %parallel_loop3A_644, %parallel_loop3A_645] : memref<2x2x64x129xf32, #tpu.memory_space<vmem>> -> memref<1x2x64x129xf32, #tpu.memory_space<vmem>>
        %parallel_loop3A_647 = tpu.memref_squeeze %parallel_loop3A_646 : memref<1x2x64x129xf32, #tpu.memory_space<vmem>> -> memref<2x64x129xf32, #tpu.memory_space<vmem>>
        tpu.vector_store_idx %parallel_loop3A_647[%add3A_18, %add3A_11, %parallel_loop3A_599], %parallel_loop3A_641 : memref<2x64x129xf32, #tpu.memory_space<vmem>>[vector<16xi32>, vector<16xi32>, vector<16xi32>], vector<16xf32>,
        %parallel_loop3A_648 = arith.constant 0 : i32
        %parallel_loop3A_649 = arith.addi %parallel_loop3A_648, %parallel_loop3A_595 : i32
        %parallel_loop3A_650 = arith.constant 1 : i32
        %parallel_loop3A_651 = arith.index_cast %parallel_loop3A_650 : i32 to index
        %parallel_loop3A_652 = arith.index_cast %parallel_loop3A_649 : i32 to index
        %parallel_loop3A_653 = arith.constant 48 : index
        %parallel_loop3A_654 = tpu.vector_load %arg6[%parallel_loop3A_651, %parallel_loop3A_652, %parallel_loop3A_653] {strides = array<i32>} : memref<2x256x64xf32, #tpu.memory_space<vmem>>, vector<16xf32>,
        %parallel_loop3A_655 = arith.constant 8.000000e+00 : f32
        %parallel_loop3A_656 = vector.broadcast %parallel_loop3A_655 : f32 to vector<16xf32>
        %parallel_loop3A_657 = arith.mulf %parallel_loop3A_654, %parallel_loop3A_656 : vector<16xf32>
        %parallel_loop3A_658 = arith.constant 1 : i32
        %parallel_loop3A_659 = arith.constant 0 : i32
        %parallel_loop3A_660 = arith.constant 0 : i32
        %parallel_loop3A_661 = arith.constant 0 : i32
        %parallel_loop3A_662 = tpu.memref_slice %arg7[%parallel_loop3A_658, %parallel_loop3A_659, %parallel_loop3A_660, %parallel_loop3A_661] : memref<2x2x64x129xf32, #tpu.memory_space<vmem>> -> memref<1x2x64x129xf32, #tpu.memory_space<vmem>>
        %parallel_loop3A_663 = tpu.memref_squeeze %parallel_loop3A_662 : memref<1x2x64x129xf32, #tpu.memory_space<vmem>> -> memref<2x64x129xf32, #tpu.memory_space<vmem>>
        tpu.vector_store_idx %parallel_loop3A_663[%add3A_18, %add3A_14, %parallel_loop3A_599], %parallel_loop3A_657 : memref<2x64x129xf32, #tpu.memory_space<vmem>>[vector<16xi32>, vector<16xi32>, vector<16xi32>], vector<16xf32>,
      } {sc.loop_unroll_factor = 4 : i64, sc.parallel_access}
      %parallel_loop3A_543 = arith.constant 0 : i32
      %parallel_loop3A_544 = arith.constant 128 : i32
      %parallel_loop3A_545 = arith.constant 1 : i32
      scf.for %parallel_loop3A_595 = %parallel_loop3A_543 to %parallel_loop3A_544 step %parallel_loop3A_545  : i32 {
        %parallel_loop3A_596 = arith.constant 0 : i32
        %parallel_loop3A_597 = vector.broadcast %parallel_loop3A_596 : i32 to vector<16xi32>
        %parallel_loop3A_598 = vector.broadcast %parallel_loop3A_595 : i32 to vector<16xi32>
        %parallel_loop3A_599 = arith.addi %parallel_loop3A_597, %parallel_loop3A_598 : vector<16xi32>
        %parallel_loop3A_600 = arith.constant 128 : i32
        %parallel_loop3A_601 = arith.addi %parallel_loop3A_600, %parallel_loop3A_595 : i32
        %parallel_loop3A_602 = arith.constant 1 : i32
        %parallel_loop3A_603 = arith.index_cast %parallel_loop3A_602 : i32 to index
        %parallel_loop3A_604 = arith.index_cast %parallel_loop3A_601 : i32 to index
        %parallel_loop3A_605 = arith.constant 0 : index
        %parallel_loop3A_606 = tpu.vector_load %arg6[%parallel_loop3A_603, %parallel_loop3A_604, %parallel_loop3A_605] {strides = array<i32>} : memref<2x256x64xf32, #tpu.memory_space<vmem>>, vector<16xf32>,
        %parallel_loop3A_607 = arith.constant 8.000000e+00 : f32
        %parallel_loop3A_608 = vector.broadcast %parallel_loop3A_607 : f32 to vector<16xf32>
        %parallel_loop3A_609 = arith.mulf %parallel_loop3A_606, %parallel_loop3A_608 : vector<16xf32>
        %parallel_loop3A_610 = arith.constant 1 : i32
        %parallel_loop3A_611 = arith.constant 0 : i32
        %parallel_loop3A_612 = arith.constant 0 : i32
        %parallel_loop3A_613 = arith.constant 0 : i32
        %parallel_loop3A_614 = tpu.memref_slice %arg7[%parallel_loop3A_610, %parallel_loop3A_611, %parallel_loop3A_612, %parallel_loop3A_613] : memref<2x2x64x129xf32, #tpu.memory_space<vmem>> -> memref<1x2x64x129xf32, #tpu.memory_space<vmem>>
        %parallel_loop3A_615 = tpu.memref_squeeze %parallel_loop3A_614 : memref<1x2x64x129xf32, #tpu.memory_space<vmem>> -> memref<2x64x129xf32, #tpu.memory_space<vmem>>
        tpu.vector_store_idx %parallel_loop3A_615[%add3A_23, %add3A_5, %parallel_loop3A_599], %parallel_loop3A_609 : memref<2x64x129xf32, #tpu.memory_space<vmem>>[vector<16xi32>, vector<16xi32>, vector<16xi32>], vector<16xf32>,
        %parallel_loop3A_616 = arith.constant 128 : i32
        %parallel_loop3A_617 = arith.addi %parallel_loop3A_616, %parallel_loop3A_595 : i32
        %parallel_loop3A_618 = arith.constant 1 : i32
        %parallel_loop3A_619 = arith.index_cast %parallel_loop3A_618 : i32 to index
        %parallel_loop3A_620 = arith.index_cast %parallel_loop3A_617 : i32 to index
        %parallel_loop3A_621 = arith.constant 16 : index
        %parallel_loop3A_622 = tpu.vector_load %arg6[%parallel_loop3A_619, %parallel_loop3A_620, %parallel_loop3A_621] {strides = array<i32>} : memref<2x256x64xf32, #tpu.memory_space<vmem>>, vector<16xf32>,
        %parallel_loop3A_623 = arith.constant 8.000000e+00 : f32
        %parallel_loop3A_624 = vector.broadcast %parallel_loop3A_623 : f32 to vector<16xf32>
        %parallel_loop3A_625 = arith.mulf %parallel_loop3A_622, %parallel_loop3A_624 : vector<16xf32>
        %parallel_loop3A_626 = arith.constant 1 : i32
        %parallel_loop3A_627 = arith.constant 0 : i32
        %parallel_loop3A_628 = arith.constant 0 : i32
        %parallel_loop3A_629 = arith.constant 0 : i32
        %parallel_loop3A_630 = tpu.memref_slice %arg7[%parallel_loop3A_626, %parallel_loop3A_627, %parallel_loop3A_628, %parallel_loop3A_629] : memref<2x2x64x129xf32, #tpu.memory_space<vmem>> -> memref<1x2x64x129xf32, #tpu.memory_space<vmem>>
        %parallel_loop3A_631 = tpu.memref_squeeze %parallel_loop3A_630 : memref<1x2x64x129xf32, #tpu.memory_space<vmem>> -> memref<2x64x129xf32, #tpu.memory_space<vmem>>
        tpu.vector_store_idx %parallel_loop3A_631[%add3A_23, %add3A_8, %parallel_loop3A_599], %parallel_loop3A_625 : memref<2x64x129xf32, #tpu.memory_space<vmem>>[vector<16xi32>, vector<16xi32>, vector<16xi32>], vector<16xf32>,
        %parallel_loop3A_632 = arith.constant 128 : i32
        %parallel_loop3A_633 = arith.addi %parallel_loop3A_632, %parallel_loop3A_595 : i32
        %parallel_loop3A_634 = arith.constant 1 : i32
        %parallel_loop3A_635 = arith.index_cast %parallel_loop3A_634 : i32 to index
        %parallel_loop3A_636 = arith.index_cast %parallel_loop3A_633 : i32 to index
        %parallel_loop3A_637 = arith.constant 32 : index
        %parallel_loop3A_638 = tpu.vector_load %arg6[%parallel_loop3A_635, %parallel_loop3A_636, %parallel_loop3A_637] {strides = array<i32>} : memref<2x256x64xf32, #tpu.memory_space<vmem>>, vector<16xf32>,
        %parallel_loop3A_639 = arith.constant 8.000000e+00 : f32
        %parallel_loop3A_640 = vector.broadcast %parallel_loop3A_639 : f32 to vector<16xf32>
        %parallel_loop3A_641 = arith.mulf %parallel_loop3A_638, %parallel_loop3A_640 : vector<16xf32>
        %parallel_loop3A_642 = arith.constant 1 : i32
        %parallel_loop3A_643 = arith.constant 0 : i32
        %parallel_loop3A_644 = arith.constant 0 : i32
        %parallel_loop3A_645 = arith.constant 0 : i32
        %parallel_loop3A_646 = tpu.memref_slice %arg7[%parallel_loop3A_642, %parallel_loop3A_643, %parallel_loop3A_644, %parallel_loop3A_645] : memref<2x2x64x129xf32, #tpu.memory_space<vmem>> -> memref<1x2x64x129xf32, #tpu.memory_space<vmem>>
        %parallel_loop3A_647 = tpu.memref_squeeze %parallel_loop3A_646 : memref<1x2x64x129xf32, #tpu.memory_space<vmem>> -> memref<2x64x129xf32, #tpu.memory_space<vmem>>
        tpu.vector_store_idx %parallel_loop3A_647[%add3A_23, %add3A_11, %parallel_loop3A_599], %parallel_loop3A_641 : memref<2x64x129xf32, #tpu.memory_space<vmem>>[vector<16xi32>, vector<16xi32>, vector<16xi32>], vector<16xf32>,
        %parallel_loop3A_648 = arith.constant 128 : i32
        %parallel_loop3A_649 = arith.addi %parallel_loop3A_648, %parallel_loop3A_595 : i32
        %parallel_loop3A_650 = arith.constant 1 : i32
        %parallel_loop3A_651 = arith.index_cast %parallel_loop3A_650 : i32 to index
        %parallel_loop3A_652 = arith.index_cast %parallel_loop3A_649 : i32 to index
        %parallel_loop3A_653 = arith.constant 48 : index
        %parallel_loop3A_654 = tpu.vector_load %arg6[%parallel_loop3A_651, %parallel_loop3A_652, %parallel_loop3A_653] {strides = array<i32>} : memref<2x256x64xf32, #tpu.memory_space<vmem>>, vector<16xf32>,
        %parallel_loop3A_655 = arith.constant 8.000000e+00 : f32
        %parallel_loop3A_656 = vector.broadcast %parallel_loop3A_655 : f32 to vector<16xf32>
        %parallel_loop3A_657 = arith.mulf %parallel_loop3A_654, %parallel_loop3A_656 : vector<16xf32>
        %parallel_loop3A_658 = arith.constant 1 : i32
        %parallel_loop3A_659 = arith.constant 0 : i32
        %parallel_loop3A_660 = arith.constant 0 : i32
        %parallel_loop3A_661 = arith.constant 0 : i32
        %parallel_loop3A_662 = tpu.memref_slice %arg7[%parallel_loop3A_658, %parallel_loop3A_659, %parallel_loop3A_660, %parallel_loop3A_661] : memref<2x2x64x129xf32, #tpu.memory_space<vmem>> -> memref<1x2x64x129xf32, #tpu.memory_space<vmem>>
        %parallel_loop3A_663 = tpu.memref_squeeze %parallel_loop3A_662 : memref<1x2x64x129xf32, #tpu.memory_space<vmem>> -> memref<2x64x129xf32, #tpu.memory_space<vmem>>
        tpu.vector_store_idx %parallel_loop3A_663[%add3A_23, %add3A_14, %parallel_loop3A_599], %parallel_loop3A_657 : memref<2x64x129xf32, #tpu.memory_space<vmem>>[vector<16xi32>, vector<16xi32>, vector<16xi32>], vector<16xf32>,
      } {sc.loop_unroll_factor = 4 : i64, sc.parallel_access}
      %mul3A_546 = arith.constant 2 : i32
      %mul3A_547 = arith.muli %add3A_490, %mul3A_546 : i32
      %dma_start3A_548 = arith.constant 1 : i32
      %dma_start3A_549 = arith.constant 0 : i32
      %dma_start3A_550 = arith.constant 0 : i32
      %dma_start3A_551 = arith.constant 0 : i32
      %dma_start3A_552 = tpu.memref_slice %arg7[%dma_start3A_548, %dma_start3A_549, %dma_start3A_550, %dma_start3A_551] : memref<2x2x64x129xf32, #tpu.memory_space<vmem>> -> memref<1x2x64x128xf32, #tpu.memory_space<vmem>>
      %dma_start3A_553 = tpu.memref_squeeze %dma_start3A_552 : memref<1x2x64x128xf32, #tpu.memory_space<vmem>> -> memref<2x64x128xf32, #tpu.memory_space<vmem>>
      %dma_start3A_554 = arith.constant 0 : i32
      %dma_start3A_555 = tpu.memref_slice %arg4[%mul3A_547, %dma_start3A_554, %mul3A_2] : memref<200x64x4096xf32, #tpu.memory_space<hbm>> -> memref<2x64x128xf32, #tpu.memory_space<hbm>>
      %dma_start3A_556 = arith.constant 0 : i32
      %dma_start3A_557 = tpu.memref_slice %arg4[%mul3A_547, %dma_start3A_556, %mul3A_2] : memref<200x64x4096xf32, #tpu.memory_space<hbm>> -> memref<2x64x128xf32, #tpu.memory_space<hbm>>
      %dma_start3A_558 = arith.constant 0 : i32
      %dma_start3A_559 = arith.constant 0 : i32
      %dma_start3A_560 = arith.constant 0 : i32
      %dma_start3A_561 = tpu.memref_slice %arg7[%dma_start3A_548, %dma_start3A_558, %dma_start3A_559, %dma_start3A_560] : memref<2x2x64x129xf32, #tpu.memory_space<vmem>> -> memref<1x2x64x128xf32, #tpu.memory_space<vmem>>
      %dma_start3A_562 = tpu.memref_squeeze %dma_start3A_561 : memref<1x2x64x128xf32, #tpu.memory_space<vmem>> -> memref<2x64x128xf32, #tpu.memory_space<vmem>>
      tpu.enqueue_dma source(%dma_start3A_562 : memref<2x64x128xf32, #tpu.memory_space<vmem>>) target(%dma_start3A_557 : memref<2x64x128xf32, #tpu.memory_space<hbm>>) target_semaphore(%arg11 : memref<!tpu.dma_semaphore, #tpu.memory_space<semaphore_mem>>)
      %add3A_563 = arith.constant 2 : i32
      %add3A_564 = arith.addi %add3A_490, %add3A_563 : i32
      %mul3A_565 = arith.constant 2 : i32
      %mul3A_566 = arith.muli %add3A_564, %mul3A_565 : i32
      %add3A_567 = arith.constant 0 : i32
      %add3A_568 = arith.addi %mul3A_566, %add3A_567 : i32
      %dma_start3A_569 = arith.constant 1 : i32
      %dma_start3A_570 = arith.constant 0 : i32
      %dma_start3A_571 = arith.constant 0 : i32
      %dma_start3A_572 = tpu.memref_slice %arg6[%dma_start3A_569, %dma_start3A_570, %dma_start3A_571] : memref<2x256x64xf32, #tpu.memory_space<vmem>> -> memref<1x128x64xf32, #tpu.memory_space<vmem>>
      %dma_start3A_573 = tpu.memref_squeeze %dma_start3A_572 : memref<1x128x64xf32, #tpu.memory_space<vmem>> -> memref<128x64xf32, #tpu.memory_space<vmem>>
      %dma_start3A_574 = arith.constant 0 : i32
      %dma_start3A_575 = tpu.memref_slice %arg5[%add3A_568, %dma_start3A_574] : memref<200x128xi32, #tpu.memory_space<vmem>> -> memref<1x128xi32, #tpu.memory_space<vmem>>
      %dma_start3A_576 = tpu.memref_squeeze %dma_start3A_575 : memref<1x128xi32, #tpu.memory_space<vmem>> -> memref<128xi32, #tpu.memory_space<vmem>>
      %dma_start3A_577 = arith.constant 0 : i32
      %dma_start3A_578 = arith.constant 0 : i32
      %dma_start3A_579 = tpu.memref_slice %arg2[%dma_start3A_577, %dma_start3A_578] : memref<1000000x64xf32, #tpu.memory_space<hbm>> -> memref<1000000x64xf32, #tpu.memory_space<hbm>>
      tpu.enqueue_indirect_dma source(%dma_start3A_579 : memref<1000000x64xf32, #tpu.memory_space<hbm>>) target(%dma_start3A_573 : memref<128x64xf32, #tpu.memory_space<vmem>>) offsets(%dma_start3A_576 : memref<128xi32, #tpu.memory_space<vmem>>) semaphore(%arg9 : memref<!tpu.dma_semaphore, #tpu.memory_space<semaphore_mem>>)
      %mul3A_580 = arith.constant 2 : i32
      %mul3A_581 = arith.muli %add3A_564, %mul3A_580 : i32
      %add3A_582 = arith.constant 1 : i32
      %add3A_583 = arith.addi %mul3A_581, %add3A_582 : i32
      %dma_start3A_584 = arith.constant 1 : i32
      %dma_start3A_585 = arith.constant 128 : i32
      %dma_start3A_586 = arith.constant 0 : i32
      %dma_start3A_587 = tpu.memref_slice %arg6[%dma_start3A_584, %dma_start3A_585, %dma_start3A_586] : memref<2x256x64xf32, #tpu.memory_space<vmem>> -> memref<1x128x64xf32, #tpu.memory_space<vmem>>
      %dma_start3A_588 = tpu.memref_squeeze %dma_start3A_587 : memref<1x128x64xf32, #tpu.memory_space<vmem>> -> memref<128x64xf32, #tpu.memory_space<vmem>>
      %dma_start3A_589 = arith.constant 0 : i32
      %dma_start3A_590 = tpu.memref_slice %arg5[%add3A_583, %dma_start3A_589] : memref<200x128xi32, #tpu.memory_space<vmem>> -> memref<1x128xi32, #tpu.memory_space<vmem>>
      %dma_start3A_591 = tpu.memref_squeeze %dma_start3A_590 : memref<1x128xi32, #tpu.memory_space<vmem>> -> memref<128xi32, #tpu.memory_space<vmem>>
      %dma_start3A_592 = arith.constant 0 : i32
      %dma_start3A_593 = arith.constant 0 : i32
      %dma_start3A_594 = tpu.memref_slice %arg2[%dma_start3A_592, %dma_start3A_593] : memref<1000000x64xf32, #tpu.memory_space<hbm>> -> memref<1000000x64xf32, #tpu.memory_space<hbm>>
      tpu.enqueue_indirect_dma source(%dma_start3A_594 : memref<1000000x64xf32, #tpu.memory_space<hbm>>) target(%dma_start3A_588 : memref<128x64xf32, #tpu.memory_space<vmem>>) offsets(%dma_start3A_591 : memref<128xi32, #tpu.memory_space<vmem>>) semaphore(%arg9 : memref<!tpu.dma_semaphore, #tpu.memory_space<semaphore_mem>>)
    }
    %scan3A_214 = arith.constant 48 : i32
    %dma_wait3A_215 = arith.constant 196 : i32
    %dma_wait3A_216 = arith.constant 0 : i32
    %dma_wait3A_217 = arith.constant 0 : i32
    %dma_wait3A_218 = arith.constant 0 : i32
    %dma_wait3A_219 = tpu.memref_slice %arg6[%dma_wait3A_216, %dma_wait3A_217, %dma_wait3A_218] : memref<2x256x64xf32, #tpu.memory_space<vmem>> -> memref<1x128x64xf32, #tpu.memory_space<vmem>>
    %dma_wait3A_220 = tpu.memref_squeeze %dma_wait3A_219 : memref<1x128x64xf32, #tpu.memory_space<vmem>> -> memref<128x64xf32, #tpu.memory_space<vmem>>
    %dma_wait3A_221 = arith.constant 0 : i32
    %dma_wait3A_222 = tpu.memref_slice %arg5[%dma_wait3A_215, %dma_wait3A_221] : memref<200x128xi32, #tpu.memory_space<vmem>> -> memref<1x128xi32, #tpu.memory_space<vmem>>
    %dma_wait3A_223 = tpu.memref_squeeze %dma_wait3A_222 : memref<1x128xi32, #tpu.memory_space<vmem>> -> memref<128xi32, #tpu.memory_space<vmem>>
    %dma_wait3A_224 = arith.constant 0 : i32
    %dma_wait3A_225 = arith.constant 0 : i32
    %dma_wait3A_226 = tpu.memref_slice %arg2[%dma_wait3A_224, %dma_wait3A_225] : memref<1000000x64xf32, #tpu.memory_space<hbm>> -> memref<1000000x64xf32, #tpu.memory_space<hbm>>
    tpu.wait_indirect_dma semaphore(%arg8 : memref<!tpu.dma_semaphore, #tpu.memory_space<semaphore_mem>>) src(%dma_wait3A_226 : memref<1000000x64xf32, #tpu.memory_space<hbm>>) dst(%dma_wait3A_220 : memref<128x64xf32, #tpu.memory_space<vmem>>)
    %dma_wait3A_227 = arith.constant 197 : i32
    %dma_wait3A_228 = arith.constant 0 : i32
    %dma_wait3A_229 = arith.constant 128 : i32
    %dma_wait3A_230 = arith.constant 0 : i32
    %dma_wait3A_231 = tpu.memref_slice %arg6[%dma_wait3A_228, %dma_wait3A_229, %dma_wait3A_230] : memref<2x256x64xf32, #tpu.memory_space<vmem>> -> memref<1x128x64xf32, #tpu.memory_space<vmem>>
    %dma_wait3A_232 = tpu.memref_squeeze %dma_wait3A_231 : memref<1x128x64xf32, #tpu.memory_space<vmem>> -> memref<128x64xf32, #tpu.memory_space<vmem>>
    %dma_wait3A_233 = arith.constant 0 : i32
    %dma_wait3A_234 = tpu.memref_slice %arg5[%dma_wait3A_227, %dma_wait3A_233] : memref<200x128xi32, #tpu.memory_space<vmem>> -> memref<1x128xi32, #tpu.memory_space<vmem>>
    %dma_wait3A_235 = tpu.memref_squeeze %dma_wait3A_234 : memref<1x128xi32, #tpu.memory_space<vmem>> -> memref<128xi32, #tpu.memory_space<vmem>>
    %dma_wait3A_236 = arith.constant 0 : i32
    %dma_wait3A_237 = arith.constant 0 : i32
    %dma_wait3A_238 = tpu.memref_slice %arg2[%dma_wait3A_236, %dma_wait3A_237] : memref<1000000x64xf32, #tpu.memory_space<hbm>> -> memref<1000000x64xf32, #tpu.memory_space<hbm>>
    tpu.wait_indirect_dma semaphore(%arg8 : memref<!tpu.dma_semaphore, #tpu.memory_space<semaphore_mem>>) src(%dma_wait3A_238 : memref<1000000x64xf32, #tpu.memory_space<hbm>>) dst(%dma_wait3A_232 : memref<128x64xf32, #tpu.memory_space<vmem>>)
    %dma_wait3A_239 = arith.constant 0 : i32
    %dma_wait3A_240 = arith.constant 0 : i32
    %dma_wait3A_241 = arith.constant 0 : i32
    %dma_wait3A_242 = arith.constant 0 : i32
    %dma_wait3A_243 = tpu.memref_slice %arg7[%dma_wait3A_239, %dma_wait3A_240, %dma_wait3A_241, %dma_wait3A_242] : memref<2x2x64x129xf32, #tpu.memory_space<vmem>> -> memref<1x2x64x128xf32, #tpu.memory_space<vmem>>
    %dma_wait3A_244 = tpu.memref_squeeze %dma_wait3A_243 : memref<1x2x64x128xf32, #tpu.memory_space<vmem>> -> memref<2x64x128xf32, #tpu.memory_space<vmem>>
    %dma_wait3A_245 = arith.constant 192 : i32
    %dma_wait3A_246 = arith.constant 0 : i32
    %dma_wait3A_247 = tpu.memref_slice %arg4[%dma_wait3A_245, %dma_wait3A_246, %mul3A_2] : memref<200x64x4096xf32, #tpu.memory_space<hbm>> -> memref<2x64x128xf32, #tpu.memory_space<hbm>>
    %dma_wait3A_248 = arith.constant 192 : i32
    %dma_wait3A_249 = arith.constant 0 : i32
    %dma_wait3A_250 = tpu.memref_slice %arg4[%dma_wait3A_248, %dma_wait3A_249, %mul3A_2] : memref<200x64x4096xf32, #tpu.memory_space<hbm>> -> memref<2x64x128xf32, #tpu.memory_space<hbm>>
    %dma_wait3A_251 = arith.constant 0 : i32
    %dma_wait3A_252 = arith.constant 0 : i32
    %dma_wait3A_253 = arith.constant 0 : i32
    %dma_wait3A_254 = tpu.memref_slice %arg7[%dma_wait3A_239, %dma_wait3A_251, %dma_wait3A_252, %dma_wait3A_253] : memref<2x2x64x129xf32, #tpu.memory_space<vmem>> -> memref<1x2x64x128xf32, #tpu.memory_space<vmem>>
    %dma_wait3A_255 = tpu.memref_squeeze %dma_wait3A_254 : memref<1x2x64x128xf32, #tpu.memory_space<vmem>> -> memref<2x64x128xf32, #tpu.memory_space<vmem>>
    tpu.wait_dma2 semaphore(%arg10 : memref<!tpu.dma_semaphore, #tpu.memory_space<semaphore_mem>>) src(%dma_wait3A_255 : memref<2x64x128xf32, #tpu.memory_space<vmem>>) dst(%dma_wait3A_250 : memref<2x64x128xf32, #tpu.memory_space<hbm>>)
    %parallel_loop3A_256 = arith.constant 0 : i32
    %parallel_loop3A_257 = arith.constant 128 : i32
    %parallel_loop3A_258 = arith.constant 1 : i32
    scf.for %parallel_loop3A_377 = %parallel_loop3A_256 to %parallel_loop3A_257 step %parallel_loop3A_258  : i32 {
      %parallel_loop3A_378 = arith.constant 0 : i32
      %parallel_loop3A_379 = vector.broadcast %parallel_loop3A_378 : i32 to vector<16xi32>
      %parallel_loop3A_380 = vector.broadcast %parallel_loop3A_377 : i32 to vector<16xi32>
      %parallel_loop3A_381 = arith.addi %parallel_loop3A_379, %parallel_loop3A_380 : vector<16xi32>
      %parallel_loop3A_382 = arith.constant 0 : i32
      %parallel_loop3A_383 = arith.addi %parallel_loop3A_382, %parallel_loop3A_377 : i32
      %parallel_loop3A_384 = arith.constant 0 : i32
      %parallel_loop3A_385 = arith.index_cast %parallel_loop3A_384 : i32 to index
      %parallel_loop3A_386 = arith.index_cast %parallel_loop3A_383 : i32 to index
      %parallel_loop3A_387 = arith.constant 0 : index
      %parallel_loop3A_388 = tpu.vector_load %arg6[%parallel_loop3A_385, %parallel_loop3A_386, %parallel_loop3A_387] {strides = array<i32>} : memref<2x256x64xf32, #tpu.memory_space<vmem>>, vector<16xf32>,
      %parallel_loop3A_389 = arith.constant 8.000000e+00 : f32
      %parallel_loop3A_390 = vector.broadcast %parallel_loop3A_389 : f32 to vector<16xf32>
      %parallel_loop3A_391 = arith.mulf %parallel_loop3A_388, %parallel_loop3A_390 : vector<16xf32>
      %parallel_loop3A_392 = arith.constant 0 : i32
      %parallel_loop3A_393 = arith.constant 0 : i32
      %parallel_loop3A_394 = arith.constant 0 : i32
      %parallel_loop3A_395 = arith.constant 0 : i32
      %parallel_loop3A_396 = tpu.memref_slice %arg7[%parallel_loop3A_392, %parallel_loop3A_393, %parallel_loop3A_394, %parallel_loop3A_395] : memref<2x2x64x129xf32, #tpu.memory_space<vmem>> -> memref<1x2x64x129xf32, #tpu.memory_space<vmem>>
      %parallel_loop3A_397 = tpu.memref_squeeze %parallel_loop3A_396 : memref<1x2x64x129xf32, #tpu.memory_space<vmem>> -> memref<2x64x129xf32, #tpu.memory_space<vmem>>
      tpu.vector_store_idx %parallel_loop3A_397[%add3A_18, %add3A_5, %parallel_loop3A_381], %parallel_loop3A_391 : memref<2x64x129xf32, #tpu.memory_space<vmem>>[vector<16xi32>, vector<16xi32>, vector<16xi32>], vector<16xf32>,
      %parallel_loop3A_398 = arith.constant 0 : i32
      %parallel_loop3A_399 = arith.addi %parallel_loop3A_398, %parallel_loop3A_377 : i32
      %parallel_loop3A_400 = arith.constant 0 : i32
      %parallel_loop3A_401 = arith.index_cast %parallel_loop3A_400 : i32 to index
      %parallel_loop3A_402 = arith.index_cast %parallel_loop3A_399 : i32 to index
      %parallel_loop3A_403 = arith.constant 16 : index
      %parallel_loop3A_404 = tpu.vector_load %arg6[%parallel_loop3A_401, %parallel_loop3A_402, %parallel_loop3A_403] {strides = array<i32>} : memref<2x256x64xf32, #tpu.memory_space<vmem>>, vector<16xf32>,
      %parallel_loop3A_405 = arith.constant 8.000000e+00 : f32
      %parallel_loop3A_406 = vector.broadcast %parallel_loop3A_405 : f32 to vector<16xf32>
      %parallel_loop3A_407 = arith.mulf %parallel_loop3A_404, %parallel_loop3A_406 : vector<16xf32>
      %parallel_loop3A_408 = arith.constant 0 : i32
      %parallel_loop3A_409 = arith.constant 0 : i32
      %parallel_loop3A_410 = arith.constant 0 : i32
      %parallel_loop3A_411 = arith.constant 0 : i32
      %parallel_loop3A_412 = tpu.memref_slice %arg7[%parallel_loop3A_408, %parallel_loop3A_409, %parallel_loop3A_410, %parallel_loop3A_411] : memref<2x2x64x129xf32, #tpu.memory_space<vmem>> -> memref<1x2x64x129xf32, #tpu.memory_space<vmem>>
      %parallel_loop3A_413 = tpu.memref_squeeze %parallel_loop3A_412 : memref<1x2x64x129xf32, #tpu.memory_space<vmem>> -> memref<2x64x129xf32, #tpu.memory_space<vmem>>
      tpu.vector_store_idx %parallel_loop3A_413[%add3A_18, %add3A_8, %parallel_loop3A_381], %parallel_loop3A_407 : memref<2x64x129xf32, #tpu.memory_space<vmem>>[vector<16xi32>, vector<16xi32>, vector<16xi32>], vector<16xf32>,
      %parallel_loop3A_414 = arith.constant 0 : i32
      %parallel_loop3A_415 = arith.addi %parallel_loop3A_414, %parallel_loop3A_377 : i32
      %parallel_loop3A_416 = arith.constant 0 : i32
      %parallel_loop3A_417 = arith.index_cast %parallel_loop3A_416 : i32 to index
      %parallel_loop3A_418 = arith.index_cast %parallel_loop3A_415 : i32 to index
      %parallel_loop3A_419 = arith.constant 32 : index
      %parallel_loop3A_420 = tpu.vector_load %arg6[%parallel_loop3A_417, %parallel_loop3A_418, %parallel_loop3A_419] {strides = array<i32>} : memref<2x256x64xf32, #tpu.memory_space<vmem>>, vector<16xf32>,
      %parallel_loop3A_421 = arith.constant 8.000000e+00 : f32
      %parallel_loop3A_422 = vector.broadcast %parallel_loop3A_421 : f32 to vector<16xf32>
      %parallel_loop3A_423 = arith.mulf %parallel_loop3A_420, %parallel_loop3A_422 : vector<16xf32>
      %parallel_loop3A_424 = arith.constant 0 : i32
      %parallel_loop3A_425 = arith.constant 0 : i32
      %parallel_loop3A_426 = arith.constant 0 : i32
      %parallel_loop3A_427 = arith.constant 0 : i32
      %parallel_loop3A_428 = tpu.memref_slice %arg7[%parallel_loop3A_424, %parallel_loop3A_425, %parallel_loop3A_426, %parallel_loop3A_427] : memref<2x2x64x129xf32, #tpu.memory_space<vmem>> -> memref<1x2x64x129xf32, #tpu.memory_space<vmem>>
      %parallel_loop3A_429 = tpu.memref_squeeze %parallel_loop3A_428 : memref<1x2x64x129xf32, #tpu.memory_space<vmem>> -> memref<2x64x129xf32, #tpu.memory_space<vmem>>
      tpu.vector_store_idx %parallel_loop3A_429[%add3A_18, %add3A_11, %parallel_loop3A_381], %parallel_loop3A_423 : memref<2x64x129xf32, #tpu.memory_space<vmem>>[vector<16xi32>, vector<16xi32>, vector<16xi32>], vector<16xf32>,
      %parallel_loop3A_430 = arith.constant 0 : i32
      %parallel_loop3A_431 = arith.addi %parallel_loop3A_430, %parallel_loop3A_377 : i32
      %parallel_loop3A_432 = arith.constant 0 : i32
      %parallel_loop3A_433 = arith.index_cast %parallel_loop3A_432 : i32 to index
      %parallel_loop3A_434 = arith.index_cast %parallel_loop3A_431 : i32 to index
      %parallel_loop3A_435 = arith.constant 48 : index
      %parallel_loop3A_436 = tpu.vector_load %arg6[%parallel_loop3A_433, %parallel_loop3A_434, %parallel_loop3A_435] {strides = array<i32>} : memref<2x256x64xf32, #tpu.memory_space<vmem>>, vector<16xf32>,
      %parallel_loop3A_437 = arith.constant 8.000000e+00 : f32
      %parallel_loop3A_438 = vector.broadcast %parallel_loop3A_437 : f32 to vector<16xf32>
      %parallel_loop3A_439 = arith.mulf %parallel_loop3A_436, %parallel_loop3A_438 : vector<16xf32>
      %parallel_loop3A_440 = arith.constant 0 : i32
      %parallel_loop3A_441 = arith.constant 0 : i32
      %parallel_loop3A_442 = arith.constant 0 : i32
      %parallel_loop3A_443 = arith.constant 0 : i32
      %parallel_loop3A_444 = tpu.memref_slice %arg7[%parallel_loop3A_440, %parallel_loop3A_441, %parallel_loop3A_442, %parallel_loop3A_443] : memref<2x2x64x129xf32, #tpu.memory_space<vmem>> -> memref<1x2x64x129xf32, #tpu.memory_space<vmem>>
      %parallel_loop3A_445 = tpu.memref_squeeze %parallel_loop3A_444 : memref<1x2x64x129xf32, #tpu.memory_space<vmem>> -> memref<2x64x129xf32, #tpu.memory_space<vmem>>
      tpu.vector_store_idx %parallel_loop3A_445[%add3A_18, %add3A_14, %parallel_loop3A_381], %parallel_loop3A_439 : memref<2x64x129xf32, #tpu.memory_space<vmem>>[vector<16xi32>, vector<16xi32>, vector<16xi32>], vector<16xf32>,
    } {sc.loop_unroll_factor = 4 : i64, sc.parallel_access}
    %parallel_loop3A_259 = arith.constant 0 : i32
    %parallel_loop3A_260 = arith.constant 128 : i32
    %parallel_loop3A_261 = arith.constant 1 : i32
    scf.for %parallel_loop3A_377 = %parallel_loop3A_259 to %parallel_loop3A_260 step %parallel_loop3A_261  : i32 {
      %parallel_loop3A_378 = arith.constant 0 : i32
      %parallel_loop3A_379 = vector.broadcast %parallel_loop3A_378 : i32 to vector<16xi32>
      %parallel_loop3A_380 = vector.broadcast %parallel_loop3A_377 : i32 to vector<16xi32>
      %parallel_loop3A_381 = arith.addi %parallel_loop3A_379, %parallel_loop3A_380 : vector<16xi32>
      %parallel_loop3A_382 = arith.constant 128 : i32
      %parallel_loop3A_383 = arith.addi %parallel_loop3A_382, %parallel_loop3A_377 : i32
      %parallel_loop3A_384 = arith.constant 0 : i32
      %parallel_loop3A_385 = arith.index_cast %parallel_loop3A_384 : i32 to index
      %parallel_loop3A_386 = arith.index_cast %parallel_loop3A_383 : i32 to index
      %parallel_loop3A_387 = arith.constant 0 : index
      %parallel_loop3A_388 = tpu.vector_load %arg6[%parallel_loop3A_385, %parallel_loop3A_386, %parallel_loop3A_387] {strides = array<i32>} : memref<2x256x64xf32, #tpu.memory_space<vmem>>, vector<16xf32>,
      %parallel_loop3A_389 = arith.constant 8.000000e+00 : f32
      %parallel_loop3A_390 = vector.broadcast %parallel_loop3A_389 : f32 to vector<16xf32>
      %parallel_loop3A_391 = arith.mulf %parallel_loop3A_388, %parallel_loop3A_390 : vector<16xf32>
      %parallel_loop3A_392 = arith.constant 0 : i32
      %parallel_loop3A_393 = arith.constant 0 : i32
      %parallel_loop3A_394 = arith.constant 0 : i32
      %parallel_loop3A_395 = arith.constant 0 : i32
      %parallel_loop3A_396 = tpu.memref_slice %arg7[%parallel_loop3A_392, %parallel_loop3A_393, %parallel_loop3A_394, %parallel_loop3A_395] : memref<2x2x64x129xf32, #tpu.memory_space<vmem>> -> memref<1x2x64x129xf32, #tpu.memory_space<vmem>>
      %parallel_loop3A_397 = tpu.memref_squeeze %parallel_loop3A_396 : memref<1x2x64x129xf32, #tpu.memory_space<vmem>> -> memref<2x64x129xf32, #tpu.memory_space<vmem>>
      tpu.vector_store_idx %parallel_loop3A_397[%add3A_23, %add3A_5, %parallel_loop3A_381], %parallel_loop3A_391 : memref<2x64x129xf32, #tpu.memory_space<vmem>>[vector<16xi32>, vector<16xi32>, vector<16xi32>], vector<16xf32>,
      %parallel_loop3A_398 = arith.constant 128 : i32
      %parallel_loop3A_399 = arith.addi %parallel_loop3A_398, %parallel_loop3A_377 : i32
      %parallel_loop3A_400 = arith.constant 0 : i32
      %parallel_loop3A_401 = arith.index_cast %parallel_loop3A_400 : i32 to index
      %parallel_loop3A_402 = arith.index_cast %parallel_loop3A_399 : i32 to index
      %parallel_loop3A_403 = arith.constant 16 : index
      %parallel_loop3A_404 = tpu.vector_load %arg6[%parallel_loop3A_401, %parallel_loop3A_402, %parallel_loop3A_403] {strides = array<i32>} : memref<2x256x64xf32, #tpu.memory_space<vmem>>, vector<16xf32>,
      %parallel_loop3A_405 = arith.constant 8.000000e+00 : f32
      %parallel_loop3A_406 = vector.broadcast %parallel_loop3A_405 : f32 to vector<16xf32>
      %parallel_loop3A_407 = arith.mulf %parallel_loop3A_404, %parallel_loop3A_406 : vector<16xf32>
      %parallel_loop3A_408 = arith.constant 0 : i32
      %parallel_loop3A_409 = arith.constant 0 : i32
      %parallel_loop3A_410 = arith.constant 0 : i32
      %parallel_loop3A_411 = arith.constant 0 : i32
      %parallel_loop3A_412 = tpu.memref_slice %arg7[%parallel_loop3A_408, %parallel_loop3A_409, %parallel_loop3A_410, %parallel_loop3A_411] : memref<2x2x64x129xf32, #tpu.memory_space<vmem>> -> memref<1x2x64x129xf32, #tpu.memory_space<vmem>>
      %parallel_loop3A_413 = tpu.memref_squeeze %parallel_loop3A_412 : memref<1x2x64x129xf32, #tpu.memory_space<vmem>> -> memref<2x64x129xf32, #tpu.memory_space<vmem>>
      tpu.vector_store_idx %parallel_loop3A_413[%add3A_23, %add3A_8, %parallel_loop3A_381], %parallel_loop3A_407 : memref<2x64x129xf32, #tpu.memory_space<vmem>>[vector<16xi32>, vector<16xi32>, vector<16xi32>], vector<16xf32>,
      %parallel_loop3A_414 = arith.constant 128 : i32
      %parallel_loop3A_415 = arith.addi %parallel_loop3A_414, %parallel_loop3A_377 : i32
      %parallel_loop3A_416 = arith.constant 0 : i32
      %parallel_loop3A_417 = arith.index_cast %parallel_loop3A_416 : i32 to index
      %parallel_loop3A_418 = arith.index_cast %parallel_loop3A_415 : i32 to index
      %parallel_loop3A_419 = arith.constant 32 : index
      %parallel_loop3A_420 = tpu.vector_load %arg6[%parallel_loop3A_417, %parallel_loop3A_418, %parallel_loop3A_419] {strides = array<i32>} : memref<2x256x64xf32, #tpu.memory_space<vmem>>, vector<16xf32>,
      %parallel_loop3A_421 = arith.constant 8.000000e+00 : f32
      %parallel_loop3A_422 = vector.broadcast %parallel_loop3A_421 : f32 to vector<16xf32>
      %parallel_loop3A_423 = arith.mulf %parallel_loop3A_420, %parallel_loop3A_422 : vector<16xf32>
      %parallel_loop3A_424 = arith.constant 0 : i32
      %parallel_loop3A_425 = arith.constant 0 : i32
      %parallel_loop3A_426 = arith.constant 0 : i32
      %parallel_loop3A_427 = arith.constant 0 : i32
      %parallel_loop3A_428 = tpu.memref_slice %arg7[%parallel_loop3A_424, %parallel_loop3A_425, %parallel_loop3A_426, %parallel_loop3A_427] : memref<2x2x64x129xf32, #tpu.memory_space<vmem>> -> memref<1x2x64x129xf32, #tpu.memory_space<vmem>>
      %parallel_loop3A_429 = tpu.memref_squeeze %parallel_loop3A_428 : memref<1x2x64x129xf32, #tpu.memory_space<vmem>> -> memref<2x64x129xf32, #tpu.memory_space<vmem>>
      tpu.vector_store_idx %parallel_loop3A_429[%add3A_23, %add3A_11, %parallel_loop3A_381], %parallel_loop3A_423 : memref<2x64x129xf32, #tpu.memory_space<vmem>>[vector<16xi32>, vector<16xi32>, vector<16xi32>], vector<16xf32>,
      %parallel_loop3A_430 = arith.constant 128 : i32
      %parallel_loop3A_431 = arith.addi %parallel_loop3A_430, %parallel_loop3A_377 : i32
      %parallel_loop3A_432 = arith.constant 0 : i32
      %parallel_loop3A_433 = arith.index_cast %parallel_loop3A_432 : i32 to index
      %parallel_loop3A_434 = arith.index_cast %parallel_loop3A_431 : i32 to index
      %parallel_loop3A_435 = arith.constant 48 : index
      %parallel_loop3A_436 = tpu.vector_load %arg6[%parallel_loop3A_433, %parallel_loop3A_434, %parallel_loop3A_435] {strides = array<i32>} : memref<2x256x64xf32, #tpu.memory_space<vmem>>, vector<16xf32>,
      %parallel_loop3A_437 = arith.constant 8.000000e+00 : f32
      %parallel_loop3A_438 = vector.broadcast %parallel_loop3A_437 : f32 to vector<16xf32>
      %parallel_loop3A_439 = arith.mulf %parallel_loop3A_436, %parallel_loop3A_438 : vector<16xf32>
      %parallel_loop3A_440 = arith.constant 0 : i32
      %parallel_loop3A_441 = arith.constant 0 : i32
      %parallel_loop3A_442 = arith.constant 0 : i32
      %parallel_loop3A_443 = arith.constant 0 : i32
      %parallel_loop3A_444 = tpu.memref_slice %arg7[%parallel_loop3A_440, %parallel_loop3A_441, %parallel_loop3A_442, %parallel_loop3A_443] : memref<2x2x64x129xf32, #tpu.memory_space<vmem>> -> memref<1x2x64x129xf32, #tpu.memory_space<vmem>>
      %parallel_loop3A_445 = tpu.memref_squeeze %parallel_loop3A_444 : memref<1x2x64x129xf32, #tpu.memory_space<vmem>> -> memref<2x64x129xf32, #tpu.memory_space<vmem>>
      tpu.vector_store_idx %parallel_loop3A_445[%add3A_23, %add3A_14, %parallel_loop3A_381], %parallel_loop3A_439 : memref<2x64x129xf32, #tpu.memory_space<vmem>>[vector<16xi32>, vector<16xi32>, vector<16xi32>], vector<16xf32>,
    } {sc.loop_unroll_factor = 4 : i64, sc.parallel_access}
    %dma_start3A_262 = arith.constant 0 : i32
    %dma_start3A_263 = arith.constant 0 : i32
    %dma_start3A_264 = arith.constant 0 : i32
    %dma_start3A_265 = arith.constant 0 : i32
    %dma_start3A_266 = tpu.memref_slice %arg7[%dma_start3A_262, %dma_start3A_263, %dma_start3A_264, %dma_start3A_265] : memref<2x2x64x129xf32, #tpu.memory_space<vmem>> -> memref<1x2x64x128xf32, #tpu.memory_space<vmem>>
    %dma_start3A_267 = tpu.memref_squeeze %dma_start3A_266 : memref<1x2x64x128xf32, #tpu.memory_space<vmem>> -> memref<2x64x128xf32, #tpu.memory_space<vmem>>
    %dma_start3A_268 = arith.constant 196 : i32
    %dma_start3A_269 = arith.constant 0 : i32
    %dma_start3A_270 = tpu.memref_slice %arg4[%dma_start3A_268, %dma_start3A_269, %mul3A_2] : memref<200x64x4096xf32, #tpu.memory_space<hbm>> -> memref<2x64x128xf32, #tpu.memory_space<hbm>>
    %dma_start3A_271 = arith.constant 196 : i32
    %dma_start3A_272 = arith.constant 0 : i32
    %dma_start3A_273 = tpu.memref_slice %arg4[%dma_start3A_271, %dma_start3A_272, %mul3A_2] : memref<200x64x4096xf32, #tpu.memory_space<hbm>> -> memref<2x64x128xf32, #tpu.memory_space<hbm>>
    %dma_start3A_274 = arith.constant 0 : i32
    %dma_start3A_275 = arith.constant 0 : i32
    %dma_start3A_276 = arith.constant 0 : i32
    %dma_start3A_277 = tpu.memref_slice %arg7[%dma_start3A_262, %dma_start3A_274, %dma_start3A_275, %dma_start3A_276] : memref<2x2x64x129xf32, #tpu.memory_space<vmem>> -> memref<1x2x64x128xf32, #tpu.memory_space<vmem>>
    %dma_start3A_278 = tpu.memref_squeeze %dma_start3A_277 : memref<1x2x64x128xf32, #tpu.memory_space<vmem>> -> memref<2x64x128xf32, #tpu.memory_space<vmem>>
    tpu.enqueue_dma source(%dma_start3A_278 : memref<2x64x128xf32, #tpu.memory_space<vmem>>) target(%dma_start3A_273 : memref<2x64x128xf32, #tpu.memory_space<hbm>>) target_semaphore(%arg10 : memref<!tpu.dma_semaphore, #tpu.memory_space<semaphore_mem>>)
    %dma_wait3A_279 = arith.constant 198 : i32
    %dma_wait3A_280 = arith.constant 1 : i32
    %dma_wait3A_281 = arith.constant 0 : i32
    %dma_wait3A_282 = arith.constant 0 : i32
    %dma_wait3A_283 = tpu.memref_slice %arg6[%dma_wait3A_280, %dma_wait3A_281, %dma_wait3A_282] : memref<2x256x64xf32, #tpu.memory_space<vmem>> -> memref<1x128x64xf32, #tpu.memory_space<vmem>>
    %dma_wait3A_284 = tpu.memref_squeeze %dma_wait3A_283 : memref<1x128x64xf32, #tpu.memory_space<vmem>> -> memref<128x64xf32, #tpu.memory_space<vmem>>
    %dma_wait3A_285 = arith.constant 0 : i32
    %dma_wait3A_286 = tpu.memref_slice %arg5[%dma_wait3A_279, %dma_wait3A_285] : memref<200x128xi32, #tpu.memory_space<vmem>> -> memref<1x128xi32, #tpu.memory_space<vmem>>
    %dma_wait3A_287 = tpu.memref_squeeze %dma_wait3A_286 : memref<1x128xi32, #tpu.memory_space<vmem>> -> memref<128xi32, #tpu.memory_space<vmem>>
    %dma_wait3A_288 = arith.constant 0 : i32
    %dma_wait3A_289 = arith.constant 0 : i32
    %dma_wait3A_290 = tpu.memref_slice %arg2[%dma_wait3A_288, %dma_wait3A_289] : memref<1000000x64xf32, #tpu.memory_space<hbm>> -> memref<1000000x64xf32, #tpu.memory_space<hbm>>
    tpu.wait_indirect_dma semaphore(%arg9 : memref<!tpu.dma_semaphore, #tpu.memory_space<semaphore_mem>>) src(%dma_wait3A_290 : memref<1000000x64xf32, #tpu.memory_space<hbm>>) dst(%dma_wait3A_284 : memref<128x64xf32, #tpu.memory_space<vmem>>)
    %dma_wait3A_291 = arith.constant 199 : i32
    %dma_wait3A_292 = arith.constant 1 : i32
    %dma_wait3A_293 = arith.constant 128 : i32
    %dma_wait3A_294 = arith.constant 0 : i32
    %dma_wait3A_295 = tpu.memref_slice %arg6[%dma_wait3A_292, %dma_wait3A_293, %dma_wait3A_294] : memref<2x256x64xf32, #tpu.memory_space<vmem>> -> memref<1x128x64xf32, #tpu.memory_space<vmem>>
    %dma_wait3A_296 = tpu.memref_squeeze %dma_wait3A_295 : memref<1x128x64xf32, #tpu.memory_space<vmem>> -> memref<128x64xf32, #tpu.memory_space<vmem>>
    %dma_wait3A_297 = arith.constant 0 : i32
    %dma_wait3A_298 = tpu.memref_slice %arg5[%dma_wait3A_291, %dma_wait3A_297] : memref<200x128xi32, #tpu.memory_space<vmem>> -> memref<1x128xi32, #tpu.memory_space<vmem>>
    %dma_wait3A_299 = tpu.memref_squeeze %dma_wait3A_298 : memref<1x128xi32, #tpu.memory_space<vmem>> -> memref<128xi32, #tpu.memory_space<vmem>>
    %dma_wait3A_300 = arith.constant 0 : i32
    %dma_wait3A_301 = arith.constant 0 : i32
    %dma_wait3A_302 = tpu.memref_slice %arg2[%dma_wait3A_300, %dma_wait3A_301] : memref<1000000x64xf32, #tpu.memory_space<hbm>> -> memref<1000000x64xf32, #tpu.memory_space<hbm>>
    tpu.wait_indirect_dma semaphore(%arg9 : memref<!tpu.dma_semaphore, #tpu.memory_space<semaphore_mem>>) src(%dma_wait3A_302 : memref<1000000x64xf32, #tpu.memory_space<hbm>>) dst(%dma_wait3A_296 : memref<128x64xf32, #tpu.memory_space<vmem>>)
    %dma_wait3A_303 = arith.constant 1 : i32
    %dma_wait3A_304 = arith.constant 0 : i32
    %dma_wait3A_305 = arith.constant 0 : i32
    %dma_wait3A_306 = arith.constant 0 : i32
    %dma_wait3A_307 = tpu.memref_slice %arg7[%dma_wait3A_303, %dma_wait3A_304, %dma_wait3A_305, %dma_wait3A_306] : memref<2x2x64x129xf32, #tpu.memory_space<vmem>> -> memref<1x2x64x128xf32, #tpu.memory_space<vmem>>
    %dma_wait3A_308 = tpu.memref_squeeze %dma_wait3A_307 : memref<1x2x64x128xf32, #tpu.memory_space<vmem>> -> memref<2x64x128xf32, #tpu.memory_space<vmem>>
    %dma_wait3A_309 = arith.constant 194 : i32
    %dma_wait3A_310 = arith.constant 0 : i32
    %dma_wait3A_311 = tpu.memref_slice %arg4[%dma_wait3A_309, %dma_wait3A_310, %mul3A_2] : memref<200x64x4096xf32, #tpu.memory_space<hbm>> -> memref<2x64x128xf32, #tpu.memory_space<hbm>>
    %dma_wait3A_312 = arith.constant 194 : i32
    %dma_wait3A_313 = arith.constant 0 : i32
    %dma_wait3A_314 = tpu.memref_slice %arg4[%dma_wait3A_312, %dma_wait3A_313, %mul3A_2] : memref<200x64x4096xf32, #tpu.memory_space<hbm>> -> memref<2x64x128xf32, #tpu.memory_space<hbm>>
    %dma_wait3A_315 = arith.constant 0 : i32
    %dma_wait3A_316 = arith.constant 0 : i32
    %dma_wait3A_317 = arith.constant 0 : i32
    %dma_wait3A_318 = tpu.memref_slice %arg7[%dma_wait3A_303, %dma_wait3A_315, %dma_wait3A_316, %dma_wait3A_317] : memref<2x2x64x129xf32, #tpu.memory_space<vmem>> -> memref<1x2x64x128xf32, #tpu.memory_space<vmem>>
    %dma_wait3A_319 = tpu.memref_squeeze %dma_wait3A_318 : memref<1x2x64x128xf32, #tpu.memory_space<vmem>> -> memref<2x64x128xf32, #tpu.memory_space<vmem>>
    tpu.wait_dma2 semaphore(%arg11 : memref<!tpu.dma_semaphore, #tpu.memory_space<semaphore_mem>>) src(%dma_wait3A_319 : memref<2x64x128xf32, #tpu.memory_space<vmem>>) dst(%dma_wait3A_314 : memref<2x64x128xf32, #tpu.memory_space<hbm>>)
    %parallel_loop3A_320 = arith.constant 0 : i32
    %parallel_loop3A_321 = arith.constant 128 : i32
    %parallel_loop3A_322 = arith.constant 1 : i32
    scf.for %parallel_loop3A_377 = %parallel_loop3A_320 to %parallel_loop3A_321 step %parallel_loop3A_322  : i32 {
      %parallel_loop3A_378 = arith.constant 0 : i32
      %parallel_loop3A_379 = vector.broadcast %parallel_loop3A_378 : i32 to vector<16xi32>
      %parallel_loop3A_380 = vector.broadcast %parallel_loop3A_377 : i32 to vector<16xi32>
      %parallel_loop3A_381 = arith.addi %parallel_loop3A_379, %parallel_loop3A_380 : vector<16xi32>
      %parallel_loop3A_382 = arith.constant 0 : i32
      %parallel_loop3A_383 = arith.addi %parallel_loop3A_382, %parallel_loop3A_377 : i32
      %parallel_loop3A_384 = arith.constant 1 : i32
      %parallel_loop3A_385 = arith.index_cast %parallel_loop3A_384 : i32 to index
      %parallel_loop3A_386 = arith.index_cast %parallel_loop3A_383 : i32 to index
      %parallel_loop3A_387 = arith.constant 0 : index
      %parallel_loop3A_388 = tpu.vector_load %arg6[%parallel_loop3A_385, %parallel_loop3A_386, %parallel_loop3A_387] {strides = array<i32>} : memref<2x256x64xf32, #tpu.memory_space<vmem>>, vector<16xf32>,
      %parallel_loop3A_389 = arith.constant 8.000000e+00 : f32
      %parallel_loop3A_390 = vector.broadcast %parallel_loop3A_389 : f32 to vector<16xf32>
      %parallel_loop3A_391 = arith.mulf %parallel_loop3A_388, %parallel_loop3A_390 : vector<16xf32>
      %parallel_loop3A_392 = arith.constant 1 : i32
      %parallel_loop3A_393 = arith.constant 0 : i32
      %parallel_loop3A_394 = arith.constant 0 : i32
      %parallel_loop3A_395 = arith.constant 0 : i32
      %parallel_loop3A_396 = tpu.memref_slice %arg7[%parallel_loop3A_392, %parallel_loop3A_393, %parallel_loop3A_394, %parallel_loop3A_395] : memref<2x2x64x129xf32, #tpu.memory_space<vmem>> -> memref<1x2x64x129xf32, #tpu.memory_space<vmem>>
      %parallel_loop3A_397 = tpu.memref_squeeze %parallel_loop3A_396 : memref<1x2x64x129xf32, #tpu.memory_space<vmem>> -> memref<2x64x129xf32, #tpu.memory_space<vmem>>
      tpu.vector_store_idx %parallel_loop3A_397[%add3A_18, %add3A_5, %parallel_loop3A_381], %parallel_loop3A_391 : memref<2x64x129xf32, #tpu.memory_space<vmem>>[vector<16xi32>, vector<16xi32>, vector<16xi32>], vector<16xf32>,
      %parallel_loop3A_398 = arith.constant 0 : i32
      %parallel_loop3A_399 = arith.addi %parallel_loop3A_398, %parallel_loop3A_377 : i32
      %parallel_loop3A_400 = arith.constant 1 : i32
      %parallel_loop3A_401 = arith.index_cast %parallel_loop3A_400 : i32 to index
      %parallel_loop3A_402 = arith.index_cast %parallel_loop3A_399 : i32 to index
      %parallel_loop3A_403 = arith.constant 16 : index
      %parallel_loop3A_404 = tpu.vector_load %arg6[%parallel_loop3A_401, %parallel_loop3A_402, %parallel_loop3A_403] {strides = array<i32>} : memref<2x256x64xf32, #tpu.memory_space<vmem>>, vector<16xf32>,
      %parallel_loop3A_405 = arith.constant 8.000000e+00 : f32
      %parallel_loop3A_406 = vector.broadcast %parallel_loop3A_405 : f32 to vector<16xf32>
      %parallel_loop3A_407 = arith.mulf %parallel_loop3A_404, %parallel_loop3A_406 : vector<16xf32>
      %parallel_loop3A_408 = arith.constant 1 : i32
      %parallel_loop3A_409 = arith.constant 0 : i32
      %parallel_loop3A_410 = arith.constant 0 : i32
      %parallel_loop3A_411 = arith.constant 0 : i32
      %parallel_loop3A_412 = tpu.memref_slice %arg7[%parallel_loop3A_408, %parallel_loop3A_409, %parallel_loop3A_410, %parallel_loop3A_411] : memref<2x2x64x129xf32, #tpu.memory_space<vmem>> -> memref<1x2x64x129xf32, #tpu.memory_space<vmem>>
      %parallel_loop3A_413 = tpu.memref_squeeze %parallel_loop3A_412 : memref<1x2x64x129xf32, #tpu.memory_space<vmem>> -> memref<2x64x129xf32, #tpu.memory_space<vmem>>
      tpu.vector_store_idx %parallel_loop3A_413[%add3A_18, %add3A_8, %parallel_loop3A_381], %parallel_loop3A_407 : memref<2x64x129xf32, #tpu.memory_space<vmem>>[vector<16xi32>, vector<16xi32>, vector<16xi32>], vector<16xf32>,
      %parallel_loop3A_414 = arith.constant 0 : i32
      %parallel_loop3A_415 = arith.addi %parallel_loop3A_414, %parallel_loop3A_377 : i32
      %parallel_loop3A_416 = arith.constant 1 : i32
      %parallel_loop3A_417 = arith.index_cast %parallel_loop3A_416 : i32 to index
      %parallel_loop3A_418 = arith.index_cast %parallel_loop3A_415 : i32 to index
      %parallel_loop3A_419 = arith.constant 32 : index
      %parallel_loop3A_420 = tpu.vector_load %arg6[%parallel_loop3A_417, %parallel_loop3A_418, %parallel_loop3A_419] {strides = array<i32>} : memref<2x256x64xf32, #tpu.memory_space<vmem>>, vector<16xf32>,
      %parallel_loop3A_421 = arith.constant 8.000000e+00 : f32
      %parallel_loop3A_422 = vector.broadcast %parallel_loop3A_421 : f32 to vector<16xf32>
      %parallel_loop3A_423 = arith.mulf %parallel_loop3A_420, %parallel_loop3A_422 : vector<16xf32>
      %parallel_loop3A_424 = arith.constant 1 : i32
      %parallel_loop3A_425 = arith.constant 0 : i32
      %parallel_loop3A_426 = arith.constant 0 : i32
      %parallel_loop3A_427 = arith.constant 0 : i32
      %parallel_loop3A_428 = tpu.memref_slice %arg7[%parallel_loop3A_424, %parallel_loop3A_425, %parallel_loop3A_426, %parallel_loop3A_427] : memref<2x2x64x129xf32, #tpu.memory_space<vmem>> -> memref<1x2x64x129xf32, #tpu.memory_space<vmem>>
      %parallel_loop3A_429 = tpu.memref_squeeze %parallel_loop3A_428 : memref<1x2x64x129xf32, #tpu.memory_space<vmem>> -> memref<2x64x129xf32, #tpu.memory_space<vmem>>
      tpu.vector_store_idx %parallel_loop3A_429[%add3A_18, %add3A_11, %parallel_loop3A_381], %parallel_loop3A_423 : memref<2x64x129xf32, #tpu.memory_space<vmem>>[vector<16xi32>, vector<16xi32>, vector<16xi32>], vector<16xf32>,
      %parallel_loop3A_430 = arith.constant 0 : i32
      %parallel_loop3A_431 = arith.addi %parallel_loop3A_430, %parallel_loop3A_377 : i32
      %parallel_loop3A_432 = arith.constant 1 : i32
      %parallel_loop3A_433 = arith.index_cast %parallel_loop3A_432 : i32 to index
      %parallel_loop3A_434 = arith.index_cast %parallel_loop3A_431 : i32 to index
      %parallel_loop3A_435 = arith.constant 48 : index
      %parallel_loop3A_436 = tpu.vector_load %arg6[%parallel_loop3A_433, %parallel_loop3A_434, %parallel_loop3A_435] {strides = array<i32>} : memref<2x256x64xf32, #tpu.memory_space<vmem>>, vector<16xf32>,
      %parallel_loop3A_437 = arith.constant 8.000000e+00 : f32
      %parallel_loop3A_438 = vector.broadcast %parallel_loop3A_437 : f32 to vector<16xf32>
      %parallel_loop3A_439 = arith.mulf %parallel_loop3A_436, %parallel_loop3A_438 : vector<16xf32>
      %parallel_loop3A_440 = arith.constant 1 : i32
      %parallel_loop3A_441 = arith.constant 0 : i32
      %parallel_loop3A_442 = arith.constant 0 : i32
      %parallel_loop3A_443 = arith.constant 0 : i32
      %parallel_loop3A_444 = tpu.memref_slice %arg7[%parallel_loop3A_440, %parallel_loop3A_441, %parallel_loop3A_442, %parallel_loop3A_443] : memref<2x2x64x129xf32, #tpu.memory_space<vmem>> -> memref<1x2x64x129xf32, #tpu.memory_space<vmem>>
      %parallel_loop3A_445 = tpu.memref_squeeze %parallel_loop3A_444 : memref<1x2x64x129xf32, #tpu.memory_space<vmem>> -> memref<2x64x129xf32, #tpu.memory_space<vmem>>
      tpu.vector_store_idx %parallel_loop3A_445[%add3A_18, %add3A_14, %parallel_loop3A_381], %parallel_loop3A_439 : memref<2x64x129xf32, #tpu.memory_space<vmem>>[vector<16xi32>, vector<16xi32>, vector<16xi32>], vector<16xf32>,
    } {sc.loop_unroll_factor = 4 : i64, sc.parallel_access}
    %parallel_loop3A_323 = arith.constant 0 : i32
    %parallel_loop3A_324 = arith.constant 128 : i32
    %parallel_loop3A_325 = arith.constant 1 : i32
    scf.for %parallel_loop3A_377 = %parallel_loop3A_323 to %parallel_loop3A_324 step %parallel_loop3A_325  : i32 {
      %parallel_loop3A_378 = arith.constant 0 : i32
      %parallel_loop3A_379 = vector.broadcast %parallel_loop3A_378 : i32 to vector<16xi32>
      %parallel_loop3A_380 = vector.broadcast %parallel_loop3A_377 : i32 to vector<16xi32>
      %parallel_loop3A_381 = arith.addi %parallel_loop3A_379, %parallel_loop3A_380 : vector<16xi32>
      %parallel_loop3A_382 = arith.constant 128 : i32
      %parallel_loop3A_383 = arith.addi %parallel_loop3A_382, %parallel_loop3A_377 : i32
      %parallel_loop3A_384 = arith.constant 1 : i32
      %parallel_loop3A_385 = arith.index_cast %parallel_loop3A_384 : i32 to index
      %parallel_loop3A_386 = arith.index_cast %parallel_loop3A_383 : i32 to index
      %parallel_loop3A_387 = arith.constant 0 : index
      %parallel_loop3A_388 = tpu.vector_load %arg6[%parallel_loop3A_385, %parallel_loop3A_386, %parallel_loop3A_387] {strides = array<i32>} : memref<2x256x64xf32, #tpu.memory_space<vmem>>, vector<16xf32>,
      %parallel_loop3A_389 = arith.constant 8.000000e+00 : f32
      %parallel_loop3A_390 = vector.broadcast %parallel_loop3A_389 : f32 to vector<16xf32>
      %parallel_loop3A_391 = arith.mulf %parallel_loop3A_388, %parallel_loop3A_390 : vector<16xf32>
      %parallel_loop3A_392 = arith.constant 1 : i32
      %parallel_loop3A_393 = arith.constant 0 : i32
      %parallel_loop3A_394 = arith.constant 0 : i32
      %parallel_loop3A_395 = arith.constant 0 : i32
      %parallel_loop3A_396 = tpu.memref_slice %arg7[%parallel_loop3A_392, %parallel_loop3A_393, %parallel_loop3A_394, %parallel_loop3A_395] : memref<2x2x64x129xf32, #tpu.memory_space<vmem>> -> memref<1x2x64x129xf32, #tpu.memory_space<vmem>>
      %parallel_loop3A_397 = tpu.memref_squeeze %parallel_loop3A_396 : memref<1x2x64x129xf32, #tpu.memory_space<vmem>> -> memref<2x64x129xf32, #tpu.memory_space<vmem>>
      tpu.vector_store_idx %parallel_loop3A_397[%add3A_23, %add3A_5, %parallel_loop3A_381], %parallel_loop3A_391 : memref<2x64x129xf32, #tpu.memory_space<vmem>>[vector<16xi32>, vector<16xi32>, vector<16xi32>], vector<16xf32>,
      %parallel_loop3A_398 = arith.constant 128 : i32
      %parallel_loop3A_399 = arith.addi %parallel_loop3A_398, %parallel_loop3A_377 : i32
      %parallel_loop3A_400 = arith.constant 1 : i32
      %parallel_loop3A_401 = arith.index_cast %parallel_loop3A_400 : i32 to index
      %parallel_loop3A_402 = arith.index_cast %parallel_loop3A_399 : i32 to index
      %parallel_loop3A_403 = arith.constant 16 : index
      %parallel_loop3A_404 = tpu.vector_load %arg6[%parallel_loop3A_401, %parallel_loop3A_402, %parallel_loop3A_403] {strides = array<i32>} : memref<2x256x64xf32, #tpu.memory_space<vmem>>, vector<16xf32>,
      %parallel_loop3A_405 = arith.constant 8.000000e+00 : f32
      %parallel_loop3A_406 = vector.broadcast %parallel_loop3A_405 : f32 to vector<16xf32>
      %parallel_loop3A_407 = arith.mulf %parallel_loop3A_404, %parallel_loop3A_406 : vector<16xf32>
      %parallel_loop3A_408 = arith.constant 1 : i32
      %parallel_loop3A_409 = arith.constant 0 : i32
      %parallel_loop3A_410 = arith.constant 0 : i32
      %parallel_loop3A_411 = arith.constant 0 : i32
      %parallel_loop3A_412 = tpu.memref_slice %arg7[%parallel_loop3A_408, %parallel_loop3A_409, %parallel_loop3A_410, %parallel_loop3A_411] : memref<2x2x64x129xf32, #tpu.memory_space<vmem>> -> memref<1x2x64x129xf32, #tpu.memory_space<vmem>>
      %parallel_loop3A_413 = tpu.memref_squeeze %parallel_loop3A_412 : memref<1x2x64x129xf32, #tpu.memory_space<vmem>> -> memref<2x64x129xf32, #tpu.memory_space<vmem>>
      tpu.vector_store_idx %parallel_loop3A_413[%add3A_23, %add3A_8, %parallel_loop3A_381], %parallel_loop3A_407 : memref<2x64x129xf32, #tpu.memory_space<vmem>>[vector<16xi32>, vector<16xi32>, vector<16xi32>], vector<16xf32>,
      %parallel_loop3A_414 = arith.constant 128 : i32
      %parallel_loop3A_415 = arith.addi %parallel_loop3A_414, %parallel_loop3A_377 : i32
      %parallel_loop3A_416 = arith.constant 1 : i32
      %parallel_loop3A_417 = arith.index_cast %parallel_loop3A_416 : i32 to index
      %parallel_loop3A_418 = arith.index_cast %parallel_loop3A_415 : i32 to index
      %parallel_loop3A_419 = arith.constant 32 : index
      %parallel_loop3A_420 = tpu.vector_load %arg6[%parallel_loop3A_417, %parallel_loop3A_418, %parallel_loop3A_419] {strides = array<i32>} : memref<2x256x64xf32, #tpu.memory_space<vmem>>, vector<16xf32>,
      %parallel_loop3A_421 = arith.constant 8.000000e+00 : f32
      %parallel_loop3A_422 = vector.broadcast %parallel_loop3A_421 : f32 to vector<16xf32>
      %parallel_loop3A_423 = arith.mulf %parallel_loop3A_420, %parallel_loop3A_422 : vector<16xf32>
      %parallel_loop3A_424 = arith.constant 1 : i32
      %parallel_loop3A_425 = arith.constant 0 : i32
      %parallel_loop3A_426 = arith.constant 0 : i32
      %parallel_loop3A_427 = arith.constant 0 : i32
      %parallel_loop3A_428 = tpu.memref_slice %arg7[%parallel_loop3A_424, %parallel_loop3A_425, %parallel_loop3A_426, %parallel_loop3A_427] : memref<2x2x64x129xf32, #tpu.memory_space<vmem>> -> memref<1x2x64x129xf32, #tpu.memory_space<vmem>>
      %parallel_loop3A_429 = tpu.memref_squeeze %parallel_loop3A_428 : memref<1x2x64x129xf32, #tpu.memory_space<vmem>> -> memref<2x64x129xf32, #tpu.memory_space<vmem>>
      tpu.vector_store_idx %parallel_loop3A_429[%add3A_23, %add3A_11, %parallel_loop3A_381], %parallel_loop3A_423 : memref<2x64x129xf32, #tpu.memory_space<vmem>>[vector<16xi32>, vector<16xi32>, vector<16xi32>], vector<16xf32>,
      %parallel_loop3A_430 = arith.constant 128 : i32
      %parallel_loop3A_431 = arith.addi %parallel_loop3A_430, %parallel_loop3A_377 : i32
      %parallel_loop3A_432 = arith.constant 1 : i32
      %parallel_loop3A_433 = arith.index_cast %parallel_loop3A_432 : i32 to index
      %parallel_loop3A_434 = arith.index_cast %parallel_loop3A_431 : i32 to index
      %parallel_loop3A_435 = arith.constant 48 : index
      %parallel_loop3A_436 = tpu.vector_load %arg6[%parallel_loop3A_433, %parallel_loop3A_434, %parallel_loop3A_435] {strides = array<i32>} : memref<2x256x64xf32, #tpu.memory_space<vmem>>, vector<16xf32>,
      %parallel_loop3A_437 = arith.constant 8.000000e+00 : f32
      %parallel_loop3A_438 = vector.broadcast %parallel_loop3A_437 : f32 to vector<16xf32>
      %parallel_loop3A_439 = arith.mulf %parallel_loop3A_436, %parallel_loop3A_438 : vector<16xf32>
      %parallel_loop3A_440 = arith.constant 1 : i32
      %parallel_loop3A_441 = arith.constant 0 : i32
      %parallel_loop3A_442 = arith.constant 0 : i32
      %parallel_loop3A_443 = arith.constant 0 : i32
      %parallel_loop3A_444 = tpu.memref_slice %arg7[%parallel_loop3A_440, %parallel_loop3A_441, %parallel_loop3A_442, %parallel_loop3A_443] : memref<2x2x64x129xf32, #tpu.memory_space<vmem>> -> memref<1x2x64x129xf32, #tpu.memory_space<vmem>>
      %parallel_loop3A_445 = tpu.memref_squeeze %parallel_loop3A_444 : memref<1x2x64x129xf32, #tpu.memory_space<vmem>> -> memref<2x64x129xf32, #tpu.memory_space<vmem>>
      tpu.vector_store_idx %parallel_loop3A_445[%add3A_23, %add3A_14, %parallel_loop3A_381], %parallel_loop3A_439 : memref<2x64x129xf32, #tpu.memory_space<vmem>>[vector<16xi32>, vector<16xi32>, vector<16xi32>], vector<16xf32>,
    } {sc.loop_unroll_factor = 4 : i64, sc.parallel_access}
    %dma_start3A_326 = arith.constant 1 : i32
    %dma_start3A_327 = arith.constant 0 : i32
    %dma_start3A_328 = arith.constant 0 : i32
    %dma_start3A_329 = arith.constant 0 : i32
    %dma_start3A_330 = tpu.memref_slice %arg7[%dma_start3A_326, %dma_start3A_327, %dma_start3A_328, %dma_start3A_329] : memref<2x2x64x129xf32, #tpu.memory_space<vmem>> -> memref<1x2x64x128xf32, #tpu.memory_space<vmem>>
    %dma_start3A_331 = tpu.memref_squeeze %dma_start3A_330 : memref<1x2x64x128xf32, #tpu.memory_space<vmem>> -> memref<2x64x128xf32, #tpu.memory_space<vmem>>
    %dma_start3A_332 = arith.constant 198 : i32
    %dma_start3A_333 = arith.constant 0 : i32
    %dma_start3A_334 = tpu.memref_slice %arg4[%dma_start3A_332, %dma_start3A_333, %mul3A_2] : memref<200x64x4096xf32, #tpu.memory_space<hbm>> -> memref<2x64x128xf32, #tpu.memory_space<hbm>>
    %dma_start3A_335 = arith.constant 198 : i32
    %dma_start3A_336 = arith.constant 0 : i32
    %dma_start3A_337 = tpu.memref_slice %arg4[%dma_start3A_335, %dma_start3A_336, %mul3A_2] : memref<200x64x4096xf32, #tpu.memory_space<hbm>> -> memref<2x64x128xf32, #tpu.memory_space<hbm>>
    %dma_start3A_338 = arith.constant 0 : i32
    %dma_start3A_339 = arith.constant 0 : i32
    %dma_start3A_340 = arith.constant 0 : i32
    %dma_start3A_341 = tpu.memref_slice %arg7[%dma_start3A_326, %dma_start3A_338, %dma_start3A_339, %dma_start3A_340] : memref<2x2x64x129xf32, #tpu.memory_space<vmem>> -> memref<1x2x64x128xf32, #tpu.memory_space<vmem>>
    %dma_start3A_342 = tpu.memref_squeeze %dma_start3A_341 : memref<1x2x64x128xf32, #tpu.memory_space<vmem>> -> memref<2x64x128xf32, #tpu.memory_space<vmem>>
    tpu.enqueue_dma source(%dma_start3A_342 : memref<2x64x128xf32, #tpu.memory_space<vmem>>) target(%dma_start3A_337 : memref<2x64x128xf32, #tpu.memory_space<hbm>>) target_semaphore(%arg11 : memref<!tpu.dma_semaphore, #tpu.memory_space<semaphore_mem>>)
    %dma_wait3A_343 = arith.constant 0 : i32
    %dma_wait3A_344 = arith.constant 0 : i32
    %dma_wait3A_345 = arith.constant 0 : i32
    %dma_wait3A_346 = arith.constant 0 : i32
    %dma_wait3A_347 = tpu.memref_slice %arg7[%dma_wait3A_343, %dma_wait3A_344, %dma_wait3A_345, %dma_wait3A_346] : memref<2x2x64x129xf32, #tpu.memory_space<vmem>> -> memref<1x2x64x128xf32, #tpu.memory_space<vmem>>
    %dma_wait3A_348 = tpu.memref_squeeze %dma_wait3A_347 : memref<1x2x64x128xf32, #tpu.memory_space<vmem>> -> memref<2x64x128xf32, #tpu.memory_space<vmem>>
    %dma_wait3A_349 = arith.constant 196 : i32
    %dma_wait3A_350 = arith.constant 0 : i32
    %dma_wait3A_351 = tpu.memref_slice %arg4[%dma_wait3A_349, %dma_wait3A_350, %mul3A_2] : memref<200x64x4096xf32, #tpu.memory_space<hbm>> -> memref<2x64x128xf32, #tpu.memory_space<hbm>>
    %dma_wait3A_352 = arith.constant 196 : i32
    %dma_wait3A_353 = arith.constant 0 : i32
    %dma_wait3A_354 = tpu.memref_slice %arg4[%dma_wait3A_352, %dma_wait3A_353, %mul3A_2] : memref<200x64x4096xf32, #tpu.memory_space<hbm>> -> memref<2x64x128xf32, #tpu.memory_space<hbm>>
    %dma_wait3A_355 = arith.constant 0 : i32
    %dma_wait3A_356 = arith.constant 0 : i32
    %dma_wait3A_357 = arith.constant 0 : i32
    %dma_wait3A_358 = tpu.memref_slice %arg7[%dma_wait3A_343, %dma_wait3A_355, %dma_wait3A_356, %dma_wait3A_357] : memref<2x2x64x129xf32, #tpu.memory_space<vmem>> -> memref<1x2x64x128xf32, #tpu.memory_space<vmem>>
    %dma_wait3A_359 = tpu.memref_squeeze %dma_wait3A_358 : memref<1x2x64x128xf32, #tpu.memory_space<vmem>> -> memref<2x64x128xf32, #tpu.memory_space<vmem>>
    tpu.wait_dma2 semaphore(%arg10 : memref<!tpu.dma_semaphore, #tpu.memory_space<semaphore_mem>>) src(%dma_wait3A_359 : memref<2x64x128xf32, #tpu.memory_space<vmem>>) dst(%dma_wait3A_354 : memref<2x64x128xf32, #tpu.memory_space<hbm>>)
    %dma_wait3A_360 = arith.constant 1 : i32
    %dma_wait3A_361 = arith.constant 0 : i32
    %dma_wait3A_362 = arith.constant 0 : i32
    %dma_wait3A_363 = arith.constant 0 : i32
    %dma_wait3A_364 = tpu.memref_slice %arg7[%dma_wait3A_360, %dma_wait3A_361, %dma_wait3A_362, %dma_wait3A_363] : memref<2x2x64x129xf32, #tpu.memory_space<vmem>> -> memref<1x2x64x128xf32, #tpu.memory_space<vmem>>
    %dma_wait3A_365 = tpu.memref_squeeze %dma_wait3A_364 : memref<1x2x64x128xf32, #tpu.memory_space<vmem>> -> memref<2x64x128xf32, #tpu.memory_space<vmem>>
    %dma_wait3A_366 = arith.constant 198 : i32
    %dma_wait3A_367 = arith.constant 0 : i32
    %dma_wait3A_368 = tpu.memref_slice %arg4[%dma_wait3A_366, %dma_wait3A_367, %mul3A_2] : memref<200x64x4096xf32, #tpu.memory_space<hbm>> -> memref<2x64x128xf32, #tpu.memory_space<hbm>>
    %dma_wait3A_369 = arith.constant 198 : i32
    %dma_wait3A_370 = arith.constant 0 : i32
    %dma_wait3A_371 = tpu.memref_slice %arg4[%dma_wait3A_369, %dma_wait3A_370, %mul3A_2] : memref<200x64x4096xf32, #tpu.memory_space<hbm>> -> memref<2x64x128xf32, #tpu.memory_space<hbm>>
    %dma_wait3A_372 = arith.constant 0 : i32
    %dma_wait3A_373 = arith.constant 0 : i32
    %dma_wait3A_374 = arith.constant 0 : i32
    %dma_wait3A_375 = tpu.memref_slice %arg7[%dma_wait3A_360, %dma_wait3A_372, %dma_wait3A_373, %dma_wait3A_374] : memref<2x2x64x129xf32, #tpu.memory_space<vmem>> -> memref<1x2x64x128xf32, #tpu.memory_space<vmem>>
    %dma_wait3A_376 = tpu.memref_squeeze %dma_wait3A_375 : memref<1x2x64x128xf32, #tpu.memory_space<vmem>> -> memref<2x64x128xf32, #tpu.memory_space<vmem>>
    tpu.wait_dma2 semaphore(%arg11 : memref<!tpu.dma_semaphore, #tpu.memory_space<semaphore_mem>>) src(%dma_wait3A_376 : memref<2x64x128xf32, #tpu.memory_space<vmem>>) dst(%dma_wait3A_371 : memref<2x64x128xf32, #tpu.memory_space<hbm>>)
    return
  }
}

</mosaic_0001>

<sc_bundles>
// kernel: kernel.3.cloned.1.call-start
scs
__scs_entry_jumppad:
0x0: {  	(pc) =	sbr.rel $0x88, $3  }
0x1: {  	(tag) =	ssettag $0x0;
	lr =	simm.s32 $0x1  }
0x2: {  	[smem:$0x3F9F] =	sst lr;
	_ =	strace $0xD0000000  }
0x3: {  	_ = 	snop  }
0x4: {  	_ = 	snop  }
0x5: {  	_ = 	snop  }
0x6: {  	_ = 	snop  }
0x7: {  	_ = 	snop  }
__scs_overlays_trampoline_lowered:
0x8: {  	[smem:$0x3FAE] =	sst s0  }
0x9: {  	[smem:$0x3FAF] =	sst s1  }
0xa: {  	[smem:$0x3FB0] =	sst s2  }
0xb: {  	[smem:$0x3FB1] =	sst s3  }
0xc: {  	[smem:$0x3FB2] =	sst s4  }
0xd: {  	[smem:$0x3FB3] =	sst s5  }
0xe: {  	[smem:$0x3FB4] =	sst s6  }
0xf: {  	[smem:$0x3FB5] =	sst s7  }
0x10: {  	[smem:$0x3FB6] =	sst s8  }
0x11: {  	[smem:$0x3FB7] =	sst s9;
	s0 =	simm.s32 @!p0 $0x0  }
0x12: {  	s1 =	sld [smem:$0x3F9D];
	s0 =	simm.s32 @p0 $0x1  }
0x13: {  	[smem:$0x3FB8] =	sst s0;
	s0 =	simm.s32 @!p1 $0x0  }
0x14: {  	s2 =	sld [smem:$0x3F9C];
	s0 =	simm.s32 @p1 $0x1  }
0x15: {  	[smem:$0x3FB9] =	sst s0;
	s0 =	simm.s32 @!p2 $0x0  }
0x16: {  	s3 =	sld [smem:$0x3FDB];
	s0 =	simm.s32 @p2 $0x1  }
0x17: {  	s4 =	simm.s32 $0x1BF5;
	[smem:$0x3FBB] =	sst s0  }
0x18: {  	s0 =	sld [smem:$0x3F9E];
	_ =	swait.ge [sflag:s4], $0x0  }
0x19: {  	s7 =	sld [smem:$0x3F9F]  }
0x1a: {  	s8 =	sadd.s32 $0xFFFFE003, lr  }
0x1b: {  	s9 =	sadd.s32 $0xFFFFFEF7, lr;
	s5 =	simm.s32 $0xFFFFFFFF;
	p2 =	slt.u32 s8, $0xFFFFF086  }
0x1c: {  	p1 =	slt.u32 s9, $0xF7A;
	s5 =	simm.s32 @!p2 $0x0  }
0x1d: {  	s5 =	simm.s32 @p1 $0x1;
	p0 =	seq.s32 s7, s2  }
0x1e: {  	s7 =	smul.u32 @!p0 $0xF7A, s2;
	p2 =	seq.s32 @!p0 s5, $0x0  }
0x1f: {  	s9 =	smul.u32 $0xF7A, s1;
	s8 =	simm.s32 @!p0 $0x1BF5;
	p2 =	por !p2, p0  }
0x20: {  	[sflag:s8] =	ssyncset.s32 @!p0 $0xFFFFF086;
	s6 =	sadd.s32 @!p0 s3, s7;
	s7 =	simm.s32 @!p0 $0x108  }
0x21: {  	s3 =	sadd.s32 s3, s9;
	s6 =	sadd.s32 @!p0 $0x88, s6;
	s7 =	simm.s32 @p2 $0x1082  }
0x22: {  	[simem:s7], [sflag:s8] =	dma.local @!p0 [hbm:s6], $0xF7A  }
0x23: {  	s9 =	sor.u32 $0xD0000000, s2;
	s6 =	simm.s32 $0x108;
	_ =	swait.ge @!p0 [sflag:s8], $0x0  }
0x24: {  	s3 =	sadd.s32 $0x88, s3;
	s6 =	simm.s32 @!p1 $0x1082;
	[sflag:s4] =	ssyncset.s32 $0xFFFFF086  }
0x25: {  	[simem:s6], [sflag:s4] =	dma.local [hbm:s3], $0xF7A  }
0x26: {  	[smem:$0x3F9F] =	sst s1;
	(tag) =	ssettag s2;
	_ =	strace s9  }
0x27: {  	s1 =	sld [smem:$0x3FAF]  }
0x28: {  	s2 =	sld [smem:$0x3FB0]  }
0x29: {  	s4 =	sld [smem:$0x3FB2]  }
0x2a: {  	p0 =	seq.s32 s5, $0x0;
	s5 =	sld [smem:$0x3FB3]  }
0x2b: {  	s6 =	sld [smem:$0x3FB4]  }
0x2c: {  	s7 =	sld [smem:$0x3FB5]  }
0x2d: {  	s3 =	simm.s32 $0x108;
	s8 =	sld [smem:$0x3FB6]  }
0x2e: {  	s3 =	simm.s32 @!p0 $0x1082;
	s9 =	sld [smem:$0x3FB7]  }
0x2f: {  	lr =	sadd.s32 s0, s3;
	s0 =	sld [smem:$0x3FAE]  }
0x30: {  	s3 =	sld [smem:$0x3FB1]  }
0x31: {  	[smem:$0x3FBA] =	sst s10  }
0x32: {  	s10 =	sld [smem:$0x3FB8];
	_ =	sdelay $0x3  }
0x33: {  	p0 =	seq.s32 s10, $0x1;
	s10 =	sld [smem:$0x3FBA];
	_ =	sdelay $0x3  }
0x34: {  	[smem:$0x3FBA] =	sst s10  }
0x35: {  	s10 =	sld [smem:$0x3FB9];
	_ =	sdelay $0x3  }
0x36: {  	p1 =	seq.s32 s10, $0x1;
	s10 =	sld [smem:$0x3FBA];
	_ =	sdelay $0x3  }
0x37: {  	[smem:$0x3FBA] =	sst s10  }
0x38: {  	s10 =	sld [smem:$0x3FBB]  }
0x39: {  	_ = 	snop;
	(pc) =	sbr.ind lr, $3  }
0x3a: {  	_ = 	snop  }
0x3b: {  	_ = 	snop  }
0x3c: {  	p2 =	seq.s32 s10, $0x1;
	s10 =	sld [smem:$0x3FBA]  }
0x3d: {  	_ =	shalt  }
0x3e: {  	_ =	shalt  }
0x3f: {  	_ =	shalt  }
0x40: {  	_ =	shalt  }
0x41: {  	_ =	shalt  }
0x42: {  	_ =	shalt  }
0x43: {  	_ =	shalt  }
0x44: {  	_ =	shalt  }
0x45: {  	_ =	shalt  }
0x46: {  	_ =	shalt  }
0x47: {  	_ =	shalt  }
0x48: {  	_ =	shalt  }
0x49: {  	_ =	shalt  }
0x4a: {  	_ =	shalt  }
0x4b: {  	_ =	shalt  }
0x4c: {  	_ =	shalt  }
0x4d: {  	_ =	shalt  }
0x4e: {  	_ =	shalt  }
0x4f: {  	_ =	shalt  }
0x50: {  	_ =	shalt  }
0x51: {  	_ =	shalt  }
0x52: {  	_ =	shalt  }
0x53: {  	_ =	shalt  }
0x54: {  	_ =	shalt  }
0x55: {  	_ =	shalt  }
0x56: {  	_ =	shalt  }
0x57: {  	_ =	shalt  }
0x58: {  	_ =	shalt  }
0x59: {  	_ =	shalt  }
0x5a: {  	_ =	shalt  }
0x5b: {  	_ =	shalt  }
0x5c: {  	_ =	shalt  }
0x5d: {  	_ =	shalt  }
0x5e: {  	_ =	shalt  }
0x5f: {  	_ =	shalt  }
0x60: {  	_ =	shalt  }
0x61: {  	_ =	shalt  }
0x62: {  	_ =	shalt  }
0x63: {  	_ =	shalt  }
0x64: {  	_ =	shalt  }
0x65: {  	_ =	shalt  }
0x66: {  	_ =	shalt  }
0x67: {  	_ =	shalt  }
0x68: {  	_ =	shalt  }
0x69: {  	_ =	shalt  }
0x6a: {  	_ =	shalt  }
0x6b: {  	_ =	shalt  }
0x6c: {  	_ =	shalt  }
0x6d: {  	_ =	shalt  }
0x6e: {  	_ =	shalt  }
0x6f: {  	_ =	shalt  }
0x70: {  	_ =	shalt  }
0x71: {  	_ =	shalt  }
0x72: {  	_ =	shalt  }
0x73: {  	_ =	shalt  }
0x74: {  	_ =	shalt  }
0x75: {  	_ =	shalt  }
0x76: {  	_ =	shalt  }
0x77: {  	_ =	shalt  }
0x78: {  	_ =	shalt  }
0x79: {  	_ =	shalt  }
0x7a: {  	_ =	shalt  }
0x7b: {  	_ =	shalt  }
0x7c: {  	_ =	shalt  }
0x7d: {  	_ =	shalt  }
0x7e: {  	_ =	shalt  }
0x7f: {  	_ =	shalt  }
0x80: {  	_ =	shalt  }
0x81: {  	_ =	shalt  }
0x82: {  	_ =	shalt  }
0x83: {  	_ =	shalt  }
0x84: {  	_ =	shalt  }
0x85: {  	_ =	shalt  }
0x86: {  	_ =	shalt  }
0x87: {  	_ =	shalt  }
.Lfunc_end0:
.L_simem_size_0:
called_computation_lowered:
.L_overlay_start_0:
0x88: {  	s2 =	sld [smem:$0x3FD9]  }
0x89: {  	s3 =	sld [smem:$0x3FFE];
	_ =	sdelay $0x1  }
0x8a: {  	s1 =	srdreg.scid  }
0x8b: {  	s0 =	sand.u32 $0x1, s1  }
0x8c: {  	s17 =	sshll.u32 s0, $0xA;
	s2 =	sadd.s32 s3, s2  }
0x8d: {  	s2 =	sadd.s32 s2, s17  }
0x8e: {  	[smem:$0x3FC6] =	sst s2  }
0x8f: {  	_ = 	snop  }
0x90: {  	s2 =	sld [smem:$0x3FD0];
	(tm) =	ssettm $0x1  }
0x91: {  	s18 =	sld [smem:$0x3FFB];
	_ =	sdelay $0x3  }
0x92: {  	_ =	strace s18  }
0x93: {  	s3 =	sld [smem:$0x3FFC];
	_ =	sdelay $0x3  }
0x94: {  	_ =	strace s3  }
0x95: {  	s3 =	sld [smem:$0x3FFD];
	_ =	sdelay $0x3  }
0x96: {  	_ =	strace s3  }
0x97: {  	_ =	strace $0x8FFFFFFF  }
0x98: {  	s19 =	sld [smem:$0x3FDB];
	_ =	sdelay $0x1  }
0x99: {  	s4 =	simm.s32 $_scs_section_size  }
0x9a: {  	s5 =	simm.s32 $_size__tile_overlayer_lowered;
	s6 =	simm.s32 $_tile_overlayer_lowered  }
0x9b: {  	s22 =	simm.s32 $0x1BFF;
	s21 =	sshll.u32 s6, $0x1;
	s3 =	sadd.s32 s4, s19  }
0x9c: {  	s7 =	simm.s32 $0x0;
	s20 =	sshll.u32 s5, $0x1;
	s5 =	sadd.s32 s21, s3  }
0x9d: {  	[timem:s7], [sflag:s22] =	dma.local [hbm:s5], s20  }
0x9e: {  	_ =	swait.ge [sflag:s22], s20  }
0x9f: {  	s4 =	ssub.s32 $0x0, s20;
	[sflag:s22] =	ssyncset.done $0x0  }
0xa0: {  	[sflag:s22] =	ssyncadd.s32 s4;
	_ =	sdelay $0x1  }
0xa1: {  	s23 =	simm.s32 $0x1B8B  }
0xa2: {  	_ =	swait.ge [sflag:s23], $0x1  }
0xa3: {  	[sflag:s23] =	ssyncset.done $0x0  }
0xa4: {  	s25 =	simm.s32 $0x1B8E;
	s24 =	sld [smem:$0x3FFE];
	[sflag:s23] =	ssyncadd.s32 $0xFFFFFFFF  }
0xa5: {  	s26 =	simm.s32 $execute0_lowered;
	[smem:$0x3FD2] =	sst s25  }
0xa6: {  	s5 =	sshll.u32 s26, $0x1;
	_ =	strace $0x80000046;
	[dreg:$0x1] =	wrdreg $0xFFFFFFFF  }
0xa7: {  	s28 =	simm.s32 $_size_execute0_lowered;
	s3 =	sadd.s32 s3, s5;
	[dreg:$0x0] =	wrdreg $0x0  }
0xa8: {  	s5 =	sshll.u32 s28, $0x1;
	[dreg:$0x2] =	wrdreg s3  }
0xa9: {  	[dreg:$0x3] =	wrdreg s5  }
0xaa: {  	[dreg:$0x4] =	wrdreg $0xC0  }
0xab: {  	_ =	task [dreg:s7], $0x5FFFF  }
0xac: {  	[dreg:$0x1] =	wrdreg $0xFFFFFFFF  }
0xad: {  	[dreg:$0x0] =	wrdreg $0x60  }
0xae: {  	[dreg:$0x2] =	wrdreg s24  }
0xaf: {  	[dreg:$0x3] =	wrdreg s2  }
0xb0: {  	[dreg:$0x4] =	wrdreg $0x9  }
0xb1: {  	_ =	task.clear_ibuf [dreg:s7], $0x5FFFF;
	_ =	strace $0x90000046  }
0xb2: {  	s29 =	simm.s32 $0x9;
	_ =	strace $0x80000048  }
0xb3: {  	_ =	swait.ge [sflag:s29], $0x1  }
0xb4: {  	[sflag:s29] =	ssyncadd.s32 $0xFFFFFFFF  }
0xb5: {  	_ =	strace $0x90000048  }
0xb6: {  	_ =	sfence  }
0xb7: {  	s30 =	sld [smem:$0x0];
	_ =	sdelay $0x2  }
0xb8: {  	s31 =	sshll.u32 s1, $0xD;
	s1 =	sshrl.u32 s1, $0x2  }
0xb9: {  	s3 =	sand.u32 $0x4000, s31;
	s1 =	sadd.s32 s1, s30  }
0xba: {  	s0 =	sor.u32 s3, s0;
	s1 =	sshll.u32 s1, $0x11  }
0xbb: {  	s0 =	sor.u32 s1, s0  }
0xbc: {  	s0 =	sadd.s32 $0x8F2B, s0  }
0xbd: {  	[sflag:s0] =	ssyncadd.remote.s32 $0x1  }
0xbe: {  	_ =	sfence.sel $0xFFFF  }
0xbf: {  	[dreg:$0x0] =	wrdreg $0xFFFFFFFF;
	(pc) =	sbr.abs _section_cstart, $3  }
0xc0: {  	[dreg:$0x1] =	wrdreg $0xFFFFFFFF  }
0xc1: {  	_ =	task.clear_ibuf [dreg:s7], $0x2FFFF;
	_ =	strace $0x9FFFFFFF  }
0xc2: {  	(tm) =	ssettm $0x7FFFFFFF  }
0xc3: {  	_ =	shalt  }
tec
execute0_lowered:
.L_overlay_start_1:
0x0: {  	(tag) =	ssettag $0x1  }
0x1: {  	s0 =	rddreg [dreg:$0x0]  }
0x2: {  	s1 =	rddreg [dreg:$0x1];
	s3 =	srdreg.scid;
	s2 =	simm.s32 $0x0  }
0x3: {  	s4 =	stileid.u32;
	s13 =	simm.s32 $0x80;
	s16 =	simm.s32 $0x6400  }
0x4: {  	s17 =	simm.s32 $0x8400;
	s19 =	simm.s32 $0xA400;
	s21 =	simm.s32 $0xC400  }
0x5: {  	s22 =	simm.s32 $0x1;
	s23 =	simm.s32 $0xE400;
	s28 =	simm.s32 $0x12800  }
0x6: {  	s31 =	simm.s32 $0x3;
	s29 =	simm.s32 $0xB;
	s3 =	sand.u32 $0x1, s3  }
0x7: {  	[smem:$0x7FF] =	sst s2;
	s4 =	sshll.u32 s4, $0x8;
	s5 =	sshll.u32 s3, $0x7  }
0x8: {  	_ =	strace $0x80000047;
	s6 =	ssub.s32 $0x2, s3;
	s3 =	sadd.s32 $0x600, s0  }
0x9: {  	v0 =	vlaneseq.u32;
	s9 =	sor.u32 s5, s4;
	s26 =	sshrl.u32 s6, $0x1;
	s4 =	sadd.s32 $0xF42A00, s0  }
0xa: {  	v0 =	vmul.u32 $0x88, v0;
	s7 =	sshrl.u32 s9, $0x3;
	s30 =	ssub.s32 s6, s26;
	s8 =	sor.u32 $0x100000, s9  }
0xb: {  	s9 =	sor.u32 $0x180000, s9;
	s26 =	simm.s32 $0x2;
	s6 =	simm.s32 $0x0  }
0xc: {  	v1 =	vadd.s32 $0x880, v0;
	s5 =	sadd.s32 s3, s7;
	s1 =	sadd.s32 s1, s7;
	s0 =	smax.u32 s30, $0x1  }
0xd: {  	v2 =	vadd.s32 $0x1100, v0;
	v3 =	vadd.s32 $0x1980, v0;
	v4 =	vadd.s32 $0x2200, v0;
	[dreg:$0x3] =	wrdreg s1;
	s7 =	sadd.s32 $0x10000, s5;
	s10 =	sadd.s32 $0x620000, s5  }
0xe: {  	v5 =	vadd.s32 $0x2A80, v0;
	v6 =	vadd.s32 $0x3300, v0;
	v7 =	vadd.s32 $0x3B80, v0;
	s11 =	sadd.s32 $0x630000, s5;
	[dreg:$0x4] =	wrdreg s0;
	s0 =	simm.s32 $0x4  }
.LBB2_1:
0xf: {  	[dreg:$0x5] =	wrdreg s6  }
0x10: {  	s1 =	rddreg [dreg:$0x3];
	s30 =	simm.s32 $0x1000;
	s6 =	simm.s32 $0x5  }
0x11: {  	[tilespmem:s2], [sflag:$0x5] =	stream.strided.gather [hbm4b:s1+s13], $0x6400, s30, s13, $0x38;
	[tilespmem:$0x16C00] =	vst v63  }
0x12: {  	_ =	swait.ge [sflag:s6], $0x6400  }
0x13: {  	[sflag:s6] =	ssyncset.done $0x0  }
0x14: {  	[sflag:s6] =	ssyncadd.s32 $0xFFFF9C00  }
0x15: {  	[tilespmem:s16], [sflag:$0x1] =	stream.indirect.gather [hbm4b:s4+s13], $0x40, s2, s13, $0xb8;
	[tilespmem:$0x16C00] =	vst v63  }
0x16: {  	_ = 	snop  }
0x17: {  	[tilespmem:s17], [sflag:$0x1] =	stream.indirect.gather [hbm4b:s4+s13], $0x40, s13, s13, $0xb8;
	[tilespmem:$0x16C00] =	vst v63  }
0x18: {  	s12 =	simm.s32 $0x100  }
0x19: {  	[tilespmem:s19], [sflag:$0x2] =	stream.indirect.gather [hbm4b:s4+s13], $0x40, s12, s13, $0xb8;
	[tilespmem:$0x16C00] =	vst v63  }
0x1a: {  	s14 =	simm.s32 $0x180  }
0x1b: {  	[tilespmem:s21], [sflag:$0x2] =	stream.indirect.gather [hbm4b:s4+s13], $0x40, s14, s13, $0xb8;
	[tilespmem:$0x16C00] =	vst v63  }
0x1c: {  	_ =	swait.ge [sflag:s22], $0x2000  }
0x1d: {  	[sflag:s22] =	ssyncset.done $0x0  }
0x1e: {  	[sflag:s22] =	ssyncadd.s32 $0xFFFFE000  }
0x1f: {  	_ =	swait.ge [sflag:s22], $0x2000  }
0x20: {  	[sflag:s22] =	ssyncset.done $0x0  }
0x21: {  	s15 =	simm.s32 $0x3;
	s12 =	simm.s32 $0x6480;
	[sflag:s22] =	ssyncadd.s32 $0xFFFFE000  }
0x22: {  	v8 =	vmov s15;
	v9 =	vld [tilespmem:s12+$0x40]  }
0x23: {  	v13 =	vand.u32 $0x7F, v8  }
0x24: {  	v10 =	vmov s2;
	v8 =	vadd.s32 v0, v13  }
0x25: {  	s18 =	simm.s32 $0x1;
	v12 =	vand.u32 $0x7C, v10;
	v11 =	vld [tilespmem:s12+$0xFFFFFF80]  }
0x26: {  	v10 =	vmov s18;
	v16 =	vadd.s32 v0, v12;
	s14 =	simm.s32 $0x2;
	v14 =	vld [tilespmem:s12+$0xFFFFFFC0]  }
0x27: {  	v19 =	vand.u32 $0x7D, v10;
	v15 =	vmov s14;
	v10 =	vld [tilespmem:s12+$0x0];
	v9 =	vmul.f32 $8.000000000e+00, v9  }
0x28: {  	v17 =	vadd.s32 v0, v19;
	v21 =	vand.u32 $0x7E, v15  }
0x29: {  	v15 =	vadd.s32 v0, v21;
	[tilespmem:v8+s23+$0x0] =	vst.idx.msk $0xffff, v9  }
0x2a: {  	v8 =	vmul.f32 $8.000000000e+00, v11;
	v9 =	vld [tilespmem:s12+$0x50]  }
0x2b: {  	v11 =	vmul.f32 $8.000000000e+00, v14  }
0x2c: {  	[tilespmem:v16+s23+$0x0] =	vst.idx.msk $0xffff, v8;
	v8 =	vmul.f32 $8.000000000e+00, v10;
	v10 =	vadd.s32 v1, v13  }
0x2d: {  	[tilespmem:v17+s23+$0x0] =	vst.idx.msk $0xffff, v11;
	v14 =	vld [tilespmem:s12+$0xFFFFFF90]  }
0x2e: {  	v11 =	vld [tilespmem:s12+$0xFFFFFFD0];
	[tilespmem:v15+s23+$0x0] =	vst.idx.msk $0xffff, v8  }
0x2f: {  	v15 =	vld [tilespmem:s12+$0x10];
	v8 =	vmul.f32 $8.000000000e+00, v9  }
0x30: {  	s20 =	simm.s32 $0x4;
	s15 =	simm.s32 $0x7;
	s14 =	simm.s32 $0x6580;
	v16 =	vadd.s32 v1, v19  }
0x31: {  	v18 =	vld [tilespmem:s14+$0x40];
	v17 =	vadd.s32 v1, v21;
	v9 =	vmov s20;
	[tilespmem:v10+s23+$0x0] =	vst.idx.msk $0xffff, v8;
	v10 =	vmov s15  }
0x32: {  	v20 =	vadd.s32 v1, v12;
	v8 =	vand.u32 $0x7C, v9;
	v9 =	vand.u32 $0x7F, v10;
	v22 =	vld [tilespmem:s12+$0x60]  }
0x33: {  	s24 =	simm.s32 $0x5;
	v26 =	vadd.s32 v2, v13;
	v23 =	vld [tilespmem:s14+$0xFFFFFF80];
	v10 =	vmul.f32 $8.000000000e+00, v11;
	v24 =	vadd.s32 v0, v9  }
0x34: {  	s25 =	simm.s32 $0x6;
	v25 =	vld [tilespmem:s14+$0xFFFFFFC0];
	v14 =	vmul.f32 $8.000000000e+00, v14;
	v11 =	vmul.f32 $8.000000000e+00, v15;
	v15 =	vmov s24  }
0x35: {  	v27 =	vadd.s32 v0, v8;
	[tilespmem:v16+s23+$0x0] =	vst.idx.msk $0xffff, v10;
	v16 =	vmov s25;
	v10 =	vand.u32 $0x7D, v15;
	v15 =	vld [tilespmem:s14+$0x0]  }
0x36: {  	[tilespmem:v17+s23+$0x0] =	vst.idx.msk $0xffff, v11;
	v17 =	vadd.s32 v0, v10;
	v11 =	vand.u32 $0x7E, v16;
	v16 =	vmul.f32 $8.000000000e+00, v18;
	v18 =	vld [tilespmem:s12+$0xFFFFFFE0]  }
0x37: {  	[tilespmem:v20+s23+$0x0] =	vst.idx.msk $0xffff, v14;
	v14 =	vadd.s32 v0, v11;
	v20 =	vld [tilespmem:s12+$0x20];
	v22 =	vmul.f32 $8.000000000e+00, v22  }
0x38: {  	v23 =	vmul.f32 $8.000000000e+00, v23;
	[tilespmem:v24+s23+$0x0] =	vst.idx.msk $0xffff, v16;
	v16 =	vld [tilespmem:s12+$0xFFFFFFA0];
	v24 =	vadd.s32 v2, v19  }
0x39: {  	v29 =	vadd.s32 v2, v21;
	v25 =	vmul.f32 $8.000000000e+00, v25;
	v28 =	vld [tilespmem:s14+$0x50];
	[tilespmem:v26+s23+$0x0] =	vst.idx.msk $0xffff, v22  }
0x3a: {  	[tilespmem:v27+s23+$0x0] =	vst.idx.msk $0xffff, v23;
	v23 =	vadd.s32 v2, v12;
	v15 =	vmul.f32 $8.000000000e+00, v15;
	v26 =	vld [tilespmem:s12+$0x70]  }
0x3b: {  	v27 =	vld [tilespmem:s14+$0xFFFFFF90];
	[tilespmem:v17+s23+$0x0] =	vst.idx.msk $0xffff, v25;
	v25 =	vadd.s32 v1, v9;
	v18 =	vmul.f32 $8.000000000e+00, v18  }
0x3c: {  	v31 =	vadd.s32 v3, v13;
	v30 =	vld [tilespmem:s14+$0xFFFFFFD0];
	[tilespmem:v14+s23+$0x0] =	vst.idx.msk $0xffff, v15;
	v14 =	vmul.f32 $8.000000000e+00, v20  }
0x3d: {  	v22 =	vadd.s32 v1, v8;
	v17 =	vld [tilespmem:s14+$0x10];
	v13 =	vmul.f32 $8.000000000e+00, v16;
	[tilespmem:v24+s23+$0x0] =	vst.idx.msk $0xffff, v18  }
0x3e: {  	s18 =	simm.s32 $0x8;
	v20 =	vadd.s32 v1, v10;
	[tilespmem:v29+s23+$0x0] =	vst.idx.msk $0xffff, v14;
	v18 =	vmul.f32 $8.000000000e+00, v28;
	v16 =	vld [tilespmem:s12+$0xFFFFFFF0]  }
0x3f: {  	v24 =	vmov s18;
	v14 =	vadd.s32 v1, v11;
	v15 =	vld [tilespmem:s12+$0x30];
	[tilespmem:v23+s23+$0x0] =	vst.idx.msk $0xffff, v13;
	v63 =	vmul.f32 $8.000000000e+00, v26  }
0x40: {  	s30 =	simm.s32 $0xB;
	s6 =	simm.s32 $0x6680;
	v19 =	vadd.s32 v3, v19;
	v13 =	vand.u32 $0x7C, v24;
	v24 =	vmul.f32 $8.000000000e+00, v27;
	[tilespmem:v25+s23+$0x0] =	vst.idx.msk $0xffff, v18;
	v18 =	vld [tilespmem:s12+$0xFFFFFFB0]  }
0x41: {  	v21 =	vadd.s32 v3, v21;
	v26 =	vmov s30;
	v23 =	vld [tilespmem:s6+$0x40];
	s12 =	simm.s32 $0xC;
	v25 =	vmul.f32 $8.000000000e+00, v30;
	[tilespmem:v31+s23+$0x0] =	vst.idx.msk $0xffff, v63  }
.LBB2_2:
0x42: {  	p0 =	slt.u32 s12, $0x7C;
	s15 =	sadd.s32 $0x1, s18;
	v26 =	vand.u32 $0x7F, v26;
	[tilespmem:v22+s23+$0x0] =	vst.idx.msk $0xffff, v24;
	v17 =	vmul.f32 $8.000000000e+00, v17;
	v22 =	vld [tilespmem:s14+$0x60];
	v24 =	vadd.s32 v3, v12;
	v12 =	vmovc v8  }
0x43: {  	v8 =	vmovc v13;
	v27 =	vld [tilespmem:s6+$0xFFFFFF80];
	v28 =	vmov s15;
	s15 =	sadd.s32 $0x2, s18;
	v29 =	vadd.s32 v0, v26;
	[tilespmem:v20+s23+$0x0] =	vst.idx.msk $0xffff, v25;
	v16 =	vmul.f32 $8.000000000e+00, v16;
	s18 =	smov.u32 s12  }
0x44: {  	v13 =	vld [tilespmem:s6+$0xFFFFFFC0];
	v20 =	vmov s15;
	[tilespmem:v14+s23+$0x0] =	vst.idx.msk $0xffff, v17;
	v14 =	vadd.s32 v2, v9;
	v15 =	vmul.f32 $8.000000000e+00, v15  }
0x45: {  	v17 =	vadd.s32 v0, v8;
	v25 =	vand.u32 $0x7D, v28;
	v28 =	vld [tilespmem:s6+$0x0];
	v18 =	vmul.f32 $8.000000000e+00, v18;
	[tilespmem:v19+s23+$0x0] =	vst.idx.msk $0xffff, v16  }
0x46: {  	v16 =	vadd.s32 v0, v25;
	v30 =	vand.u32 $0x7E, v20;
	v19 =	vmul.f32 $8.000000000e+00, v23;
	v20 =	vld [tilespmem:s14+$0xFFFFFFE0];
	[tilespmem:v21+s23+$0x0] =	vst.idx.msk $0xffff, v15  }
0x47: {  	v15 =	vadd.s32 v0, v30;
	v21 =	vld [tilespmem:s14+$0x20];
	v22 =	vmul.f32 $8.000000000e+00, v22;
	[tilespmem:v24+s23+$0x0] =	vst.idx.msk $0xffff, v18  }
0x48: {  	v23 =	vadd.s32 v2, v10;
	v18 =	vmul.f32 $8.000000000e+00, v27;
	[tilespmem:v29+s23+$0x0] =	vst.idx.msk $0xffff, v19;
	v19 =	vld [tilespmem:s14+$0xFFFFFFA0]  }
0x49: {  	v27 =	vadd.s32 v2, v11;
	v13 =	vmul.f32 $8.000000000e+00, v13;
	v24 =	vld [tilespmem:s6+$0x50];
	[tilespmem:v14+s23+$0x0] =	vst.idx.msk $0xffff, v22  }
0x4a: {  	[tilespmem:v17+s23+$0x0] =	vst.idx.msk $0xffff, v18;
	v14 =	vmul.f32 $8.000000000e+00, v28;
	v18 =	vadd.s32 v2, v12;
	v28 =	vld [tilespmem:s14+$0x70]  }
0x4b: {  	v31 =	vadd.s32 v1, v26;
	v29 =	vld [tilespmem:s6+$0xFFFFFF90];
	[tilespmem:v16+s23+$0x0] =	vst.idx.msk $0xffff, v13;
	v13 =	vmul.f32 $8.000000000e+00, v20  }
0x4c: {  	v33 =	vadd.s32 v3, v9;
	v9 =	vmov v26;
	v32 =	vld [tilespmem:s6+$0xFFFFFFD0];
	[tilespmem:v15+s23+$0x0] =	vst.idx.msk $0xffff, v14;
	v14 =	vmul.f32 $8.000000000e+00, v21  }
.Ltmp0:
0x4d: {  	v22 =	vadd.s32 v1, v8;
	v17 =	vld [tilespmem:s6+$0x10];
	v15 =	vmul.f32 $8.000000000e+00, v19;
	[tilespmem:v23+s23+$0x0] =	vst.idx.msk $0xffff, v13;
	(pc) =	sbr.rel @p0 .LBB2_2-.Ltmp0, $4  }
0x4e: {  	v20 =	vadd.s32 v1, v25;
	v19 =	vmul.f32 $8.000000000e+00, v24;
	v16 =	vld [tilespmem:s14+$0xFFFFFFF0];
	[tilespmem:v27+s23+$0x0] =	vst.idx.msk $0xffff, v14  }
0x4f: {  	v13 =	vmov s12;
	v14 =	vadd.s32 v1, v30;
	[tilespmem:v18+s23+$0x0] =	vst.idx.msk $0xffff, v15;
	v15 =	vld [tilespmem:s14+$0x30];
	v27 =	vmul.f32 $8.000000000e+00, v28  }
0x50: {  	s15 =	sadd.s32 $0x3, s12;
	v13 =	vand.u32 $0x7C, v13;
	v24 =	vmul.f32 $8.000000000e+00, v29;
	[tilespmem:v31+s23+$0x0] =	vst.idx.msk $0xffff, v19;
	v18 =	vld [tilespmem:s14+$0xFFFFFFB0];
	v19 =	vadd.s32 v3, v10;
	v10 =	vmovc v25;
	s14 =	smov.u32 s6;
	s6 =	sadd.s32 $0x100, s6  }
0x51: {  	v26 =	vmov s15;
	v21 =	vadd.s32 v3, v11;
	v11 =	vmovc v30;
	s12 =	sadd.s32 $0x4, s12;
	v23 =	vld [tilespmem:s6+$0x40];
	v25 =	vmul.f32 $8.000000000e+00, v32;
	[tilespmem:v33+s23+$0x0] =	vst.idx.msk $0xffff, v27  }
0x52: {  	s12 =	sadd.s32 $0x1, s18  }
0x53: {  	v26 =	vand.u32 $0x7F, v26;
	s25 =	sadd.s32 $0x2, s18;
	v28 =	vld [tilespmem:s6+$0xFFFFFFC0];
	v27 =	vmov s12  }
0x54: {  	v31 =	vld [tilespmem:s6+$0x0];
	v29 =	vadd.s32 v0, v26;
	v30 =	vmov s25;
	v27 =	vand.u32 $0x7D, v27  }
0x55: {  	v32 =	vld [tilespmem:s6+$0xFFFFFF80];
	v30 =	vand.u32 $0x7E, v30;
	v33 =	vadd.s32 v0, v27  }
0x56: {  	v34 =	vadd.s32 v0, v30  }
0x57: {  	[tilespmem:v22+s23+$0x0] =	vst.idx.msk $0xffff, v24;
	v37 =	vadd.s32 v0, v13;
	v23 =	vmul.f32 $8.000000000e+00, v23  }
0x58: {  	[tilespmem:v20+s23+$0x0] =	vst.idx.msk $0xffff, v25;
	v20 =	vmul.f32 $8.000000000e+00, v28  }
0x59: {  	v38 =	vmul.f32 $8.000000000e+00, v31;
	[tilespmem:v29+s23+$0x0] =	vst.idx.msk $0xffff, v23  }
0x5a: {  	v39 =	vmul.f32 $8.000000000e+00, v32;
	[tilespmem:v33+s23+$0x0] =	vst.idx.msk $0xffff, v20;
	v20 =	vld [tilespmem:s6+$0x50]  }
0x5b: {  	v17 =	vmul.f32 $8.000000000e+00, v17;
	v12 =	vadd.s32 v3, v12;
	[tilespmem:v34+s23+$0x0] =	vst.idx.msk $0xffff, v38;
	v40 =	vld [tilespmem:s6+$0xFFFFFFD0]  }
0x5c: {  	v16 =	vmul.f32 $8.000000000e+00, v16;
	v41 =	vadd.s32 v1, v26;
	[tilespmem:v37+s23+$0x0] =	vst.idx.msk $0xffff, v39;
	v23 =	vld [tilespmem:s6+$0x10]  }
0x5d: {  	[tilespmem:v14+s23+$0x0] =	vst.idx.msk $0xffff, v17;
	v42 =	vmul.f32 $8.000000000e+00, v15;
	v17 =	vadd.s32 v1, v27;
	v43 =	vld [tilespmem:s6+$0xFFFFFF90]  }
0x5e: {  	v44 =	vld [tilespmem:s14+$0x60];
	v18 =	vmul.f32 $8.000000000e+00, v18;
	[tilespmem:v19+s23+$0x0] =	vst.idx.msk $0xffff, v16;
	v16 =	vadd.s32 v1, v30  }
0x5f: {  	v45 =	vadd.s32 v1, v13;
	v19 =	vld [tilespmem:s14+$0xFFFFFFE0];
	[tilespmem:v21+s23+$0x0] =	vst.idx.msk $0xffff, v42;
	v20 =	vmul.f32 $8.000000000e+00, v20  }
0x60: {  	v46 =	vadd.s32 v2, v9;
	v28 =	vld [tilespmem:s14+$0x20];
	[tilespmem:v12+s23+$0x0] =	vst.idx.msk $0xffff, v18;
	v47 =	vmul.f32 $8.000000000e+00, v40  }
0x61: {  	v48 =	vadd.s32 v2, v10;
	v18 =	vld [tilespmem:s14+$0xFFFFFFA0];
	[tilespmem:v41+s23+$0x0] =	vst.idx.msk $0xffff, v20;
	v20 =	vmul.f32 $8.000000000e+00, v23  }
0x62: {  	v49 =	vadd.s32 v2, v11;
	v15 =	vmul.f32 $8.000000000e+00, v43;
	v50 =	vld [tilespmem:s6+$0x60];
	[tilespmem:v17+s23+$0x0] =	vst.idx.msk $0xffff, v47  }
0x63: {  	v51 =	vmul.f32 $8.000000000e+00, v44;
	v17 =	vadd.s32 v2, v8;
	[tilespmem:v16+s23+$0x0] =	vst.idx.msk $0xffff, v20;
	v16 =	vld [tilespmem:s6+$0xFFFFFFE0]  }
0x64: {  	v52 =	vadd.s32 v2, v26;
	v19 =	vmul.f32 $8.000000000e+00, v19;
	[tilespmem:v45+s23+$0x0] =	vst.idx.msk $0xffff, v15;
	v53 =	vld [tilespmem:s6+$0x20]  }
0x65: {  	v55 =	vadd.s32 v2, v27;
	[tilespmem:v46+s23+$0x0] =	vst.idx.msk $0xffff, v51;
	v54 =	vmul.f32 $8.000000000e+00, v28;
	v20 =	vld [tilespmem:s6+$0xFFFFFFA0]  }
0x66: {  	v56 =	vld [tilespmem:s14+$0x70];
	v18 =	vmul.f32 $8.000000000e+00, v18;
	[tilespmem:v48+s23+$0x0] =	vst.idx.msk $0xffff, v19;
	v19 =	vadd.s32 v2, v30  }
0x67: {  	v58 =	vadd.s32 v2, v13;
	v25 =	vld [tilespmem:s14+$0xFFFFFFF0];
	[tilespmem:v49+s23+$0x0] =	vst.idx.msk $0xffff, v54;
	v57 =	vmul.f32 $8.000000000e+00, v50  }
0x68: {  	v9 =	vadd.s32 v3, v9;
	[tilespmem:v17+s23+$0x0] =	vst.idx.msk $0xffff, v18;
	v17 =	vld [tilespmem:s14+$0x30];
	v16 =	vmul.f32 $8.000000000e+00, v16  }
0x69: {  	v10 =	vadd.s32 v3, v10;
	v18 =	vld [tilespmem:s14+$0xFFFFFFB0];
	[tilespmem:v52+s23+$0x0] =	vst.idx.msk $0xffff, v57;
	v59 =	vmul.f32 $8.000000000e+00, v53  }
0x6a: {  	v11 =	vadd.s32 v3, v11;
	v60 =	vmul.f32 $8.000000000e+00, v20;
	v14 =	vld [tilespmem:s6+$0x70];
	[tilespmem:v55+s23+$0x0] =	vst.idx.msk $0xffff, v16  }
0x6b: {  	v8 =	vadd.s32 v3, v8;
	v16 =	vmul.f32 $8.000000000e+00, v56;
	v20 =	vld [tilespmem:s6+$0xFFFFFFF0];
	[tilespmem:v19+s23+$0x0] =	vst.idx.msk $0xffff, v59  }
0x6c: {  	v61 =	vmul.f32 $8.000000000e+00, v25;
	[tilespmem:v58+s23+$0x0] =	vst.idx.msk $0xffff, v60;
	v19 =	vadd.s32 v3, v26;
	v62 =	vld [tilespmem:s6+$0x30]  }
0x6d: {  	[tilespmem:v9+s23+$0x0] =	vst.idx.msk $0xffff, v16;
	v9 =	vmul.f32 $8.000000000e+00, v17;
	v16 =	vld [tilespmem:s6+$0xFFFFFFB0];
	v17 =	vadd.s32 v3, v27  }
0x6e: {  	[tilespmem:v10+s23+$0x0] =	vst.idx.msk $0xffff, v61;
	v10 =	vadd.s32 v3, v30;
	v18 =	vmul.f32 $8.000000000e+00, v18  }
0x6f: {  	[tilespmem:v11+s23+$0x0] =	vst.idx.msk $0xffff, v9;
	v11 =	vadd.s32 v3, v13;
	v9 =	vmul.f32 $8.000000000e+00, v14  }
0x70: {  	p2 =	por $0x1, $0x1;
	[tilespmem:v8+s23+$0x0] =	vst.idx.msk $0xffff, v18;
	v8 =	vmul.f32 $8.000000000e+00, v20  }
.Ltmp1:
0x71: {  	[tilespmem:v19+s23+$0x0] =	vst.idx.msk $0xffff, v9;
	v9 =	vmul.f32 $8.000000000e+00, v62;
	(pc) =	sbr.rel @!p2 .LBB2_4-.Ltmp1, $4  }
0x72: {  	v63 =	vmul.f32 $8.000000000e+00, v16;
	[tilespmem:v17+s23+$0x0] =	vst.idx.msk $0xffff, v8  }
0x73: {  	s20 =	simm.s32 $0x0;
	[tilespmem:v10+s23+$0x0] =	vst.idx.msk $0xffff, v9  }
0x74: {  	s18 =	simm.s32 $0x84F0;
	s30 =	simm.s32 $0x3;
	v8 =	vmov s20;
	[tilespmem:v11+s23+$0x0] =	vst.idx.msk $0xffff, v63  }
0x75: {  	p0 =	por $0x0, $0x0;
	p1 =	por $0x0, $0x0;
	v30 =	vmov s30;
	s6 =	simm.s32 $0x4;
	v8 =	vand.u32 $0x7C, v8;
	v19 =	vld [tilespmem:s18+$0xFFFFFFD0]  }
0x76: {  	s12 =	simm.s32 $0x1;
	v11 =	vand.u32 $0x7F, v30;
	v10 =	vld [tilespmem:s18+$0xFFFFFF10]  }
0x77: {  	v13 =	vld [tilespmem:s18+$0xFFFFFF50];
	v9 =	vmov s12;
	v12 =	vadd.s32 v4, v11  }
0x78: {  	v14 =	vadd.s32 v4, v8;
	v9 =	vand.u32 $0x7D, v9  }
0x79: {  	v15 =	vadd.s32 v4, v9  }
0x7a: {  	s25 =	simm.s32 $0x2;
	v16 =	vmul.f32 $8.000000000e+00, v19  }
0x7b: {  	v18 =	vld [tilespmem:s18+$0xFFFFFF90];
	v17 =	vmov s25;
	v19 =	vmul.f32 $8.000000000e+00, v10  }
0x7c: {  	v10 =	vand.u32 $0x7E, v17;
	[tilespmem:v12+s23+$0x0] =	vst.idx.msk $0xffff, v16;
	v12 =	vmul.f32 $8.000000000e+00, v13  }
0x7d: {  	v13 =	vadd.s32 v4, v10;
	v17 =	vld [tilespmem:s18+$0xFFFFFFE0];
	[tilespmem:v14+s23+$0x0] =	vst.idx.msk $0xffff, v19  }
0x7e: {  	v14 =	vld [tilespmem:s18+$0xFFFFFF20];
	[tilespmem:v15+s23+$0x0] =	vst.idx.msk $0xffff, v12  }
0x7f: {  	p2 =	por $0x1, $0x1;
	v15 =	vadd.s32 v5, v11;
	v21 =	vld [tilespmem:s18+$0xFFFFFF60]  }
.Ltmp2:
0x80: {  	v12 =	vmul.f32 $8.000000000e+00, v18;
	(pc) =	sbr.rel @!p2 .LBB2_6-.Ltmp2, $4  }
0x81: {  	s30 =	simm.s32 $0x7  }
0x82: {  	s14 =	simm.s32 $0x85F0;
	v30 =	vmov s30;
	v20 =	vadd.s32 v5, v9;
	[tilespmem:v13+s23+$0x0] =	vst.idx.msk $0xffff, v12;
	v13 =	vmul.f32 $8.000000000e+00, v17  }
0x83: {  	v16 =	vadd.s32 v5, v8;
	v19 =	vld [tilespmem:s14+$0xFFFFFFD0];
	v12 =	vmov s6;
	v17 =	vadd.s32 v5, v10  }
0x84: {  	s20 =	simm.s32 $0x8;
	p0 =	por $0x1, $0x1;
	v18 =	vld [tilespmem:s18+$0xFFFFFFA0];
	v12 =	vand.u32 $0x7C, v12;
	v24 =	vmul.f32 $8.000000000e+00, v14;
	[tilespmem:v15+s23+$0x0] =	vst.idx.msk $0xffff, v13;
	v27 =	vmul.f32 $8.000000000e+00, v21  }
0x85: {  	_ =	sdelay $0x1  }
0x86: {  	v13 =	vand.u32 $0x7F, v30;
	v21 =	vld [tilespmem:s18+$0xFFFFFFF0]  }
0x87: {  	s6 =	simm.s32 $0x5;
	v22 =	vld [tilespmem:s14+$0xFFFFFF10];
	v23 =	vadd.s32 v4, v13  }
0x88: {  	s30 =	simm.s32 $0x6;
	v25 =	vadd.s32 v6, v11;
	v14 =	vmov s6;
	v15 =	vmul.f32 $8.000000000e+00, v18;
	v18 =	vld [tilespmem:s14+$0xFFFFFF50]  }
0x89: {  	v26 =	vadd.s32 v4, v12;
	[tilespmem:v20+s23+$0x0] =	vst.idx.msk $0xffff, v27;
	v20 =	vmov s30;
	v27 =	vld [tilespmem:s14+$0xFFFFFF90];
	v14 =	vand.u32 $0x7D, v14  }
0x8a: {  	v19 =	vmul.f32 $8.000000000e+00, v19;
	[tilespmem:v17+s23+$0x0] =	vst.idx.msk $0xffff, v15;
	v17 =	vadd.s32 v4, v14;
	v15 =	vand.u32 $0x7E, v20;
	v20 =	vld [tilespmem:s18+$0xFFFFFF70]  }
0x8b: {  	[tilespmem:v16+s23+$0x0] =	vst.idx.msk $0xffff, v24;
	v21 =	vmul.f32 $8.000000000e+00, v21;
	v16 =	vadd.s32 v4, v15;
	v24 =	vld [tilespmem:s18+$0xFFFFFFB0]  }
0x8c: {  	v22 =	vmul.f32 $8.000000000e+00, v22;
	[tilespmem:v23+s23+$0x0] =	vst.idx.msk $0xffff, v19;
	v19 =	vld [tilespmem:s18+$0xFFFFFF30];
	v23 =	vadd.s32 v6, v9  }
0x8d: {  	v29 =	vadd.s32 v6, v10;
	v28 =	vld [tilespmem:s14+$0xFFFFFFE0];
	[tilespmem:v25+s23+$0x0] =	vst.idx.msk $0xffff, v21;
	v18 =	vmul.f32 $8.000000000e+00, v18  }
0x8e: {  	[tilespmem:v26+s23+$0x0] =	vst.idx.msk $0xffff, v22;
	v21 =	vmul.f32 $8.000000000e+00, v27;
	v25 =	vadd.s32 v6, v8;
	v26 =	vld [tilespmem:s18+$0x0]  }
0x8f: {  	v30 =	vadd.s32 v5, v13;
	v27 =	vld [tilespmem:s14+$0xFFFFFF20];
	[tilespmem:v17+s23+$0x0] =	vst.idx.msk $0xffff, v18;
	v17 =	vmul.f32 $8.000000000e+00, v20  }
0x90: {  	v32 =	vadd.s32 v7, v11;
	p2 =	por $0x1, $0x1;
	v31 =	vld [tilespmem:s14+$0xFFFFFF60];
	[tilespmem:v16+s23+$0x0] =	vst.idx.msk $0xffff, v21;
	v21 =	vmul.f32 $8.000000000e+00, v24  }
.Ltmp3:
0x91: {  	v11 =	vmul.f32 $8.000000000e+00, v19;
	v16 =	vadd.s32 v5, v12;
	v18 =	vld [tilespmem:s14+$0xFFFFFFA0];
	[tilespmem:v23+s23+$0x0] =	vst.idx.msk $0xffff, v17;
	(pc) =	sbr.rel @!p2 .LBB2_8-.Ltmp3, $4  }
0x92: {  	v20 =	vadd.s32 v5, v14;
	v19 =	vmul.f32 $8.000000000e+00, v28;
	v22 =	vld [tilespmem:s18+$0xFFFFFF80];
	[tilespmem:v29+s23+$0x0] =	vst.idx.msk $0xffff, v21  }
0x93: {  	v17 =	vadd.s32 v5, v15;
	[tilespmem:v25+s23+$0x0] =	vst.idx.msk $0xffff, v11;
	v28 =	vmul.f32 $8.000000000e+00, v26;
	v21 =	vmov s20;
	v23 =	vld [tilespmem:s18+$0xFFFFFFC0]  }
0x94: {  	s12 =	simm.s32 $0xB;
	s6 =	simm.s32 $0x86F0;
	v24 =	vmul.f32 $8.000000000e+00, v27;
	v25 =	vadd.s32 v7, v9;
	[tilespmem:v30+s23+$0x0] =	vst.idx.msk $0xffff, v19;
	v11 =	vand.u32 $0x7C, v21;
	v21 =	vld [tilespmem:s18+$0xFFFFFF40]  }
0x95: {  	p1 =	por $0x1, $0x1;
	v26 =	vadd.s32 v7, v10;
	v30 =	vmov s12;
	v19 =	vld [tilespmem:s6+$0xFFFFFFD0];
	s12 =	simm.s32 $0xC;
	[tilespmem:v32+s23+$0x0] =	vst.idx.msk $0xffff, v28;
	v27 =	vmul.f32 $8.000000000e+00, v31  }
.LBB2_9:
0x96: {  	p2 =	slt.u32 s12, $0x7C;
	s15 =	sadd.s32 $0x1, s20;
	v9 =	vand.u32 $0x7F, v30;
	[tilespmem:v16+s23+$0x0] =	vst.idx.msk $0xffff, v24;
	v10 =	vmul.f32 $8.000000000e+00, v18;
	v16 =	vld [tilespmem:s14+$0xFFFFFFF0];
	v18 =	vadd.s32 v7, v8;
	v8 =	vmovc v12  }
0x97: {  	v12 =	vmovc v11;
	v24 =	vld [tilespmem:s6+$0xFFFFFF10];
	v28 =	vmov s15;
	s15 =	sadd.s32 $0x2, s20;
	v29 =	vadd.s32 v4, v9;
	[tilespmem:v20+s23+$0x0] =	vst.idx.msk $0xffff, v27;
	v20 =	vmul.f32 $8.000000000e+00, v22;
	s20 =	smov.u32 s12  }
0x98: {  	v11 =	vld [tilespmem:s6+$0xFFFFFF50];
	v22 =	vmov s15;
	[tilespmem:v17+s23+$0x0] =	vst.idx.msk $0xffff, v10;
	v10 =	vadd.s32 v6, v13;
	v17 =	vmul.f32 $8.000000000e+00, v23  }
0x99: {  	v23 =	vadd.s32 v4, v12;
	v27 =	vand.u32 $0x7D, v28;
	v28 =	vld [tilespmem:s6+$0xFFFFFF90];
	v21 =	vmul.f32 $8.000000000e+00, v21;
	[tilespmem:v25+s23+$0x0] =	vst.idx.msk $0xffff, v20  }
0x9a: {  	v20 =	vadd.s32 v4, v27;
	v31 =	vand.u32 $0x7E, v22;
	v19 =	vmul.f32 $8.000000000e+00, v19;
	v22 =	vld [tilespmem:s14+$0xFFFFFF70];
	[tilespmem:v26+s23+$0x0] =	vst.idx.msk $0xffff, v17  }
0x9b: {  	v17 =	vadd.s32 v4, v31;
	v25 =	vld [tilespmem:s14+$0xFFFFFFB0];
	v16 =	vmul.f32 $8.000000000e+00, v16;
	[tilespmem:v18+s23+$0x0] =	vst.idx.msk $0xffff, v21  }
0x9c: {  	v21 =	vadd.s32 v6, v14;
	v18 =	vmul.f32 $8.000000000e+00, v24;
	[tilespmem:v29+s23+$0x0] =	vst.idx.msk $0xffff, v19;
	v19 =	vld [tilespmem:s14+$0xFFFFFF30]  }
0x9d: {  	v26 =	vadd.s32 v6, v15;
	v11 =	vmul.f32 $8.000000000e+00, v11;
	v24 =	vld [tilespmem:s6+$0xFFFFFFE0];
	[tilespmem:v10+s23+$0x0] =	vst.idx.msk $0xffff, v16  }
0x9e: {  	[tilespmem:v23+s23+$0x0] =	vst.idx.msk $0xffff, v18;
	v10 =	vmul.f32 $8.000000000e+00, v28;
	v23 =	vadd.s32 v6, v8;
	v28 =	vld [tilespmem:s14+$0x0]  }
0x9f: {  	v30 =	vadd.s32 v5, v9;
	v29 =	vld [tilespmem:s6+$0xFFFFFF20];
	[tilespmem:v20+s23+$0x0] =	vst.idx.msk $0xffff, v11;
	v11 =	vmul.f32 $8.000000000e+00, v22  }
0xa0: {  	v33 =	vadd.s32 v7, v13;
	v13 =	vmov v9;
	v32 =	vld [tilespmem:s6+$0xFFFFFF60];
	[tilespmem:v17+s23+$0x0] =	vst.idx.msk $0xffff, v10;
	v10 =	vmul.f32 $8.000000000e+00, v25  }
.Ltmp4:
0xa1: {  	v16 =	vadd.s32 v5, v12;
	v18 =	vld [tilespmem:s6+$0xFFFFFFA0];
	v9 =	vmul.f32 $8.000000000e+00, v19;
	[tilespmem:v21+s23+$0x0] =	vst.idx.msk $0xffff, v11;
	(pc) =	sbr.rel @p2 .LBB2_9-.Ltmp4, $4  }
0xa2: {  	v20 =	vadd.s32 v5, v27;
	v19 =	vmul.f32 $8.000000000e+00, v24;
	v22 =	vld [tilespmem:s14+$0xFFFFFF80];
	[tilespmem:v26+s23+$0x0] =	vst.idx.msk $0xffff, v10  }
0xa3: {  	v17 =	vadd.s32 v5, v31;
	v10 =	vmov s12;
	[tilespmem:v23+s23+$0x0] =	vst.idx.msk $0xffff, v9;
	v23 =	vld [tilespmem:s14+$0xFFFFFFC0];
	v9 =	vmul.f32 $8.000000000e+00, v28  }
0xa4: {  	s15 =	sadd.s32 $0x3, s12;
	v25 =	vadd.s32 v7, v14;
	v14 =	vmovc v27;
	v11 =	vand.u32 $0x7C, v10;
	v24 =	vmul.f32 $8.000000000e+00, v29;
	[tilespmem:v30+s23+$0x0] =	vst.idx.msk $0xffff, v19;
	v21 =	vld [tilespmem:s14+$0xFFFFFF40];
	s14 =	smov.u32 s6;
	s6 =	sadd.s32 $0x100, s6  }
0xa5: {  	s12 =	sadd.s32 $0x4, s12;
	v26 =	vadd.s32 v7, v15;
	v15 =	vmovc v31;
	v30 =	vmov s15;
	v19 =	vld [tilespmem:s6+$0xFFFFFFD0];
	v27 =	vmul.f32 $8.000000000e+00, v32;
	[tilespmem:v33+s23+$0x0] =	vst.idx.msk $0xffff, v9  }
0xa6: {  	v28 =	vmov v8  }
0xa7: {  	v29 =	vmovc v12;
	s18 =	smov.u32 s6;
	v8 =	vmovc v11;
	v11 =	vmov v13;
	v9 =	vmov v14;
	v10 =	vmov v15  }
.LBB2_11:
0xa8: {  	s6 =	sadd.s32 $0x1, s20;
	v12 =	vand.u32 $0x7F, v30;
	v32 =	vld [tilespmem:s18+$0xFFFFFF10]  }
0xa9: {  	s30 =	sadd.s32 $0x2, s20;
	v14 =	vld [tilespmem:s18+$0xFFFFFF50];
	v13 =	vmov s6;
	v15 =	vadd.s32 v4, v12  }
0xaa: {  	v31 =	vld [tilespmem:s18+$0xFFFFFF90];
	v37 =	vadd.s32 v4, v8;
	v36 =	vmov s30;
	v13 =	vand.u32 $0x7D, v13  }
0xab: {  	v30 =	vand.u32 $0x7E, v36;
	v33 =	vadd.s32 v4, v13  }
0xac: {  	[tilespmem:v16+s23+$0x0] =	vst.idx.msk @p0 $0xffff, v24;
	v19 =	vmul.f32 $8.000000000e+00, v19;
	v34 =	vadd.s32 v4, v30  }
0xad: {  	[tilespmem:v20+s23+$0x0] =	vst.idx.msk @p0 $0xffff, v27;
	v39 =	vmul.f32 $8.000000000e+00, v32  }
0xae: {  	v14 =	vmul.f32 $8.000000000e+00, v14;
	[tilespmem:v15+s23+$0x0] =	vst.idx.msk $0xffff, v19;
	v15 =	vld @p0 [tilespmem:s14+$0xFFFFFFF0]  }
0xaf: {  	v38 =	vmul.f32 $8.000000000e+00, v31;
	v40 =	vld [tilespmem:s18+$0xFFFFFFE0];
	[tilespmem:v37+s23+$0x0] =	vst.idx.msk $0xffff, v39  }
0xb0: {  	v18 =	vmul.f32 @p0 $8.000000000e+00, v18;
	v19 =	vadd.s32 @p0 v6, v11;
	[tilespmem:v33+s23+$0x0] =	vst.idx.msk $0xffff, v14;
	v44 =	vld [tilespmem:s18+$0xFFFFFF20]  }
0xb1: {  	v22 =	vmul.f32 @p1 $8.000000000e+00, v22;
	v42 =	vadd.s32 v5, v12;
	[tilespmem:v34+s23+$0x0] =	vst.idx.msk $0xffff, v38;
	v41 =	vld [tilespmem:s18+$0xFFFFFF60]  }
0xb2: {  	v47 =	vadd.s32 v5, v8;
	[tilespmem:v17+s23+$0x0] =	vst.idx.msk @p0 $0xffff, v18;
	v17 =	vmul.f32 @p1 $8.000000000e+00, v23;
	v43 =	vld [tilespmem:s18+$0xFFFFFFA0]  }
0xb3: {  	[tilespmem:v25+s23+$0x0] =	vst.idx.msk @p1 $0xffff, v22;
	v22 =	vld @p0 [tilespmem:s14+$0xFFFFFF70];
	v45 =	vadd.s32 v5, v13;
	v15 =	vmul.f32 @p0 $8.000000000e+00, v15  }
0xb4: {  	v46 =	vadd.s32 v5, v30;
	[tilespmem:v26+s23+$0x0] =	vst.idx.msk @p1 $0xffff, v17;
	v17 =	vld @p0 [tilespmem:s14+$0xFFFFFFB0];
	v20 =	vmul.f32 $8.000000000e+00, v40  }
0xb5: {  	[tilespmem:v19+s23+$0x0] =	vst.idx.msk @p0 $0xffff, v15;
	v15 =	vld @p0 [tilespmem:s14+$0xFFFFFF30];
	v19 =	vadd.s32 @p0 v6, v9;
	v18 =	vmul.f32 $8.000000000e+00, v44  }
0xb6: {  	v27 =	vmov @p0 v29;
	v14 =	vadd.s32 @p0 v6, v10;
	v24 =	vmul.f32 $8.000000000e+00, v41;
	[tilespmem:v42+s23+$0x0] =	vst.idx.msk $0xffff, v20;
	v20 =	vld @p0 [tilespmem:s14+$0x0]  }
0xb7: {  	v23 =	vadd.s32 @p0 v6, v27;
	v16 =	vmul.f32 $8.000000000e+00, v43;
	v48 =	vld [tilespmem:s18+$0xFFFFFFF0];
	[tilespmem:v47+s23+$0x0] =	vst.idx.msk $0xffff, v18  }
0xb8: {  	v28 =	vadd.s32 @p1 v7, v28;
	v22 =	vmul.f32 @p0 $8.000000000e+00, v22;
	[tilespmem:v45+s23+$0x0] =	vst.idx.msk $0xffff, v24;
	v51 =	vld [tilespmem:s18+$0xFFFFFF30]  }
0xb9: {  	v50 =	vadd.s32 v6, v12;
	v17 =	vmul.f32 @p0 $8.000000000e+00, v17;
	[tilespmem:v46+s23+$0x0] =	vst.idx.msk $0xffff, v16;
	v49 =	vld [tilespmem:s18+$0xFFFFFF70]  }
0xba: {  	v55 =	vadd.s32 v6, v8;
	v25 =	vld [tilespmem:s18+$0xFFFFFFB0];
	v15 =	vmul.f32 @p0 $8.000000000e+00, v15;
	[tilespmem:v19+s23+$0x0] =	vst.idx.msk @p0 $0xffff, v22  }
0xbb: {  	v21 =	vmul.f32 @p1 $8.000000000e+00, v21;
	v52 =	vadd.s32 v6, v13;
	[tilespmem:v14+s23+$0x0] =	vst.idx.msk @p0 $0xffff, v17;
	v26 =	vld @p0 [tilespmem:s14+$0xFFFFFF80]  }
0xbc: {  	v53 =	vadd.s32 v6, v30;
	[tilespmem:v23+s23+$0x0] =	vst.idx.msk @p0 $0xffff, v15;
	v15 =	vld @p0 [tilespmem:s14+$0xFFFFFFC0];
	v54 =	vmul.f32 $8.000000000e+00, v48  }
0xbd: {  	[tilespmem:v28+s23+$0x0] =	vst.idx.msk @p1 $0xffff, v21;
	v11 =	vadd.s32 @p0 v7, v11;
	v9 =	vadd.s32 @p0 v7, v9;
	v21 =	vld @p0 [tilespmem:s14+$0xFFFFFF40];
	v19 =	vmul.f32 $8.000000000e+00, v51  }
0xbe: {  	v10 =	vadd.s32 @p0 v7, v10;
	v9 =	vpsel p0, v9, v0;
	v16 =	vmul.f32 $8.000000000e+00, v49;
	[tilespmem:v50+s23+$0x0] =	vst.idx.msk $0xffff, v54  }
0xbf: {  	v10 =	vpsel p0, v10, v0;
	v18 =	vpsel p0, v27, v0;
	v56 =	vmul.f32 $8.000000000e+00, v25;
	v57 =	vld [tilespmem:s18+$0x0];
	[tilespmem:v55+s23+$0x0] =	vst.idx.msk $0xffff, v19  }
0xc0: {  	v18 =	vadd.s32 @p0 v7, v18;
	[tilespmem:v52+s23+$0x0] =	vst.idx.msk $0xffff, v16;
	v16 =	vmul.f32 @p0 $8.000000000e+00, v20;
	v20 =	vpsel p0, v26, v0;
	v58 =	vld [tilespmem:s18+$0xFFFFFF40]  }
0xc1: {  	v12 =	vadd.s32 v7, v12;
	[tilespmem:v53+s23+$0x0] =	vst.idx.msk $0xffff, v56;
	v22 =	vld [tilespmem:s18+$0xFFFFFF80];
	v14 =	vpsel p0, v15, v0;
	v15 =	vmul.f32 @p0 $8.000000000e+00, v20  }
0xc2: {  	v8 =	vadd.s32 v7, v8;
	v17 =	vld [tilespmem:s18+$0xFFFFFFC0];
	[tilespmem:v11+s23+$0x0] =	vst.idx.msk @p0 $0xffff, v16;
	v11 =	vpsel p0, v21, v0;
	v14 =	vmul.f32 @p0 $8.000000000e+00, v14  }
0xc3: {  	v13 =	vadd.s32 v7, v13;
	v11 =	vmul.f32 @p0 $8.000000000e+00, v11;
	[tilespmem:v9+s23+$0x0] =	vst.idx.msk @p0 $0xffff, v15  }
0xc4: {  	v59 =	vadd.s32 v7, v30;
	[tilespmem:v10+s23+$0x0] =	vst.idx.msk @p0 $0xffff, v14;
	v60 =	vmul.f32 $8.000000000e+00, v57  }
0xc5: {  	[tilespmem:v18+s23+$0x0] =	vst.idx.msk @p0 $0xffff, v11;
	v63 =	vmul.f32 $8.000000000e+00, v58  }
0xc6: {  	v61 =	vmul.f32 $8.000000000e+00, v22;
	[tilespmem:v12+s23+$0x0] =	vst.idx.msk $0xffff, v60  }
0xc7: {  	v62 =	vmul.f32 $8.000000000e+00, v17;
	[tilespmem:v8+s23+$0x0] =	vst.idx.msk $0xffff, v63  }
0xc8: {  	s12 =	simm.s32 $0x200;
	[tilespmem:v13+s23+$0x0] =	vst.idx.msk $0xffff, v61  }
0xc9: {  	s15 =	sadd.s32 $0x0, s5;
	s6 =	simm.s32 $0xE400;
	s14 =	simm.s32 $0xE488;
	[tilespmem:v59+s23+$0x0] =	vst.idx.msk $0xffff, v62  }
.LBB2_12:
0xca: {  	[hbm4b:s15+s2] =	stream.linear.scatter [tilespmem:s6], [sflag:$0x3], $0x80, $0x38;
	[tilespmem:$0x16C00] =	vst v63  }
0xcb: {  	s15 =	smov.u32 s12;
	s6 =	smov.u32 s14;
	p0 =	sne.s32 s12, $0xFE00  }
.Ltmp5:
0xcc: {  	s12 =	sadd.s32 $0x200, s12;
	(pc) =	sbr.rel @p0 .LBB2_12-.Ltmp5, $2  }
0xcd: {  	_ =	sdelay $0x2  }
0xce: {  	s14 =	sadd.s32 $0x88, s14;
	s15 =	sadd.s32 s15, s5  }
0xcf: {  	[hbm4b:s15+s2] =	stream.linear.scatter [tilespmem:s6], [sflag:$0x3], $0x80, $0x38;
	[tilespmem:$0x16C00] =	vst v63  }
0xd0: {  	s1 =	simm.s32 $0x200  }
0xd1: {  	[tilespmem:s16], [sflag:$0x1] =	stream.indirect.gather [hbm4b:s4+s13], $0x40, s1, s13, $0xb8;
	[tilespmem:$0x16C00] =	vst v63  }
0xd2: {  	s30 =	simm.s32 $0x280  }
0xd3: {  	[tilespmem:s17], [sflag:$0x1] =	stream.indirect.gather [hbm4b:s4+s13], $0x40, s30, s13, $0xb8;
	[tilespmem:$0x16C00] =	vst v63  }
0xd4: {  	_ =	swait.ge [sflag:s26], $0x2000  }
0xd5: {  	[sflag:s26] =	ssyncset.done $0x0  }
0xd6: {  	[sflag:s26] =	ssyncadd.s32 $0xFFFFE000  }
0xd7: {  	_ =	swait.ge [sflag:s26], $0x2000  }
0xd8: {  	[sflag:s26] =	ssyncset.done $0x0  }
0xd9: {  	s12 =	simm.s32 $0x3;
	s1 =	simm.s32 $0xA4F0;
	[sflag:s26] =	ssyncadd.s32 $0xFFFFE000  }
0xda: {  	v8 =	vmov s12;
	v9 =	vld [tilespmem:s1+$0xFFFFFFD0]  }
0xdb: {  	v15 =	vand.u32 $0x7F, v8  }
0xdc: {  	s14 =	simm.s32 $0x0;
	v8 =	vadd.s32 v0, v15  }
0xdd: {  	s15 =	simm.s32 $0x1;
	v10 =	vmov s14;
	s14 =	simm.s32 $0x2;
	v11 =	vld [tilespmem:s1+$0xFFFFFF10]  }
0xde: {  	v12 =	vand.u32 $0x7C, v10;
	v10 =	vmov s15;
	v13 =	vmov s14;
	v16 =	vld [tilespmem:s1+$0xFFFFFF50]  }
0xdf: {  	v17 =	vadd.s32 v0, v12;
	v14 =	vand.u32 $0x7D, v10;
	v10 =	vld [tilespmem:s1+$0xFFFFFF90];
	v9 =	vmul.f32 $8.000000000e+00, v9  }
0xe0: {  	v13 =	vand.u32 $0x7E, v13;
	v18 =	vadd.s32 v0, v14  }
0xe1: {  	v19 =	vadd.s32 v0, v13;
	[tilespmem:v8+s28+$0x0] =	vst.idx.msk $0xffff, v9  }
0xe2: {  	v8 =	vmul.f32 $8.000000000e+00, v11;
	v9 =	vld [tilespmem:s1+$0xFFFFFFE0]  }
0xe3: {  	v11 =	vmul.f32 $8.000000000e+00, v16  }
0xe4: {  	[tilespmem:v17+s28+$0x0] =	vst.idx.msk $0xffff, v8;
	v8 =	vmul.f32 $8.000000000e+00, v10;
	v10 =	vadd.s32 v1, v15  }
0xe5: {  	[tilespmem:v18+s28+$0x0] =	vst.idx.msk $0xffff, v11;
	v16 =	vld [tilespmem:s1+$0xFFFFFF20]  }
0xe6: {  	v11 =	vld [tilespmem:s1+$0xFFFFFF60];
	[tilespmem:v19+s28+$0x0] =	vst.idx.msk $0xffff, v8  }
0xe7: {  	v17 =	vld [tilespmem:s1+$0xFFFFFFA0];
	v8 =	vmul.f32 $8.000000000e+00, v9  }
0xe8: {  	s18 =	simm.s32 $0x4;
	s24 =	simm.s32 $0x7;
	s20 =	simm.s32 $0xA5F0;
	v18 =	vadd.s32 v1, v14  }
0xe9: {  	v20 =	vld [tilespmem:s20+$0xFFFFFFD0];
	v19 =	vadd.s32 v1, v13;
	v9 =	vmov s18;
	[tilespmem:v10+s28+$0x0] =	vst.idx.msk $0xffff, v8;
	v10 =	vmov s24  }
0xea: {  	v21 =	vadd.s32 v1, v12;
	v8 =	vand.u32 $0x7C, v9;
	v9 =	vand.u32 $0x7F, v10;
	v22 =	vld [tilespmem:s1+$0xFFFFFFF0]  }
0xeb: {  	s25 =	simm.s32 $0x5;
	v26 =	vadd.s32 v2, v15;
	v23 =	vld [tilespmem:s20+$0xFFFFFF10];
	v10 =	vmul.f32 $8.000000000e+00, v11;
	v24 =	vadd.s32 v0, v9  }
0xec: {  	s30 =	simm.s32 $0x6;
	v25 =	vld [tilespmem:s20+$0xFFFFFF50];
	v16 =	vmul.f32 $8.000000000e+00, v16;
	v11 =	vmul.f32 $8.000000000e+00, v17;
	v17 =	vmov s25  }
0xed: {  	v27 =	vadd.s32 v0, v8;
	[tilespmem:v18+s28+$0x0] =	vst.idx.msk $0xffff, v10;
	v18 =	vmov s30;
	v10 =	vand.u32 $0x7D, v17;
	v17 =	vld [tilespmem:s20+$0xFFFFFF90]  }
0xee: {  	[tilespmem:v19+s28+$0x0] =	vst.idx.msk $0xffff, v11;
	v11 =	vand.u32 $0x7E, v18;
	v18 =	vmul.f32 $8.000000000e+00, v20;
	v20 =	vld [tilespmem:s1+$0xFFFFFF70]  }
0xef: {  	[tilespmem:v21+s28+$0x0] =	vst.idx.msk $0xffff, v16;
	v19 =	vadd.s32 v0, v10;
	v21 =	vld [tilespmem:s1+$0xFFFFFFB0];
	v22 =	vmul.f32 $8.000000000e+00, v22  }
0xf0: {  	v23 =	vmul.f32 $8.000000000e+00, v23;
	v16 =	vadd.s32 v0, v11;
	[tilespmem:v24+s28+$0x0] =	vst.idx.msk $0xffff, v18;
	v18 =	vld [tilespmem:s1+$0xFFFFFF30]  }
0xf1: {  	v24 =	vadd.s32 v2, v14;
	v28 =	vld [tilespmem:s20+$0xFFFFFFE0];
	[tilespmem:v26+s28+$0x0] =	vst.idx.msk $0xffff, v22  }
0xf2: {  	v25 =	vmul.f32 $8.000000000e+00, v25;
	[tilespmem:v27+s28+$0x0] =	vst.idx.msk $0xffff, v23;
	v22 =	vadd.s32 v2, v12;
	v27 =	vld [tilespmem:s1+$0x0]  }
0xf3: {  	v30 =	vadd.s32 v2, v13;
	v17 =	vmul.f32 $8.000000000e+00, v17  }
0xf4: {  	[tilespmem:v19+s28+$0x0] =	vst.idx.msk $0xffff, v25;
	v20 =	vmul.f32 $8.000000000e+00, v20  }
0xf5: {  	v32 =	vld [tilespmem:s20+$0xFFFFFF20];
	v19 =	vadd.s32 v1, v9;
	[tilespmem:v16+s28+$0x0] =	vst.idx.msk $0xffff, v17;
	v18 =	vmul.f32 $8.000000000e+00, v18  }
0xf6: {  	v34 =	vld [tilespmem:s20+$0xFFFFFF60];
	v16 =	vmul.f32 $8.000000000e+00, v21;
	v17 =	vadd.s32 v3, v15;
	[tilespmem:v24+s28+$0x0] =	vst.idx.msk $0xffff, v20  }
0xf7: {  	s18 =	simm.s32 $0xB;
	v31 =	vadd.s32 v1, v8;
	v26 =	vld [tilespmem:s20+$0xFFFFFFA0];
	v20 =	vmul.f32 $8.000000000e+00, v28;
	[tilespmem:v22+s28+$0x0] =	vst.idx.msk $0xffff, v18;
	v18 =	vmul.f32 $8.000000000e+00, v27  }
0xf8: {  	s14 =	simm.s32 $0x8;
	v35 =	vmov s18;
	v29 =	vadd.s32 v1, v10;
	[tilespmem:v30+s28+$0x0] =	vst.idx.msk $0xffff, v16;
	v25 =	vld [tilespmem:s1+$0xFFFFFF80]  }
0xf9: {  	v23 =	vadd.s32 v1, v11;
	v16 =	vmov s14;
	v30 =	vadd.s32 v3, v13;
	v24 =	vld [tilespmem:s1+$0xFFFFFFC0]  }
0xfa: {  	s24 =	simm.s32 $0xA6F0;
	v33 =	vmul.f32 $8.000000000e+00, v32;
	v21 =	vand.u32 $0x7C, v16;
	v28 =	vadd.s32 v3, v14;
	v22 =	vmovc v12;
	[tilespmem:v19+s28+$0x0] =	vst.idx.msk $0xffff, v20;
	v27 =	vld [tilespmem:s1+$0xFFFFFF40]  }
0xfb: {  	s6 =	simm.s32 $0xC;
	s12 =	simm.s32 $0x8;
	v32 =	vld [tilespmem:s24+$0xFFFFFFD0];
	v34 =	vmul.f32 $8.000000000e+00, v34;
	v19 =	vmovc v10;
	[tilespmem:v17+s28+$0x0] =	vst.idx.msk $0xffff, v18;
	v17 =	vmovc v8;
	v20 =	vmov v9;
	v18 =	vmov v11  }
.LBB2_14:
0xfc: {  	p0 =	slt.u32 s6, $0x7C;
	s15 =	sadd.s32 $0x1, s12;
	v35 =	vand.u32 $0x7F, v35;
	[tilespmem:v31+s28+$0x0] =	vst.idx.msk $0xffff, v33;
	v26 =	vmul.f32 $8.000000000e+00, v26;
	v31 =	vld [tilespmem:s20+$0xFFFFFFF0];
	v33 =	vadd.s32 v3, v22;
	v22 =	vmovc v17  }
0xfd: {  	v17 =	vmovc v21;
	v36 =	vld [tilespmem:s24+$0xFFFFFF10];
	v37 =	vmov s15;
	s15 =	sadd.s32 $0x2, s12;
	v38 =	vadd.s32 v0, v35;
	[tilespmem:v29+s28+$0x0] =	vst.idx.msk $0xffff, v34;
	v25 =	vmul.f32 $8.000000000e+00, v25;
	s12 =	smov.u32 s6  }
0xfe: {  	v21 =	vld [tilespmem:s24+$0xFFFFFF50];
	v29 =	vmov s15;
	[tilespmem:v23+s28+$0x0] =	vst.idx.msk $0xffff, v26;
	v23 =	vadd.s32 v2, v20;
	v24 =	vmul.f32 $8.000000000e+00, v24  }
0xff: {  	v26 =	vadd.s32 v0, v17;
	v34 =	vand.u32 $0x7D, v37;
	v37 =	vld [tilespmem:s24+$0xFFFFFF90];
	v27 =	vmul.f32 $8.000000000e+00, v27;
	[tilespmem:v28+s28+$0x0] =	vst.idx.msk $0xffff, v25  }
0x100: {  	v25 =	vadd.s32 v0, v34;
	v39 =	vand.u32 $0x7E, v29;
	v28 =	vmul.f32 $8.000000000e+00, v32;
	v29 =	vld [tilespmem:s20+$0xFFFFFF70];
	[tilespmem:v30+s28+$0x0] =	vst.idx.msk $0xffff, v24  }
0x101: {  	v24 =	vadd.s32 v0, v39;
	v30 =	vld [tilespmem:s20+$0xFFFFFFB0];
	v31 =	vmul.f32 $8.000000000e+00, v31;
	[tilespmem:v33+s28+$0x0] =	vst.idx.msk $0xffff, v27  }
0x102: {  	v32 =	vadd.s32 v2, v19;
	v27 =	vmul.f32 $8.000000000e+00, v36;
	[tilespmem:v38+s28+$0x0] =	vst.idx.msk $0xffff, v28;
	v28 =	vld [tilespmem:s20+$0xFFFFFF30]  }
0x103: {  	v36 =	vadd.s32 v2, v18;
	v21 =	vmul.f32 $8.000000000e+00, v21;
	v33 =	vld [tilespmem:s24+$0xFFFFFFE0];
	[tilespmem:v23+s28+$0x0] =	vst.idx.msk $0xffff, v31  }
0x104: {  	[tilespmem:v26+s28+$0x0] =	vst.idx.msk $0xffff, v27;
	v23 =	vmul.f32 $8.000000000e+00, v37;
	v27 =	vadd.s32 v2, v22;
	v37 =	vld [tilespmem:s20+$0x0]  }
0x105: {  	v40 =	vadd.s32 v1, v35;
	v38 =	vld [tilespmem:s24+$0xFFFFFF20];
	[tilespmem:v25+s28+$0x0] =	vst.idx.msk $0xffff, v21;
	v21 =	vmul.f32 $8.000000000e+00, v29  }
0x106: {  	v42 =	vadd.s32 v3, v20;
	v20 =	vmov v35;
	v41 =	vld [tilespmem:s24+$0xFFFFFF60];
	[tilespmem:v24+s28+$0x0] =	vst.idx.msk $0xffff, v23;
	v23 =	vmul.f32 $8.000000000e+00, v30  }
.Ltmp6:
0x107: {  	v31 =	vadd.s32 v1, v17;
	v26 =	vld [tilespmem:s24+$0xFFFFFFA0];
	v24 =	vmul.f32 $8.000000000e+00, v28;
	[tilespmem:v32+s28+$0x0] =	vst.idx.msk $0xffff, v21;
	(pc) =	sbr.rel @p0 .LBB2_14-.Ltmp6, $4  }
0x108: {  	v29 =	vadd.s32 v1, v34;
	v28 =	vmul.f32 $8.000000000e+00, v33;
	v25 =	vld [tilespmem:s20+$0xFFFFFF80];
	[tilespmem:v36+s28+$0x0] =	vst.idx.msk $0xffff, v23  }
0x109: {  	v21 =	vmov s6;
	v23 =	vadd.s32 v1, v39;
	[tilespmem:v27+s28+$0x0] =	vst.idx.msk $0xffff, v24;
	v24 =	vld [tilespmem:s20+$0xFFFFFFC0];
	v36 =	vmul.f32 $8.000000000e+00, v37  }
0x10a: {  	s15 =	sadd.s32 $0x3, s6;
	v21 =	vand.u32 $0x7C, v21;
	v33 =	vmul.f32 $8.000000000e+00, v38;
	[tilespmem:v40+s28+$0x0] =	vst.idx.msk $0xffff, v28;
	v27 =	vld [tilespmem:s20+$0xFFFFFF40];
	v28 =	vadd.s32 v3, v19;
	v19 =	vmovc v34;
	s20 =	smov.u32 s24;
	s24 =	sadd.s32 $0x100, s24  }
0x10b: {  	v35 =	vmov s15;
	v30 =	vadd.s32 v3, v18;
	v18 =	vmovc v39;
	s6 =	sadd.s32 $0x4, s6;
	v32 =	vld [tilespmem:s24+$0xFFFFFFD0];
	v34 =	vmul.f32 $8.000000000e+00, v41;
	[tilespmem:v42+s28+$0x0] =	vst.idx.msk $0xffff, v36  }
0x10c: {  	s6 =	sadd.s32 $0x1, s12  }
0x10d: {  	v35 =	vand.u32 $0x7F, v35;
	s25 =	sadd.s32 $0x2, s12;
	v37 =	vld [tilespmem:s24+$0xFFFFFF50];
	v36 =	vmov s6  }
0x10e: {  	v40 =	vld [tilespmem:s24+$0xFFFFFF90];
	v38 =	vadd.s32 v0, v35;
	v39 =	vmov s25;
	v36 =	vand.u32 $0x7D, v36  }
0x10f: {  	v41 =	vld [tilespmem:s24+$0xFFFFFF10];
	v39 =	vand.u32 $0x7E, v39;
	v42 =	vadd.s32 v0, v36  }
0x110: {  	v43 =	vadd.s32 v0, v39  }
0x111: {  	[tilespmem:v31+s28+$0x0] =	vst.idx.msk $0xffff, v33;
	v62 =	vadd.s32 v0, v21;
	v32 =	vmul.f32 $8.000000000e+00, v32  }
0x112: {  	[tilespmem:v29+s28+$0x0] =	vst.idx.msk $0xffff, v34;
	v63 =	vmul.f32 $8.000000000e+00, v37  }
0x113: {  	v37 =	vmul.f32 $8.000000000e+00, v40;
	[tilespmem:v38+s28+$0x0] =	vst.idx.msk $0xffff, v32  }
0x114: {  	v38 =	vmul.f32 $8.000000000e+00, v41;
	v40 =	vld [tilespmem:s24+$0xFFFFFFE0];
	[tilespmem:v42+s28+$0x0] =	vst.idx.msk $0xffff, v63  }
0x115: {  	v26 =	vmul.f32 $8.000000000e+00, v26;
	v22 =	vadd.s32 v3, v22;
	[tilespmem:v43+s28+$0x0] =	vst.idx.msk $0xffff, v37;
	v41 =	vld [tilespmem:s24+$0xFFFFFF60]  }
0x116: {  	v25 =	vmul.f32 $8.000000000e+00, v25;
	[tilespmem:v62+s28+$0x0] =	vst.idx.msk $0xffff, v38;
	v42 =	vadd.s32 v1, v35;
	v32 =	vld [tilespmem:s24+$0xFFFFFFA0]  }
0x117: {  	[tilespmem:v23+s28+$0x0] =	vst.idx.msk $0xffff, v26;
	v23 =	vmul.f32 $8.000000000e+00, v24;
	v26 =	vadd.s32 v1, v36;
	v24 =	vld [tilespmem:s24+$0xFFFFFF20]  }
0x118: {  	v27 =	vmul.f32 $8.000000000e+00, v27;
	[tilespmem:v28+s28+$0x0] =	vst.idx.msk $0xffff, v25;
	v25 =	vadd.s32 v1, v39;
	v43 =	vld [tilespmem:s20+$0xFFFFFFF0]  }
0x119: {  	v44 =	vld [tilespmem:s20+$0xFFFFFF70];
	[tilespmem:v30+s28+$0x0] =	vst.idx.msk $0xffff, v23;
	v23 =	vadd.s32 v1, v21;
	v29 =	vmul.f32 $8.000000000e+00, v40  }
0x11a: {  	v45 =	vadd.s32 v2, v20;
	v46 =	vld [tilespmem:s20+$0xFFFFFFB0];
	[tilespmem:v22+s28+$0x0] =	vst.idx.msk $0xffff, v27;
	v22 =	vmul.f32 $8.000000000e+00, v41  }
0x11b: {  	v47 =	vadd.s32 v2, v19;
	v27 =	vld [tilespmem:s20+$0xFFFFFF30];
	[tilespmem:v42+s28+$0x0] =	vst.idx.msk $0xffff, v29;
	v48 =	vmul.f32 $8.000000000e+00, v32  }
0x11c: {  	v49 =	vadd.s32 v2, v18;
	v24 =	vmul.f32 $8.000000000e+00, v24;
	v50 =	vld [tilespmem:s24+$0xFFFFFFF0];
	[tilespmem:v26+s28+$0x0] =	vst.idx.msk $0xffff, v22  }
0x11d: {  	v22 =	vmul.f32 $8.000000000e+00, v43;
	v26 =	vadd.s32 v2, v17;
	[tilespmem:v25+s28+$0x0] =	vst.idx.msk $0xffff, v48;
	v25 =	vld [tilespmem:s24+$0xFFFFFF70]  }
0x11e: {  	v28 =	vmul.f32 $8.000000000e+00, v44;
	[tilespmem:v23+s28+$0x0] =	vst.idx.msk $0xffff, v24;
	v23 =	vadd.s32 v2, v35;
	v24 =	vld [tilespmem:s24+$0xFFFFFFB0]  }
0x11f: {  	v52 =	vadd.s32 v2, v36;
	v51 =	vld [tilespmem:s24+$0xFFFFFF30];
	[tilespmem:v45+s28+$0x0] =	vst.idx.msk $0xffff, v22;
	v22 =	vmul.f32 $8.000000000e+00, v46  }
0x120: {  	v54 =	vadd.s32 v2, v39;
	[tilespmem:v47+s28+$0x0] =	vst.idx.msk $0xffff, v28;
	v27 =	vmul.f32 $8.000000000e+00, v27;
	v53 =	vld [tilespmem:s20+$0x0]  }
0x121: {  	v55 =	vadd.s32 v2, v21;
	v34 =	vld [tilespmem:s20+$0xFFFFFF80];
	[tilespmem:v49+s28+$0x0] =	vst.idx.msk $0xffff, v22;
	v22 =	vmul.f32 $8.000000000e+00, v50  }
0x122: {  	v20 =	vadd.s32 v3, v20;
	[tilespmem:v26+s28+$0x0] =	vst.idx.msk $0xffff, v27;
	v26 =	vld [tilespmem:s20+$0xFFFFFFC0];
	v25 =	vmul.f32 $8.000000000e+00, v25  }
0x123: {  	v19 =	vadd.s32 v3, v19;
	v27 =	vld [tilespmem:s20+$0xFFFFFF40];
	[tilespmem:v23+s28+$0x0] =	vst.idx.msk $0xffff, v22;
	v22 =	vmul.f32 $8.000000000e+00, v24  }
0x124: {  	v18 =	vadd.s32 v3, v18;
	v24 =	vmul.f32 $8.000000000e+00, v51;
	v23 =	vld [tilespmem:s24+$0x0];
	[tilespmem:v52+s28+$0x0] =	vst.idx.msk $0xffff, v25  }
0x125: {  	v17 =	vadd.s32 v3, v17;
	v25 =	vmul.f32 $8.000000000e+00, v53;
	[tilespmem:v54+s28+$0x0] =	vst.idx.msk $0xffff, v22;
	v56 =	vld [tilespmem:s24+$0xFFFFFF80]  }
0x126: {  	v57 =	vadd.s32 v3, v35;
	v22 =	vmul.f32 $8.000000000e+00, v34;
	[tilespmem:v55+s28+$0x0] =	vst.idx.msk $0xffff, v24;
	v24 =	vld [tilespmem:s24+$0xFFFFFFC0]  }
0x127: {  	[tilespmem:v20+s28+$0x0] =	vst.idx.msk $0xffff, v25;
	v20 =	vmul.f32 $8.000000000e+00, v26;
	v25 =	vld [tilespmem:s24+$0xFFFFFF40];
	v26 =	vadd.s32 v3, v36  }
0x128: {  	[tilespmem:v19+s28+$0x0] =	vst.idx.msk $0xffff, v22;
	v19 =	vadd.s32 v3, v39;
	v27 =	vmul.f32 $8.000000000e+00, v27  }
0x129: {  	[tilespmem:v18+s28+$0x0] =	vst.idx.msk $0xffff, v20;
	v18 =	vmul.f32 $8.000000000e+00, v23;
	v20 =	vadd.s32 v3, v21  }
0x12a: {  	[tilespmem:v17+s28+$0x0] =	vst.idx.msk $0xffff, v27;
	v17 =	vmul.f32 $8.000000000e+00, v56  }
0x12b: {  	[tilespmem:v57+s28+$0x0] =	vst.idx.msk $0xffff, v18;
	v18 =	vmul.f32 $8.000000000e+00, v24  }
0x12c: {  	v21 =	vmul.f32 $8.000000000e+00, v25;
	[tilespmem:v26+s28+$0x0] =	vst.idx.msk $0xffff, v17  }
0x12d: {  	[tilespmem:v19+s28+$0x0] =	vst.idx.msk $0xffff, v18  }
0x12e: {  	s30 =	simm.s32 $0xC400;
	[tilespmem:v20+s28+$0x0] =	vst.idx.msk $0xffff, v21  }
0x12f: {  	v17 =	vld [tilespmem:s30+$0xC0];
	_ =	sdelay $0x1  }
0x130: {  	v18 =	vadd.s32 v4, v15;
	_ =	sdelay $0x1  }
0x131: {  	v19 =	vld [tilespmem:s30+$0x40]  }
0x132: {  	v20 =	vld [tilespmem:s30+$0x80];
	v17 =	vmul.f32 $8.000000000e+00, v17  }
0x133: {  	v22 =	vadd.s32 v4, v14;
	v21 =	vld [tilespmem:s30+$0x0]  }
0x134: {  	v23 =	vadd.s32 v4, v13;
	[tilespmem:v18+s28+$0x0] =	vst.idx.msk $0xffff, v17  }
0x135: {  	v17 =	vadd.s32 v4, v12;
	v18 =	vld [tilespmem:s30+$0xD0]  }
0x136: {  	v19 =	vmul.f32 $8.000000000e+00, v19  }
0x137: {  	v24 =	vadd.s32 v5, v15;
	v20 =	vmul.f32 $8.000000000e+00, v20  }
0x138: {  	v21 =	vmul.f32 $8.000000000e+00, v21;
	[tilespmem:v22+s28+$0x0] =	vst.idx.msk $0xffff, v19  }
0x139: {  	[tilespmem:v23+s28+$0x0] =	vst.idx.msk $0xffff, v20;
	v19 =	vld [tilespmem:s30+$0x50]  }
0x13a: {  	[tilespmem:v17+s28+$0x0] =	vst.idx.msk $0xffff, v21;
	v17 =	vld [tilespmem:s30+$0x90];
	v18 =	vmul.f32 $8.000000000e+00, v18  }
0x13b: {  	s20 =	simm.s32 $0xC500;
	v21 =	vadd.s32 v5, v14;
	v20 =	vld [tilespmem:s30+$0x10]  }
0x13c: {  	v22 =	vadd.s32 v5, v13;
	[tilespmem:v24+s28+$0x0] =	vst.idx.msk $0xffff, v18;
	v18 =	vld [tilespmem:s20+$0xC0]  }
0x13d: {  	v23 =	vadd.s32 v5, v12;
	v24 =	vld [tilespmem:s30+$0xE0]  }
0x13e: {  	v26 =	vadd.s32 v4, v9;
	v25 =	vld [tilespmem:s20+$0x0];
	v19 =	vmul.f32 $8.000000000e+00, v19  }
0x13f: {  	v58 =	vadd.s32 v6, v15;
	v27 =	vld [tilespmem:s20+$0x40];
	v17 =	vmul.f32 $8.000000000e+00, v17  }
0x140: {  	[tilespmem:v21+s28+$0x0] =	vst.idx.msk $0xffff, v19;
	v19 =	vadd.s32 v4, v8;
	v21 =	vld [tilespmem:s20+$0x80];
	v20 =	vmul.f32 $8.000000000e+00, v20  }
0x141: {  	[tilespmem:v22+s28+$0x0] =	vst.idx.msk $0xffff, v17;
	v17 =	vadd.s32 v4, v10;
	v22 =	vld [tilespmem:s30+$0x60];
	v18 =	vmul.f32 $8.000000000e+00, v18  }
0x142: {  	[tilespmem:v23+s28+$0x0] =	vst.idx.msk $0xffff, v20;
	v20 =	vadd.s32 v4, v11;
	v23 =	vld [tilespmem:s30+$0xA0];
	v24 =	vmul.f32 $8.000000000e+00, v24  }
0x143: {  	v25 =	vmul.f32 $8.000000000e+00, v25;
	[tilespmem:v26+s28+$0x0] =	vst.idx.msk $0xffff, v18;
	v18 =	vld [tilespmem:s30+$0x20];
	v26 =	vadd.s32 v6, v14  }
0x144: {  	v60 =	vadd.s32 v6, v13;
	v27 =	vmul.f32 $8.000000000e+00, v27;
	v59 =	vld [tilespmem:s20+$0xD0];
	[tilespmem:v58+s28+$0x0] =	vst.idx.msk $0xffff, v24  }
0x145: {  	[tilespmem:v19+s28+$0x0] =	vst.idx.msk $0xffff, v25;
	v19 =	vmul.f32 $8.000000000e+00, v21;
	v24 =	vadd.s32 v6, v12;
	v25 =	vld [tilespmem:s30+$0xF0]  }
0x146: {  	v61 =	vld [tilespmem:s20+$0x10];
	[tilespmem:v17+s28+$0x0] =	vst.idx.msk $0xffff, v27;
	v27 =	vadd.s32 v5, v9;
	v17 =	vmul.f32 $8.000000000e+00, v22  }
0x147: {  	v62 =	vadd.s32 v7, v15;
	v31 =	vld [tilespmem:s20+$0x50];
	[tilespmem:v20+s28+$0x0] =	vst.idx.msk $0xffff, v19;
	v21 =	vmul.f32 $8.000000000e+00, v23  }
0x148: {  	v22 =	vadd.s32 v5, v8;
	v20 =	vld [tilespmem:s20+$0x90];
	v15 =	vmul.f32 $8.000000000e+00, v18;
	[tilespmem:v26+s28+$0x0] =	vst.idx.msk $0xffff, v17  }
0x149: {  	[tilespmem:v60+s28+$0x0] =	vst.idx.msk $0xffff, v21;
	v21 =	vadd.s32 v5, v10;
	v23 =	vmul.f32 $8.000000000e+00, v59;
	v19 =	vld [tilespmem:s30+$0x70]  }
0x14a: {  	v17 =	vadd.s32 v5, v11;
	v18 =	vld [tilespmem:s30+$0xB0];
	[tilespmem:v24+s28+$0x0] =	vst.idx.msk $0xffff, v15;
	v63 =	vmul.f32 $8.000000000e+00, v25  }
0x14b: {  	s6 =	simm.s32 $0xC600;
	v14 =	vadd.s32 v7, v14;
	v15 =	vand.u32 $0x7C, v16;
	v24 =	vmul.f32 $8.000000000e+00, v61;
	[tilespmem:v27+s28+$0x0] =	vst.idx.msk $0xffff, v23;
	v16 =	vld [tilespmem:s30+$0x30]  }
0x14c: {  	s12 =	simm.s32 $0xC;
	v13 =	vadd.s32 v7, v13;
	v26 =	vmov s18;
	v23 =	vld [tilespmem:s6+$0xC0];
	v25 =	vmul.f32 $8.000000000e+00, v31;
	[tilespmem:v62+s28+$0x0] =	vst.idx.msk $0xffff, v63  }
.LBB2_16:
0x14d: {  	p0 =	slt.u32 s12, $0x7C;
	s15 =	sadd.s32 $0x1, s14;
	v26 =	vand.u32 $0x7F, v26;
	[tilespmem:v22+s28+$0x0] =	vst.idx.msk $0xffff, v24;
	v20 =	vmul.f32 $8.000000000e+00, v20;
	v22 =	vld [tilespmem:s20+$0xE0];
	v24 =	vadd.s32 v7, v12;
	v12 =	vmovc v8  }
0x14e: {  	v8 =	vmovc v15;
	v27 =	vld [tilespmem:s6+$0x0];
	v28 =	vmov s15;
	s15 =	sadd.s32 $0x2, s14;
	v29 =	vadd.s32 v4, v26;
	[tilespmem:v21+s28+$0x0] =	vst.idx.msk $0xffff, v25;
	v19 =	vmul.f32 $8.000000000e+00, v19;
	s14 =	smov.u32 s12  }
0x14f: {  	v15 =	vld [tilespmem:s6+$0x40];
	v21 =	vmov s15;
	[tilespmem:v17+s28+$0x0] =	vst.idx.msk $0xffff, v20;
	v17 =	vadd.s32 v6, v9;
	v18 =	vmul.f32 $8.000000000e+00, v18  }
0x150: {  	v20 =	vadd.s32 v4, v8;
	v25 =	vand.u32 $0x7D, v28;
	v28 =	vld [tilespmem:s6+$0x80];
	v16 =	vmul.f32 $8.000000000e+00, v16;
	[tilespmem:v14+s28+$0x0] =	vst.idx.msk $0xffff, v19  }
0x151: {  	v14 =	vadd.s32 v4, v25;
	v30 =	vand.u32 $0x7E, v21;
	v19 =	vmul.f32 $8.000000000e+00, v23;
	v21 =	vld [tilespmem:s20+$0x60];
	[tilespmem:v13+s28+$0x0] =	vst.idx.msk $0xffff, v18  }
0x152: {  	v13 =	vadd.s32 v4, v30;
	v18 =	vld [tilespmem:s20+$0xA0];
	v22 =	vmul.f32 $8.000000000e+00, v22;
	[tilespmem:v24+s28+$0x0] =	vst.idx.msk $0xffff, v16  }
0x153: {  	v23 =	vadd.s32 v6, v10;
	v16 =	vmul.f32 $8.000000000e+00, v27;
	[tilespmem:v29+s28+$0x0] =	vst.idx.msk $0xffff, v19;
	v19 =	vld [tilespmem:s20+$0x20]  }
0x154: {  	v27 =	vadd.s32 v6, v11;
	v15 =	vmul.f32 $8.000000000e+00, v15;
	v24 =	vld [tilespmem:s6+$0xD0];
	[tilespmem:v17+s28+$0x0] =	vst.idx.msk $0xffff, v22  }
0x155: {  	[tilespmem:v20+s28+$0x0] =	vst.idx.msk $0xffff, v16;
	v16 =	vmul.f32 $8.000000000e+00, v28;
	v28 =	vadd.s32 v6, v12;
	v29 =	vld [tilespmem:s20+$0xF0]  }
0x156: {  	v31 =	vld [tilespmem:s6+$0x10];
	[tilespmem:v14+s28+$0x0] =	vst.idx.msk $0xffff, v15;
	v14 =	vadd.s32 v5, v26;
	v15 =	vmul.f32 $8.000000000e+00, v21  }
0x157: {  	v33 =	vadd.s32 v7, v9;
	v9 =	vmov v26;
	v32 =	vld [tilespmem:s6+$0x50];
	[tilespmem:v13+s28+$0x0] =	vst.idx.msk $0xffff, v16;
	v13 =	vmul.f32 $8.000000000e+00, v18  }
.Ltmp7:
0x158: {  	v22 =	vadd.s32 v5, v8;
	v20 =	vld [tilespmem:s6+$0x90];
	v16 =	vmul.f32 $8.000000000e+00, v19;
	[tilespmem:v23+s28+$0x0] =	vst.idx.msk $0xffff, v15;
	(pc) =	sbr.rel @p0 .LBB2_16-.Ltmp7, $4  }
0x159: {  	v21 =	vadd.s32 v5, v25;
	v23 =	vmul.f32 $8.000000000e+00, v24;
	v19 =	vld [tilespmem:s20+$0x70];
	[tilespmem:v27+s28+$0x0] =	vst.idx.msk $0xffff, v13  }
0x15a: {  	v17 =	vadd.s32 v5, v30;
	v13 =	vmov s12;
	[tilespmem:v28+s28+$0x0] =	vst.idx.msk $0xffff, v16;
	v18 =	vld [tilespmem:s20+$0xB0];
	v27 =	vmul.f32 $8.000000000e+00, v29  }
0x15b: {  	s15 =	sadd.s32 $0x3, s12;
	v15 =	vand.u32 $0x7C, v13;
	v24 =	vmul.f32 $8.000000000e+00, v31;
	[tilespmem:v14+s28+$0x0] =	vst.idx.msk $0xffff, v23;
	v16 =	vld [tilespmem:s20+$0x30];
	v14 =	vadd.s32 v7, v10;
	v10 =	vmovc v25;
	s20 =	smov.u32 s6;
	s6 =	sadd.s32 $0x100, s6  }
0x15c: {  	v26 =	vmov s15;
	s12 =	sadd.s32 $0x4, s12;
	v13 =	vadd.s32 v7, v11;
	v11 =	vmovc v30;
	v23 =	vld [tilespmem:s6+$0xC0];
	v25 =	vmul.f32 $8.000000000e+00, v32;
	[tilespmem:v33+s28+$0x0] =	vst.idx.msk $0xffff, v27  }
0x15d: {  	s12 =	sadd.s32 $0x1, s14;
	v26 =	vand.u32 $0x7F, v26;
	v32 =	vld [tilespmem:s6+$0x0]  }
0x15e: {  	s30 =	sadd.s32 $0x2, s14;
	v28 =	vld [tilespmem:s6+$0x40];
	v27 =	vmov s12;
	v29 =	vadd.s32 v4, v26  }
0x15f: {  	v31 =	vld [tilespmem:s6+$0x80];
	v43 =	vadd.s32 v4, v15;
	v30 =	vmov s30;
	v27 =	vand.u32 $0x7D, v27  }
0x160: {  	v30 =	vand.u32 $0x7E, v30;
	v33 =	vadd.s32 v4, v27  }
0x161: {  	[tilespmem:v22+s28+$0x0] =	vst.idx.msk $0xffff, v24;
	v34 =	vadd.s32 v4, v30;
	v23 =	vmul.f32 $8.000000000e+00, v23  }
0x162: {  	[tilespmem:v21+s28+$0x0] =	vst.idx.msk $0xffff, v25;
	v46 =	vmul.f32 $8.000000000e+00, v32  }
0x163: {  	v44 =	vmul.f32 $8.000000000e+00, v28;
	[tilespmem:v29+s28+$0x0] =	vst.idx.msk $0xffff, v23  }
0x164: {  	v45 =	vmul.f32 $8.000000000e+00, v31;
	v47 =	vld [tilespmem:s6+$0xD0];
	[tilespmem:v43+s28+$0x0] =	vst.idx.msk $0xffff, v46  }
0x165: {  	v20 =	vmul.f32 $8.000000000e+00, v20;
	v12 =	vadd.s32 v7, v12;
	[tilespmem:v33+s28+$0x0] =	vst.idx.msk $0xffff, v44;
	v51 =	vld [tilespmem:s6+$0x10]  }
0x166: {  	v19 =	vmul.f32 $8.000000000e+00, v19;
	v49 =	vadd.s32 v5, v26;
	[tilespmem:v34+s28+$0x0] =	vst.idx.msk $0xffff, v45;
	v48 =	vld [tilespmem:s6+$0x50]  }
0x167: {  	v56 =	vadd.s32 v5, v15;
	[tilespmem:v17+s28+$0x0] =	vst.idx.msk $0xffff, v20;
	v50 =	vmul.f32 $8.000000000e+00, v18;
	v23 =	vld [tilespmem:s6+$0x90]  }
0x168: {  	v53 =	vld [tilespmem:s20+$0xE0];
	v52 =	vadd.s32 v5, v27;
	v16 =	vmul.f32 $8.000000000e+00, v16;
	[tilespmem:v14+s28+$0x0] =	vst.idx.msk $0xffff, v19  }
0x169: {  	v55 =	vld [tilespmem:s20+$0x60];
	v54 =	vadd.s32 v5, v30;
	[tilespmem:v13+s28+$0x0] =	vst.idx.msk $0xffff, v50;
	v57 =	vmul.f32 $8.000000000e+00, v47  }
0x16a: {  	v58 =	vadd.s32 v6, v9;
	v59 =	vld [tilespmem:s20+$0xA0];
	[tilespmem:v12+s28+$0x0] =	vst.idx.msk $0xffff, v16;
	v18 =	vmul.f32 $8.000000000e+00, v51  }
0x16b: {  	v62 =	vadd.s32 v6, v10;
	v61 =	vld [tilespmem:s20+$0x20];
	v60 =	vmul.f32 $8.000000000e+00, v48;
	[tilespmem:v49+s28+$0x0] =	vst.idx.msk $0xffff, v57  }
0x16c: {  	v29 =	vadd.s32 v6, v11;
	v63 =	vmul.f32 $8.000000000e+00, v23;
	v31 =	vld [tilespmem:s6+$0xE0];
	[tilespmem:v56+s28+$0x0] =	vst.idx.msk $0xffff, v18  }
0x16d: {  	v32 =	vmul.f32 $8.000000000e+00, v53;
	v33 =	vadd.s32 v6, v8;
	[tilespmem:v52+s28+$0x0] =	vst.idx.msk $0xffff, v60;
	v39 =	vld [tilespmem:s6+$0x20]  }
0x16e: {  	v36 =	vadd.s32 v6, v26;
	v35 =	vmul.f32 $8.000000000e+00, v55;
	[tilespmem:v54+s28+$0x0] =	vst.idx.msk $0xffff, v63;
	v34 =	vld [tilespmem:s6+$0x60]  }
0x16f: {  	[tilespmem:v58+s28+$0x0] =	vst.idx.msk $0xffff, v32;
	v38 =	vmul.f32 $8.000000000e+00, v59;
	v44 =	vadd.s32 v6, v15;
	v37 =	vld [tilespmem:s6+$0xA0]  }
0x170: {  	v40 =	vadd.s32 v6, v27;
	v16 =	vmul.f32 $8.000000000e+00, v61;
	v41 =	vld [tilespmem:s20+$0xF0];
	[tilespmem:v62+s28+$0x0] =	vst.idx.msk $0xffff, v35  }
0x171: {  	v42 =	vadd.s32 v6, v30;
	v25 =	vld [tilespmem:s20+$0x70];
	[tilespmem:v29+s28+$0x0] =	vst.idx.msk $0xffff, v38;
	v43 =	vmul.f32 $8.000000000e+00, v31  }
0x172: {  	v45 =	vadd.s32 v7, v9;
	v46 =	vld [tilespmem:s20+$0xB0];
	[tilespmem:v33+s28+$0x0] =	vst.idx.msk $0xffff, v16;
	v50 =	vmul.f32 $8.000000000e+00, v39  }
0x173: {  	v47 =	vadd.s32 v7, v10;
	v20 =	vld [tilespmem:s20+$0x30];
	v14 =	vmul.f32 $8.000000000e+00, v34;
	[tilespmem:v36+s28+$0x0] =	vst.idx.msk $0xffff, v43  }
0x174: {  	v49 =	vadd.s32 v7, v11;
	v48 =	vmul.f32 $8.000000000e+00, v37;
	v13 =	vld [tilespmem:s6+$0xF0];
	[tilespmem:v44+s28+$0x0] =	vst.idx.msk $0xffff, v50  }
0x175: {  	v8 =	vadd.s32 v7, v8;
	v51 =	vmul.f32 $8.000000000e+00, v41;
	[tilespmem:v40+s28+$0x0] =	vst.idx.msk $0xffff, v14;
	v57 =	vld [tilespmem:s6+$0x30]  }
0x176: {  	v53 =	vmul.f32 $8.000000000e+00, v25;
	v54 =	vadd.s32 v7, v26;
	[tilespmem:v42+s28+$0x0] =	vst.idx.msk $0xffff, v48;
	v52 =	vld [tilespmem:s6+$0x70]  }
0x177: {  	v61 =	vadd.s32 v7, v15;
	[tilespmem:v45+s28+$0x0] =	vst.idx.msk $0xffff, v51;
	v56 =	vmul.f32 $8.000000000e+00, v46;
	v55 =	vld [tilespmem:s6+$0xB0]  }
0x178: {  	v58 =	vadd.s32 v7, v27;
	[tilespmem:v47+s28+$0x0] =	vst.idx.msk $0xffff, v53;
	v20 =	vmul.f32 $8.000000000e+00, v20  }
0x179: {  	v59 =	vadd.s32 v7, v30;
	[tilespmem:v49+s28+$0x0] =	vst.idx.msk $0xffff, v56;
	v60 =	vmul.f32 $8.000000000e+00, v13  }
0x17a: {  	[tilespmem:v8+s28+$0x0] =	vst.idx.msk $0xffff, v20;
	v63 =	vmul.f32 $8.000000000e+00, v57  }
0x17b: {  	v8 =	vmul.f32 $8.000000000e+00, v52;
	[tilespmem:v54+s28+$0x0] =	vst.idx.msk $0xffff, v60  }
0x17c: {  	v62 =	vmul.f32 $8.000000000e+00, v55;
	[tilespmem:v61+s28+$0x0] =	vst.idx.msk $0xffff, v63  }
0x17d: {  	s15 =	sadd.s32 $0x0, s7;
	[tilespmem:v58+s28+$0x0] =	vst.idx.msk $0xffff, v8  }
0x17e: {  	s14 =	simm.s32 $0x12888;
	s12 =	simm.s32 $0x200;
	s6 =	simm.s32 $0x12800;
	[tilespmem:v59+s28+$0x0] =	vst.idx.msk $0xffff, v62  }
.LBB2_18:
0x17f: {  	[hbm4b:s15+s2] =	stream.linear.scatter [tilespmem:s6], [sflag:$0x4], $0x80, $0x38;
	[tilespmem:$0x16C00] =	vst v63  }
0x180: {  	s15 =	smov.u32 s12;
	s6 =	smov.u32 s14;
	p0 =	sne.s32 s12, $0xFE00  }
.Ltmp8:
0x181: {  	s12 =	sadd.s32 $0x200, s12;
	(pc) =	sbr.rel @p0 .LBB2_18-.Ltmp8, $2  }
0x182: {  	_ =	sdelay $0x2  }
0x183: {  	s14 =	sadd.s32 $0x88, s14;
	s15 =	sadd.s32 s15, s7  }
0x184: {  	[hbm4b:s15+s2] =	stream.linear.scatter [tilespmem:s6], [sflag:$0x4], $0x80, $0x38;
	[tilespmem:$0x16C00] =	vst v63  }
0x185: {  	s1 =	simm.s32 $0x300  }
0x186: {  	[tilespmem:s19], [sflag:$0x2] =	stream.indirect.gather [hbm4b:s4+s13], $0x40, s1, s13, $0xb8;
	[tilespmem:$0x16C00] =	vst v63  }
0x187: {  	s30 =	simm.s32 $0x380;
	s14 =	simm.s32 $0x0;
	s18 =	simm.s32 $0x0  }
0x188: {  	[tilespmem:s21], [sflag:$0x2] =	stream.indirect.gather [hbm4b:s4+s13], $0x40, s30, s13, $0xb8;
	[tilespmem:$0x16C00] =	vst v63  }
.LBB2_20:
0x189: {  	_ =	swait.ge [sflag:s22], $0x2000  }
0x18a: {  	[sflag:s22] =	ssyncset.done $0x0  }
0x18b: {  	[sflag:s22] =	ssyncadd.s32 $0xFFFFE000  }
0x18c: {  	_ =	swait.ge [sflag:s22], $0x2000  }
0x18d: {  	[sflag:s22] =	ssyncset.done $0x0  }
0x18e: {  	[sflag:s22] =	ssyncadd.s32 $0xFFFFE000  }
0x18f: {  	_ =	swait.ge [sflag:s31], $0x4000  }
0x190: {  	[sflag:s31] =	ssyncset.done $0x0  }
0x191: {  	s12 =	simm.s32 $0x6480;
	s6 =	simm.s32 $0x3;
	[sflag:s31] =	ssyncadd.s32 $0xFFFFC000  }
0x192: {  	v8 =	vmov s6;
	v9 =	vld [tilespmem:s12+$0x40]  }
0x193: {  	v13 =	vand.u32 $0x7F, v8  }
0x194: {  	v8 =	vadd.s32 v0, v13  }
0x195: {  	v10 =	vmov s14;
	s25 =	simm.s32 $0x1;
	s15 =	simm.s32 $0x2;
	v11 =	vld [tilespmem:s12+$0xFFFFFF80]  }
0x196: {  	v12 =	vand.u32 $0x7C, v10;
	v10 =	vmov s25;
	v15 =	vmov s15;
	v14 =	vld [tilespmem:s12+$0xFFFFFFC0]  }
0x197: {  	v16 =	vadd.s32 v0, v12;
	v19 =	vand.u32 $0x7D, v10;
	v10 =	vld [tilespmem:s12+$0x0];
	v9 =	vmul.f32 $8.000000000e+00, v9  }
0x198: {  	v21 =	vand.u32 $0x7E, v15;
	v17 =	vadd.s32 v0, v19  }
0x199: {  	v15 =	vadd.s32 v0, v21;
	[tilespmem:v8+s23+$0x0] =	vst.idx.msk $0xffff, v9  }
0x19a: {  	v8 =	vmul.f32 $8.000000000e+00, v11;
	v9 =	vld [tilespmem:s12+$0x50]  }
0x19b: {  	v11 =	vmul.f32 $8.000000000e+00, v14  }
0x19c: {  	[tilespmem:v16+s23+$0x0] =	vst.idx.msk $0xffff, v8;
	v8 =	vmul.f32 $8.000000000e+00, v10;
	v10 =	vadd.s32 v1, v13  }
0x19d: {  	[tilespmem:v17+s23+$0x0] =	vst.idx.msk $0xffff, v11;
	v14 =	vld [tilespmem:s12+$0xFFFFFF90]  }
0x19e: {  	v11 =	vld [tilespmem:s12+$0xFFFFFFD0];
	[tilespmem:v15+s23+$0x0] =	vst.idx.msk $0xffff, v8  }
0x19f: {  	v15 =	vld [tilespmem:s12+$0x10];
	v8 =	vmul.f32 $8.000000000e+00, v9  }
0x1a0: {  	s30 =	simm.s32 $0x4;
	s1 =	simm.s32 $0x7;
	s20 =	simm.s32 $0x6580;
	v16 =	vadd.s32 v1, v19  }
0x1a1: {  	v18 =	vld [tilespmem:s20+$0x40];
	v17 =	vadd.s32 v1, v21;
	v9 =	vmov s30;
	[tilespmem:v10+s23+$0x0] =	vst.idx.msk $0xffff, v8;
	v10 =	vmov s1  }
0x1a2: {  	v20 =	vadd.s32 v1, v12;
	v8 =	vand.u32 $0x7C, v9;
	v9 =	vand.u32 $0x7F, v10;
	v22 =	vld [tilespmem:s12+$0x60]  }
0x1a3: {  	s24 =	simm.s32 $0x5;
	v26 =	vadd.s32 v2, v13;
	v23 =	vld [tilespmem:s20+$0xFFFFFF80];
	v10 =	vmul.f32 $8.000000000e+00, v11;
	v24 =	vadd.s32 v0, v9  }
0x1a4: {  	s25 =	simm.s32 $0x6;
	v25 =	vld [tilespmem:s20+$0xFFFFFFC0];
	v14 =	vmul.f32 $8.000000000e+00, v14;
	v11 =	vmul.f32 $8.000000000e+00, v15;
	v15 =	vmov s24  }
0x1a5: {  	v27 =	vadd.s32 v0, v8;
	[tilespmem:v16+s23+$0x0] =	vst.idx.msk $0xffff, v10;
	v16 =	vmov s25;
	v10 =	vand.u32 $0x7D, v15;
	v15 =	vld [tilespmem:s20+$0x0]  }
0x1a6: {  	[tilespmem:v17+s23+$0x0] =	vst.idx.msk $0xffff, v11;
	v17 =	vadd.s32 v0, v10;
	v11 =	vand.u32 $0x7E, v16;
	v16 =	vmul.f32 $8.000000000e+00, v18;
	v18 =	vld [tilespmem:s12+$0xFFFFFFE0]  }
0x1a7: {  	[tilespmem:v20+s23+$0x0] =	vst.idx.msk $0xffff, v14;
	v14 =	vadd.s32 v0, v11;
	v20 =	vld [tilespmem:s12+$0x20];
	v22 =	vmul.f32 $8.000000000e+00, v22  }
0x1a8: {  	v23 =	vmul.f32 $8.000000000e+00, v23;
	[tilespmem:v24+s23+$0x0] =	vst.idx.msk $0xffff, v16;
	v16 =	vld [tilespmem:s12+$0xFFFFFFA0];
	v24 =	vadd.s32 v2, v19  }
0x1a9: {  	v29 =	vadd.s32 v2, v21;
	v25 =	vmul.f32 $8.000000000e+00, v25;
	v28 =	vld [tilespmem:s20+$0x50];
	[tilespmem:v26+s23+$0x0] =	vst.idx.msk $0xffff, v22  }
0x1aa: {  	[tilespmem:v27+s23+$0x0] =	vst.idx.msk $0xffff, v23;
	v23 =	vadd.s32 v2, v12;
	v15 =	vmul.f32 $8.000000000e+00, v15;
	v26 =	vld [tilespmem:s12+$0x70]  }
0x1ab: {  	v27 =	vld [tilespmem:s20+$0xFFFFFF90];
	[tilespmem:v17+s23+$0x0] =	vst.idx.msk $0xffff, v25;
	v25 =	vadd.s32 v1, v9;
	v18 =	vmul.f32 $8.000000000e+00, v18  }
0x1ac: {  	v31 =	vadd.s32 v3, v13;
	v30 =	vld [tilespmem:s20+$0xFFFFFFD0];
	[tilespmem:v14+s23+$0x0] =	vst.idx.msk $0xffff, v15;
	v14 =	vmul.f32 $8.000000000e+00, v20  }
0x1ad: {  	v22 =	vadd.s32 v1, v8;
	v17 =	vld [tilespmem:s20+$0x10];
	v13 =	vmul.f32 $8.000000000e+00, v16;
	[tilespmem:v24+s23+$0x0] =	vst.idx.msk $0xffff, v18  }
0x1ae: {  	s24 =	simm.s32 $0x8;
	v20 =	vadd.s32 v1, v10;
	[tilespmem:v29+s23+$0x0] =	vst.idx.msk $0xffff, v14;
	v18 =	vmul.f32 $8.000000000e+00, v28;
	v16 =	vld [tilespmem:s12+$0xFFFFFFF0]  }
0x1af: {  	v24 =	vmov s24;
	v14 =	vadd.s32 v1, v11;
	v15 =	vld [tilespmem:s12+$0x30];
	[tilespmem:v23+s23+$0x0] =	vst.idx.msk $0xffff, v13;
	v63 =	vmul.f32 $8.000000000e+00, v26  }
0x1b0: {  	s6 =	simm.s32 $0x6680;
	s30 =	simm.s32 $0xB;
	v19 =	vadd.s32 v3, v19;
	v13 =	vand.u32 $0x7C, v24;
	v24 =	vmul.f32 $8.000000000e+00, v27;
	[tilespmem:v25+s23+$0x0] =	vst.idx.msk $0xffff, v18;
	v18 =	vld [tilespmem:s12+$0xFFFFFFB0]  }
0x1b1: {  	v21 =	vadd.s32 v3, v21;
	v26 =	vmov s30;
	v23 =	vld [tilespmem:s6+$0x40];
	s12 =	simm.s32 $0xC;
	v25 =	vmul.f32 $8.000000000e+00, v30;
	[tilespmem:v31+s23+$0x0] =	vst.idx.msk $0xffff, v63  }
.LBB2_21:
0x1b2: {  	p0 =	slt.u32 s12, $0x7C;
	s15 =	sadd.s32 $0x1, s24;
	v26 =	vand.u32 $0x7F, v26;
	[tilespmem:v22+s23+$0x0] =	vst.idx.msk $0xffff, v24;
	v17 =	vmul.f32 $8.000000000e+00, v17;
	v22 =	vld [tilespmem:s20+$0x60];
	v24 =	vadd.s32 v3, v12;
	v12 =	vmovc v8  }
0x1b3: {  	v8 =	vmovc v13;
	v27 =	vld [tilespmem:s6+$0xFFFFFF80];
	v28 =	vmov s15;
	s15 =	sadd.s32 $0x2, s24;
	v29 =	vadd.s32 v0, v26;
	[tilespmem:v20+s23+$0x0] =	vst.idx.msk $0xffff, v25;
	v16 =	vmul.f32 $8.000000000e+00, v16;
	s24 =	smov.u32 s12  }
0x1b4: {  	v13 =	vld [tilespmem:s6+$0xFFFFFFC0];
	v20 =	vmov s15;
	[tilespmem:v14+s23+$0x0] =	vst.idx.msk $0xffff, v17;
	v14 =	vadd.s32 v2, v9;
	v15 =	vmul.f32 $8.000000000e+00, v15  }
0x1b5: {  	v17 =	vadd.s32 v0, v8;
	v25 =	vand.u32 $0x7D, v28;
	v28 =	vld [tilespmem:s6+$0x0];
	v18 =	vmul.f32 $8.000000000e+00, v18;
	[tilespmem:v19+s23+$0x0] =	vst.idx.msk $0xffff, v16  }
0x1b6: {  	v16 =	vadd.s32 v0, v25;
	v30 =	vand.u32 $0x7E, v20;
	v19 =	vmul.f32 $8.000000000e+00, v23;
	v20 =	vld [tilespmem:s20+$0xFFFFFFE0];
	[tilespmem:v21+s23+$0x0] =	vst.idx.msk $0xffff, v15  }
0x1b7: {  	v15 =	vadd.s32 v0, v30;
	v21 =	vld [tilespmem:s20+$0x20];
	v22 =	vmul.f32 $8.000000000e+00, v22;
	[tilespmem:v24+s23+$0x0] =	vst.idx.msk $0xffff, v18  }
0x1b8: {  	v23 =	vadd.s32 v2, v10;
	v18 =	vmul.f32 $8.000000000e+00, v27;
	[tilespmem:v29+s23+$0x0] =	vst.idx.msk $0xffff, v19;
	v19 =	vld [tilespmem:s20+$0xFFFFFFA0]  }
0x1b9: {  	v27 =	vadd.s32 v2, v11;
	v13 =	vmul.f32 $8.000000000e+00, v13;
	v24 =	vld [tilespmem:s6+$0x50];
	[tilespmem:v14+s23+$0x0] =	vst.idx.msk $0xffff, v22  }
0x1ba: {  	[tilespmem:v17+s23+$0x0] =	vst.idx.msk $0xffff, v18;
	v14 =	vmul.f32 $8.000000000e+00, v28;
	v18 =	vadd.s32 v2, v12;
	v28 =	vld [tilespmem:s20+$0x70]  }
0x1bb: {  	v31 =	vadd.s32 v1, v26;
	v29 =	vld [tilespmem:s6+$0xFFFFFF90];
	[tilespmem:v16+s23+$0x0] =	vst.idx.msk $0xffff, v13;
	v13 =	vmul.f32 $8.000000000e+00, v20  }
0x1bc: {  	v33 =	vadd.s32 v3, v9;
	v9 =	vmov v26;
	v32 =	vld [tilespmem:s6+$0xFFFFFFD0];
	[tilespmem:v15+s23+$0x0] =	vst.idx.msk $0xffff, v14;
	v14 =	vmul.f32 $8.000000000e+00, v21  }
.Ltmp9:
0x1bd: {  	v22 =	vadd.s32 v1, v8;
	v17 =	vld [tilespmem:s6+$0x10];
	v15 =	vmul.f32 $8.000000000e+00, v19;
	[tilespmem:v23+s23+$0x0] =	vst.idx.msk $0xffff, v13;
	(pc) =	sbr.rel @p0 .LBB2_21-.Ltmp9, $4  }
0x1be: {  	v20 =	vadd.s32 v1, v25;
	v19 =	vmul.f32 $8.000000000e+00, v24;
	v16 =	vld [tilespmem:s20+$0xFFFFFFF0];
	[tilespmem:v27+s23+$0x0] =	vst.idx.msk $0xffff, v14  }
0x1bf: {  	v13 =	vmov s12;
	v14 =	vadd.s32 v1, v30;
	[tilespmem:v18+s23+$0x0] =	vst.idx.msk $0xffff, v15;
	v15 =	vld [tilespmem:s20+$0x30];
	v27 =	vmul.f32 $8.000000000e+00, v28  }
0x1c0: {  	s15 =	sadd.s32 $0x3, s12;
	v13 =	vand.u32 $0x7C, v13;
	v24 =	vmul.f32 $8.000000000e+00, v29;
	[tilespmem:v31+s23+$0x0] =	vst.idx.msk $0xffff, v19;
	v18 =	vld [tilespmem:s20+$0xFFFFFFB0];
	v19 =	vadd.s32 v3, v10;
	v10 =	vmovc v25;
	s20 =	smov.u32 s6;
	s6 =	sadd.s32 $0x100, s6  }
0x1c1: {  	v26 =	vmov s15;
	v21 =	vadd.s32 v3, v11;
	v11 =	vmovc v30;
	s12 =	sadd.s32 $0x4, s12;
	v23 =	vld [tilespmem:s6+$0x40];
	v25 =	vmul.f32 $8.000000000e+00, v32;
	[tilespmem:v33+s23+$0x0] =	vst.idx.msk $0xffff, v27  }
0x1c2: {  	s12 =	sadd.s32 $0x1, s24  }
0x1c3: {  	v26 =	vand.u32 $0x7F, v26;
	s25 =	sadd.s32 $0x2, s24;
	v28 =	vld [tilespmem:s6+$0xFFFFFFC0];
	v27 =	vmov s12  }
0x1c4: {  	v31 =	vld [tilespmem:s6+$0x0];
	v29 =	vadd.s32 v0, v26;
	v30 =	vmov s25;
	v27 =	vand.u32 $0x7D, v27  }
0x1c5: {  	v32 =	vld [tilespmem:s6+$0xFFFFFF80];
	v30 =	vand.u32 $0x7E, v30;
	v33 =	vadd.s32 v0, v27  }
0x1c6: {  	v34 =	vadd.s32 v0, v30  }
0x1c7: {  	[tilespmem:v22+s23+$0x0] =	vst.idx.msk $0xffff, v24;
	v37 =	vadd.s32 v0, v13;
	v23 =	vmul.f32 $8.000000000e+00, v23  }
0x1c8: {  	[tilespmem:v20+s23+$0x0] =	vst.idx.msk $0xffff, v25;
	v20 =	vmul.f32 $8.000000000e+00, v28  }
0x1c9: {  	v38 =	vmul.f32 $8.000000000e+00, v31;
	[tilespmem:v29+s23+$0x0] =	vst.idx.msk $0xffff, v23  }
0x1ca: {  	v39 =	vmul.f32 $8.000000000e+00, v32;
	[tilespmem:v33+s23+$0x0] =	vst.idx.msk $0xffff, v20;
	v20 =	vld [tilespmem:s6+$0x50]  }
0x1cb: {  	v17 =	vmul.f32 $8.000000000e+00, v17;
	v12 =	vadd.s32 v3, v12;
	[tilespmem:v34+s23+$0x0] =	vst.idx.msk $0xffff, v38;
	v40 =	vld [tilespmem:s6+$0xFFFFFFD0]  }
0x1cc: {  	v16 =	vmul.f32 $8.000000000e+00, v16;
	v41 =	vadd.s32 v1, v26;
	[tilespmem:v37+s23+$0x0] =	vst.idx.msk $0xffff, v39;
	v23 =	vld [tilespmem:s6+$0x10]  }
0x1cd: {  	[tilespmem:v14+s23+$0x0] =	vst.idx.msk $0xffff, v17;
	v42 =	vmul.f32 $8.000000000e+00, v15;
	v17 =	vadd.s32 v1, v27;
	v43 =	vld [tilespmem:s6+$0xFFFFFF90]  }
0x1ce: {  	v44 =	vld [tilespmem:s20+$0x60];
	v18 =	vmul.f32 $8.000000000e+00, v18;
	[tilespmem:v19+s23+$0x0] =	vst.idx.msk $0xffff, v16;
	v16 =	vadd.s32 v1, v30  }
0x1cf: {  	v45 =	vadd.s32 v1, v13;
	v19 =	vld [tilespmem:s20+$0xFFFFFFE0];
	[tilespmem:v21+s23+$0x0] =	vst.idx.msk $0xffff, v42;
	v20 =	vmul.f32 $8.000000000e+00, v20  }
0x1d0: {  	v46 =	vadd.s32 v2, v9;
	v28 =	vld [tilespmem:s20+$0x20];
	[tilespmem:v12+s23+$0x0] =	vst.idx.msk $0xffff, v18;
	v47 =	vmul.f32 $8.000000000e+00, v40  }
0x1d1: {  	v48 =	vadd.s32 v2, v10;
	v18 =	vld [tilespmem:s20+$0xFFFFFFA0];
	[tilespmem:v41+s23+$0x0] =	vst.idx.msk $0xffff, v20;
	v20 =	vmul.f32 $8.000000000e+00, v23  }
0x1d2: {  	v49 =	vadd.s32 v2, v11;
	v15 =	vmul.f32 $8.000000000e+00, v43;
	v50 =	vld [tilespmem:s6+$0x60];
	[tilespmem:v17+s23+$0x0] =	vst.idx.msk $0xffff, v47  }
0x1d3: {  	v51 =	vmul.f32 $8.000000000e+00, v44;
	v17 =	vadd.s32 v2, v8;
	[tilespmem:v16+s23+$0x0] =	vst.idx.msk $0xffff, v20;
	v16 =	vld [tilespmem:s6+$0xFFFFFFE0]  }
0x1d4: {  	v52 =	vadd.s32 v2, v26;
	v19 =	vmul.f32 $8.000000000e+00, v19;
	[tilespmem:v45+s23+$0x0] =	vst.idx.msk $0xffff, v15;
	v53 =	vld [tilespmem:s6+$0x20]  }
0x1d5: {  	v55 =	vadd.s32 v2, v27;
	[tilespmem:v46+s23+$0x0] =	vst.idx.msk $0xffff, v51;
	v54 =	vmul.f32 $8.000000000e+00, v28;
	v20 =	vld [tilespmem:s6+$0xFFFFFFA0]  }
0x1d6: {  	v56 =	vld [tilespmem:s20+$0x70];
	v18 =	vmul.f32 $8.000000000e+00, v18;
	[tilespmem:v48+s23+$0x0] =	vst.idx.msk $0xffff, v19;
	v19 =	vadd.s32 v2, v30  }
0x1d7: {  	v58 =	vadd.s32 v2, v13;
	v25 =	vld [tilespmem:s20+$0xFFFFFFF0];
	[tilespmem:v49+s23+$0x0] =	vst.idx.msk $0xffff, v54;
	v57 =	vmul.f32 $8.000000000e+00, v50  }
0x1d8: {  	v9 =	vadd.s32 v3, v9;
	[tilespmem:v17+s23+$0x0] =	vst.idx.msk $0xffff, v18;
	v17 =	vld [tilespmem:s20+$0x30];
	v16 =	vmul.f32 $8.000000000e+00, v16  }
0x1d9: {  	v10 =	vadd.s32 v3, v10;
	v18 =	vld [tilespmem:s20+$0xFFFFFFB0];
	[tilespmem:v52+s23+$0x0] =	vst.idx.msk $0xffff, v57;
	v59 =	vmul.f32 $8.000000000e+00, v53  }
0x1da: {  	v11 =	vadd.s32 v3, v11;
	v60 =	vmul.f32 $8.000000000e+00, v20;
	v14 =	vld [tilespmem:s6+$0x70];
	[tilespmem:v55+s23+$0x0] =	vst.idx.msk $0xffff, v16  }
0x1db: {  	v8 =	vadd.s32 v3, v8;
	v16 =	vmul.f32 $8.000000000e+00, v56;
	v20 =	vld [tilespmem:s6+$0xFFFFFFF0];
	[tilespmem:v19+s23+$0x0] =	vst.idx.msk $0xffff, v59  }
0x1dc: {  	v61 =	vmul.f32 $8.000000000e+00, v25;
	[tilespmem:v58+s23+$0x0] =	vst.idx.msk $0xffff, v60;
	v19 =	vadd.s32 v3, v26;
	v62 =	vld [tilespmem:s6+$0x30]  }
0x1dd: {  	[tilespmem:v9+s23+$0x0] =	vst.idx.msk $0xffff, v16;
	v9 =	vmul.f32 $8.000000000e+00, v17;
	v16 =	vld [tilespmem:s6+$0xFFFFFFB0];
	v17 =	vadd.s32 v3, v27  }
0x1de: {  	[tilespmem:v10+s23+$0x0] =	vst.idx.msk $0xffff, v61;
	v10 =	vadd.s32 v3, v30;
	v18 =	vmul.f32 $8.000000000e+00, v18  }
0x1df: {  	[tilespmem:v11+s23+$0x0] =	vst.idx.msk $0xffff, v9;
	v11 =	vadd.s32 v3, v13;
	v9 =	vmul.f32 $8.000000000e+00, v14  }
0x1e0: {  	p2 =	por $0x1, $0x1;
	[tilespmem:v8+s23+$0x0] =	vst.idx.msk $0xffff, v18;
	v8 =	vmul.f32 $8.000000000e+00, v20  }
.Ltmp10:
0x1e1: {  	[tilespmem:v19+s23+$0x0] =	vst.idx.msk $0xffff, v9;
	v9 =	vmul.f32 $8.000000000e+00, v62;
	(pc) =	sbr.rel @!p2 .LBB2_23-.Ltmp10, $4  }
0x1e2: {  	v63 =	vmul.f32 $8.000000000e+00, v16;
	[tilespmem:v17+s23+$0x0] =	vst.idx.msk $0xffff, v8  }
0x1e3: {  	s25 =	simm.s32 $0x0;
	[tilespmem:v10+s23+$0x0] =	vst.idx.msk $0xffff, v9  }
0x1e4: {  	s24 =	simm.s32 $0x84F0;
	s30 =	simm.s32 $0x3;
	v8 =	vmov s25;
	[tilespmem:v11+s23+$0x0] =	vst.idx.msk $0xffff, v63  }
0x1e5: {  	p0 =	por $0x0, $0x0;
	p1 =	por $0x0, $0x0;
	v30 =	vmov s30;
	s6 =	simm.s32 $0x4;
	v8 =	vand.u32 $0x7C, v8;
	v19 =	vld [tilespmem:s24+$0xFFFFFFD0]  }
0x1e6: {  	s12 =	simm.s32 $0x1;
	v11 =	vand.u32 $0x7F, v30;
	v10 =	vld [tilespmem:s24+$0xFFFFFF10]  }
0x1e7: {  	v13 =	vld [tilespmem:s24+$0xFFFFFF50];
	v9 =	vmov s12;
	v12 =	vadd.s32 v4, v11  }
0x1e8: {  	v14 =	vadd.s32 v4, v8;
	v9 =	vand.u32 $0x7D, v9  }
0x1e9: {  	v15 =	vadd.s32 v4, v9  }
0x1ea: {  	s25 =	simm.s32 $0x2;
	v16 =	vmul.f32 $8.000000000e+00, v19  }
0x1eb: {  	v18 =	vld [tilespmem:s24+$0xFFFFFF90];
	v17 =	vmov s25;
	v19 =	vmul.f32 $8.000000000e+00, v10  }
0x1ec: {  	v10 =	vand.u32 $0x7E, v17;
	[tilespmem:v12+s23+$0x0] =	vst.idx.msk $0xffff, v16;
	v12 =	vmul.f32 $8.000000000e+00, v13  }
0x1ed: {  	v13 =	vadd.s32 v4, v10;
	v17 =	vld [tilespmem:s24+$0xFFFFFFE0];
	[tilespmem:v14+s23+$0x0] =	vst.idx.msk $0xffff, v19  }
0x1ee: {  	v14 =	vld [tilespmem:s24+$0xFFFFFF20];
	[tilespmem:v15+s23+$0x0] =	vst.idx.msk $0xffff, v12  }
0x1ef: {  	p2 =	por $0x1, $0x1;
	v15 =	vadd.s32 v5, v11;
	v21 =	vld [tilespmem:s24+$0xFFFFFF60]  }
.Ltmp11:
0x1f0: {  	v12 =	vmul.f32 $8.000000000e+00, v18;
	(pc) =	sbr.rel @!p2 .LBB2_25-.Ltmp11, $4  }
0x1f1: {  	s30 =	simm.s32 $0x7  }
0x1f2: {  	s20 =	simm.s32 $0x85F0;
	v30 =	vmov s30;
	v20 =	vadd.s32 v5, v9;
	[tilespmem:v13+s23+$0x0] =	vst.idx.msk $0xffff, v12;
	v13 =	vmul.f32 $8.000000000e+00, v17  }
0x1f3: {  	v16 =	vadd.s32 v5, v8;
	v19 =	vld [tilespmem:s20+$0xFFFFFFD0];
	v12 =	vmov s6;
	v17 =	vadd.s32 v5, v10  }
0x1f4: {  	p0 =	por $0x1, $0x1;
	s25 =	simm.s32 $0x8;
	v18 =	vld [tilespmem:s24+$0xFFFFFFA0];
	v12 =	vand.u32 $0x7C, v12;
	v24 =	vmul.f32 $8.000000000e+00, v14;
	[tilespmem:v15+s23+$0x0] =	vst.idx.msk $0xffff, v13;
	v27 =	vmul.f32 $8.000000000e+00, v21  }
0x1f5: {  	_ =	sdelay $0x1  }
0x1f6: {  	v13 =	vand.u32 $0x7F, v30;
	v21 =	vld [tilespmem:s24+$0xFFFFFFF0]  }
0x1f7: {  	s6 =	simm.s32 $0x5;
	v22 =	vld [tilespmem:s20+$0xFFFFFF10];
	v23 =	vadd.s32 v4, v13  }
0x1f8: {  	s30 =	simm.s32 $0x6;
	v25 =	vadd.s32 v6, v11;
	v14 =	vmov s6;
	v15 =	vmul.f32 $8.000000000e+00, v18;
	v18 =	vld [tilespmem:s20+$0xFFFFFF50]  }
0x1f9: {  	v26 =	vadd.s32 v4, v12;
	[tilespmem:v20+s23+$0x0] =	vst.idx.msk $0xffff, v27;
	v20 =	vmov s30;
	v27 =	vld [tilespmem:s20+$0xFFFFFF90];
	v14 =	vand.u32 $0x7D, v14  }
0x1fa: {  	v19 =	vmul.f32 $8.000000000e+00, v19;
	[tilespmem:v17+s23+$0x0] =	vst.idx.msk $0xffff, v15;
	v17 =	vadd.s32 v4, v14;
	v15 =	vand.u32 $0x7E, v20;
	v20 =	vld [tilespmem:s24+$0xFFFFFF70]  }
0x1fb: {  	[tilespmem:v16+s23+$0x0] =	vst.idx.msk $0xffff, v24;
	v21 =	vmul.f32 $8.000000000e+00, v21;
	v16 =	vadd.s32 v4, v15;
	v24 =	vld [tilespmem:s24+$0xFFFFFFB0]  }
0x1fc: {  	v22 =	vmul.f32 $8.000000000e+00, v22;
	[tilespmem:v23+s23+$0x0] =	vst.idx.msk $0xffff, v19;
	v19 =	vld [tilespmem:s24+$0xFFFFFF30];
	v23 =	vadd.s32 v6, v9  }
0x1fd: {  	v29 =	vadd.s32 v6, v10;
	v28 =	vld [tilespmem:s20+$0xFFFFFFE0];
	[tilespmem:v25+s23+$0x0] =	vst.idx.msk $0xffff, v21;
	v18 =	vmul.f32 $8.000000000e+00, v18  }
0x1fe: {  	[tilespmem:v26+s23+$0x0] =	vst.idx.msk $0xffff, v22;
	v21 =	vmul.f32 $8.000000000e+00, v27;
	v25 =	vadd.s32 v6, v8;
	v26 =	vld [tilespmem:s24+$0x0]  }
0x1ff: {  	v30 =	vadd.s32 v5, v13;
	v27 =	vld [tilespmem:s20+$0xFFFFFF20];
	[tilespmem:v17+s23+$0x0] =	vst.idx.msk $0xffff, v18;
	v17 =	vmul.f32 $8.000000000e+00, v20  }
0x200: {  	v32 =	vadd.s32 v7, v11;
	p2 =	por $0x1, $0x1;
	v31 =	vld [tilespmem:s20+$0xFFFFFF60];
	[tilespmem:v16+s23+$0x0] =	vst.idx.msk $0xffff, v21;
	v21 =	vmul.f32 $8.000000000e+00, v24  }
.Ltmp12:
0x201: {  	v11 =	vmul.f32 $8.000000000e+00, v19;
	v16 =	vadd.s32 v5, v12;
	v18 =	vld [tilespmem:s20+$0xFFFFFFA0];
	[tilespmem:v23+s23+$0x0] =	vst.idx.msk $0xffff, v17;
	(pc) =	sbr.rel @!p2 .LBB2_27-.Ltmp12, $4  }
0x202: {  	v20 =	vadd.s32 v5, v14;
	v19 =	vmul.f32 $8.000000000e+00, v28;
	v22 =	vld [tilespmem:s24+$0xFFFFFF80];
	[tilespmem:v29+s23+$0x0] =	vst.idx.msk $0xffff, v21  }
0x203: {  	v17 =	vadd.s32 v5, v15;
	[tilespmem:v25+s23+$0x0] =	vst.idx.msk $0xffff, v11;
	v28 =	vmul.f32 $8.000000000e+00, v26;
	v21 =	vmov s25;
	v23 =	vld [tilespmem:s24+$0xFFFFFFC0]  }
0x204: {  	s12 =	simm.s32 $0xB;
	s6 =	simm.s32 $0x86F0;
	v24 =	vmul.f32 $8.000000000e+00, v27;
	v25 =	vadd.s32 v7, v9;
	[tilespmem:v30+s23+$0x0] =	vst.idx.msk $0xffff, v19;
	v11 =	vand.u32 $0x7C, v21;
	v21 =	vld [tilespmem:s24+$0xFFFFFF40]  }
0x205: {  	p1 =	por $0x1, $0x1;
	v26 =	vadd.s32 v7, v10;
	v30 =	vmov s12;
	v19 =	vld [tilespmem:s6+$0xFFFFFFD0];
	s12 =	simm.s32 $0xC;
	[tilespmem:v32+s23+$0x0] =	vst.idx.msk $0xffff, v28;
	v27 =	vmul.f32 $8.000000000e+00, v31  }
.LBB2_28:
0x206: {  	p2 =	slt.u32 s12, $0x7C;
	s15 =	sadd.s32 $0x1, s25;
	v9 =	vand.u32 $0x7F, v30;
	[tilespmem:v16+s23+$0x0] =	vst.idx.msk $0xffff, v24;
	v10 =	vmul.f32 $8.000000000e+00, v18;
	v16 =	vld [tilespmem:s20+$0xFFFFFFF0];
	v18 =	vadd.s32 v7, v8;
	v8 =	vmovc v12  }
0x207: {  	v12 =	vmovc v11;
	v24 =	vld [tilespmem:s6+$0xFFFFFF10];
	v28 =	vmov s15;
	s15 =	sadd.s32 $0x2, s25;
	v29 =	vadd.s32 v4, v9;
	[tilespmem:v20+s23+$0x0] =	vst.idx.msk $0xffff, v27;
	v20 =	vmul.f32 $8.000000000e+00, v22;
	s25 =	smov.u32 s12  }
0x208: {  	v11 =	vld [tilespmem:s6+$0xFFFFFF50];
	v22 =	vmov s15;
	[tilespmem:v17+s23+$0x0] =	vst.idx.msk $0xffff, v10;
	v10 =	vadd.s32 v6, v13;
	v17 =	vmul.f32 $8.000000000e+00, v23  }
0x209: {  	v23 =	vadd.s32 v4, v12;
	v27 =	vand.u32 $0x7D, v28;
	v28 =	vld [tilespmem:s6+$0xFFFFFF90];
	v21 =	vmul.f32 $8.000000000e+00, v21;
	[tilespmem:v25+s23+$0x0] =	vst.idx.msk $0xffff, v20  }
0x20a: {  	v20 =	vadd.s32 v4, v27;
	v31 =	vand.u32 $0x7E, v22;
	v19 =	vmul.f32 $8.000000000e+00, v19;
	v22 =	vld [tilespmem:s20+$0xFFFFFF70];
	[tilespmem:v26+s23+$0x0] =	vst.idx.msk $0xffff, v17  }
0x20b: {  	v17 =	vadd.s32 v4, v31;
	v25 =	vld [tilespmem:s20+$0xFFFFFFB0];
	v16 =	vmul.f32 $8.000000000e+00, v16;
	[tilespmem:v18+s23+$0x0] =	vst.idx.msk $0xffff, v21  }
0x20c: {  	v21 =	vadd.s32 v6, v14;
	v18 =	vmul.f32 $8.000000000e+00, v24;
	[tilespmem:v29+s23+$0x0] =	vst.idx.msk $0xffff, v19;
	v19 =	vld [tilespmem:s20+$0xFFFFFF30]  }
0x20d: {  	v26 =	vadd.s32 v6, v15;
	v11 =	vmul.f32 $8.000000000e+00, v11;
	v24 =	vld [tilespmem:s6+$0xFFFFFFE0];
	[tilespmem:v10+s23+$0x0] =	vst.idx.msk $0xffff, v16  }
0x20e: {  	[tilespmem:v23+s23+$0x0] =	vst.idx.msk $0xffff, v18;
	v10 =	vmul.f32 $8.000000000e+00, v28;
	v23 =	vadd.s32 v6, v8;
	v28 =	vld [tilespmem:s20+$0x0]  }
0x20f: {  	v30 =	vadd.s32 v5, v9;
	v29 =	vld [tilespmem:s6+$0xFFFFFF20];
	[tilespmem:v20+s23+$0x0] =	vst.idx.msk $0xffff, v11;
	v11 =	vmul.f32 $8.000000000e+00, v22  }
0x210: {  	v33 =	vadd.s32 v7, v13;
	v13 =	vmov v9;
	v32 =	vld [tilespmem:s6+$0xFFFFFF60];
	[tilespmem:v17+s23+$0x0] =	vst.idx.msk $0xffff, v10;
	v10 =	vmul.f32 $8.000000000e+00, v25  }
.Ltmp13:
0x211: {  	v16 =	vadd.s32 v5, v12;
	v18 =	vld [tilespmem:s6+$0xFFFFFFA0];
	v9 =	vmul.f32 $8.000000000e+00, v19;
	[tilespmem:v21+s23+$0x0] =	vst.idx.msk $0xffff, v11;
	(pc) =	sbr.rel @p2 .LBB2_28-.Ltmp13, $4  }
0x212: {  	v20 =	vadd.s32 v5, v27;
	v19 =	vmul.f32 $8.000000000e+00, v24;
	v22 =	vld [tilespmem:s20+$0xFFFFFF80];
	[tilespmem:v26+s23+$0x0] =	vst.idx.msk $0xffff, v10  }
0x213: {  	v17 =	vadd.s32 v5, v31;
	v10 =	vmov s12;
	[tilespmem:v23+s23+$0x0] =	vst.idx.msk $0xffff, v9;
	v23 =	vld [tilespmem:s20+$0xFFFFFFC0];
	v9 =	vmul.f32 $8.000000000e+00, v28  }
0x214: {  	s15 =	sadd.s32 $0x3, s12;
	v25 =	vadd.s32 v7, v14;
	v14 =	vmovc v27;
	v11 =	vand.u32 $0x7C, v10;
	v24 =	vmul.f32 $8.000000000e+00, v29;
	[tilespmem:v30+s23+$0x0] =	vst.idx.msk $0xffff, v19;
	v21 =	vld [tilespmem:s20+$0xFFFFFF40];
	s20 =	smov.u32 s6;
	s6 =	sadd.s32 $0x100, s6  }
0x215: {  	s12 =	sadd.s32 $0x4, s12;
	v26 =	vadd.s32 v7, v15;
	v15 =	vmovc v31;
	v30 =	vmov s15;
	v19 =	vld [tilespmem:s6+$0xFFFFFFD0];
	v27 =	vmul.f32 $8.000000000e+00, v32;
	[tilespmem:v33+s23+$0x0] =	vst.idx.msk $0xffff, v9  }
0x216: {  	v28 =	vmov v8  }
0x217: {  	v29 =	vmovc v12;
	s24 =	smov.u32 s6;
	v8 =	vmovc v11;
	v11 =	vmov v13;
	v9 =	vmov v14;
	v10 =	vmov v15  }
.LBB2_30:
0x218: {  	s6 =	sadd.s32 $0x1, s25;
	v12 =	vand.u32 $0x7F, v30;
	v32 =	vld [tilespmem:s24+$0xFFFFFF10]  }
0x219: {  	s25 =	sadd.s32 $0x2, s25;
	v14 =	vld [tilespmem:s24+$0xFFFFFF50];
	v13 =	vmov s6;
	v15 =	vadd.s32 v4, v12  }
0x21a: {  	v31 =	vld [tilespmem:s24+$0xFFFFFF90];
	v37 =	vadd.s32 v4, v8;
	v36 =	vmov s25;
	v13 =	vand.u32 $0x7D, v13  }
0x21b: {  	v30 =	vand.u32 $0x7E, v36;
	v33 =	vadd.s32 v4, v13  }
0x21c: {  	[tilespmem:v16+s23+$0x0] =	vst.idx.msk @p0 $0xffff, v24;
	v19 =	vmul.f32 $8.000000000e+00, v19;
	v34 =	vadd.s32 v4, v30  }
0x21d: {  	[tilespmem:v20+s23+$0x0] =	vst.idx.msk @p0 $0xffff, v27;
	v39 =	vmul.f32 $8.000000000e+00, v32  }
0x21e: {  	v14 =	vmul.f32 $8.000000000e+00, v14;
	[tilespmem:v15+s23+$0x0] =	vst.idx.msk $0xffff, v19;
	v15 =	vld @p0 [tilespmem:s20+$0xFFFFFFF0]  }
0x21f: {  	v38 =	vmul.f32 $8.000000000e+00, v31;
	v40 =	vld [tilespmem:s24+$0xFFFFFFE0];
	[tilespmem:v37+s23+$0x0] =	vst.idx.msk $0xffff, v39  }
0x220: {  	v18 =	vmul.f32 @p0 $8.000000000e+00, v18;
	v19 =	vadd.s32 @p0 v6, v11;
	[tilespmem:v33+s23+$0x0] =	vst.idx.msk $0xffff, v14;
	v44 =	vld [tilespmem:s24+$0xFFFFFF20]  }
0x221: {  	v22 =	vmul.f32 @p1 $8.000000000e+00, v22;
	v42 =	vadd.s32 v5, v12;
	[tilespmem:v34+s23+$0x0] =	vst.idx.msk $0xffff, v38;
	v41 =	vld [tilespmem:s24+$0xFFFFFF60]  }
0x222: {  	v47 =	vadd.s32 v5, v8;
	[tilespmem:v17+s23+$0x0] =	vst.idx.msk @p0 $0xffff, v18;
	v17 =	vmul.f32 @p1 $8.000000000e+00, v23;
	v43 =	vld [tilespmem:s24+$0xFFFFFFA0]  }
0x223: {  	[tilespmem:v25+s23+$0x0] =	vst.idx.msk @p1 $0xffff, v22;
	v22 =	vld @p0 [tilespmem:s20+$0xFFFFFF70];
	v45 =	vadd.s32 v5, v13;
	v15 =	vmul.f32 @p0 $8.000000000e+00, v15  }
0x224: {  	v46 =	vadd.s32 v5, v30;
	[tilespmem:v26+s23+$0x0] =	vst.idx.msk @p1 $0xffff, v17;
	v17 =	vld @p0 [tilespmem:s20+$0xFFFFFFB0];
	v20 =	vmul.f32 $8.000000000e+00, v40  }
0x225: {  	[tilespmem:v19+s23+$0x0] =	vst.idx.msk @p0 $0xffff, v15;
	v15 =	vld @p0 [tilespmem:s20+$0xFFFFFF30];
	v19 =	vadd.s32 @p0 v6, v9;
	v18 =	vmul.f32 $8.000000000e+00, v44  }
0x226: {  	v27 =	vmov @p0 v29;
	v14 =	vadd.s32 @p0 v6, v10;
	v24 =	vmul.f32 $8.000000000e+00, v41;
	[tilespmem:v42+s23+$0x0] =	vst.idx.msk $0xffff, v20;
	v20 =	vld @p0 [tilespmem:s20+$0x0]  }
0x227: {  	v23 =	vadd.s32 @p0 v6, v27;
	v16 =	vmul.f32 $8.000000000e+00, v43;
	v48 =	vld [tilespmem:s24+$0xFFFFFFF0];
	[tilespmem:v47+s23+$0x0] =	vst.idx.msk $0xffff, v18  }
0x228: {  	v28 =	vadd.s32 @p1 v7, v28;
	v22 =	vmul.f32 @p0 $8.000000000e+00, v22;
	[tilespmem:v45+s23+$0x0] =	vst.idx.msk $0xffff, v24;
	v51 =	vld [tilespmem:s24+$0xFFFFFF30]  }
0x229: {  	v50 =	vadd.s32 v6, v12;
	v17 =	vmul.f32 @p0 $8.000000000e+00, v17;
	[tilespmem:v46+s23+$0x0] =	vst.idx.msk $0xffff, v16;
	v49 =	vld [tilespmem:s24+$0xFFFFFF70]  }
0x22a: {  	v55 =	vadd.s32 v6, v8;
	v25 =	vld [tilespmem:s24+$0xFFFFFFB0];
	v15 =	vmul.f32 @p0 $8.000000000e+00, v15;
	[tilespmem:v19+s23+$0x0] =	vst.idx.msk @p0 $0xffff, v22  }
0x22b: {  	v21 =	vmul.f32 @p1 $8.000000000e+00, v21;
	v52 =	vadd.s32 v6, v13;
	[tilespmem:v14+s23+$0x0] =	vst.idx.msk @p0 $0xffff, v17;
	v26 =	vld @p0 [tilespmem:s20+$0xFFFFFF80]  }
0x22c: {  	v53 =	vadd.s32 v6, v30;
	[tilespmem:v23+s23+$0x0] =	vst.idx.msk @p0 $0xffff, v15;
	v15 =	vld @p0 [tilespmem:s20+$0xFFFFFFC0];
	v54 =	vmul.f32 $8.000000000e+00, v48  }
0x22d: {  	[tilespmem:v28+s23+$0x0] =	vst.idx.msk @p1 $0xffff, v21;
	v11 =	vadd.s32 @p0 v7, v11;
	v9 =	vadd.s32 @p0 v7, v9;
	v21 =	vld @p0 [tilespmem:s20+$0xFFFFFF40];
	v19 =	vmul.f32 $8.000000000e+00, v51  }
0x22e: {  	v10 =	vadd.s32 @p0 v7, v10;
	v9 =	vpsel p0, v9, v0;
	v16 =	vmul.f32 $8.000000000e+00, v49;
	[tilespmem:v50+s23+$0x0] =	vst.idx.msk $0xffff, v54  }
0x22f: {  	v10 =	vpsel p0, v10, v0;
	v18 =	vpsel p0, v27, v0;
	v56 =	vmul.f32 $8.000000000e+00, v25;
	v57 =	vld [tilespmem:s24+$0x0];
	[tilespmem:v55+s23+$0x0] =	vst.idx.msk $0xffff, v19  }
0x230: {  	v18 =	vadd.s32 @p0 v7, v18;
	[tilespmem:v52+s23+$0x0] =	vst.idx.msk $0xffff, v16;
	v16 =	vmul.f32 @p0 $8.000000000e+00, v20;
	v20 =	vpsel p0, v26, v0;
	v58 =	vld [tilespmem:s24+$0xFFFFFF40]  }
0x231: {  	v12 =	vadd.s32 v7, v12;
	[tilespmem:v53+s23+$0x0] =	vst.idx.msk $0xffff, v56;
	v22 =	vld [tilespmem:s24+$0xFFFFFF80];
	v14 =	vpsel p0, v15, v0;
	v15 =	vmul.f32 @p0 $8.000000000e+00, v20  }
0x232: {  	v8 =	vadd.s32 v7, v8;
	v17 =	vld [tilespmem:s24+$0xFFFFFFC0];
	[tilespmem:v11+s23+$0x0] =	vst.idx.msk @p0 $0xffff, v16;
	v11 =	vpsel p0, v21, v0;
	v14 =	vmul.f32 @p0 $8.000000000e+00, v14  }
0x233: {  	v13 =	vadd.s32 v7, v13;
	v11 =	vmul.f32 @p0 $8.000000000e+00, v11;
	[tilespmem:v9+s23+$0x0] =	vst.idx.msk @p0 $0xffff, v15  }
0x234: {  	v59 =	vadd.s32 v7, v30;
	[tilespmem:v10+s23+$0x0] =	vst.idx.msk @p0 $0xffff, v14;
	v60 =	vmul.f32 $8.000000000e+00, v57  }
0x235: {  	s20 =	sshll.u32 s18, $0x14;
	[tilespmem:v18+s23+$0x0] =	vst.idx.msk @p0 $0xffff, v11;
	v63 =	vmul.f32 $8.000000000e+00, v58  }
0x236: {  	s30 =	sadd.s32 s8, s20;
	v61 =	vmul.f32 $8.000000000e+00, v22;
	[tilespmem:v12+s23+$0x0] =	vst.idx.msk $0xffff, v60  }
0x237: {  	s6 =	sshrl.u32 s30, $0x3;
	v62 =	vmul.f32 $8.000000000e+00, v17;
	[tilespmem:v8+s23+$0x0] =	vst.idx.msk $0xffff, v63  }
0x238: {  	s12 =	simm.s32 $0xE400;
	s6 =	sadd.s32 s3, s6;
	[tilespmem:v13+s23+$0x0] =	vst.idx.msk $0xffff, v61  }
0x239: {  	s15 =	simm.s32 $0x200;
	s25 =	sadd.s32 $0x0, s6;
	s24 =	simm.s32 $0xE488;
	[tilespmem:v59+s23+$0x0] =	vst.idx.msk $0xffff, v62  }
.LBB2_31:
0x23a: {  	[hbm4b:s25+s2] =	stream.linear.scatter [tilespmem:s12], [sflag:$0x3], $0x80, $0x38;
	[tilespmem:$0x16C00] =	vst v63  }
0x23b: {  	s25 =	smov.u32 s15;
	s12 =	smov.u32 s24;
	p0 =	sne.s32 s15, $0xFE00  }
.Ltmp14:
0x23c: {  	s15 =	sadd.s32 $0x200, s15;
	(pc) =	sbr.rel @p0 .LBB2_31-.Ltmp14, $2  }
0x23d: {  	_ =	sdelay $0x2  }
0x23e: {  	s24 =	sadd.s32 $0x88, s24;
	s25 =	sadd.s32 s25, s6  }
0x23f: {  	[hbm4b:s25+s2] =	stream.linear.scatter [tilespmem:s12], [sflag:$0x3], $0x80, $0x38;
	[tilespmem:$0x16C00] =	vst v63  }
0x240: {  	s6 =	sshll.u32 s18, $0x9  }
0x241: {  	s24 =	sand.u32 $0x3FFFFE00, s6  }
0x242: {  	s6 =	sadd.s32 $0x400, s24  }
0x243: {  	[tilespmem:s16], [sflag:$0x1] =	stream.indirect.gather [hbm4b:s4+s13], $0x40, s6, s13, $0xb8;
	[tilespmem:$0x16C00] =	vst v63  }
0x244: {  	s12 =	sadd.s32 $0x480, s24  }
0x245: {  	[tilespmem:s17], [sflag:$0x1] =	stream.indirect.gather [hbm4b:s4+s13], $0x40, s12, s13, $0xb8;
	[tilespmem:$0x16C00] =	vst v63  }
0x246: {  	_ =	swait.ge [sflag:s26], $0x2000  }
0x247: {  	[sflag:s26] =	ssyncset.done $0x0  }
0x248: {  	[sflag:s26] =	ssyncadd.s32 $0xFFFFE000  }
0x249: {  	_ =	swait.ge [sflag:s26], $0x2000  }
0x24a: {  	[sflag:s26] =	ssyncset.done $0x0  }
0x24b: {  	[sflag:s26] =	ssyncadd.s32 $0xFFFFE000  }
0x24c: {  	_ =	swait.ge [sflag:s0], $0x4000  }
0x24d: {  	[sflag:s0] =	ssyncset.done $0x0  }
0x24e: {  	s15 =	simm.s32 $0x3;
	s12 =	simm.s32 $0xA4F0;
	[sflag:s0] =	ssyncadd.s32 $0xFFFFC000  }
0x24f: {  	v8 =	vmov s15;
	v9 =	vld [tilespmem:s12+$0xFFFFFFD0]  }
0x250: {  	v15 =	vand.u32 $0x7F, v8  }
0x251: {  	s25 =	simm.s32 $0x0;
	v8 =	vadd.s32 v0, v15  }
0x252: {  	s1 =	simm.s32 $0x1;
	v10 =	vmov s25;
	s15 =	simm.s32 $0x2;
	v11 =	vld [tilespmem:s12+$0xFFFFFF10]  }
0x253: {  	v12 =	vand.u32 $0x7C, v10;
	v10 =	vmov s1;
	v13 =	vmov s15;
	v16 =	vld [tilespmem:s12+$0xFFFFFF50]  }
0x254: {  	v17 =	vadd.s32 v0, v12;
	v14 =	vand.u32 $0x7D, v10;
	v10 =	vld [tilespmem:s12+$0xFFFFFF90];
	v9 =	vmul.f32 $8.000000000e+00, v9  }
0x255: {  	v13 =	vand.u32 $0x7E, v13;
	v18 =	vadd.s32 v0, v14  }
0x256: {  	v19 =	vadd.s32 v0, v13;
	[tilespmem:v8+s28+$0x0] =	vst.idx.msk $0xffff, v9  }
0x257: {  	v8 =	vmul.f32 $8.000000000e+00, v11;
	v9 =	vld [tilespmem:s12+$0xFFFFFFE0]  }
0x258: {  	v11 =	vmul.f32 $8.000000000e+00, v16  }
0x259: {  	[tilespmem:v17+s28+$0x0] =	vst.idx.msk $0xffff, v8;
	v8 =	vmul.f32 $8.000000000e+00, v10;
	v10 =	vadd.s32 v1, v15  }
0x25a: {  	[tilespmem:v18+s28+$0x0] =	vst.idx.msk $0xffff, v11;
	v16 =	vld [tilespmem:s12+$0xFFFFFF20]  }
0x25b: {  	v11 =	vld [tilespmem:s12+$0xFFFFFF60];
	[tilespmem:v19+s28+$0x0] =	vst.idx.msk $0xffff, v8  }
0x25c: {  	v17 =	vld [tilespmem:s12+$0xFFFFFFA0];
	v8 =	vmul.f32 $8.000000000e+00, v9  }
0x25d: {  	s30 =	simm.s32 $0xA5F0;
	s25 =	simm.s32 $0x4;
	s1 =	simm.s32 $0x7;
	v18 =	vadd.s32 v1, v14  }
0x25e: {  	v20 =	vld [tilespmem:s30+$0xFFFFFFD0];
	v19 =	vadd.s32 v1, v13;
	v9 =	vmov s25;
	[tilespmem:v10+s28+$0x0] =	vst.idx.msk $0xffff, v8;
	v10 =	vmov s1  }
0x25f: {  	v21 =	vadd.s32 v1, v12;
	v8 =	vand.u32 $0x7C, v9;
	v9 =	vand.u32 $0x7F, v10;
	v22 =	vld [tilespmem:s12+$0xFFFFFFF0]  }
0x260: {  	s15 =	simm.s32 $0x5;
	v26 =	vadd.s32 v2, v15;
	v23 =	vld [tilespmem:s30+$0xFFFFFF10];
	v10 =	vmul.f32 $8.000000000e+00, v11;
	v24 =	vadd.s32 v0, v9  }
0x261: {  	v25 =	vld [tilespmem:s30+$0xFFFFFF50];
	s25 =	simm.s32 $0x6;
	v16 =	vmul.f32 $8.000000000e+00, v16;
	v11 =	vmul.f32 $8.000000000e+00, v17;
	v17 =	vmov s15  }
0x262: {  	v27 =	vadd.s32 v0, v8;
	[tilespmem:v18+s28+$0x0] =	vst.idx.msk $0xffff, v10;
	v18 =	vmov s25;
	v10 =	vand.u32 $0x7D, v17;
	v17 =	vld [tilespmem:s30+$0xFFFFFF90]  }
0x263: {  	[tilespmem:v19+s28+$0x0] =	vst.idx.msk $0xffff, v11;
	v11 =	vand.u32 $0x7E, v18;
	v18 =	vmul.f32 $8.000000000e+00, v20;
	v20 =	vld [tilespmem:s12+$0xFFFFFF70]  }
0x264: {  	[tilespmem:v21+s28+$0x0] =	vst.idx.msk $0xffff, v16;
	v19 =	vadd.s32 v0, v10;
	v21 =	vld [tilespmem:s12+$0xFFFFFFB0];
	v22 =	vmul.f32 $8.000000000e+00, v22  }
0x265: {  	v23 =	vmul.f32 $8.000000000e+00, v23;
	v16 =	vadd.s32 v0, v11;
	[tilespmem:v24+s28+$0x0] =	vst.idx.msk $0xffff, v18;
	v18 =	vld [tilespmem:s12+$0xFFFFFF30]  }
0x266: {  	v24 =	vadd.s32 v2, v14;
	v28 =	vld [tilespmem:s30+$0xFFFFFFE0];
	[tilespmem:v26+s28+$0x0] =	vst.idx.msk $0xffff, v22  }
0x267: {  	v25 =	vmul.f32 $8.000000000e+00, v25;
	[tilespmem:v27+s28+$0x0] =	vst.idx.msk $0xffff, v23;
	v22 =	vadd.s32 v2, v12;
	v27 =	vld [tilespmem:s12+$0x0]  }
0x268: {  	v30 =	vadd.s32 v2, v13;
	v17 =	vmul.f32 $8.000000000e+00, v17  }
0x269: {  	[tilespmem:v19+s28+$0x0] =	vst.idx.msk $0xffff, v25;
	v20 =	vmul.f32 $8.000000000e+00, v20  }
0x26a: {  	v32 =	vld [tilespmem:s30+$0xFFFFFF20];
	v19 =	vadd.s32 v1, v9;
	[tilespmem:v16+s28+$0x0] =	vst.idx.msk $0xffff, v17;
	v18 =	vmul.f32 $8.000000000e+00, v18  }
0x26b: {  	v34 =	vld [tilespmem:s30+$0xFFFFFF60];
	v16 =	vmul.f32 $8.000000000e+00, v21;
	v17 =	vadd.s32 v3, v15;
	[tilespmem:v24+s28+$0x0] =	vst.idx.msk $0xffff, v20  }
0x26c: {  	v31 =	vadd.s32 v1, v8;
	v26 =	vld [tilespmem:s30+$0xFFFFFFA0];
	v20 =	vmul.f32 $8.000000000e+00, v28;
	[tilespmem:v22+s28+$0x0] =	vst.idx.msk $0xffff, v18;
	v18 =	vmul.f32 $8.000000000e+00, v27  }
0x26d: {  	v35 =	vmov s29;
	s25 =	simm.s32 $0x8;
	v29 =	vadd.s32 v1, v10;
	[tilespmem:v30+s28+$0x0] =	vst.idx.msk $0xffff, v16;
	v25 =	vld [tilespmem:s12+$0xFFFFFF80]  }
0x26e: {  	v23 =	vadd.s32 v1, v11;
	v16 =	vmov s25;
	v30 =	vadd.s32 v3, v13;
	v24 =	vld [tilespmem:s12+$0xFFFFFFC0]  }
0x26f: {  	s6 =	simm.s32 $0xA6F0;
	v33 =	vmul.f32 $8.000000000e+00, v32;
	v21 =	vand.u32 $0x7C, v16;
	v28 =	vadd.s32 v3, v14;
	v22 =	vmovc v12;
	[tilespmem:v19+s28+$0x0] =	vst.idx.msk $0xffff, v20;
	v27 =	vld [tilespmem:s12+$0xFFFFFF40]  }
0x270: {  	s15 =	simm.s32 $0x8;
	v32 =	vld [tilespmem:s6+$0xFFFFFFD0];
	s12 =	simm.s32 $0xC;
	v34 =	vmul.f32 $8.000000000e+00, v34;
	v19 =	vmovc v10;
	[tilespmem:v17+s28+$0x0] =	vst.idx.msk $0xffff, v18;
	v17 =	vmovc v8;
	v20 =	vmov v9;
	v18 =	vmov v11  }
.LBB2_33:
0x271: {  	p0 =	slt.u32 s12, $0x7C;
	s1 =	sadd.s32 $0x1, s15;
	v35 =	vand.u32 $0x7F, v35;
	[tilespmem:v31+s28+$0x0] =	vst.idx.msk $0xffff, v33;
	v26 =	vmul.f32 $8.000000000e+00, v26;
	v31 =	vld [tilespmem:s30+$0xFFFFFFF0];
	v33 =	vadd.s32 v3, v22;
	v22 =	vmovc v17  }
0x272: {  	v17 =	vmovc v21;
	v36 =	vld [tilespmem:s6+$0xFFFFFF10];
	v37 =	vmov s1;
	s1 =	sadd.s32 $0x2, s15;
	v38 =	vadd.s32 v0, v35;
	[tilespmem:v29+s28+$0x0] =	vst.idx.msk $0xffff, v34;
	v25 =	vmul.f32 $8.000000000e+00, v25;
	s15 =	smov.u32 s12  }
0x273: {  	v21 =	vld [tilespmem:s6+$0xFFFFFF50];
	v29 =	vmov s1;
	[tilespmem:v23+s28+$0x0] =	vst.idx.msk $0xffff, v26;
	v23 =	vadd.s32 v2, v20;
	v24 =	vmul.f32 $8.000000000e+00, v24  }
0x274: {  	v26 =	vadd.s32 v0, v17;
	v34 =	vand.u32 $0x7D, v37;
	v37 =	vld [tilespmem:s6+$0xFFFFFF90];
	v27 =	vmul.f32 $8.000000000e+00, v27;
	[tilespmem:v28+s28+$0x0] =	vst.idx.msk $0xffff, v25  }
0x275: {  	v25 =	vadd.s32 v0, v34;
	v39 =	vand.u32 $0x7E, v29;
	v28 =	vmul.f32 $8.000000000e+00, v32;
	v29 =	vld [tilespmem:s30+$0xFFFFFF70];
	[tilespmem:v30+s28+$0x0] =	vst.idx.msk $0xffff, v24  }
0x276: {  	v24 =	vadd.s32 v0, v39;
	v30 =	vld [tilespmem:s30+$0xFFFFFFB0];
	v31 =	vmul.f32 $8.000000000e+00, v31;
	[tilespmem:v33+s28+$0x0] =	vst.idx.msk $0xffff, v27  }
0x277: {  	v32 =	vadd.s32 v2, v19;
	v27 =	vmul.f32 $8.000000000e+00, v36;
	[tilespmem:v38+s28+$0x0] =	vst.idx.msk $0xffff, v28;
	v28 =	vld [tilespmem:s30+$0xFFFFFF30]  }
0x278: {  	v36 =	vadd.s32 v2, v18;
	v21 =	vmul.f32 $8.000000000e+00, v21;
	v33 =	vld [tilespmem:s6+$0xFFFFFFE0];
	[tilespmem:v23+s28+$0x0] =	vst.idx.msk $0xffff, v31  }
0x279: {  	[tilespmem:v26+s28+$0x0] =	vst.idx.msk $0xffff, v27;
	v23 =	vmul.f32 $8.000000000e+00, v37;
	v27 =	vadd.s32 v2, v22;
	v37 =	vld [tilespmem:s30+$0x0]  }
0x27a: {  	v40 =	vadd.s32 v1, v35;
	v38 =	vld [tilespmem:s6+$0xFFFFFF20];
	[tilespmem:v25+s28+$0x0] =	vst.idx.msk $0xffff, v21;
	v21 =	vmul.f32 $8.000000000e+00, v29  }
0x27b: {  	v42 =	vadd.s32 v3, v20;
	v20 =	vmov v35;
	v41 =	vld [tilespmem:s6+$0xFFFFFF60];
	[tilespmem:v24+s28+$0x0] =	vst.idx.msk $0xffff, v23;
	v23 =	vmul.f32 $8.000000000e+00, v30  }
.Ltmp15:
0x27c: {  	v31 =	vadd.s32 v1, v17;
	v26 =	vld [tilespmem:s6+$0xFFFFFFA0];
	v24 =	vmul.f32 $8.000000000e+00, v28;
	[tilespmem:v32+s28+$0x0] =	vst.idx.msk $0xffff, v21;
	(pc) =	sbr.rel @p0 .LBB2_33-.Ltmp15, $4  }
0x27d: {  	v29 =	vadd.s32 v1, v34;
	v28 =	vmul.f32 $8.000000000e+00, v33;
	v25 =	vld [tilespmem:s30+$0xFFFFFF80];
	[tilespmem:v36+s28+$0x0] =	vst.idx.msk $0xffff, v23  }
0x27e: {  	v21 =	vmov s12;
	v23 =	vadd.s32 v1, v39;
	[tilespmem:v27+s28+$0x0] =	vst.idx.msk $0xffff, v24;
	v24 =	vld [tilespmem:s30+$0xFFFFFFC0];
	v36 =	vmul.f32 $8.000000000e+00, v37  }
0x27f: {  	s1 =	sadd.s32 $0x3, s12;
	v21 =	vand.u32 $0x7C, v21;
	v33 =	vmul.f32 $8.000000000e+00, v38;
	[tilespmem:v40+s28+$0x0] =	vst.idx.msk $0xffff, v28;
	v27 =	vld [tilespmem:s30+$0xFFFFFF40];
	v28 =	vadd.s32 v3, v19;
	v19 =	vmovc v34;
	s30 =	smov.u32 s6;
	s6 =	sadd.s32 $0x100, s6  }
0x280: {  	v35 =	vmov s1;
	v30 =	vadd.s32 v3, v18;
	v18 =	vmovc v39;
	s12 =	sadd.s32 $0x4, s12;
	v32 =	vld [tilespmem:s6+$0xFFFFFFD0];
	v34 =	vmul.f32 $8.000000000e+00, v41;
	[tilespmem:v42+s28+$0x0] =	vst.idx.msk $0xffff, v36  }
0x281: {  	s1 =	sadd.s32 $0x1, s15  }
0x282: {  	v35 =	vand.u32 $0x7F, v35;
	s15 =	sadd.s32 $0x2, s15;
	v37 =	vld [tilespmem:s6+$0xFFFFFF50];
	v36 =	vmov s1  }
0x283: {  	v40 =	vld [tilespmem:s6+$0xFFFFFF90];
	v38 =	vadd.s32 v0, v35;
	v39 =	vmov s15;
	v36 =	vand.u32 $0x7D, v36  }
0x284: {  	v41 =	vld [tilespmem:s6+$0xFFFFFF10];
	v39 =	vand.u32 $0x7E, v39;
	v42 =	vadd.s32 v0, v36  }
0x285: {  	v43 =	vadd.s32 v0, v39  }
0x286: {  	[tilespmem:v31+s28+$0x0] =	vst.idx.msk $0xffff, v33;
	v62 =	vadd.s32 v0, v21;
	v32 =	vmul.f32 $8.000000000e+00, v32  }
0x287: {  	[tilespmem:v29+s28+$0x0] =	vst.idx.msk $0xffff, v34;
	v63 =	vmul.f32 $8.000000000e+00, v37  }
0x288: {  	v37 =	vmul.f32 $8.000000000e+00, v40;
	[tilespmem:v38+s28+$0x0] =	vst.idx.msk $0xffff, v32  }
0x289: {  	v38 =	vmul.f32 $8.000000000e+00, v41;
	v40 =	vld [tilespmem:s6+$0xFFFFFFE0];
	[tilespmem:v42+s28+$0x0] =	vst.idx.msk $0xffff, v63  }
0x28a: {  	v26 =	vmul.f32 $8.000000000e+00, v26;
	v22 =	vadd.s32 v3, v22;
	[tilespmem:v43+s28+$0x0] =	vst.idx.msk $0xffff, v37;
	v41 =	vld [tilespmem:s6+$0xFFFFFF60]  }
0x28b: {  	v25 =	vmul.f32 $8.000000000e+00, v25;
	[tilespmem:v62+s28+$0x0] =	vst.idx.msk $0xffff, v38;
	v42 =	vadd.s32 v1, v35;
	v32 =	vld [tilespmem:s6+$0xFFFFFFA0]  }
0x28c: {  	[tilespmem:v23+s28+$0x0] =	vst.idx.msk $0xffff, v26;
	v23 =	vmul.f32 $8.000000000e+00, v24;
	v26 =	vadd.s32 v1, v36;
	v24 =	vld [tilespmem:s6+$0xFFFFFF20]  }
0x28d: {  	v27 =	vmul.f32 $8.000000000e+00, v27;
	[tilespmem:v28+s28+$0x0] =	vst.idx.msk $0xffff, v25;
	v25 =	vadd.s32 v1, v39;
	v43 =	vld [tilespmem:s30+$0xFFFFFFF0]  }
0x28e: {  	v44 =	vld [tilespmem:s30+$0xFFFFFF70];
	[tilespmem:v30+s28+$0x0] =	vst.idx.msk $0xffff, v23;
	v23 =	vadd.s32 v1, v21;
	v29 =	vmul.f32 $8.000000000e+00, v40  }
0x28f: {  	v45 =	vadd.s32 v2, v20;
	v46 =	vld [tilespmem:s30+$0xFFFFFFB0];
	[tilespmem:v22+s28+$0x0] =	vst.idx.msk $0xffff, v27;
	v22 =	vmul.f32 $8.000000000e+00, v41  }
0x290: {  	v47 =	vadd.s32 v2, v19;
	v27 =	vld [tilespmem:s30+$0xFFFFFF30];
	[tilespmem:v42+s28+$0x0] =	vst.idx.msk $0xffff, v29;
	v48 =	vmul.f32 $8.000000000e+00, v32  }
0x291: {  	v49 =	vadd.s32 v2, v18;
	v24 =	vmul.f32 $8.000000000e+00, v24;
	v50 =	vld [tilespmem:s6+$0xFFFFFFF0];
	[tilespmem:v26+s28+$0x0] =	vst.idx.msk $0xffff, v22  }
0x292: {  	v22 =	vmul.f32 $8.000000000e+00, v43;
	v26 =	vadd.s32 v2, v17;
	[tilespmem:v25+s28+$0x0] =	vst.idx.msk $0xffff, v48;
	v25 =	vld [tilespmem:s6+$0xFFFFFF70]  }
0x293: {  	v28 =	vmul.f32 $8.000000000e+00, v44;
	[tilespmem:v23+s28+$0x0] =	vst.idx.msk $0xffff, v24;
	v23 =	vadd.s32 v2, v35;
	v24 =	vld [tilespmem:s6+$0xFFFFFFB0]  }
0x294: {  	v52 =	vadd.s32 v2, v36;
	v51 =	vld [tilespmem:s6+$0xFFFFFF30];
	[tilespmem:v45+s28+$0x0] =	vst.idx.msk $0xffff, v22;
	v22 =	vmul.f32 $8.000000000e+00, v46  }
0x295: {  	v54 =	vadd.s32 v2, v39;
	[tilespmem:v47+s28+$0x0] =	vst.idx.msk $0xffff, v28;
	v27 =	vmul.f32 $8.000000000e+00, v27;
	v53 =	vld [tilespmem:s30+$0x0]  }
0x296: {  	v55 =	vadd.s32 v2, v21;
	v34 =	vld [tilespmem:s30+$0xFFFFFF80];
	[tilespmem:v49+s28+$0x0] =	vst.idx.msk $0xffff, v22;
	v22 =	vmul.f32 $8.000000000e+00, v50  }
0x297: {  	v20 =	vadd.s32 v3, v20;
	[tilespmem:v26+s28+$0x0] =	vst.idx.msk $0xffff, v27;
	v26 =	vld [tilespmem:s30+$0xFFFFFFC0];
	v25 =	vmul.f32 $8.000000000e+00, v25  }
0x298: {  	v19 =	vadd.s32 v3, v19;
	v27 =	vld [tilespmem:s30+$0xFFFFFF40];
	[tilespmem:v23+s28+$0x0] =	vst.idx.msk $0xffff, v22;
	v22 =	vmul.f32 $8.000000000e+00, v24  }
0x299: {  	v18 =	vadd.s32 v3, v18;
	v24 =	vmul.f32 $8.000000000e+00, v51;
	v23 =	vld [tilespmem:s6+$0x0];
	[tilespmem:v52+s28+$0x0] =	vst.idx.msk $0xffff, v25  }
0x29a: {  	v17 =	vadd.s32 v3, v17;
	v25 =	vmul.f32 $8.000000000e+00, v53;
	[tilespmem:v54+s28+$0x0] =	vst.idx.msk $0xffff, v22;
	v56 =	vld [tilespmem:s6+$0xFFFFFF80]  }
0x29b: {  	v57 =	vadd.s32 v3, v35;
	v22 =	vmul.f32 $8.000000000e+00, v34;
	[tilespmem:v55+s28+$0x0] =	vst.idx.msk $0xffff, v24;
	v24 =	vld [tilespmem:s6+$0xFFFFFFC0]  }
0x29c: {  	[tilespmem:v20+s28+$0x0] =	vst.idx.msk $0xffff, v25;
	v20 =	vmul.f32 $8.000000000e+00, v26;
	v25 =	vld [tilespmem:s6+$0xFFFFFF40];
	v26 =	vadd.s32 v3, v36  }
0x29d: {  	[tilespmem:v19+s28+$0x0] =	vst.idx.msk $0xffff, v22;
	v19 =	vadd.s32 v3, v39;
	v27 =	vmul.f32 $8.000000000e+00, v27  }
0x29e: {  	[tilespmem:v18+s28+$0x0] =	vst.idx.msk $0xffff, v20;
	v18 =	vmul.f32 $8.000000000e+00, v23;
	v20 =	vadd.s32 v3, v21  }
0x29f: {  	[tilespmem:v17+s28+$0x0] =	vst.idx.msk $0xffff, v27;
	v17 =	vmul.f32 $8.000000000e+00, v56  }
0x2a0: {  	[tilespmem:v57+s28+$0x0] =	vst.idx.msk $0xffff, v18;
	v18 =	vmul.f32 $8.000000000e+00, v24  }
0x2a1: {  	v21 =	vmul.f32 $8.000000000e+00, v25;
	[tilespmem:v26+s28+$0x0] =	vst.idx.msk $0xffff, v17  }
0x2a2: {  	[tilespmem:v19+s28+$0x0] =	vst.idx.msk $0xffff, v18  }
0x2a3: {  	s12 =	simm.s32 $0xC400;
	[tilespmem:v20+s28+$0x0] =	vst.idx.msk $0xffff, v21  }
0x2a4: {  	v17 =	vld [tilespmem:s12+$0xC0];
	_ =	sdelay $0x1  }
0x2a5: {  	v18 =	vadd.s32 v4, v15;
	_ =	sdelay $0x1  }
0x2a6: {  	v19 =	vld [tilespmem:s12+$0x40]  }
0x2a7: {  	v20 =	vld [tilespmem:s12+$0x80];
	v17 =	vmul.f32 $8.000000000e+00, v17  }
0x2a8: {  	v22 =	vadd.s32 v4, v14;
	v21 =	vld [tilespmem:s12+$0x0]  }
0x2a9: {  	v23 =	vadd.s32 v4, v13;
	[tilespmem:v18+s28+$0x0] =	vst.idx.msk $0xffff, v17  }
0x2aa: {  	v17 =	vadd.s32 v4, v12;
	v18 =	vld [tilespmem:s12+$0xD0]  }
0x2ab: {  	v19 =	vmul.f32 $8.000000000e+00, v19  }
0x2ac: {  	v24 =	vadd.s32 v5, v15;
	v20 =	vmul.f32 $8.000000000e+00, v20  }
0x2ad: {  	v21 =	vmul.f32 $8.000000000e+00, v21;
	[tilespmem:v22+s28+$0x0] =	vst.idx.msk $0xffff, v19  }
0x2ae: {  	[tilespmem:v23+s28+$0x0] =	vst.idx.msk $0xffff, v20;
	v19 =	vld [tilespmem:s12+$0x50]  }
0x2af: {  	[tilespmem:v17+s28+$0x0] =	vst.idx.msk $0xffff, v21;
	v17 =	vld [tilespmem:s12+$0x90];
	v18 =	vmul.f32 $8.000000000e+00, v18  }
0x2b0: {  	s30 =	simm.s32 $0xC500;
	v21 =	vadd.s32 v5, v14;
	v20 =	vld [tilespmem:s12+$0x10]  }
0x2b1: {  	v22 =	vadd.s32 v5, v13;
	[tilespmem:v24+s28+$0x0] =	vst.idx.msk $0xffff, v18;
	v18 =	vld [tilespmem:s30+$0xC0]  }
0x2b2: {  	v23 =	vadd.s32 v5, v12;
	v24 =	vld [tilespmem:s12+$0xE0]  }
0x2b3: {  	v26 =	vadd.s32 v4, v9;
	v25 =	vld [tilespmem:s30+$0x0];
	v19 =	vmul.f32 $8.000000000e+00, v19  }
0x2b4: {  	v58 =	vadd.s32 v6, v15;
	v27 =	vld [tilespmem:s30+$0x40];
	v17 =	vmul.f32 $8.000000000e+00, v17  }
0x2b5: {  	[tilespmem:v21+s28+$0x0] =	vst.idx.msk $0xffff, v19;
	v19 =	vadd.s32 v4, v8;
	v21 =	vld [tilespmem:s30+$0x80];
	v20 =	vmul.f32 $8.000000000e+00, v20  }
0x2b6: {  	[tilespmem:v22+s28+$0x0] =	vst.idx.msk $0xffff, v17;
	v17 =	vadd.s32 v4, v10;
	v22 =	vld [tilespmem:s12+$0x60];
	v18 =	vmul.f32 $8.000000000e+00, v18  }
0x2b7: {  	[tilespmem:v23+s28+$0x0] =	vst.idx.msk $0xffff, v20;
	v20 =	vadd.s32 v4, v11;
	v23 =	vld [tilespmem:s12+$0xA0];
	v24 =	vmul.f32 $8.000000000e+00, v24  }
0x2b8: {  	v25 =	vmul.f32 $8.000000000e+00, v25;
	[tilespmem:v26+s28+$0x0] =	vst.idx.msk $0xffff, v18;
	v18 =	vld [tilespmem:s12+$0x20];
	v26 =	vadd.s32 v6, v14  }
0x2b9: {  	v60 =	vadd.s32 v6, v13;
	v27 =	vmul.f32 $8.000000000e+00, v27;
	v59 =	vld [tilespmem:s30+$0xD0];
	[tilespmem:v58+s28+$0x0] =	vst.idx.msk $0xffff, v24  }
0x2ba: {  	[tilespmem:v19+s28+$0x0] =	vst.idx.msk $0xffff, v25;
	v19 =	vmul.f32 $8.000000000e+00, v21;
	v24 =	vadd.s32 v6, v12;
	v25 =	vld [tilespmem:s12+$0xF0]  }
0x2bb: {  	v61 =	vld [tilespmem:s30+$0x10];
	[tilespmem:v17+s28+$0x0] =	vst.idx.msk $0xffff, v27;
	v27 =	vadd.s32 v5, v9;
	v17 =	vmul.f32 $8.000000000e+00, v22  }
0x2bc: {  	v62 =	vadd.s32 v7, v15;
	v31 =	vld [tilespmem:s30+$0x50];
	[tilespmem:v20+s28+$0x0] =	vst.idx.msk $0xffff, v19;
	v21 =	vmul.f32 $8.000000000e+00, v23  }
0x2bd: {  	v22 =	vadd.s32 v5, v8;
	v20 =	vld [tilespmem:s30+$0x90];
	v15 =	vmul.f32 $8.000000000e+00, v18;
	[tilespmem:v26+s28+$0x0] =	vst.idx.msk $0xffff, v17  }
0x2be: {  	[tilespmem:v60+s28+$0x0] =	vst.idx.msk $0xffff, v21;
	v21 =	vadd.s32 v5, v10;
	v23 =	vmul.f32 $8.000000000e+00, v59;
	v19 =	vld [tilespmem:s12+$0x70]  }
0x2bf: {  	v17 =	vadd.s32 v5, v11;
	v18 =	vld [tilespmem:s12+$0xB0];
	[tilespmem:v24+s28+$0x0] =	vst.idx.msk $0xffff, v15;
	v63 =	vmul.f32 $8.000000000e+00, v25  }
0x2c0: {  	s6 =	simm.s32 $0xC600;
	v14 =	vadd.s32 v7, v14;
	v15 =	vand.u32 $0x7C, v16;
	v24 =	vmul.f32 $8.000000000e+00, v61;
	[tilespmem:v27+s28+$0x0] =	vst.idx.msk $0xffff, v23;
	v16 =	vld [tilespmem:s12+$0x30]  }
0x2c1: {  	v13 =	vadd.s32 v7, v13;
	v26 =	vmov s29;
	v23 =	vld [tilespmem:s6+$0xC0];
	s12 =	simm.s32 $0xC;
	v25 =	vmul.f32 $8.000000000e+00, v31;
	[tilespmem:v62+s28+$0x0] =	vst.idx.msk $0xffff, v63  }
.LBB2_35:
0x2c2: {  	p0 =	slt.u32 s12, $0x7C;
	s1 =	sadd.s32 $0x1, s25;
	v26 =	vand.u32 $0x7F, v26;
	[tilespmem:v22+s28+$0x0] =	vst.idx.msk $0xffff, v24;
	v20 =	vmul.f32 $8.000000000e+00, v20;
	v22 =	vld [tilespmem:s30+$0xE0];
	v24 =	vadd.s32 v7, v12;
	v12 =	vmovc v8  }
0x2c3: {  	v8 =	vmovc v15;
	v27 =	vld [tilespmem:s6+$0x0];
	v28 =	vmov s1;
	s1 =	sadd.s32 $0x2, s25;
	v29 =	vadd.s32 v4, v26;
	[tilespmem:v21+s28+$0x0] =	vst.idx.msk $0xffff, v25;
	v19 =	vmul.f32 $8.000000000e+00, v19;
	s25 =	smov.u32 s12  }
0x2c4: {  	v15 =	vld [tilespmem:s6+$0x40];
	v21 =	vmov s1;
	[tilespmem:v17+s28+$0x0] =	vst.idx.msk $0xffff, v20;
	v17 =	vadd.s32 v6, v9;
	v18 =	vmul.f32 $8.000000000e+00, v18  }
0x2c5: {  	v20 =	vadd.s32 v4, v8;
	v25 =	vand.u32 $0x7D, v28;
	v28 =	vld [tilespmem:s6+$0x80];
	v16 =	vmul.f32 $8.000000000e+00, v16;
	[tilespmem:v14+s28+$0x0] =	vst.idx.msk $0xffff, v19  }
0x2c6: {  	v14 =	vadd.s32 v4, v25;
	v30 =	vand.u32 $0x7E, v21;
	v19 =	vmul.f32 $8.000000000e+00, v23;
	v21 =	vld [tilespmem:s30+$0x60];
	[tilespmem:v13+s28+$0x0] =	vst.idx.msk $0xffff, v18  }
0x2c7: {  	v13 =	vadd.s32 v4, v30;
	v18 =	vld [tilespmem:s30+$0xA0];
	v22 =	vmul.f32 $8.000000000e+00, v22;
	[tilespmem:v24+s28+$0x0] =	vst.idx.msk $0xffff, v16  }
0x2c8: {  	v23 =	vadd.s32 v6, v10;
	v16 =	vmul.f32 $8.000000000e+00, v27;
	[tilespmem:v29+s28+$0x0] =	vst.idx.msk $0xffff, v19;
	v19 =	vld [tilespmem:s30+$0x20]  }
0x2c9: {  	v27 =	vadd.s32 v6, v11;
	v15 =	vmul.f32 $8.000000000e+00, v15;
	v24 =	vld [tilespmem:s6+$0xD0];
	[tilespmem:v17+s28+$0x0] =	vst.idx.msk $0xffff, v22  }
0x2ca: {  	[tilespmem:v20+s28+$0x0] =	vst.idx.msk $0xffff, v16;
	v16 =	vmul.f32 $8.000000000e+00, v28;
	v28 =	vadd.s32 v6, v12;
	v29 =	vld [tilespmem:s30+$0xF0]  }
0x2cb: {  	v31 =	vld [tilespmem:s6+$0x10];
	[tilespmem:v14+s28+$0x0] =	vst.idx.msk $0xffff, v15;
	v14 =	vadd.s32 v5, v26;
	v15 =	vmul.f32 $8.000000000e+00, v21  }
0x2cc: {  	v33 =	vadd.s32 v7, v9;
	v9 =	vmov v26;
	v32 =	vld [tilespmem:s6+$0x50];
	[tilespmem:v13+s28+$0x0] =	vst.idx.msk $0xffff, v16;
	v13 =	vmul.f32 $8.000000000e+00, v18  }
.Ltmp16:
0x2cd: {  	v22 =	vadd.s32 v5, v8;
	v20 =	vld [tilespmem:s6+$0x90];
	v16 =	vmul.f32 $8.000000000e+00, v19;
	[tilespmem:v23+s28+$0x0] =	vst.idx.msk $0xffff, v15;
	(pc) =	sbr.rel @p0 .LBB2_35-.Ltmp16, $4  }
0x2ce: {  	v21 =	vadd.s32 v5, v25;
	v23 =	vmul.f32 $8.000000000e+00, v24;
	v19 =	vld [tilespmem:s30+$0x70];
	[tilespmem:v27+s28+$0x0] =	vst.idx.msk $0xffff, v13  }
0x2cf: {  	v17 =	vadd.s32 v5, v30;
	v13 =	vmov s12;
	[tilespmem:v28+s28+$0x0] =	vst.idx.msk $0xffff, v16;
	v18 =	vld [tilespmem:s30+$0xB0];
	v27 =	vmul.f32 $8.000000000e+00, v29  }
0x2d0: {  	s1 =	sadd.s32 $0x3, s12;
	v15 =	vand.u32 $0x7C, v13;
	v24 =	vmul.f32 $8.000000000e+00, v31;
	[tilespmem:v14+s28+$0x0] =	vst.idx.msk $0xffff, v23;
	v16 =	vld [tilespmem:s30+$0x30];
	v14 =	vadd.s32 v7, v10;
	v10 =	vmovc v25;
	s30 =	smov.u32 s6;
	s6 =	sadd.s32 $0x100, s6  }
0x2d1: {  	v26 =	vmov s1;
	s12 =	sadd.s32 $0x4, s12;
	v13 =	vadd.s32 v7, v11;
	v11 =	vmovc v30;
	v23 =	vld [tilespmem:s6+$0xC0];
	v25 =	vmul.f32 $8.000000000e+00, v32;
	[tilespmem:v33+s28+$0x0] =	vst.idx.msk $0xffff, v27  }
0x2d2: {  	s1 =	sadd.s32 $0x1, s25;
	v26 =	vand.u32 $0x7F, v26;
	v32 =	vld [tilespmem:s6+$0x0]  }
0x2d3: {  	s25 =	sadd.s32 $0x2, s25;
	v28 =	vld [tilespmem:s6+$0x40];
	v27 =	vmov s1;
	v29 =	vadd.s32 v4, v26  }
0x2d4: {  	v31 =	vld [tilespmem:s6+$0x80];
	v43 =	vadd.s32 v4, v15;
	v30 =	vmov s25;
	v27 =	vand.u32 $0x7D, v27  }
0x2d5: {  	v30 =	vand.u32 $0x7E, v30;
	v33 =	vadd.s32 v4, v27  }
0x2d6: {  	[tilespmem:v22+s28+$0x0] =	vst.idx.msk $0xffff, v24;
	v34 =	vadd.s32 v4, v30;
	v23 =	vmul.f32 $8.000000000e+00, v23  }
0x2d7: {  	[tilespmem:v21+s28+$0x0] =	vst.idx.msk $0xffff, v25;
	v46 =	vmul.f32 $8.000000000e+00, v32  }
0x2d8: {  	v44 =	vmul.f32 $8.000000000e+00, v28;
	[tilespmem:v29+s28+$0x0] =	vst.idx.msk $0xffff, v23  }
0x2d9: {  	v45 =	vmul.f32 $8.000000000e+00, v31;
	v47 =	vld [tilespmem:s6+$0xD0];
	[tilespmem:v43+s28+$0x0] =	vst.idx.msk $0xffff, v46  }
0x2da: {  	v20 =	vmul.f32 $8.000000000e+00, v20;
	v12 =	vadd.s32 v7, v12;
	[tilespmem:v33+s28+$0x0] =	vst.idx.msk $0xffff, v44;
	v51 =	vld [tilespmem:s6+$0x10]  }
0x2db: {  	v19 =	vmul.f32 $8.000000000e+00, v19;
	v49 =	vadd.s32 v5, v26;
	[tilespmem:v34+s28+$0x0] =	vst.idx.msk $0xffff, v45;
	v48 =	vld [tilespmem:s6+$0x50]  }
0x2dc: {  	v56 =	vadd.s32 v5, v15;
	[tilespmem:v17+s28+$0x0] =	vst.idx.msk $0xffff, v20;
	v50 =	vmul.f32 $8.000000000e+00, v18;
	v23 =	vld [tilespmem:s6+$0x90]  }
0x2dd: {  	v53 =	vld [tilespmem:s30+$0xE0];
	v52 =	vadd.s32 v5, v27;
	v16 =	vmul.f32 $8.000000000e+00, v16;
	[tilespmem:v14+s28+$0x0] =	vst.idx.msk $0xffff, v19  }
0x2de: {  	v55 =	vld [tilespmem:s30+$0x60];
	v54 =	vadd.s32 v5, v30;
	[tilespmem:v13+s28+$0x0] =	vst.idx.msk $0xffff, v50;
	v57 =	vmul.f32 $8.000000000e+00, v47  }
0x2df: {  	v58 =	vadd.s32 v6, v9;
	v59 =	vld [tilespmem:s30+$0xA0];
	[tilespmem:v12+s28+$0x0] =	vst.idx.msk $0xffff, v16;
	v18 =	vmul.f32 $8.000000000e+00, v51  }
0x2e0: {  	v62 =	vadd.s32 v6, v10;
	v61 =	vld [tilespmem:s30+$0x20];
	v60 =	vmul.f32 $8.000000000e+00, v48;
	[tilespmem:v49+s28+$0x0] =	vst.idx.msk $0xffff, v57  }
0x2e1: {  	v29 =	vadd.s32 v6, v11;
	v63 =	vmul.f32 $8.000000000e+00, v23;
	v31 =	vld [tilespmem:s6+$0xE0];
	[tilespmem:v56+s28+$0x0] =	vst.idx.msk $0xffff, v18  }
0x2e2: {  	v32 =	vmul.f32 $8.000000000e+00, v53;
	v33 =	vadd.s32 v6, v8;
	[tilespmem:v52+s28+$0x0] =	vst.idx.msk $0xffff, v60;
	v39 =	vld [tilespmem:s6+$0x20]  }
0x2e3: {  	v36 =	vadd.s32 v6, v26;
	v35 =	vmul.f32 $8.000000000e+00, v55;
	[tilespmem:v54+s28+$0x0] =	vst.idx.msk $0xffff, v63;
	v34 =	vld [tilespmem:s6+$0x60]  }
0x2e4: {  	[tilespmem:v58+s28+$0x0] =	vst.idx.msk $0xffff, v32;
	v38 =	vmul.f32 $8.000000000e+00, v59;
	v44 =	vadd.s32 v6, v15;
	v37 =	vld [tilespmem:s6+$0xA0]  }
0x2e5: {  	v40 =	vadd.s32 v6, v27;
	v16 =	vmul.f32 $8.000000000e+00, v61;
	v41 =	vld [tilespmem:s30+$0xF0];
	[tilespmem:v62+s28+$0x0] =	vst.idx.msk $0xffff, v35  }
0x2e6: {  	v42 =	vadd.s32 v6, v30;
	v25 =	vld [tilespmem:s30+$0x70];
	[tilespmem:v29+s28+$0x0] =	vst.idx.msk $0xffff, v38;
	v43 =	vmul.f32 $8.000000000e+00, v31  }
0x2e7: {  	v45 =	vadd.s32 v7, v9;
	v46 =	vld [tilespmem:s30+$0xB0];
	[tilespmem:v33+s28+$0x0] =	vst.idx.msk $0xffff, v16;
	v50 =	vmul.f32 $8.000000000e+00, v39  }
0x2e8: {  	v47 =	vadd.s32 v7, v10;
	v20 =	vld [tilespmem:s30+$0x30];
	v14 =	vmul.f32 $8.000000000e+00, v34;
	[tilespmem:v36+s28+$0x0] =	vst.idx.msk $0xffff, v43  }
0x2e9: {  	v49 =	vadd.s32 v7, v11;
	v48 =	vmul.f32 $8.000000000e+00, v37;
	v13 =	vld [tilespmem:s6+$0xF0];
	[tilespmem:v44+s28+$0x0] =	vst.idx.msk $0xffff, v50  }
0x2ea: {  	v8 =	vadd.s32 v7, v8;
	v51 =	vmul.f32 $8.000000000e+00, v41;
	[tilespmem:v40+s28+$0x0] =	vst.idx.msk $0xffff, v14;
	v57 =	vld [tilespmem:s6+$0x30]  }
0x2eb: {  	v53 =	vmul.f32 $8.000000000e+00, v25;
	v54 =	vadd.s32 v7, v26;
	[tilespmem:v42+s28+$0x0] =	vst.idx.msk $0xffff, v48;
	v52 =	vld [tilespmem:s6+$0x70]  }
0x2ec: {  	v61 =	vadd.s32 v7, v15;
	[tilespmem:v45+s28+$0x0] =	vst.idx.msk $0xffff, v51;
	v56 =	vmul.f32 $8.000000000e+00, v46;
	v55 =	vld [tilespmem:s6+$0xB0]  }
0x2ed: {  	v58 =	vadd.s32 v7, v27;
	[tilespmem:v47+s28+$0x0] =	vst.idx.msk $0xffff, v53;
	v20 =	vmul.f32 $8.000000000e+00, v20  }
0x2ee: {  	v59 =	vadd.s32 v7, v30;
	[tilespmem:v49+s28+$0x0] =	vst.idx.msk $0xffff, v56;
	v60 =	vmul.f32 $8.000000000e+00, v13  }
0x2ef: {  	[tilespmem:v8+s28+$0x0] =	vst.idx.msk $0xffff, v20;
	v63 =	vmul.f32 $8.000000000e+00, v57  }
0x2f0: {  	s30 =	sadd.s32 s9, s20;
	v8 =	vmul.f32 $8.000000000e+00, v52;
	[tilespmem:v54+s28+$0x0] =	vst.idx.msk $0xffff, v60  }
0x2f1: {  	s1 =	sshrl.u32 s30, $0x3;
	v62 =	vmul.f32 $8.000000000e+00, v55;
	[tilespmem:v61+s28+$0x0] =	vst.idx.msk $0xffff, v63  }
0x2f2: {  	s12 =	simm.s32 $0x12800;
	s6 =	sadd.s32 s3, s1;
	[tilespmem:v58+s28+$0x0] =	vst.idx.msk $0xffff, v8  }
0x2f3: {  	s15 =	simm.s32 $0x200;
	s20 =	simm.s32 $0x12888;
	s25 =	sadd.s32 $0x0, s6;
	[tilespmem:v59+s28+$0x0] =	vst.idx.msk $0xffff, v62  }
.LBB2_37:
0x2f4: {  	[hbm4b:s25+s2] =	stream.linear.scatter [tilespmem:s12], [sflag:$0x4], $0x80, $0x38;
	[tilespmem:$0x16C00] =	vst v63  }
0x2f5: {  	s1 =	smov.u32 s15;
	s12 =	smov.u32 s20;
	p0 =	sne.s32 s15, $0xFE00  }
.Ltmp17:
0x2f6: {  	s15 =	sadd.s32 $0x200, s15;
	(pc) =	sbr.rel @p0 .LBB2_37-.Ltmp17, $2  }
0x2f7: {  	_ =	sdelay $0x2  }
0x2f8: {  	s20 =	sadd.s32 $0x88, s20;
	s25 =	sadd.s32 s1, s6  }
0x2f9: {  	[hbm4b:s25+s2] =	stream.linear.scatter [tilespmem:s12], [sflag:$0x4], $0x80, $0x38;
	[tilespmem:$0x16C00] =	vst v63  }
0x2fa: {  	s18 =	sadd.s32 $0x1, s18  }
0x2fb: {  	p0 =	sne.s32 s18, $0x30  }
.Ltmp18:
0x2fc: {  	_ = 	snop;
	(pc) =	sbr.rel @p0 .LBB2_20-.Ltmp18, $4  }
.Ltmp19:
0x2fd: {  	s1 =	sadd.s32 $0x500, s24;
	(pc) =	sbr.rel @!p0 .LBB2_39-.Ltmp19, $4  }
0x2fe: {  	[tilespmem:s19], [sflag:$0x2] =	stream.indirect.gather [hbm4b:s4+s13], $0x40, s1, s13, $0xb8;
	[tilespmem:$0x16C00] =	vst v63  }
0x2ff: {  	s30 =	sadd.s32 $0x580, s24  }
0x300: {  	[tilespmem:s21], [sflag:$0x2] =	stream.indirect.gather [hbm4b:s4+s13], $0x40, s30, s13, $0xb8;
	[tilespmem:$0x16C00] =	vst v63  }
0x301: {  	_ = 	snop  }
.LBB2_23:
.Ltmp20:
0x302: {  	(pc) =	sbr.rel .LBB2_30-.Ltmp20, $2  }
0x303: {  	_ =	sdelay $0x2  }
0x304: {  	_ = 	snop  }
.LBB2_25:
.Ltmp21:
0x305: {  	(pc) =	sbr.rel .LBB2_30-.Ltmp21, $2  }
0x306: {  	_ =	sdelay $0x2  }
0x307: {  	v29 =	vmov v8;
	s25 =	simm.s32 $0x4;
	s20 =	simm.s32 $0x84F0;
	s24 =	simm.s32 $0x85F0;
	v8 =	vmov v12  }
.LBB2_27:
.Ltmp22:
0x308: {  	(pc) =	sbr.rel .LBB2_30-.Ltmp22, $3  }
0x309: {  	_ =	sdelay $0x1  }
0x30a: {  	v28 =	vmov v8  }
0x30b: {  	v29 =	vmovc v12;
	s24 =	simm.s32 $0x86F0;
	v8 =	vmovc v11;
	v11 =	vmov v13;
	v9 =	vmov v14;
	v10 =	vmov v15  }
.LBB2_39:
0x30c: {  	_ =	swait.ge [sflag:s22], $0x2000  }
0x30d: {  	[sflag:s22] =	ssyncset.done $0x0  }
0x30e: {  	[sflag:s22] =	ssyncadd.s32 $0xFFFFE000  }
0x30f: {  	_ =	swait.ge [sflag:s22], $0x2000  }
0x310: {  	[sflag:s22] =	ssyncset.done $0x0  }
0x311: {  	[sflag:s22] =	ssyncadd.s32 $0xFFFFE000  }
0x312: {  	_ =	swait.ge [sflag:s31], $0x4000  }
0x313: {  	[sflag:s31] =	ssyncset.done $0x0  }
0x314: {  	s12 =	simm.s32 $0x6480;
	s1 =	simm.s32 $0x3;
	[sflag:s31] =	ssyncadd.s32 $0xFFFFC000  }
0x315: {  	v8 =	vmov s1;
	v9 =	vld [tilespmem:s12+$0x40]  }
0x316: {  	v15 =	vand.u32 $0x7F, v8  }
0x317: {  	s14 =	simm.s32 $0x0;
	v8 =	vadd.s32 v0, v15  }
0x318: {  	s15 =	simm.s32 $0x1;
	s6 =	simm.s32 $0x2;
	v10 =	vmov s14;
	v11 =	vld [tilespmem:s12+$0xFFFFFF80]  }
0x319: {  	v13 =	vmov s6;
	v12 =	vand.u32 $0x7C, v10;
	v10 =	vmov s15;
	v16 =	vld [tilespmem:s12+$0xFFFFFFC0]  }
0x31a: {  	v17 =	vadd.s32 v0, v12;
	v14 =	vand.u32 $0x7D, v10;
	v10 =	vld [tilespmem:s12+$0x0];
	v9 =	vmul.f32 $8.000000000e+00, v9  }
0x31b: {  	v13 =	vand.u32 $0x7E, v13;
	v18 =	vadd.s32 v0, v14  }
0x31c: {  	v19 =	vadd.s32 v0, v13;
	[tilespmem:v8+s23+$0x0] =	vst.idx.msk $0xffff, v9  }
0x31d: {  	v8 =	vmul.f32 $8.000000000e+00, v11;
	v9 =	vld [tilespmem:s12+$0x50]  }
0x31e: {  	v11 =	vmul.f32 $8.000000000e+00, v16  }
0x31f: {  	[tilespmem:v17+s23+$0x0] =	vst.idx.msk $0xffff, v8;
	v8 =	vmul.f32 $8.000000000e+00, v10;
	v10 =	vadd.s32 v1, v15  }
0x320: {  	[tilespmem:v18+s23+$0x0] =	vst.idx.msk $0xffff, v11;
	v16 =	vld [tilespmem:s12+$0xFFFFFF90]  }
0x321: {  	v11 =	vld [tilespmem:s12+$0xFFFFFFD0];
	[tilespmem:v19+s23+$0x0] =	vst.idx.msk $0xffff, v8  }
0x322: {  	v17 =	vld [tilespmem:s12+$0x10];
	v8 =	vmul.f32 $8.000000000e+00, v9  }
0x323: {  	s18 =	simm.s32 $0x4;
	s24 =	simm.s32 $0x7;
	s20 =	simm.s32 $0x6580;
	v18 =	vadd.s32 v1, v14  }
0x324: {  	v20 =	vld [tilespmem:s20+$0x40];
	v19 =	vadd.s32 v1, v13;
	v9 =	vmov s18;
	[tilespmem:v10+s23+$0x0] =	vst.idx.msk $0xffff, v8;
	v10 =	vmov s24  }
0x325: {  	v21 =	vadd.s32 v1, v12;
	v8 =	vand.u32 $0x7C, v9;
	v9 =	vand.u32 $0x7F, v10;
	v22 =	vld [tilespmem:s12+$0x60]  }
0x326: {  	s25 =	simm.s32 $0x5;
	v26 =	vadd.s32 v2, v15;
	v23 =	vld [tilespmem:s20+$0xFFFFFF80];
	v10 =	vmul.f32 $8.000000000e+00, v11;
	v24 =	vadd.s32 v0, v9  }
0x327: {  	s30 =	simm.s32 $0x6;
	v25 =	vld [tilespmem:s20+$0xFFFFFFC0];
	v16 =	vmul.f32 $8.000000000e+00, v16;
	v11 =	vmul.f32 $8.000000000e+00, v17;
	v17 =	vmov s25  }
0x328: {  	v27 =	vadd.s32 v0, v8;
	[tilespmem:v18+s23+$0x0] =	vst.idx.msk $0xffff, v10;
	v18 =	vmov s30;
	v10 =	vand.u32 $0x7D, v17;
	v17 =	vld [tilespmem:s20+$0x0]  }
0x329: {  	[tilespmem:v19+s23+$0x0] =	vst.idx.msk $0xffff, v11;
	v11 =	vand.u32 $0x7E, v18;
	v18 =	vmul.f32 $8.000000000e+00, v20;
	v20 =	vld [tilespmem:s12+$0xFFFFFFE0]  }
0x32a: {  	[tilespmem:v21+s23+$0x0] =	vst.idx.msk $0xffff, v16;
	v19 =	vadd.s32 v0, v10;
	v21 =	vld [tilespmem:s12+$0x20];
	v22 =	vmul.f32 $8.000000000e+00, v22  }
0x32b: {  	v23 =	vmul.f32 $8.000000000e+00, v23;
	v16 =	vadd.s32 v0, v11;
	[tilespmem:v24+s23+$0x0] =	vst.idx.msk $0xffff, v18;
	v18 =	vld [tilespmem:s12+$0xFFFFFFA0]  }
0x32c: {  	v24 =	vadd.s32 v2, v14;
	v28 =	vld [tilespmem:s20+$0x50];
	[tilespmem:v26+s23+$0x0] =	vst.idx.msk $0xffff, v22  }
0x32d: {  	v25 =	vmul.f32 $8.000000000e+00, v25;
	[tilespmem:v27+s23+$0x0] =	vst.idx.msk $0xffff, v23;
	v22 =	vadd.s32 v2, v12;
	v27 =	vld [tilespmem:s12+$0x70]  }
0x32e: {  	v30 =	vadd.s32 v2, v13;
	v17 =	vmul.f32 $8.000000000e+00, v17  }
0x32f: {  	[tilespmem:v19+s23+$0x0] =	vst.idx.msk $0xffff, v25;
	v20 =	vmul.f32 $8.000000000e+00, v20  }
0x330: {  	v32 =	vld [tilespmem:s20+$0xFFFFFF90];
	v19 =	vadd.s32 v1, v9;
	[tilespmem:v16+s23+$0x0] =	vst.idx.msk $0xffff, v17;
	v18 =	vmul.f32 $8.000000000e+00, v18  }
0x331: {  	v34 =	vld [tilespmem:s20+$0xFFFFFFD0];
	v16 =	vmul.f32 $8.000000000e+00, v21;
	v17 =	vadd.s32 v3, v15;
	[tilespmem:v24+s23+$0x0] =	vst.idx.msk $0xffff, v20  }
0x332: {  	s18 =	simm.s32 $0xB;
	v31 =	vadd.s32 v1, v8;
	v26 =	vld [tilespmem:s20+$0x10];
	v20 =	vmul.f32 $8.000000000e+00, v28;
	[tilespmem:v22+s23+$0x0] =	vst.idx.msk $0xffff, v18;
	v18 =	vmul.f32 $8.000000000e+00, v27  }
0x333: {  	s14 =	simm.s32 $0x8;
	v35 =	vmov s18;
	v29 =	vadd.s32 v1, v10;
	[tilespmem:v30+s23+$0x0] =	vst.idx.msk $0xffff, v16;
	v25 =	vld [tilespmem:s12+$0xFFFFFFF0]  }
0x334: {  	v23 =	vadd.s32 v1, v11;
	v16 =	vmov s14;
	v30 =	vadd.s32 v3, v13;
	v24 =	vld [tilespmem:s12+$0x30]  }
0x335: {  	s6 =	simm.s32 $0x6680;
	v33 =	vmul.f32 $8.000000000e+00, v32;
	v21 =	vand.u32 $0x7C, v16;
	v28 =	vadd.s32 v3, v14;
	v22 =	vmovc v12;
	[tilespmem:v19+s23+$0x0] =	vst.idx.msk $0xffff, v20;
	v27 =	vld [tilespmem:s12+$0xFFFFFFB0]  }
0x336: {  	s15 =	simm.s32 $0x8;
	v32 =	vld [tilespmem:s6+$0x40];
	s12 =	simm.s32 $0xC;
	v34 =	vmul.f32 $8.000000000e+00, v34;
	v19 =	vmovc v10;
	[tilespmem:v17+s23+$0x0] =	vst.idx.msk $0xffff, v18;
	v17 =	vmovc v8;
	v20 =	vmov v9;
	v18 =	vmov v11  }
.LBB2_40:
0x337: {  	p0 =	slt.u32 s12, $0x7C;
	s1 =	sadd.s32 $0x1, s15;
	v35 =	vand.u32 $0x7F, v35;
	[tilespmem:v31+s23+$0x0] =	vst.idx.msk $0xffff, v33;
	v26 =	vmul.f32 $8.000000000e+00, v26;
	v31 =	vld [tilespmem:s20+$0x60];
	v33 =	vadd.s32 v3, v22;
	v22 =	vmovc v17  }
0x338: {  	v17 =	vmovc v21;
	v36 =	vld [tilespmem:s6+$0xFFFFFF80];
	v37 =	vmov s1;
	s1 =	sadd.s32 $0x2, s15;
	v38 =	vadd.s32 v0, v35;
	[tilespmem:v29+s23+$0x0] =	vst.idx.msk $0xffff, v34;
	v25 =	vmul.f32 $8.000000000e+00, v25;
	s15 =	smov.u32 s12  }
0x339: {  	v21 =	vld [tilespmem:s6+$0xFFFFFFC0];
	v29 =	vmov s1;
	[tilespmem:v23+s23+$0x0] =	vst.idx.msk $0xffff, v26;
	v23 =	vadd.s32 v2, v20;
	v24 =	vmul.f32 $8.000000000e+00, v24  }
0x33a: {  	v26 =	vadd.s32 v0, v17;
	v34 =	vand.u32 $0x7D, v37;
	v37 =	vld [tilespmem:s6+$0x0];
	v27 =	vmul.f32 $8.000000000e+00, v27;
	[tilespmem:v28+s23+$0x0] =	vst.idx.msk $0xffff, v25  }
0x33b: {  	v25 =	vadd.s32 v0, v34;
	v39 =	vand.u32 $0x7E, v29;
	v28 =	vmul.f32 $8.000000000e+00, v32;
	v29 =	vld [tilespmem:s20+$0xFFFFFFE0];
	[tilespmem:v30+s23+$0x0] =	vst.idx.msk $0xffff, v24  }
0x33c: {  	v24 =	vadd.s32 v0, v39;
	v30 =	vld [tilespmem:s20+$0x20];
	v31 =	vmul.f32 $8.000000000e+00, v31;
	[tilespmem:v33+s23+$0x0] =	vst.idx.msk $0xffff, v27  }
0x33d: {  	v32 =	vadd.s32 v2, v19;
	v27 =	vmul.f32 $8.000000000e+00, v36;
	[tilespmem:v38+s23+$0x0] =	vst.idx.msk $0xffff, v28;
	v28 =	vld [tilespmem:s20+$0xFFFFFFA0]  }
0x33e: {  	v36 =	vadd.s32 v2, v18;
	v21 =	vmul.f32 $8.000000000e+00, v21;
	v33 =	vld [tilespmem:s6+$0x50];
	[tilespmem:v23+s23+$0x0] =	vst.idx.msk $0xffff, v31  }
0x33f: {  	[tilespmem:v26+s23+$0x0] =	vst.idx.msk $0xffff, v27;
	v23 =	vmul.f32 $8.000000000e+00, v37;
	v27 =	vadd.s32 v2, v22;
	v37 =	vld [tilespmem:s20+$0x70]  }
0x340: {  	v40 =	vadd.s32 v1, v35;
	v38 =	vld [tilespmem:s6+$0xFFFFFF90];
	[tilespmem:v25+s23+$0x0] =	vst.idx.msk $0xffff, v21;
	v21 =	vmul.f32 $8.000000000e+00, v29  }
0x341: {  	v42 =	vadd.s32 v3, v20;
	v20 =	vmov v35;
	v41 =	vld [tilespmem:s6+$0xFFFFFFD0];
	[tilespmem:v24+s23+$0x0] =	vst.idx.msk $0xffff, v23;
	v23 =	vmul.f32 $8.000000000e+00, v30  }
.Ltmp23:
0x342: {  	v31 =	vadd.s32 v1, v17;
	v26 =	vld [tilespmem:s6+$0x10];
	v24 =	vmul.f32 $8.000000000e+00, v28;
	[tilespmem:v32+s23+$0x0] =	vst.idx.msk $0xffff, v21;
	(pc) =	sbr.rel @p0 .LBB2_40-.Ltmp23, $4  }
0x343: {  	v29 =	vadd.s32 v1, v34;
	v28 =	vmul.f32 $8.000000000e+00, v33;
	v25 =	vld [tilespmem:s20+$0xFFFFFFF0];
	[tilespmem:v36+s23+$0x0] =	vst.idx.msk $0xffff, v23  }
0x344: {  	v21 =	vmov s12;
	v23 =	vadd.s32 v1, v39;
	[tilespmem:v27+s23+$0x0] =	vst.idx.msk $0xffff, v24;
	v24 =	vld [tilespmem:s20+$0x30];
	v36 =	vmul.f32 $8.000000000e+00, v37  }
0x345: {  	s1 =	sadd.s32 $0x3, s12;
	v21 =	vand.u32 $0x7C, v21;
	v33 =	vmul.f32 $8.000000000e+00, v38;
	[tilespmem:v40+s23+$0x0] =	vst.idx.msk $0xffff, v28;
	v27 =	vld [tilespmem:s20+$0xFFFFFFB0];
	v28 =	vadd.s32 v3, v19;
	v19 =	vmovc v34;
	s20 =	smov.u32 s6;
	s6 =	sadd.s32 $0x100, s6  }
0x346: {  	v35 =	vmov s1;
	v30 =	vadd.s32 v3, v18;
	v18 =	vmovc v39;
	s12 =	sadd.s32 $0x4, s12;
	v32 =	vld [tilespmem:s6+$0x40];
	v34 =	vmul.f32 $8.000000000e+00, v41;
	[tilespmem:v42+s23+$0x0] =	vst.idx.msk $0xffff, v36  }
0x347: {  	s1 =	sadd.s32 $0x1, s15  }
0x348: {  	v35 =	vand.u32 $0x7F, v35;
	s30 =	sadd.s32 $0x2, s15;
	v37 =	vld [tilespmem:s6+$0xFFFFFFC0];
	v36 =	vmov s1  }
0x349: {  	v40 =	vld [tilespmem:s6+$0x0];
	v38 =	vadd.s32 v0, v35;
	v39 =	vmov s30;
	v36 =	vand.u32 $0x7D, v36  }
0x34a: {  	v41 =	vld [tilespmem:s6+$0xFFFFFF80];
	v39 =	vand.u32 $0x7E, v39;
	v42 =	vadd.s32 v0, v36  }
0x34b: {  	v43 =	vadd.s32 v0, v39  }
0x34c: {  	[tilespmem:v31+s23+$0x0] =	vst.idx.msk $0xffff, v33;
	v62 =	vadd.s32 v0, v21;
	v32 =	vmul.f32 $8.000000000e+00, v32  }
0x34d: {  	[tilespmem:v29+s23+$0x0] =	vst.idx.msk $0xffff, v34;
	v63 =	vmul.f32 $8.000000000e+00, v37  }
0x34e: {  	v37 =	vmul.f32 $8.000000000e+00, v40;
	[tilespmem:v38+s23+$0x0] =	vst.idx.msk $0xffff, v32  }
0x34f: {  	v38 =	vmul.f32 $8.000000000e+00, v41;
	v40 =	vld [tilespmem:s6+$0x50];
	[tilespmem:v42+s23+$0x0] =	vst.idx.msk $0xffff, v63  }
0x350: {  	v26 =	vmul.f32 $8.000000000e+00, v26;
	v22 =	vadd.s32 v3, v22;
	[tilespmem:v43+s23+$0x0] =	vst.idx.msk $0xffff, v37;
	v41 =	vld [tilespmem:s6+$0xFFFFFFD0]  }
0x351: {  	v25 =	vmul.f32 $8.000000000e+00, v25;
	[tilespmem:v62+s23+$0x0] =	vst.idx.msk $0xffff, v38;
	v42 =	vadd.s32 v1, v35;
	v32 =	vld [tilespmem:s6+$0x10]  }
0x352: {  	[tilespmem:v23+s23+$0x0] =	vst.idx.msk $0xffff, v26;
	v23 =	vmul.f32 $8.000000000e+00, v24;
	v26 =	vadd.s32 v1, v36;
	v24 =	vld [tilespmem:s6+$0xFFFFFF90]  }
0x353: {  	v27 =	vmul.f32 $8.000000000e+00, v27;
	[tilespmem:v28+s23+$0x0] =	vst.idx.msk $0xffff, v25;
	v25 =	vadd.s32 v1, v39;
	v43 =	vld [tilespmem:s20+$0x60]  }
0x354: {  	v44 =	vld [tilespmem:s20+$0xFFFFFFE0];
	[tilespmem:v30+s23+$0x0] =	vst.idx.msk $0xffff, v23;
	v23 =	vadd.s32 v1, v21;
	v29 =	vmul.f32 $8.000000000e+00, v40  }
0x355: {  	v45 =	vadd.s32 v2, v20;
	v46 =	vld [tilespmem:s20+$0x20];
	[tilespmem:v22+s23+$0x0] =	vst.idx.msk $0xffff, v27;
	v22 =	vmul.f32 $8.000000000e+00, v41  }
0x356: {  	v47 =	vadd.s32 v2, v19;
	v27 =	vld [tilespmem:s20+$0xFFFFFFA0];
	[tilespmem:v42+s23+$0x0] =	vst.idx.msk $0xffff, v29;
	v48 =	vmul.f32 $8.000000000e+00, v32  }
0x357: {  	v49 =	vadd.s32 v2, v18;
	v24 =	vmul.f32 $8.000000000e+00, v24;
	v50 =	vld [tilespmem:s6+$0x60];
	[tilespmem:v26+s23+$0x0] =	vst.idx.msk $0xffff, v22  }
0x358: {  	v22 =	vmul.f32 $8.000000000e+00, v43;
	v26 =	vadd.s32 v2, v17;
	[tilespmem:v25+s23+$0x0] =	vst.idx.msk $0xffff, v48;
	v25 =	vld [tilespmem:s6+$0xFFFFFFE0]  }
0x359: {  	v28 =	vmul.f32 $8.000000000e+00, v44;
	[tilespmem:v23+s23+$0x0] =	vst.idx.msk $0xffff, v24;
	v23 =	vadd.s32 v2, v35;
	v24 =	vld [tilespmem:s6+$0x20]  }
0x35a: {  	v52 =	vadd.s32 v2, v36;
	v51 =	vld [tilespmem:s6+$0xFFFFFFA0];
	[tilespmem:v45+s23+$0x0] =	vst.idx.msk $0xffff, v22;
	v22 =	vmul.f32 $8.000000000e+00, v46  }
0x35b: {  	v54 =	vadd.s32 v2, v39;
	[tilespmem:v47+s23+$0x0] =	vst.idx.msk $0xffff, v28;
	v27 =	vmul.f32 $8.000000000e+00, v27;
	v53 =	vld [tilespmem:s20+$0x70]  }
0x35c: {  	v55 =	vadd.s32 v2, v21;
	v34 =	vld [tilespmem:s20+$0xFFFFFFF0];
	[tilespmem:v49+s23+$0x0] =	vst.idx.msk $0xffff, v22;
	v22 =	vmul.f32 $8.000000000e+00, v50  }
0x35d: {  	v20 =	vadd.s32 v3, v20;
	[tilespmem:v26+s23+$0x0] =	vst.idx.msk $0xffff, v27;
	v26 =	vld [tilespmem:s20+$0x30];
	v25 =	vmul.f32 $8.000000000e+00, v25  }
0x35e: {  	v19 =	vadd.s32 v3, v19;
	v27 =	vld [tilespmem:s20+$0xFFFFFFB0];
	[tilespmem:v23+s23+$0x0] =	vst.idx.msk $0xffff, v22;
	v22 =	vmul.f32 $8.000000000e+00, v24  }
0x35f: {  	v18 =	vadd.s32 v3, v18;
	v24 =	vmul.f32 $8.000000000e+00, v51;
	v23 =	vld [tilespmem:s6+$0x70];
	[tilespmem:v52+s23+$0x0] =	vst.idx.msk $0xffff, v25  }
0x360: {  	v17 =	vadd.s32 v3, v17;
	v25 =	vmul.f32 $8.000000000e+00, v53;
	[tilespmem:v54+s23+$0x0] =	vst.idx.msk $0xffff, v22;
	v56 =	vld [tilespmem:s6+$0xFFFFFFF0]  }
0x361: {  	v57 =	vadd.s32 v3, v35;
	v22 =	vmul.f32 $8.000000000e+00, v34;
	[tilespmem:v55+s23+$0x0] =	vst.idx.msk $0xffff, v24;
	v24 =	vld [tilespmem:s6+$0x30]  }
0x362: {  	[tilespmem:v20+s23+$0x0] =	vst.idx.msk $0xffff, v25;
	v20 =	vmul.f32 $8.000000000e+00, v26;
	v25 =	vld [tilespmem:s6+$0xFFFFFFB0];
	v26 =	vadd.s32 v3, v36  }
0x363: {  	[tilespmem:v19+s23+$0x0] =	vst.idx.msk $0xffff, v22;
	v19 =	vadd.s32 v3, v39;
	v27 =	vmul.f32 $8.000000000e+00, v27  }
0x364: {  	[tilespmem:v18+s23+$0x0] =	vst.idx.msk $0xffff, v20;
	v18 =	vmul.f32 $8.000000000e+00, v23;
	v20 =	vadd.s32 v3, v21  }
0x365: {  	[tilespmem:v17+s23+$0x0] =	vst.idx.msk $0xffff, v27;
	v17 =	vmul.f32 $8.000000000e+00, v56  }
0x366: {  	[tilespmem:v57+s23+$0x0] =	vst.idx.msk $0xffff, v18;
	v18 =	vmul.f32 $8.000000000e+00, v24  }
0x367: {  	v21 =	vmul.f32 $8.000000000e+00, v25;
	[tilespmem:v26+s23+$0x0] =	vst.idx.msk $0xffff, v17  }
0x368: {  	[tilespmem:v19+s23+$0x0] =	vst.idx.msk $0xffff, v18  }
0x369: {  	s12 =	simm.s32 $0x84F0;
	[tilespmem:v20+s23+$0x0] =	vst.idx.msk $0xffff, v21  }
0x36a: {  	v17 =	vld [tilespmem:s12+$0xFFFFFFD0];
	_ =	sdelay $0x1  }
0x36b: {  	v18 =	vadd.s32 v4, v15;
	_ =	sdelay $0x1  }
0x36c: {  	v19 =	vld [tilespmem:s12+$0xFFFFFF50]  }
0x36d: {  	v20 =	vld [tilespmem:s12+$0xFFFFFF90];
	v17 =	vmul.f32 $8.000000000e+00, v17  }
0x36e: {  	v22 =	vadd.s32 v4, v14;
	v21 =	vld [tilespmem:s12+$0xFFFFFF10]  }
0x36f: {  	v23 =	vadd.s32 v4, v13;
	[tilespmem:v18+s23+$0x0] =	vst.idx.msk $0xffff, v17  }
0x370: {  	v17 =	vadd.s32 v4, v12;
	v18 =	vld [tilespmem:s12+$0xFFFFFFE0]  }
0x371: {  	v19 =	vmul.f32 $8.000000000e+00, v19  }
0x372: {  	v24 =	vadd.s32 v5, v15;
	v20 =	vmul.f32 $8.000000000e+00, v20  }
0x373: {  	v21 =	vmul.f32 $8.000000000e+00, v21;
	[tilespmem:v22+s23+$0x0] =	vst.idx.msk $0xffff, v19  }
0x374: {  	[tilespmem:v23+s23+$0x0] =	vst.idx.msk $0xffff, v20;
	v19 =	vld [tilespmem:s12+$0xFFFFFF60]  }
0x375: {  	[tilespmem:v17+s23+$0x0] =	vst.idx.msk $0xffff, v21;
	v17 =	vld [tilespmem:s12+$0xFFFFFFA0];
	v18 =	vmul.f32 $8.000000000e+00, v18  }
0x376: {  	s20 =	simm.s32 $0x85F0;
	v21 =	vadd.s32 v5, v14;
	v20 =	vld [tilespmem:s12+$0xFFFFFF20]  }
0x377: {  	v22 =	vadd.s32 v5, v13;
	[tilespmem:v24+s23+$0x0] =	vst.idx.msk $0xffff, v18;
	v18 =	vld [tilespmem:s20+$0xFFFFFFD0]  }
0x378: {  	v23 =	vadd.s32 v5, v12;
	v24 =	vld [tilespmem:s12+$0xFFFFFFF0]  }
0x379: {  	v26 =	vadd.s32 v4, v9;
	v25 =	vld [tilespmem:s20+$0xFFFFFF10];
	v19 =	vmul.f32 $8.000000000e+00, v19  }
0x37a: {  	v58 =	vadd.s32 v6, v15;
	v27 =	vld [tilespmem:s20+$0xFFFFFF50];
	v17 =	vmul.f32 $8.000000000e+00, v17  }
0x37b: {  	[tilespmem:v21+s23+$0x0] =	vst.idx.msk $0xffff, v19;
	v19 =	vadd.s32 v4, v8;
	v21 =	vld [tilespmem:s20+$0xFFFFFF90];
	v20 =	vmul.f32 $8.000000000e+00, v20  }
0x37c: {  	[tilespmem:v22+s23+$0x0] =	vst.idx.msk $0xffff, v17;
	v17 =	vadd.s32 v4, v10;
	v22 =	vld [tilespmem:s12+$0xFFFFFF70];
	v18 =	vmul.f32 $8.000000000e+00, v18  }
0x37d: {  	[tilespmem:v23+s23+$0x0] =	vst.idx.msk $0xffff, v20;
	v20 =	vadd.s32 v4, v11;
	v23 =	vld [tilespmem:s12+$0xFFFFFFB0];
	v24 =	vmul.f32 $8.000000000e+00, v24  }
0x37e: {  	v25 =	vmul.f32 $8.000000000e+00, v25;
	[tilespmem:v26+s23+$0x0] =	vst.idx.msk $0xffff, v18;
	v18 =	vld [tilespmem:s12+$0xFFFFFF30];
	v26 =	vadd.s32 v6, v14  }
0x37f: {  	v60 =	vadd.s32 v6, v13;
	v27 =	vmul.f32 $8.000000000e+00, v27;
	v59 =	vld [tilespmem:s20+$0xFFFFFFE0];
	[tilespmem:v58+s23+$0x0] =	vst.idx.msk $0xffff, v24  }
0x380: {  	[tilespmem:v19+s23+$0x0] =	vst.idx.msk $0xffff, v25;
	v19 =	vmul.f32 $8.000000000e+00, v21;
	v24 =	vadd.s32 v6, v12;
	v25 =	vld [tilespmem:s12+$0x0]  }
0x381: {  	v61 =	vld [tilespmem:s20+$0xFFFFFF20];
	[tilespmem:v17+s23+$0x0] =	vst.idx.msk $0xffff, v27;
	v27 =	vadd.s32 v5, v9;
	v17 =	vmul.f32 $8.000000000e+00, v22  }
0x382: {  	v62 =	vadd.s32 v7, v15;
	v31 =	vld [tilespmem:s20+$0xFFFFFF60];
	[tilespmem:v20+s23+$0x0] =	vst.idx.msk $0xffff, v19;
	v21 =	vmul.f32 $8.000000000e+00, v23  }
0x383: {  	v22 =	vadd.s32 v5, v8;
	v20 =	vld [tilespmem:s20+$0xFFFFFFA0];
	v15 =	vmul.f32 $8.000000000e+00, v18;
	[tilespmem:v26+s23+$0x0] =	vst.idx.msk $0xffff, v17  }
0x384: {  	[tilespmem:v60+s23+$0x0] =	vst.idx.msk $0xffff, v21;
	v21 =	vadd.s32 v5, v10;
	v23 =	vmul.f32 $8.000000000e+00, v59;
	v19 =	vld [tilespmem:s12+$0xFFFFFF80]  }
0x385: {  	v17 =	vadd.s32 v5, v11;
	v18 =	vld [tilespmem:s12+$0xFFFFFFC0];
	[tilespmem:v24+s23+$0x0] =	vst.idx.msk $0xffff, v15;
	v63 =	vmul.f32 $8.000000000e+00, v25  }
0x386: {  	s6 =	simm.s32 $0x86F0;
	v14 =	vadd.s32 v7, v14;
	v15 =	vand.u32 $0x7C, v16;
	v24 =	vmul.f32 $8.000000000e+00, v61;
	[tilespmem:v27+s23+$0x0] =	vst.idx.msk $0xffff, v23;
	v16 =	vld [tilespmem:s12+$0xFFFFFF40]  }
0x387: {  	v13 =	vadd.s32 v7, v13;
	v26 =	vmov s18;
	v23 =	vld [tilespmem:s6+$0xFFFFFFD0];
	s12 =	simm.s32 $0xC;
	v25 =	vmul.f32 $8.000000000e+00, v31;
	[tilespmem:v62+s23+$0x0] =	vst.idx.msk $0xffff, v63  }
.LBB2_42:
0x388: {  	p0 =	slt.u32 s12, $0x7C;
	s1 =	sadd.s32 $0x1, s14;
	v26 =	vand.u32 $0x7F, v26;
	[tilespmem:v22+s23+$0x0] =	vst.idx.msk $0xffff, v24;
	v20 =	vmul.f32 $8.000000000e+00, v20;
	v22 =	vld [tilespmem:s20+$0xFFFFFFF0];
	v24 =	vadd.s32 v7, v12;
	v12 =	vmovc v8  }
0x389: {  	v8 =	vmovc v15;
	v27 =	vld [tilespmem:s6+$0xFFFFFF10];
	v28 =	vmov s1;
	s1 =	sadd.s32 $0x2, s14;
	v29 =	vadd.s32 v4, v26;
	[tilespmem:v21+s23+$0x0] =	vst.idx.msk $0xffff, v25;
	v19 =	vmul.f32 $8.000000000e+00, v19;
	s14 =	smov.u32 s12  }
0x38a: {  	v15 =	vld [tilespmem:s6+$0xFFFFFF50];
	v21 =	vmov s1;
	[tilespmem:v17+s23+$0x0] =	vst.idx.msk $0xffff, v20;
	v17 =	vadd.s32 v6, v9;
	v18 =	vmul.f32 $8.000000000e+00, v18  }
0x38b: {  	v20 =	vadd.s32 v4, v8;
	v25 =	vand.u32 $0x7D, v28;
	v28 =	vld [tilespmem:s6+$0xFFFFFF90];
	v16 =	vmul.f32 $8.000000000e+00, v16;
	[tilespmem:v14+s23+$0x0] =	vst.idx.msk $0xffff, v19  }
0x38c: {  	v14 =	vadd.s32 v4, v25;
	v30 =	vand.u32 $0x7E, v21;
	v19 =	vmul.f32 $8.000000000e+00, v23;
	v21 =	vld [tilespmem:s20+$0xFFFFFF70];
	[tilespmem:v13+s23+$0x0] =	vst.idx.msk $0xffff, v18  }
0x38d: {  	v13 =	vadd.s32 v4, v30;
	v18 =	vld [tilespmem:s20+$0xFFFFFFB0];
	v22 =	vmul.f32 $8.000000000e+00, v22;
	[tilespmem:v24+s23+$0x0] =	vst.idx.msk $0xffff, v16  }
0x38e: {  	v23 =	vadd.s32 v6, v10;
	v16 =	vmul.f32 $8.000000000e+00, v27;
	[tilespmem:v29+s23+$0x0] =	vst.idx.msk $0xffff, v19;
	v19 =	vld [tilespmem:s20+$0xFFFFFF30]  }
0x38f: {  	v27 =	vadd.s32 v6, v11;
	v15 =	vmul.f32 $8.000000000e+00, v15;
	v24 =	vld [tilespmem:s6+$0xFFFFFFE0];
	[tilespmem:v17+s23+$0x0] =	vst.idx.msk $0xffff, v22  }
0x390: {  	[tilespmem:v20+s23+$0x0] =	vst.idx.msk $0xffff, v16;
	v16 =	vmul.f32 $8.000000000e+00, v28;
	v28 =	vadd.s32 v6, v12;
	v29 =	vld [tilespmem:s20+$0x0]  }
0x391: {  	v31 =	vld [tilespmem:s6+$0xFFFFFF20];
	[tilespmem:v14+s23+$0x0] =	vst.idx.msk $0xffff, v15;
	v14 =	vadd.s32 v5, v26;
	v15 =	vmul.f32 $8.000000000e+00, v21  }
0x392: {  	v33 =	vadd.s32 v7, v9;
	v9 =	vmov v26;
	v32 =	vld [tilespmem:s6+$0xFFFFFF60];
	[tilespmem:v13+s23+$0x0] =	vst.idx.msk $0xffff, v16;
	v13 =	vmul.f32 $8.000000000e+00, v18  }
.Ltmp24:
0x393: {  	v22 =	vadd.s32 v5, v8;
	v20 =	vld [tilespmem:s6+$0xFFFFFFA0];
	v16 =	vmul.f32 $8.000000000e+00, v19;
	[tilespmem:v23+s23+$0x0] =	vst.idx.msk $0xffff, v15;
	(pc) =	sbr.rel @p0 .LBB2_42-.Ltmp24, $4  }
0x394: {  	v21 =	vadd.s32 v5, v25;
	v23 =	vmul.f32 $8.000000000e+00, v24;
	v19 =	vld [tilespmem:s20+$0xFFFFFF80];
	[tilespmem:v27+s23+$0x0] =	vst.idx.msk $0xffff, v13  }
0x395: {  	v17 =	vadd.s32 v5, v30;
	v13 =	vmov s12;
	[tilespmem:v28+s23+$0x0] =	vst.idx.msk $0xffff, v16;
	v18 =	vld [tilespmem:s20+$0xFFFFFFC0];
	v27 =	vmul.f32 $8.000000000e+00, v29  }
0x396: {  	s1 =	sadd.s32 $0x3, s12;
	v15 =	vand.u32 $0x7C, v13;
	v24 =	vmul.f32 $8.000000000e+00, v31;
	[tilespmem:v14+s23+$0x0] =	vst.idx.msk $0xffff, v23;
	v16 =	vld [tilespmem:s20+$0xFFFFFF40];
	v14 =	vadd.s32 v7, v10;
	v10 =	vmovc v25;
	s20 =	smov.u32 s6;
	s6 =	sadd.s32 $0x100, s6  }
0x397: {  	v26 =	vmov s1;
	s12 =	sadd.s32 $0x4, s12;
	v13 =	vadd.s32 v7, v11;
	v11 =	vmovc v30;
	v23 =	vld [tilespmem:s6+$0xFFFFFFD0];
	v25 =	vmul.f32 $8.000000000e+00, v32;
	[tilespmem:v33+s23+$0x0] =	vst.idx.msk $0xffff, v27  }
0x398: {  	s1 =	sadd.s32 $0x1, s14;
	v26 =	vand.u32 $0x7F, v26;
	v32 =	vld [tilespmem:s6+$0xFFFFFF10]  }
0x399: {  	s30 =	sadd.s32 $0x2, s14;
	v28 =	vld [tilespmem:s6+$0xFFFFFF50];
	v27 =	vmov s1;
	v29 =	vadd.s32 v4, v26  }
0x39a: {  	v31 =	vld [tilespmem:s6+$0xFFFFFF90];
	v43 =	vadd.s32 v4, v15;
	v30 =	vmov s30;
	v27 =	vand.u32 $0x7D, v27  }
0x39b: {  	v30 =	vand.u32 $0x7E, v30;
	v33 =	vadd.s32 v4, v27  }
0x39c: {  	[tilespmem:v22+s23+$0x0] =	vst.idx.msk $0xffff, v24;
	v34 =	vadd.s32 v4, v30;
	v23 =	vmul.f32 $8.000000000e+00, v23  }
0x39d: {  	[tilespmem:v21+s23+$0x0] =	vst.idx.msk $0xffff, v25;
	v46 =	vmul.f32 $8.000000000e+00, v32  }
0x39e: {  	v44 =	vmul.f32 $8.000000000e+00, v28;
	[tilespmem:v29+s23+$0x0] =	vst.idx.msk $0xffff, v23  }
0x39f: {  	v45 =	vmul.f32 $8.000000000e+00, v31;
	v47 =	vld [tilespmem:s6+$0xFFFFFFE0];
	[tilespmem:v43+s23+$0x0] =	vst.idx.msk $0xffff, v46  }
0x3a0: {  	v20 =	vmul.f32 $8.000000000e+00, v20;
	v12 =	vadd.s32 v7, v12;
	[tilespmem:v33+s23+$0x0] =	vst.idx.msk $0xffff, v44;
	v51 =	vld [tilespmem:s6+$0xFFFFFF20]  }
0x3a1: {  	v19 =	vmul.f32 $8.000000000e+00, v19;
	v49 =	vadd.s32 v5, v26;
	[tilespmem:v34+s23+$0x0] =	vst.idx.msk $0xffff, v45;
	v48 =	vld [tilespmem:s6+$0xFFFFFF60]  }
0x3a2: {  	v56 =	vadd.s32 v5, v15;
	[tilespmem:v17+s23+$0x0] =	vst.idx.msk $0xffff, v20;
	v50 =	vmul.f32 $8.000000000e+00, v18;
	v23 =	vld [tilespmem:s6+$0xFFFFFFA0]  }
0x3a3: {  	v53 =	vld [tilespmem:s20+$0xFFFFFFF0];
	v52 =	vadd.s32 v5, v27;
	v16 =	vmul.f32 $8.000000000e+00, v16;
	[tilespmem:v14+s23+$0x0] =	vst.idx.msk $0xffff, v19  }
0x3a4: {  	v55 =	vld [tilespmem:s20+$0xFFFFFF70];
	v54 =	vadd.s32 v5, v30;
	[tilespmem:v13+s23+$0x0] =	vst.idx.msk $0xffff, v50;
	v57 =	vmul.f32 $8.000000000e+00, v47  }
0x3a5: {  	v58 =	vadd.s32 v6, v9;
	v59 =	vld [tilespmem:s20+$0xFFFFFFB0];
	[tilespmem:v12+s23+$0x0] =	vst.idx.msk $0xffff, v16;
	v18 =	vmul.f32 $8.000000000e+00, v51  }
0x3a6: {  	v62 =	vadd.s32 v6, v10;
	v61 =	vld [tilespmem:s20+$0xFFFFFF30];
	v60 =	vmul.f32 $8.000000000e+00, v48;
	[tilespmem:v49+s23+$0x0] =	vst.idx.msk $0xffff, v57  }
0x3a7: {  	v29 =	vadd.s32 v6, v11;
	v63 =	vmul.f32 $8.000000000e+00, v23;
	v31 =	vld [tilespmem:s6+$0xFFFFFFF0];
	[tilespmem:v56+s23+$0x0] =	vst.idx.msk $0xffff, v18  }
0x3a8: {  	v32 =	vmul.f32 $8.000000000e+00, v53;
	v33 =	vadd.s32 v6, v8;
	[tilespmem:v52+s23+$0x0] =	vst.idx.msk $0xffff, v60;
	v39 =	vld [tilespmem:s6+$0xFFFFFF30]  }
0x3a9: {  	v36 =	vadd.s32 v6, v26;
	v35 =	vmul.f32 $8.000000000e+00, v55;
	[tilespmem:v54+s23+$0x0] =	vst.idx.msk $0xffff, v63;
	v34 =	vld [tilespmem:s6+$0xFFFFFF70]  }
0x3aa: {  	[tilespmem:v58+s23+$0x0] =	vst.idx.msk $0xffff, v32;
	v38 =	vmul.f32 $8.000000000e+00, v59;
	v44 =	vadd.s32 v6, v15;
	v37 =	vld [tilespmem:s6+$0xFFFFFFB0]  }
0x3ab: {  	v40 =	vadd.s32 v6, v27;
	v16 =	vmul.f32 $8.000000000e+00, v61;
	v41 =	vld [tilespmem:s20+$0x0];
	[tilespmem:v62+s23+$0x0] =	vst.idx.msk $0xffff, v35  }
0x3ac: {  	v42 =	vadd.s32 v6, v30;
	v25 =	vld [tilespmem:s20+$0xFFFFFF80];
	[tilespmem:v29+s23+$0x0] =	vst.idx.msk $0xffff, v38;
	v43 =	vmul.f32 $8.000000000e+00, v31  }
0x3ad: {  	v45 =	vadd.s32 v7, v9;
	v46 =	vld [tilespmem:s20+$0xFFFFFFC0];
	[tilespmem:v33+s23+$0x0] =	vst.idx.msk $0xffff, v16;
	v50 =	vmul.f32 $8.000000000e+00, v39  }
0x3ae: {  	v47 =	vadd.s32 v7, v10;
	v20 =	vld [tilespmem:s20+$0xFFFFFF40];
	v14 =	vmul.f32 $8.000000000e+00, v34;
	[tilespmem:v36+s23+$0x0] =	vst.idx.msk $0xffff, v43  }
0x3af: {  	v49 =	vadd.s32 v7, v11;
	v48 =	vmul.f32 $8.000000000e+00, v37;
	v13 =	vld [tilespmem:s6+$0x0];
	[tilespmem:v44+s23+$0x0] =	vst.idx.msk $0xffff, v50  }
0x3b0: {  	v8 =	vadd.s32 v7, v8;
	v51 =	vmul.f32 $8.000000000e+00, v41;
	[tilespmem:v40+s23+$0x0] =	vst.idx.msk $0xffff, v14;
	v57 =	vld [tilespmem:s6+$0xFFFFFF40]  }
0x3b1: {  	v53 =	vmul.f32 $8.000000000e+00, v25;
	v54 =	vadd.s32 v7, v26;
	[tilespmem:v42+s23+$0x0] =	vst.idx.msk $0xffff, v48;
	v52 =	vld [tilespmem:s6+$0xFFFFFF80]  }
0x3b2: {  	v61 =	vadd.s32 v7, v15;
	[tilespmem:v45+s23+$0x0] =	vst.idx.msk $0xffff, v51;
	v56 =	vmul.f32 $8.000000000e+00, v46;
	v55 =	vld [tilespmem:s6+$0xFFFFFFC0]  }
0x3b3: {  	v58 =	vadd.s32 v7, v27;
	[tilespmem:v47+s23+$0x0] =	vst.idx.msk $0xffff, v53;
	v20 =	vmul.f32 $8.000000000e+00, v20  }
0x3b4: {  	v59 =	vadd.s32 v7, v30;
	[tilespmem:v49+s23+$0x0] =	vst.idx.msk $0xffff, v56;
	v60 =	vmul.f32 $8.000000000e+00, v13  }
0x3b5: {  	[tilespmem:v8+s23+$0x0] =	vst.idx.msk $0xffff, v20;
	v63 =	vmul.f32 $8.000000000e+00, v57  }
0x3b6: {  	v8 =	vmul.f32 $8.000000000e+00, v52;
	[tilespmem:v54+s23+$0x0] =	vst.idx.msk $0xffff, v60  }
0x3b7: {  	v62 =	vmul.f32 $8.000000000e+00, v55;
	[tilespmem:v61+s23+$0x0] =	vst.idx.msk $0xffff, v63  }
0x3b8: {  	s12 =	simm.s32 $0x200;
	[tilespmem:v58+s23+$0x0] =	vst.idx.msk $0xffff, v8  }
0x3b9: {  	s15 =	sadd.s32 $0x0, s10;
	s14 =	simm.s32 $0xE488;
	s6 =	simm.s32 $0xE400;
	[tilespmem:v59+s23+$0x0] =	vst.idx.msk $0xffff, v62  }
.LBB2_44:
0x3ba: {  	[hbm4b:s15+s2] =	stream.linear.scatter [tilespmem:s6], [sflag:$0x3], $0x80, $0x38;
	[tilespmem:$0x16C00] =	vst v63  }
0x3bb: {  	s1 =	smov.u32 s12;
	s6 =	smov.u32 s14;
	p0 =	sne.s32 s12, $0xFE00  }
.Ltmp25:
0x3bc: {  	s12 =	sadd.s32 $0x200, s12;
	(pc) =	sbr.rel @p0 .LBB2_44-.Ltmp25, $2  }
0x3bd: {  	_ =	sdelay $0x2  }
0x3be: {  	s14 =	sadd.s32 $0x88, s14;
	s15 =	sadd.s32 s1, s10  }
0x3bf: {  	[hbm4b:s15+s2] =	stream.linear.scatter [tilespmem:s6], [sflag:$0x3], $0x80, $0x38;
	[tilespmem:$0x16C00] =	vst v63  }
0x3c0: {  	_ =	swait.ge [sflag:s26], $0x2000  }
0x3c1: {  	[sflag:s26] =	ssyncset.done $0x0  }
0x3c2: {  	[sflag:s26] =	ssyncadd.s32 $0xFFFFE000  }
0x3c3: {  	_ =	swait.ge [sflag:s26], $0x2000  }
0x3c4: {  	[sflag:s26] =	ssyncset.done $0x0  }
0x3c5: {  	[sflag:s26] =	ssyncadd.s32 $0xFFFFE000  }
0x3c6: {  	_ =	swait.ge [sflag:s0], $0x4000  }
0x3c7: {  	[sflag:s0] =	ssyncset.done $0x0  }
0x3c8: {  	s12 =	simm.s32 $0xA4F0;
	s1 =	simm.s32 $0x3;
	[sflag:s0] =	ssyncadd.s32 $0xFFFFC000  }
0x3c9: {  	v8 =	vmov s1;
	v9 =	vld [tilespmem:s12+$0xFFFFFFD0]  }
0x3ca: {  	v15 =	vand.u32 $0x7F, v8  }
0x3cb: {  	s6 =	simm.s32 $0x0;
	v8 =	vadd.s32 v0, v15  }
0x3cc: {  	s14 =	simm.s32 $0x1;
	s15 =	simm.s32 $0x2;
	v10 =	vmov s6;
	v11 =	vld [tilespmem:s12+$0xFFFFFF10]  }
0x3cd: {  	v13 =	vmov s15;
	v12 =	vand.u32 $0x7C, v10;
	v10 =	vmov s14;
	v16 =	vld [tilespmem:s12+$0xFFFFFF50]  }
0x3ce: {  	v17 =	vadd.s32 v0, v12;
	v14 =	vand.u32 $0x7D, v10;
	v10 =	vld [tilespmem:s12+$0xFFFFFF90];
	v9 =	vmul.f32 $8.000000000e+00, v9  }
0x3cf: {  	v13 =	vand.u32 $0x7E, v13;
	v18 =	vadd.s32 v0, v14  }
0x3d0: {  	v19 =	vadd.s32 v0, v13;
	[tilespmem:v8+s28+$0x0] =	vst.idx.msk $0xffff, v9  }
0x3d1: {  	v8 =	vmul.f32 $8.000000000e+00, v11;
	v9 =	vld [tilespmem:s12+$0xFFFFFFE0]  }
0x3d2: {  	v11 =	vmul.f32 $8.000000000e+00, v16  }
0x3d3: {  	[tilespmem:v17+s28+$0x0] =	vst.idx.msk $0xffff, v8;
	v8 =	vmul.f32 $8.000000000e+00, v10;
	v10 =	vadd.s32 v1, v15  }
0x3d4: {  	[tilespmem:v18+s28+$0x0] =	vst.idx.msk $0xffff, v11;
	v16 =	vld [tilespmem:s12+$0xFFFFFF20]  }
0x3d5: {  	v11 =	vld [tilespmem:s12+$0xFFFFFF60];
	[tilespmem:v19+s28+$0x0] =	vst.idx.msk $0xffff, v8  }
0x3d6: {  	v17 =	vld [tilespmem:s12+$0xFFFFFFA0];
	v8 =	vmul.f32 $8.000000000e+00, v9  }
0x3d7: {  	s18 =	simm.s32 $0x4;
	s24 =	simm.s32 $0x7;
	s20 =	simm.s32 $0xA5F0;
	v18 =	vadd.s32 v1, v14  }
0x3d8: {  	v20 =	vld [tilespmem:s20+$0xFFFFFFD0];
	v19 =	vadd.s32 v1, v13;
	v9 =	vmov s18;
	[tilespmem:v10+s28+$0x0] =	vst.idx.msk $0xffff, v8;
	v10 =	vmov s24  }
0x3d9: {  	v21 =	vadd.s32 v1, v12;
	v8 =	vand.u32 $0x7C, v9;
	v9 =	vand.u32 $0x7F, v10;
	v22 =	vld [tilespmem:s12+$0xFFFFFFF0]  }
0x3da: {  	s25 =	simm.s32 $0x5;
	v26 =	vadd.s32 v2, v15;
	v23 =	vld [tilespmem:s20+$0xFFFFFF10];
	v10 =	vmul.f32 $8.000000000e+00, v11;
	v24 =	vadd.s32 v0, v9  }
0x3db: {  	s30 =	simm.s32 $0x6;
	v25 =	vld [tilespmem:s20+$0xFFFFFF50];
	v16 =	vmul.f32 $8.000000000e+00, v16;
	v11 =	vmul.f32 $8.000000000e+00, v17;
	v17 =	vmov s25  }
0x3dc: {  	v27 =	vadd.s32 v0, v8;
	[tilespmem:v18+s28+$0x0] =	vst.idx.msk $0xffff, v10;
	v18 =	vmov s30;
	v10 =	vand.u32 $0x7D, v17;
	v17 =	vld [tilespmem:s20+$0xFFFFFF90]  }
0x3dd: {  	[tilespmem:v19+s28+$0x0] =	vst.idx.msk $0xffff, v11;
	v11 =	vand.u32 $0x7E, v18;
	v18 =	vmul.f32 $8.000000000e+00, v20;
	v20 =	vld [tilespmem:s12+$0xFFFFFF70]  }
0x3de: {  	[tilespmem:v21+s28+$0x0] =	vst.idx.msk $0xffff, v16;
	v19 =	vadd.s32 v0, v10;
	v21 =	vld [tilespmem:s12+$0xFFFFFFB0];
	v22 =	vmul.f32 $8.000000000e+00, v22  }
0x3df: {  	v23 =	vmul.f32 $8.000000000e+00, v23;
	v16 =	vadd.s32 v0, v11;
	[tilespmem:v24+s28+$0x0] =	vst.idx.msk $0xffff, v18;
	v18 =	vld [tilespmem:s12+$0xFFFFFF30]  }
0x3e0: {  	v24 =	vadd.s32 v2, v14;
	v28 =	vld [tilespmem:s20+$0xFFFFFFE0];
	[tilespmem:v26+s28+$0x0] =	vst.idx.msk $0xffff, v22  }
0x3e1: {  	v25 =	vmul.f32 $8.000000000e+00, v25;
	[tilespmem:v27+s28+$0x0] =	vst.idx.msk $0xffff, v23;
	v22 =	vadd.s32 v2, v12;
	v27 =	vld [tilespmem:s12+$0x0]  }
0x3e2: {  	v30 =	vadd.s32 v2, v13;
	v17 =	vmul.f32 $8.000000000e+00, v17  }
0x3e3: {  	[tilespmem:v19+s28+$0x0] =	vst.idx.msk $0xffff, v25;
	v20 =	vmul.f32 $8.000000000e+00, v20  }
0x3e4: {  	v32 =	vld [tilespmem:s20+$0xFFFFFF20];
	v19 =	vadd.s32 v1, v9;
	[tilespmem:v16+s28+$0x0] =	vst.idx.msk $0xffff, v17;
	v18 =	vmul.f32 $8.000000000e+00, v18  }
0x3e5: {  	v34 =	vld [tilespmem:s20+$0xFFFFFF60];
	v16 =	vmul.f32 $8.000000000e+00, v21;
	v17 =	vadd.s32 v3, v15;
	[tilespmem:v24+s28+$0x0] =	vst.idx.msk $0xffff, v20  }
0x3e6: {  	s18 =	simm.s32 $0xB;
	v31 =	vadd.s32 v1, v8;
	v26 =	vld [tilespmem:s20+$0xFFFFFFA0];
	v20 =	vmul.f32 $8.000000000e+00, v28;
	[tilespmem:v22+s28+$0x0] =	vst.idx.msk $0xffff, v18;
	v18 =	vmul.f32 $8.000000000e+00, v27  }
0x3e7: {  	s14 =	simm.s32 $0x8;
	v35 =	vmov s18;
	v29 =	vadd.s32 v1, v10;
	[tilespmem:v30+s28+$0x0] =	vst.idx.msk $0xffff, v16;
	v25 =	vld [tilespmem:s12+$0xFFFFFF80]  }
0x3e8: {  	v23 =	vadd.s32 v1, v11;
	v16 =	vmov s14;
	v30 =	vadd.s32 v3, v13;
	v24 =	vld [tilespmem:s12+$0xFFFFFFC0]  }
0x3e9: {  	s6 =	simm.s32 $0xA6F0;
	v33 =	vmul.f32 $8.000000000e+00, v32;
	v21 =	vand.u32 $0x7C, v16;
	v28 =	vadd.s32 v3, v14;
	v22 =	vmovc v12;
	[tilespmem:v19+s28+$0x0] =	vst.idx.msk $0xffff, v20;
	v27 =	vld [tilespmem:s12+$0xFFFFFF40]  }
0x3ea: {  	s15 =	simm.s32 $0x8;
	v32 =	vld [tilespmem:s6+$0xFFFFFFD0];
	s12 =	simm.s32 $0xC;
	v34 =	vmul.f32 $8.000000000e+00, v34;
	v19 =	vmovc v10;
	[tilespmem:v17+s28+$0x0] =	vst.idx.msk $0xffff, v18;
	v17 =	vmovc v8;
	v20 =	vmov v9;
	v18 =	vmov v11  }
.LBB2_46:
0x3eb: {  	p0 =	slt.u32 s12, $0x7C;
	s1 =	sadd.s32 $0x1, s15;
	v35 =	vand.u32 $0x7F, v35;
	[tilespmem:v31+s28+$0x0] =	vst.idx.msk $0xffff, v33;
	v26 =	vmul.f32 $8.000000000e+00, v26;
	v31 =	vld [tilespmem:s20+$0xFFFFFFF0];
	v33 =	vadd.s32 v3, v22;
	v22 =	vmovc v17  }
0x3ec: {  	v17 =	vmovc v21;
	v36 =	vld [tilespmem:s6+$0xFFFFFF10];
	v37 =	vmov s1;
	s1 =	sadd.s32 $0x2, s15;
	v38 =	vadd.s32 v0, v35;
	[tilespmem:v29+s28+$0x0] =	vst.idx.msk $0xffff, v34;
	v25 =	vmul.f32 $8.000000000e+00, v25;
	s15 =	smov.u32 s12  }
0x3ed: {  	v21 =	vld [tilespmem:s6+$0xFFFFFF50];
	v29 =	vmov s1;
	[tilespmem:v23+s28+$0x0] =	vst.idx.msk $0xffff, v26;
	v23 =	vadd.s32 v2, v20;
	v24 =	vmul.f32 $8.000000000e+00, v24  }
0x3ee: {  	v26 =	vadd.s32 v0, v17;
	v34 =	vand.u32 $0x7D, v37;
	v37 =	vld [tilespmem:s6+$0xFFFFFF90];
	v27 =	vmul.f32 $8.000000000e+00, v27;
	[tilespmem:v28+s28+$0x0] =	vst.idx.msk $0xffff, v25  }
0x3ef: {  	v25 =	vadd.s32 v0, v34;
	v39 =	vand.u32 $0x7E, v29;
	v28 =	vmul.f32 $8.000000000e+00, v32;
	v29 =	vld [tilespmem:s20+$0xFFFFFF70];
	[tilespmem:v30+s28+$0x0] =	vst.idx.msk $0xffff, v24  }
0x3f0: {  	v24 =	vadd.s32 v0, v39;
	v30 =	vld [tilespmem:s20+$0xFFFFFFB0];
	v31 =	vmul.f32 $8.000000000e+00, v31;
	[tilespmem:v33+s28+$0x0] =	vst.idx.msk $0xffff, v27  }
0x3f1: {  	v32 =	vadd.s32 v2, v19;
	v27 =	vmul.f32 $8.000000000e+00, v36;
	[tilespmem:v38+s28+$0x0] =	vst.idx.msk $0xffff, v28;
	v28 =	vld [tilespmem:s20+$0xFFFFFF30]  }
0x3f2: {  	v36 =	vadd.s32 v2, v18;
	v21 =	vmul.f32 $8.000000000e+00, v21;
	v33 =	vld [tilespmem:s6+$0xFFFFFFE0];
	[tilespmem:v23+s28+$0x0] =	vst.idx.msk $0xffff, v31  }
0x3f3: {  	[tilespmem:v26+s28+$0x0] =	vst.idx.msk $0xffff, v27;
	v23 =	vmul.f32 $8.000000000e+00, v37;
	v27 =	vadd.s32 v2, v22;
	v37 =	vld [tilespmem:s20+$0x0]  }
0x3f4: {  	v40 =	vadd.s32 v1, v35;
	v38 =	vld [tilespmem:s6+$0xFFFFFF20];
	[tilespmem:v25+s28+$0x0] =	vst.idx.msk $0xffff, v21;
	v21 =	vmul.f32 $8.000000000e+00, v29  }
0x3f5: {  	v42 =	vadd.s32 v3, v20;
	v20 =	vmov v35;
	v41 =	vld [tilespmem:s6+$0xFFFFFF60];
	[tilespmem:v24+s28+$0x0] =	vst.idx.msk $0xffff, v23;
	v23 =	vmul.f32 $8.000000000e+00, v30  }
.Ltmp26:
0x3f6: {  	v31 =	vadd.s32 v1, v17;
	v26 =	vld [tilespmem:s6+$0xFFFFFFA0];
	v24 =	vmul.f32 $8.000000000e+00, v28;
	[tilespmem:v32+s28+$0x0] =	vst.idx.msk $0xffff, v21;
	(pc) =	sbr.rel @p0 .LBB2_46-.Ltmp26, $4  }
0x3f7: {  	v29 =	vadd.s32 v1, v34;
	v28 =	vmul.f32 $8.000000000e+00, v33;
	v25 =	vld [tilespmem:s20+$0xFFFFFF80];
	[tilespmem:v36+s28+$0x0] =	vst.idx.msk $0xffff, v23  }
0x3f8: {  	v21 =	vmov s12;
	v23 =	vadd.s32 v1, v39;
	[tilespmem:v27+s28+$0x0] =	vst.idx.msk $0xffff, v24;
	v24 =	vld [tilespmem:s20+$0xFFFFFFC0];
	v36 =	vmul.f32 $8.000000000e+00, v37  }
0x3f9: {  	s1 =	sadd.s32 $0x3, s12;
	v21 =	vand.u32 $0x7C, v21;
	v33 =	vmul.f32 $8.000000000e+00, v38;
	[tilespmem:v40+s28+$0x0] =	vst.idx.msk $0xffff, v28;
	v27 =	vld [tilespmem:s20+$0xFFFFFF40];
	v28 =	vadd.s32 v3, v19;
	v19 =	vmovc v34;
	s20 =	smov.u32 s6;
	s6 =	sadd.s32 $0x100, s6  }
0x3fa: {  	v35 =	vmov s1;
	v30 =	vadd.s32 v3, v18;
	v18 =	vmovc v39;
	s12 =	sadd.s32 $0x4, s12;
	v32 =	vld [tilespmem:s6+$0xFFFFFFD0];
	v34 =	vmul.f32 $8.000000000e+00, v41;
	[tilespmem:v42+s28+$0x0] =	vst.idx.msk $0xffff, v36  }
0x3fb: {  	s1 =	sadd.s32 $0x1, s15  }
0x3fc: {  	v35 =	vand.u32 $0x7F, v35;
	s30 =	sadd.s32 $0x2, s15;
	v37 =	vld [tilespmem:s6+$0xFFFFFF50];
	v36 =	vmov s1  }
0x3fd: {  	v40 =	vld [tilespmem:s6+$0xFFFFFF90];
	v38 =	vadd.s32 v0, v35;
	v39 =	vmov s30;
	v36 =	vand.u32 $0x7D, v36  }
0x3fe: {  	v41 =	vld [tilespmem:s6+$0xFFFFFF10];
	v39 =	vand.u32 $0x7E, v39;
	v42 =	vadd.s32 v0, v36  }
0x3ff: {  	v43 =	vadd.s32 v0, v39  }
0x400: {  	[tilespmem:v31+s28+$0x0] =	vst.idx.msk $0xffff, v33;
	v62 =	vadd.s32 v0, v21;
	v32 =	vmul.f32 $8.000000000e+00, v32  }
0x401: {  	[tilespmem:v29+s28+$0x0] =	vst.idx.msk $0xffff, v34;
	v63 =	vmul.f32 $8.000000000e+00, v37  }
0x402: {  	v37 =	vmul.f32 $8.000000000e+00, v40;
	[tilespmem:v38+s28+$0x0] =	vst.idx.msk $0xffff, v32  }
0x403: {  	v38 =	vmul.f32 $8.000000000e+00, v41;
	v40 =	vld [tilespmem:s6+$0xFFFFFFE0];
	[tilespmem:v42+s28+$0x0] =	vst.idx.msk $0xffff, v63  }
0x404: {  	v26 =	vmul.f32 $8.000000000e+00, v26;
	v22 =	vadd.s32 v3, v22;
	[tilespmem:v43+s28+$0x0] =	vst.idx.msk $0xffff, v37;
	v41 =	vld [tilespmem:s6+$0xFFFFFF60]  }
0x405: {  	v25 =	vmul.f32 $8.000000000e+00, v25;
	[tilespmem:v62+s28+$0x0] =	vst.idx.msk $0xffff, v38;
	v42 =	vadd.s32 v1, v35;
	v32 =	vld [tilespmem:s6+$0xFFFFFFA0]  }
0x406: {  	[tilespmem:v23+s28+$0x0] =	vst.idx.msk $0xffff, v26;
	v23 =	vmul.f32 $8.000000000e+00, v24;
	v26 =	vadd.s32 v1, v36;
	v24 =	vld [tilespmem:s6+$0xFFFFFF20]  }
0x407: {  	v27 =	vmul.f32 $8.000000000e+00, v27;
	[tilespmem:v28+s28+$0x0] =	vst.idx.msk $0xffff, v25;
	v25 =	vadd.s32 v1, v39;
	v43 =	vld [tilespmem:s20+$0xFFFFFFF0]  }
0x408: {  	v44 =	vld [tilespmem:s20+$0xFFFFFF70];
	[tilespmem:v30+s28+$0x0] =	vst.idx.msk $0xffff, v23;
	v23 =	vadd.s32 v1, v21;
	v29 =	vmul.f32 $8.000000000e+00, v40  }
0x409: {  	v45 =	vadd.s32 v2, v20;
	v46 =	vld [tilespmem:s20+$0xFFFFFFB0];
	[tilespmem:v22+s28+$0x0] =	vst.idx.msk $0xffff, v27;
	v22 =	vmul.f32 $8.000000000e+00, v41  }
0x40a: {  	v47 =	vadd.s32 v2, v19;
	v27 =	vld [tilespmem:s20+$0xFFFFFF30];
	[tilespmem:v42+s28+$0x0] =	vst.idx.msk $0xffff, v29;
	v48 =	vmul.f32 $8.000000000e+00, v32  }
0x40b: {  	v49 =	vadd.s32 v2, v18;
	v24 =	vmul.f32 $8.000000000e+00, v24;
	v50 =	vld [tilespmem:s6+$0xFFFFFFF0];
	[tilespmem:v26+s28+$0x0] =	vst.idx.msk $0xffff, v22  }
0x40c: {  	v22 =	vmul.f32 $8.000000000e+00, v43;
	v26 =	vadd.s32 v2, v17;
	[tilespmem:v25+s28+$0x0] =	vst.idx.msk $0xffff, v48;
	v25 =	vld [tilespmem:s6+$0xFFFFFF70]  }
0x40d: {  	v28 =	vmul.f32 $8.000000000e+00, v44;
	[tilespmem:v23+s28+$0x0] =	vst.idx.msk $0xffff, v24;
	v23 =	vadd.s32 v2, v35;
	v24 =	vld [tilespmem:s6+$0xFFFFFFB0]  }
0x40e: {  	v52 =	vadd.s32 v2, v36;
	v51 =	vld [tilespmem:s6+$0xFFFFFF30];
	[tilespmem:v45+s28+$0x0] =	vst.idx.msk $0xffff, v22;
	v22 =	vmul.f32 $8.000000000e+00, v46  }
0x40f: {  	v54 =	vadd.s32 v2, v39;
	[tilespmem:v47+s28+$0x0] =	vst.idx.msk $0xffff, v28;
	v27 =	vmul.f32 $8.000000000e+00, v27;
	v53 =	vld [tilespmem:s20+$0x0]  }
0x410: {  	v55 =	vadd.s32 v2, v21;
	v34 =	vld [tilespmem:s20+$0xFFFFFF80];
	[tilespmem:v49+s28+$0x0] =	vst.idx.msk $0xffff, v22;
	v22 =	vmul.f32 $8.000000000e+00, v50  }
0x411: {  	v20 =	vadd.s32 v3, v20;
	[tilespmem:v26+s28+$0x0] =	vst.idx.msk $0xffff, v27;
	v26 =	vld [tilespmem:s20+$0xFFFFFFC0];
	v25 =	vmul.f32 $8.000000000e+00, v25  }
0x412: {  	v19 =	vadd.s32 v3, v19;
	v27 =	vld [tilespmem:s20+$0xFFFFFF40];
	[tilespmem:v23+s28+$0x0] =	vst.idx.msk $0xffff, v22;
	v22 =	vmul.f32 $8.000000000e+00, v24  }
0x413: {  	v18 =	vadd.s32 v3, v18;
	v24 =	vmul.f32 $8.000000000e+00, v51;
	v23 =	vld [tilespmem:s6+$0x0];
	[tilespmem:v52+s28+$0x0] =	vst.idx.msk $0xffff, v25  }
0x414: {  	v17 =	vadd.s32 v3, v17;
	v25 =	vmul.f32 $8.000000000e+00, v53;
	[tilespmem:v54+s28+$0x0] =	vst.idx.msk $0xffff, v22;
	v56 =	vld [tilespmem:s6+$0xFFFFFF80]  }
0x415: {  	v57 =	vadd.s32 v3, v35;
	v22 =	vmul.f32 $8.000000000e+00, v34;
	[tilespmem:v55+s28+$0x0] =	vst.idx.msk $0xffff, v24;
	v24 =	vld [tilespmem:s6+$0xFFFFFFC0]  }
0x416: {  	[tilespmem:v20+s28+$0x0] =	vst.idx.msk $0xffff, v25;
	v20 =	vmul.f32 $8.000000000e+00, v26;
	v25 =	vld [tilespmem:s6+$0xFFFFFF40];
	v26 =	vadd.s32 v3, v36  }
0x417: {  	[tilespmem:v19+s28+$0x0] =	vst.idx.msk $0xffff, v22;
	v19 =	vadd.s32 v3, v39;
	v27 =	vmul.f32 $8.000000000e+00, v27  }
0x418: {  	[tilespmem:v18+s28+$0x0] =	vst.idx.msk $0xffff, v20;
	v18 =	vmul.f32 $8.000000000e+00, v23;
	v20 =	vadd.s32 v3, v21  }
0x419: {  	[tilespmem:v17+s28+$0x0] =	vst.idx.msk $0xffff, v27;
	v17 =	vmul.f32 $8.000000000e+00, v56  }
0x41a: {  	[tilespmem:v57+s28+$0x0] =	vst.idx.msk $0xffff, v18;
	v18 =	vmul.f32 $8.000000000e+00, v24  }
0x41b: {  	v21 =	vmul.f32 $8.000000000e+00, v25;
	[tilespmem:v26+s28+$0x0] =	vst.idx.msk $0xffff, v17  }
0x41c: {  	[tilespmem:v19+s28+$0x0] =	vst.idx.msk $0xffff, v18  }
0x41d: {  	s12 =	simm.s32 $0xC400;
	[tilespmem:v20+s28+$0x0] =	vst.idx.msk $0xffff, v21  }
0x41e: {  	v17 =	vld [tilespmem:s12+$0xC0];
	_ =	sdelay $0x1  }
0x41f: {  	v18 =	vadd.s32 v4, v15;
	_ =	sdelay $0x1  }
0x420: {  	v19 =	vld [tilespmem:s12+$0x40]  }
0x421: {  	v20 =	vld [tilespmem:s12+$0x80];
	v17 =	vmul.f32 $8.000000000e+00, v17  }
0x422: {  	v22 =	vadd.s32 v4, v14;
	v21 =	vld [tilespmem:s12+$0x0]  }
0x423: {  	v23 =	vadd.s32 v4, v13;
	[tilespmem:v18+s28+$0x0] =	vst.idx.msk $0xffff, v17  }
0x424: {  	v17 =	vadd.s32 v4, v12;
	v18 =	vld [tilespmem:s12+$0xD0]  }
0x425: {  	v19 =	vmul.f32 $8.000000000e+00, v19  }
0x426: {  	v24 =	vadd.s32 v5, v15;
	v20 =	vmul.f32 $8.000000000e+00, v20  }
0x427: {  	v21 =	vmul.f32 $8.000000000e+00, v21;
	[tilespmem:v22+s28+$0x0] =	vst.idx.msk $0xffff, v19  }
0x428: {  	[tilespmem:v23+s28+$0x0] =	vst.idx.msk $0xffff, v20;
	v19 =	vld [tilespmem:s12+$0x50]  }
0x429: {  	[tilespmem:v17+s28+$0x0] =	vst.idx.msk $0xffff, v21;
	v17 =	vld [tilespmem:s12+$0x90];
	v18 =	vmul.f32 $8.000000000e+00, v18  }
0x42a: {  	s20 =	simm.s32 $0xC500;
	v21 =	vadd.s32 v5, v14;
	v20 =	vld [tilespmem:s12+$0x10]  }
0x42b: {  	v22 =	vadd.s32 v5, v13;
	[tilespmem:v24+s28+$0x0] =	vst.idx.msk $0xffff, v18;
	v18 =	vld [tilespmem:s20+$0xC0]  }
0x42c: {  	v23 =	vadd.s32 v5, v12;
	v24 =	vld [tilespmem:s12+$0xE0]  }
0x42d: {  	v26 =	vadd.s32 v4, v9;
	v25 =	vld [tilespmem:s20+$0x0];
	v19 =	vmul.f32 $8.000000000e+00, v19  }
0x42e: {  	v58 =	vadd.s32 v6, v15;
	v27 =	vld [tilespmem:s20+$0x40];
	v17 =	vmul.f32 $8.000000000e+00, v17  }
0x42f: {  	[tilespmem:v21+s28+$0x0] =	vst.idx.msk $0xffff, v19;
	v19 =	vadd.s32 v4, v8;
	v21 =	vld [tilespmem:s20+$0x80];
	v20 =	vmul.f32 $8.000000000e+00, v20  }
0x430: {  	[tilespmem:v22+s28+$0x0] =	vst.idx.msk $0xffff, v17;
	v17 =	vadd.s32 v4, v10;
	v22 =	vld [tilespmem:s12+$0x60];
	v18 =	vmul.f32 $8.000000000e+00, v18  }
0x431: {  	[tilespmem:v23+s28+$0x0] =	vst.idx.msk $0xffff, v20;
	v20 =	vadd.s32 v4, v11;
	v23 =	vld [tilespmem:s12+$0xA0];
	v24 =	vmul.f32 $8.000000000e+00, v24  }
0x432: {  	v25 =	vmul.f32 $8.000000000e+00, v25;
	[tilespmem:v26+s28+$0x0] =	vst.idx.msk $0xffff, v18;
	v18 =	vld [tilespmem:s12+$0x20];
	v26 =	vadd.s32 v6, v14  }
0x433: {  	v60 =	vadd.s32 v6, v13;
	v27 =	vmul.f32 $8.000000000e+00, v27;
	v59 =	vld [tilespmem:s20+$0xD0];
	[tilespmem:v58+s28+$0x0] =	vst.idx.msk $0xffff, v24  }
0x434: {  	[tilespmem:v19+s28+$0x0] =	vst.idx.msk $0xffff, v25;
	v19 =	vmul.f32 $8.000000000e+00, v21;
	v24 =	vadd.s32 v6, v12;
	v25 =	vld [tilespmem:s12+$0xF0]  }
0x435: {  	v61 =	vld [tilespmem:s20+$0x10];
	[tilespmem:v17+s28+$0x0] =	vst.idx.msk $0xffff, v27;
	v27 =	vadd.s32 v5, v9;
	v17 =	vmul.f32 $8.000000000e+00, v22  }
0x436: {  	v62 =	vadd.s32 v7, v15;
	v31 =	vld [tilespmem:s20+$0x50];
	[tilespmem:v20+s28+$0x0] =	vst.idx.msk $0xffff, v19;
	v21 =	vmul.f32 $8.000000000e+00, v23  }
0x437: {  	v22 =	vadd.s32 v5, v8;
	v20 =	vld [tilespmem:s20+$0x90];
	v15 =	vmul.f32 $8.000000000e+00, v18;
	[tilespmem:v26+s28+$0x0] =	vst.idx.msk $0xffff, v17  }
0x438: {  	[tilespmem:v60+s28+$0x0] =	vst.idx.msk $0xffff, v21;
	v21 =	vadd.s32 v5, v10;
	v23 =	vmul.f32 $8.000000000e+00, v59;
	v19 =	vld [tilespmem:s12+$0x70]  }
0x439: {  	v17 =	vadd.s32 v5, v11;
	v18 =	vld [tilespmem:s12+$0xB0];
	[tilespmem:v24+s28+$0x0] =	vst.idx.msk $0xffff, v15;
	v63 =	vmul.f32 $8.000000000e+00, v25  }
0x43a: {  	s6 =	simm.s32 $0xC600;
	v14 =	vadd.s32 v7, v14;
	v15 =	vand.u32 $0x7C, v16;
	v24 =	vmul.f32 $8.000000000e+00, v61;
	[tilespmem:v27+s28+$0x0] =	vst.idx.msk $0xffff, v23;
	v16 =	vld [tilespmem:s12+$0x30]  }
0x43b: {  	v13 =	vadd.s32 v7, v13;
	v26 =	vmov s18;
	v23 =	vld [tilespmem:s6+$0xC0];
	s12 =	simm.s32 $0xC;
	v25 =	vmul.f32 $8.000000000e+00, v31;
	[tilespmem:v62+s28+$0x0] =	vst.idx.msk $0xffff, v63  }
.LBB2_48:
0x43c: {  	p0 =	slt.u32 s12, $0x7C;
	s1 =	sadd.s32 $0x1, s14;
	v26 =	vand.u32 $0x7F, v26;
	[tilespmem:v22+s28+$0x0] =	vst.idx.msk $0xffff, v24;
	v20 =	vmul.f32 $8.000000000e+00, v20;
	v22 =	vld [tilespmem:s20+$0xE0];
	v24 =	vadd.s32 v7, v12;
	v12 =	vmovc v8  }
0x43d: {  	v8 =	vmovc v15;
	v27 =	vld [tilespmem:s6+$0x0];
	v28 =	vmov s1;
	s1 =	sadd.s32 $0x2, s14;
	v29 =	vadd.s32 v4, v26;
	[tilespmem:v21+s28+$0x0] =	vst.idx.msk $0xffff, v25;
	v19 =	vmul.f32 $8.000000000e+00, v19;
	s14 =	smov.u32 s12  }
0x43e: {  	v15 =	vld [tilespmem:s6+$0x40];
	v21 =	vmov s1;
	[tilespmem:v17+s28+$0x0] =	vst.idx.msk $0xffff, v20;
	v17 =	vadd.s32 v6, v9;
	v18 =	vmul.f32 $8.000000000e+00, v18  }
0x43f: {  	v20 =	vadd.s32 v4, v8;
	v25 =	vand.u32 $0x7D, v28;
	v28 =	vld [tilespmem:s6+$0x80];
	v16 =	vmul.f32 $8.000000000e+00, v16;
	[tilespmem:v14+s28+$0x0] =	vst.idx.msk $0xffff, v19  }
0x440: {  	v14 =	vadd.s32 v4, v25;
	v30 =	vand.u32 $0x7E, v21;
	v19 =	vmul.f32 $8.000000000e+00, v23;
	v21 =	vld [tilespmem:s20+$0x60];
	[tilespmem:v13+s28+$0x0] =	vst.idx.msk $0xffff, v18  }
0x441: {  	v13 =	vadd.s32 v4, v30;
	v18 =	vld [tilespmem:s20+$0xA0];
	v22 =	vmul.f32 $8.000000000e+00, v22;
	[tilespmem:v24+s28+$0x0] =	vst.idx.msk $0xffff, v16  }
0x442: {  	v23 =	vadd.s32 v6, v10;
	v16 =	vmul.f32 $8.000000000e+00, v27;
	[tilespmem:v29+s28+$0x0] =	vst.idx.msk $0xffff, v19;
	v19 =	vld [tilespmem:s20+$0x20]  }
0x443: {  	v27 =	vadd.s32 v6, v11;
	v15 =	vmul.f32 $8.000000000e+00, v15;
	v24 =	vld [tilespmem:s6+$0xD0];
	[tilespmem:v17+s28+$0x0] =	vst.idx.msk $0xffff, v22  }
0x444: {  	[tilespmem:v20+s28+$0x0] =	vst.idx.msk $0xffff, v16;
	v16 =	vmul.f32 $8.000000000e+00, v28;
	v28 =	vadd.s32 v6, v12;
	v29 =	vld [tilespmem:s20+$0xF0]  }
0x445: {  	v31 =	vld [tilespmem:s6+$0x10];
	[tilespmem:v14+s28+$0x0] =	vst.idx.msk $0xffff, v15;
	v14 =	vadd.s32 v5, v26;
	v15 =	vmul.f32 $8.000000000e+00, v21  }
0x446: {  	v33 =	vadd.s32 v7, v9;
	v9 =	vmov v26;
	v32 =	vld [tilespmem:s6+$0x50];
	[tilespmem:v13+s28+$0x0] =	vst.idx.msk $0xffff, v16;
	v13 =	vmul.f32 $8.000000000e+00, v18  }
.Ltmp27:
0x447: {  	v22 =	vadd.s32 v5, v8;
	v20 =	vld [tilespmem:s6+$0x90];
	v16 =	vmul.f32 $8.000000000e+00, v19;
	[tilespmem:v23+s28+$0x0] =	vst.idx.msk $0xffff, v15;
	(pc) =	sbr.rel @p0 .LBB2_48-.Ltmp27, $4  }
0x448: {  	v21 =	vadd.s32 v5, v25;
	v23 =	vmul.f32 $8.000000000e+00, v24;
	v19 =	vld [tilespmem:s20+$0x70];
	[tilespmem:v27+s28+$0x0] =	vst.idx.msk $0xffff, v13  }
0x449: {  	v17 =	vadd.s32 v5, v30;
	v13 =	vmov s12;
	[tilespmem:v28+s28+$0x0] =	vst.idx.msk $0xffff, v16;
	v18 =	vld [tilespmem:s20+$0xB0];
	v27 =	vmul.f32 $8.000000000e+00, v29  }
0x44a: {  	s1 =	sadd.s32 $0x3, s12;
	v15 =	vand.u32 $0x7C, v13;
	v24 =	vmul.f32 $8.000000000e+00, v31;
	[tilespmem:v14+s28+$0x0] =	vst.idx.msk $0xffff, v23;
	v16 =	vld [tilespmem:s20+$0x30];
	v14 =	vadd.s32 v7, v10;
	v10 =	vmovc v25;
	s20 =	smov.u32 s6;
	s6 =	sadd.s32 $0x100, s6  }
0x44b: {  	v26 =	vmov s1;
	s12 =	sadd.s32 $0x4, s12;
	v13 =	vadd.s32 v7, v11;
	v11 =	vmovc v30;
	v23 =	vld [tilespmem:s6+$0xC0];
	v25 =	vmul.f32 $8.000000000e+00, v32;
	[tilespmem:v33+s28+$0x0] =	vst.idx.msk $0xffff, v27  }
0x44c: {  	s1 =	sadd.s32 $0x1, s14;
	v26 =	vand.u32 $0x7F, v26;
	v32 =	vld [tilespmem:s6+$0x0]  }
0x44d: {  	s30 =	sadd.s32 $0x2, s14;
	v28 =	vld [tilespmem:s6+$0x40];
	v27 =	vmov s1;
	v29 =	vadd.s32 v4, v26  }
0x44e: {  	v31 =	vld [tilespmem:s6+$0x80];
	v43 =	vadd.s32 v4, v15;
	v30 =	vmov s30;
	v27 =	vand.u32 $0x7D, v27  }
0x44f: {  	v30 =	vand.u32 $0x7E, v30;
	v33 =	vadd.s32 v4, v27  }
0x450: {  	[tilespmem:v22+s28+$0x0] =	vst.idx.msk $0xffff, v24;
	v34 =	vadd.s32 v4, v30;
	v23 =	vmul.f32 $8.000000000e+00, v23  }
0x451: {  	[tilespmem:v21+s28+$0x0] =	vst.idx.msk $0xffff, v25;
	v46 =	vmul.f32 $8.000000000e+00, v32  }
0x452: {  	v44 =	vmul.f32 $8.000000000e+00, v28;
	[tilespmem:v29+s28+$0x0] =	vst.idx.msk $0xffff, v23  }
0x453: {  	v45 =	vmul.f32 $8.000000000e+00, v31;
	v47 =	vld [tilespmem:s6+$0xD0];
	[tilespmem:v43+s28+$0x0] =	vst.idx.msk $0xffff, v46  }
0x454: {  	v20 =	vmul.f32 $8.000000000e+00, v20;
	v12 =	vadd.s32 v7, v12;
	[tilespmem:v33+s28+$0x0] =	vst.idx.msk $0xffff, v44;
	v51 =	vld [tilespmem:s6+$0x10]  }
0x455: {  	v19 =	vmul.f32 $8.000000000e+00, v19;
	v49 =	vadd.s32 v5, v26;
	[tilespmem:v34+s28+$0x0] =	vst.idx.msk $0xffff, v45;
	v48 =	vld [tilespmem:s6+$0x50]  }
0x456: {  	v56 =	vadd.s32 v5, v15;
	[tilespmem:v17+s28+$0x0] =	vst.idx.msk $0xffff, v20;
	v50 =	vmul.f32 $8.000000000e+00, v18;
	v23 =	vld [tilespmem:s6+$0x90]  }
0x457: {  	v53 =	vld [tilespmem:s20+$0xE0];
	v52 =	vadd.s32 v5, v27;
	v16 =	vmul.f32 $8.000000000e+00, v16;
	[tilespmem:v14+s28+$0x0] =	vst.idx.msk $0xffff, v19  }
0x458: {  	v55 =	vld [tilespmem:s20+$0x60];
	v54 =	vadd.s32 v5, v30;
	[tilespmem:v13+s28+$0x0] =	vst.idx.msk $0xffff, v50;
	v57 =	vmul.f32 $8.000000000e+00, v47  }
0x459: {  	v58 =	vadd.s32 v6, v9;
	v59 =	vld [tilespmem:s20+$0xA0];
	[tilespmem:v12+s28+$0x0] =	vst.idx.msk $0xffff, v16;
	v18 =	vmul.f32 $8.000000000e+00, v51  }
0x45a: {  	v62 =	vadd.s32 v6, v10;
	v61 =	vld [tilespmem:s20+$0x20];
	v60 =	vmul.f32 $8.000000000e+00, v48;
	[tilespmem:v49+s28+$0x0] =	vst.idx.msk $0xffff, v57  }
0x45b: {  	v29 =	vadd.s32 v6, v11;
	v63 =	vmul.f32 $8.000000000e+00, v23;
	v31 =	vld [tilespmem:s6+$0xE0];
	[tilespmem:v56+s28+$0x0] =	vst.idx.msk $0xffff, v18  }
0x45c: {  	v32 =	vmul.f32 $8.000000000e+00, v53;
	v33 =	vadd.s32 v6, v8;
	[tilespmem:v52+s28+$0x0] =	vst.idx.msk $0xffff, v60;
	v39 =	vld [tilespmem:s6+$0x20]  }
0x45d: {  	v36 =	vadd.s32 v6, v26;
	v35 =	vmul.f32 $8.000000000e+00, v55;
	[tilespmem:v54+s28+$0x0] =	vst.idx.msk $0xffff, v63;
	v34 =	vld [tilespmem:s6+$0x60]  }
0x45e: {  	[tilespmem:v58+s28+$0x0] =	vst.idx.msk $0xffff, v32;
	v38 =	vmul.f32 $8.000000000e+00, v59;
	v44 =	vadd.s32 v6, v15;
	v37 =	vld [tilespmem:s6+$0xA0]  }
0x45f: {  	v40 =	vadd.s32 v6, v27;
	v16 =	vmul.f32 $8.000000000e+00, v61;
	v41 =	vld [tilespmem:s20+$0xF0];
	[tilespmem:v62+s28+$0x0] =	vst.idx.msk $0xffff, v35  }
0x460: {  	v42 =	vadd.s32 v6, v30;
	v25 =	vld [tilespmem:s20+$0x70];
	[tilespmem:v29+s28+$0x0] =	vst.idx.msk $0xffff, v38;
	v43 =	vmul.f32 $8.000000000e+00, v31  }
0x461: {  	v45 =	vadd.s32 v7, v9;
	v46 =	vld [tilespmem:s20+$0xB0];
	[tilespmem:v33+s28+$0x0] =	vst.idx.msk $0xffff, v16;
	v50 =	vmul.f32 $8.000000000e+00, v39  }
0x462: {  	v47 =	vadd.s32 v7, v10;
	v20 =	vld [tilespmem:s20+$0x30];
	v14 =	vmul.f32 $8.000000000e+00, v34;
	[tilespmem:v36+s28+$0x0] =	vst.idx.msk $0xffff, v43  }
0x463: {  	v49 =	vadd.s32 v7, v11;
	v48 =	vmul.f32 $8.000000000e+00, v37;
	v13 =	vld [tilespmem:s6+$0xF0];
	[tilespmem:v44+s28+$0x0] =	vst.idx.msk $0xffff, v50  }
0x464: {  	v8 =	vadd.s32 v7, v8;
	v51 =	vmul.f32 $8.000000000e+00, v41;
	[tilespmem:v40+s28+$0x0] =	vst.idx.msk $0xffff, v14;
	v57 =	vld [tilespmem:s6+$0x30]  }
0x465: {  	v53 =	vmul.f32 $8.000000000e+00, v25;
	v54 =	vadd.s32 v7, v26;
	[tilespmem:v42+s28+$0x0] =	vst.idx.msk $0xffff, v48;
	v52 =	vld [tilespmem:s6+$0x70]  }
0x466: {  	v61 =	vadd.s32 v7, v15;
	[tilespmem:v45+s28+$0x0] =	vst.idx.msk $0xffff, v51;
	v56 =	vmul.f32 $8.000000000e+00, v46;
	v55 =	vld [tilespmem:s6+$0xB0]  }
0x467: {  	v58 =	vadd.s32 v7, v27;
	[tilespmem:v47+s28+$0x0] =	vst.idx.msk $0xffff, v53;
	v20 =	vmul.f32 $8.000000000e+00, v20  }
0x468: {  	v59 =	vadd.s32 v7, v30;
	[tilespmem:v49+s28+$0x0] =	vst.idx.msk $0xffff, v56;
	v60 =	vmul.f32 $8.000000000e+00, v13  }
0x469: {  	[tilespmem:v8+s28+$0x0] =	vst.idx.msk $0xffff, v20;
	v63 =	vmul.f32 $8.000000000e+00, v57  }
0x46a: {  	v8 =	vmul.f32 $8.000000000e+00, v52;
	[tilespmem:v54+s28+$0x0] =	vst.idx.msk $0xffff, v60  }
0x46b: {  	v62 =	vmul.f32 $8.000000000e+00, v55;
	[tilespmem:v61+s28+$0x0] =	vst.idx.msk $0xffff, v63  }
0x46c: {  	s12 =	simm.s32 $0x200;
	[tilespmem:v58+s28+$0x0] =	vst.idx.msk $0xffff, v8  }
0x46d: {  	s15 =	sadd.s32 $0x0, s11;
	s14 =	simm.s32 $0x12888;
	s6 =	simm.s32 $0x12800;
	[tilespmem:v59+s28+$0x0] =	vst.idx.msk $0xffff, v62  }
.LBB2_50:
0x46e: {  	[hbm4b:s15+s2] =	stream.linear.scatter [tilespmem:s6], [sflag:$0x4], $0x80, $0x38;
	[tilespmem:$0x16C00] =	vst v63  }
0x46f: {  	s1 =	smov.u32 s12;
	s6 =	smov.u32 s14;
	p0 =	sne.s32 s12, $0xFE00  }
.Ltmp28:
0x470: {  	s12 =	sadd.s32 $0x200, s12;
	(pc) =	sbr.rel @p0 .LBB2_50-.Ltmp28, $2  }
0x471: {  	_ =	sdelay $0x2  }
0x472: {  	s14 =	sadd.s32 $0x88, s14;
	s15 =	sadd.s32 s1, s11  }
0x473: {  	[hbm4b:s15+s2] =	stream.linear.scatter [tilespmem:s6], [sflag:$0x4], $0x80, $0x38;
	[tilespmem:$0x16C00] =	vst v63  }
0x474: {  	_ =	swait.ge [sflag:s31], $0x4000  }
0x475: {  	[sflag:s31] =	ssyncset.done $0x0  }
0x476: {  	[sflag:s31] =	ssyncadd.s32 $0xFFFFC000  }
0x477: {  	_ =	swait.ge [sflag:s0], $0x4000  }
0x478: {  	s30 =	rddreg [dreg:$0x5]  }
0x479: {  	s1 =	rddreg [dreg:$0x4];
	s6 =	sadd.s32 $0x1, s30  }
0x47a: {  	p0 =	sne.s32 s6, s1  }
.Ltmp29:
0x47b: {  	_ = 	snop;
	(pc) =	sbr.rel @p0 .LBB2_1-.Ltmp29, $4  }
.Ltmp30:
0x47c: {  	_ = 	snop;
	(pc) =	sbr.rel @!p0 .LBB2_52-.Ltmp30, $4  }
0x47d: {  	_ = 	snop  }
0x47e: {  	[sflag:s0] =	ssyncset.done $0x0  }
0x47f: {  	[sflag:s0] =	ssyncadd.s32 $0xFFFFC000  }
0x480: {  	_ = 	snop  }
.LBB2_4:
.Ltmp31:
0x481: {  	(pc) =	sbr.rel .LBB2_11-.Ltmp31, $2  }
0x482: {  	_ =	sdelay $0x2  }
0x483: {  	_ = 	snop  }
.LBB2_6:
.Ltmp32:
0x484: {  	(pc) =	sbr.rel .LBB2_11-.Ltmp32, $2  }
0x485: {  	_ =	sdelay $0x2  }
0x486: {  	v29 =	vmov v8;
	s20 =	simm.s32 $0x4;
	s14 =	simm.s32 $0x84F0;
	s18 =	simm.s32 $0x85F0;
	v8 =	vmov v12  }
.LBB2_8:
.Ltmp33:
0x487: {  	(pc) =	sbr.rel .LBB2_11-.Ltmp33, $3  }
0x488: {  	_ =	sdelay $0x1  }
0x489: {  	v28 =	vmov v8  }
0x48a: {  	v29 =	vmovc v12;
	s18 =	simm.s32 $0x86F0;
	v8 =	vmovc v11;
	v11 =	vmov v13;
	v9 =	vmov v14;
	v10 =	vmov v15  }
.LBB2_52:
0x48b: {  	_ =	sfence.sel $0x180000  }
0x48c: {  	[bflag:$0x0] =	sbarrier.arrive $0xFFFF  }
0x48d: {  	_ =	strace $0x90000047  }
0x48e: {  	s0 =	stileid.u32;
	[bflag:$0x2] =	sbarrier.arrive $0xFFFF  }
0x48f: {  	p0 =	sne.s32 s0, $0x0;
	s0 =	rddreg [dreg:$0x2]  }
0x490: {  	s0 =	sadd.s32 @!p0 $0x100000, s0  }
0x491: {  	[sflag:s0] =	ssyncadd.tile.s32 @!p0 $0x1;
	_ =	shalt  }
.Lfunc_end2:
_tile_overlayer_lowered:
.L_overlay_start_2:
0x492: {  	(tag) =	ssettag $0x2  }
0x493: {  	s0 =	rddreg [dreg:$0x0];
	s2 =	stileid.u32  }
0x494: {  	s1 =	rddreg [dreg:$0x1];
	p0 =	sne.s32 s2, $0x0  }
0x495: {  	s3 =	rddreg [dreg:$0x2];
	[bflag:$0x3] =	sbarrier.arrive $0xFFFF;
	s2 =	simm.s32 @!p0 $0x1C05  }
0x496: {  	[timem:s3], [sflag:s2] =	dma.local @!p0 [hbm:s0], s1  }
0x497: {  	s0 =	simm.s32 @!p0 $0x5  }
0x498: {  	_ =	swait.ge @!p0 [sflag:s0], s1  }
0x499: {  	s1 =	ssub.s32 @!p0 $0x0, s1;
	[sflag:s0] =	ssyncset.done @!p0 $0x0  }
0x49a: {  	[sflag:s0] =	ssyncadd.s32 @!p0 s1  }
0x49b: {  	[bflag:$0x3] =	sbarrier.arrive $0xFFFF  }
0x49c: {  	_ =	shalt  }

</sc_bundles>
